<compile_context>
chip_gen: v7x
topology: tpu7x:2x2x1
jax: 0.10.2.dev20260603
libtpu: 0.0.44.dev20260713+nightly
codegen_flags: <defaults>
</compile_context>

<pallas_src>
import functools

import jax
import jax.numpy as jnp
from jax import lax
from jax.experimental import pallas as pl
from jax.experimental.pallas import tpu as pltpu
from jax.experimental.pallas import tpu_sc as plsc

_E = 320000
_D = 128
_NC = 2
_NS = 16
_NW = _NC * _NS
_PER = _E // _NW
_C = 400
_NCH = _PER // _C
_L = 16
_T = 64


def _prelude_body(wpad_ref, a0_ref, a1_ref, a2_ref, wcat_ref, idx_ref):
    row = lax.broadcasted_iota(jnp.int32, (_T, 1), 0)
    r0 = row // 12
    r1 = (row // 2) % 6
    r2 = row % 2
    acc = jnp.zeros((_T, _D), jnp.float32)
    for j in range(16):
        sel = ((j == r0).astype(jnp.float32)
               + (j == 5 + r1).astype(jnp.float32)
               + (j == 11 + r2).astype(jnp.float32))
        acc = acc + sel * wpad_ref[j, :][None, :]
    wcat_ref[...] = acc
    idx_ref[...] = (a0_ref[...] * 12 + a1_ref[...] * 2 + a2_ref[...]) * _D


_prelude = pl.pallas_call(
    _prelude_body,
    out_shape=(
        jax.ShapeDtypeStruct((_T, _D), jnp.float32),
        jax.ShapeDtypeStruct((_E // _D, _D), jnp.int32),
    ),
)


@functools.cache
def _build_sc_expand():
    mesh = plsc.VectorSubcoreMesh(
        core_axis_name="c", subcore_axis_name="s",
        num_cores=_NC, num_subcores=_NS)

    @functools.partial(
        pl.kernel,
        out_type=jax.ShapeDtypeStruct((_E * _D,), jnp.float32),
        mesh=mesh,
        scratch_types=[
            pltpu.VMEM((_T * _D,), jnp.float32),
            pltpu.VMEM((_C,), jnp.int32),
            pltpu.VMEM((_C,), jnp.int32),
            pltpu.VMEM((_C * _D,), jnp.float32),
            pltpu.VMEM((_C * _D,), jnp.float32),
            pltpu.SemaphoreType.DMA,
            pltpu.SemaphoreType.DMA,
            pltpu.SemaphoreType.DMA,
            pltpu.SemaphoreType.DMA,
        ],
    )
    def _sc_expand(idx_hbm, wcat_hbm, out_hbm,
                   wcat_v, idx0_v, idx1_v, rows0_v, rows1_v,
                   asem0, asem1, osem0, osem1):
        wid = lax.axis_index("s") * _NC + lax.axis_index("c")
        base = wid * _PER

        bufs = ((idx0_v, rows0_v, asem0, osem0),
                (idx1_v, rows1_v, asem1, osem1))

        pltpu.async_copy(idx_hbm.at[pl.ds(base, _C)], idx0_v, asem0)
        pltpu.sync_copy(wcat_hbm, wcat_v)

        def run_chunk(i, b):
            idx_v, rows_v, asem, osem = bufs[b]
            oidx_v, _, oasem, _ = bufs[1 - b]
            eoff = base + i * _C

            pltpu.make_async_copy(
                idx_hbm.at[pl.ds(eoff, _C)], idx_v, asem).wait()

            @pl.when(i + 1 < _NCH)
            def _():
                pltpu.async_copy(
                    idx_hbm.at[pl.ds(eoff + _C, _C)], oidx_v, oasem)

            @pl.when(i >= 2)
            def _():
                pltpu.make_async_copy(
                    rows_v, out_hbm.at[pl.ds(eoff * _D, _C * _D)],
                    osem).wait()

            @plsc.parallel_loop(0, _C // _L, unroll=2)
            def _(j):
                cvec = idx_v[pl.ds(j * _L, _L)]
                gb = j * _L * _D
                call = [cvec[m] for m in range(_L)]
                for m in range(0, _L, 8):
                    ebs = [gb + (m + t) * _D for t in range(8)]
                    vss = [[wcat_v[pl.ds(call[m + t] + k * _L, _L)]
                            for k in range(_D // _L)] for t in range(8)]
                    for t in range(8):
                        for k in range(_D // _L):
                            rows_v[pl.ds(ebs[t] + k * _L, _L)] = vss[t][k]

            pltpu.async_copy(
                rows_v, out_hbm.at[pl.ds(eoff * _D, _C * _D)], osem)

        def chunk(i, carry):
            @pl.when(lax.rem(i, 2) == 0)
            def _():
                run_chunk(i, 0)

            @pl.when(lax.rem(i, 2) == 1)
            def _():
                run_chunk(i, 1)

            return carry

        lax.fori_loop(0, _NCH, chunk, 0)

        pltpu.make_async_copy(
            rows0_v, out_hbm.at[pl.ds(base * _D, _C * _D)], osem0).wait()
        pltpu.make_async_copy(
            rows1_v, out_hbm.at[pl.ds(base * _D, _C * _D)], osem1).wait()

    return _sc_expand


def kernel(edge_attr, W0, W1, W2):
    ea = edge_attr.astype(jnp.int32)
    blk = (_E // _D, _D)
    wpad = jnp.concatenate(
        [W0, W1, W2, jnp.zeros((3, _D), jnp.float32)], axis=0)
    wcat, idx = _prelude(wpad,
                         ea[:, 0].reshape(blk),
                         ea[:, 1].reshape(blk),
                         ea[:, 2].reshape(blk))
    out_flat = _build_sc_expand()(idx.reshape(_E), wcat.reshape(_T * _D))
    return out_flat.reshape(_E, _D)

# --- scband reference (transcript-rebuilt; emitter-appended) ---
"""Pipeline reference for scband-bond-encoder-10917806866479 (READ-ONLY COPY).

The authoritative reference and input builder live on the scoring server;
editing this copy changes nothing except your own understanding.
"""

import jax, jax.numpy as jnp
import numpy as np

FULL_BOND_FEATURE_DIMS = [5, 6, 2]
EMB_DIM = 128
E = 320000


def setup_inputs(seed: int = 0) -> dict:
    key = jax.random.key(seed)
    k_idx, k0, k1, k2 = jax.random.split(key, 4)
    edge_attr = jax.random.randint(k_idx, (E, 3), 0, 2, dtype=jnp.int64) if jax.config.jax_enable_x64 else jax.random.randint(k_idx, (E, 3), 0, 2, dtype=jnp.int32)
    # xavier_uniform init for each embedding table, sized per full_bond_feature_dims
    def xavier(k, fan_in, fan_out):
        a = float(np.sqrt(6.0 / (fan_in + fan_out)))
        return jax.random.uniform(k, (fan_in, fan_out), minval=-a, maxval=a, dtype=jnp.float32)
    W0 = xavier(k0, FULL_BOND_FEATURE_DIMS[0], EMB_DIM)
    W1 = xavier(k1, FULL_BOND_FEATURE_DIMS[1], EMB_DIM)
    W2 = xavier(k2, FULL_BOND_FEATURE_DIMS[2], EMB_DIM)
    return {"edge_attr": edge_attr, "W0": W0, "W1": W1, "W2": W2}


def reference(edge_attr, W0, W1, W2):
    # bond_embedding = sum_i Emb_i(edge_attr[:, i])
    bond_embedding = jnp.take(W0, edge_attr[:, 0], axis=0)
    bond_embedding = bond_embedding + jnp.take(W1, edge_attr[:, 1], axis=0)
    bond_embedding = bond_embedding + jnp.take(W2, edge_attr[:, 2], axis=0)
    return bond_embedding

if __name__ == "__main__":
    import jax
    _d = setup_inputs()
    print(jax.jit(kernel)(*tuple(_d.values())))

</pallas_src>

<mosaic_0001>
#map = affine_map<(d0, d1) -> (0)>
module attributes {stable_mosaic.version = 14 : i64} {
  func.func @_sc_expand(%arg0: i32, %arg1: i32, %arg2: memref<320000xi32, #tpu.memory_space<hbm>>, %arg3: memref<8192xf32, #tpu.memory_space<hbm>>, %arg4: memref<40960000xf32, #tpu.memory_space<hbm>>, %arg5: memref<8192xf32, #tpu.memory_space<vmem>>, %arg6: memref<400xi32, #tpu.memory_space<vmem>>, %arg7: memref<400xi32, #tpu.memory_space<vmem>>, %arg8: memref<51200xf32, #tpu.memory_space<vmem>>, %arg9: memref<51200xf32, #tpu.memory_space<vmem>>, %arg10: memref<!tpu.dma_semaphore, #tpu.memory_space<semaphore_mem>>, %arg11: memref<!tpu.dma_semaphore, #tpu.memory_space<semaphore_mem>>, %arg12: memref<!tpu.dma_semaphore, #tpu.memory_space<semaphore_mem>>, %arg13: memref<!tpu.dma_semaphore, #tpu.memory_space<semaphore_mem>>) attributes {dimension_semantics = [#tpu.dimension_semantics<core_parallel>, #tpu.dimension_semantics<subcore_parallel>], iteration_bounds = array<i64: 2, 16>, scalar_prefetch = 0 : i64, scratch_operands = 9 : i64, tpu.core_type = #tpu.core_type<sc_vector_subcore>, window_params = [{transform_indices = #map}, {transform_indices = #map}, {transform_indices = #map}]} {
    %mul3A = arith.constant 2 : i32
    %mul3A_0 = arith.muli %arg1, %mul3A : i32
    %add3A = arith.addi %mul3A_0, %arg0 : i32
    %mul3A_1 = arith.constant 10000 : i32
    %mul3A_2 = arith.muli %add3A, %mul3A_1 : i32
    %dma_start3A = tpu.memref_slice %arg2[%mul3A_2] : memref<320000xi32, #tpu.memory_space<hbm>> -> memref<400xi32, #tpu.memory_space<hbm>>
    %dma_start3A_3 = tpu.memref_slice %arg2[%mul3A_2] : memref<320000xi32, #tpu.memory_space<hbm>> -> memref<400xi32, #tpu.memory_space<hbm>>
    tpu.enqueue_dma source(%dma_start3A_3 : memref<400xi32, #tpu.memory_space<hbm>>) target(%arg6 : memref<400xi32, #tpu.memory_space<vmem>>) target_semaphore(%arg10 : memref<!tpu.dma_semaphore, #tpu.memory_space<semaphore_mem>>)
    "tpu.region"() ({
      %run_scoped3A = tpu.sem_alloc : memref<!tpu.dma_semaphore, #tpu.memory_space<semaphore_mem>>
      tpu.enqueue_dma source(%arg3 : memref<8192xf32, #tpu.memory_space<hbm>>) target(%arg5 : memref<8192xf32, #tpu.memory_space<vmem>>) target_semaphore(%run_scoped3A : memref<!tpu.dma_semaphore, #tpu.memory_space<semaphore_mem>>)
      tpu.wait_dma2 semaphore(%run_scoped3A : memref<!tpu.dma_semaphore, #tpu.memory_space<semaphore_mem>>) src(%arg3 : memref<8192xf32, #tpu.memory_space<hbm>>) dst(%arg5 : memref<8192xf32, #tpu.memory_space<vmem>>)
      tpu.yield
    }) : () -> ()
    %scan3A = arith.constant 0 : i32
    %scan3A_4 = arith.constant 0 : i32
    %scan3A_5 = arith.constant 25 : i32
    %scan3A_6 = arith.addi %scan3A_4, %scan3A_5 : i32
    %scan3A_7 = arith.constant 1 : i32
    scf.for %scan3A_16 = %scan3A_4 to %scan3A_6 step %scan3A_7  : i32 {
      %rem3A = arith.constant 2 : i32
      %rem3A_17 = arith.remsi %scan3A_16, %rem3A : i32
      %eq3A = arith.constant 0 : i32
      %eq3A_18 = arith.cmpi eq, %rem3A_17, %eq3A : i32
      %convert_element_type3A = arith.extui %eq3A_18 : i1 to i32
      %cond3A = arith.constant 0 : i32
      %cond3A_19 = arith.cmpi ne, %convert_element_type3A, %cond3A : i32
      scf.if %cond3A_19 {
        %mul3A_27 = arith.constant 400 : i32
        %mul3A_28 = arith.muli %scan3A_16, %mul3A_27 : i32
        %add3A_29 = arith.addi %mul3A_2, %mul3A_28 : i32
        %dma_wait3A_30 = tpu.memref_slice %arg2[%add3A_29] : memref<320000xi32, #tpu.memory_space<hbm>> -> memref<400xi32, #tpu.memory_space<hbm>>
        %dma_wait3A_31 = tpu.memref_slice %arg2[%add3A_29] : memref<320000xi32, #tpu.memory_space<hbm>> -> memref<400xi32, #tpu.memory_space<hbm>>
        tpu.wait_dma2 semaphore(%arg10 : memref<!tpu.dma_semaphore, #tpu.memory_space<semaphore_mem>>) src(%dma_wait3A_31 : memref<400xi32, #tpu.memory_space<hbm>>) dst(%arg6 : memref<400xi32, #tpu.memory_space<vmem>>)
        %add3A_32 = arith.constant 1 : i32
        %add3A_33 = arith.addi %scan3A_16, %add3A_32 : i32
        %lt3A = arith.constant 25 : i32
        %lt3A_34 = arith.cmpi slt, %add3A_33, %lt3A : i32
        %convert_element_type3A_35 = arith.extui %lt3A_34 : i1 to i32
        %cond3A_36 = arith.constant 0 : i32
        %cond3A_37 = arith.cmpi ne, %convert_element_type3A_35, %cond3A_36 : i32
        scf.if %cond3A_37 {
          %add3A_48 = arith.constant 400 : i32
          %add3A_49 = arith.addi %add3A_29, %add3A_48 : i32
          %dma_start3A_50 = tpu.memref_slice %arg2[%add3A_49] : memref<320000xi32, #tpu.memory_space<hbm>> -> memref<400xi32, #tpu.memory_space<hbm>>
          %dma_start3A_51 = tpu.memref_slice %arg2[%add3A_49] : memref<320000xi32, #tpu.memory_space<hbm>> -> memref<400xi32, #tpu.memory_space<hbm>>
          tpu.enqueue_dma source(%dma_start3A_51 : memref<400xi32, #tpu.memory_space<hbm>>) target(%arg7 : memref<400xi32, #tpu.memory_space<vmem>>) target_semaphore(%arg11 : memref<!tpu.dma_semaphore, #tpu.memory_space<semaphore_mem>>)
        } else {
        }
        %ge3A = arith.constant 2 : i32
        %ge3A_38 = arith.cmpi sge, %scan3A_16, %ge3A : i32
        %convert_element_type3A_39 = arith.extui %ge3A_38 : i1 to i32
        %cond3A_40 = arith.constant 0 : i32
        %cond3A_41 = arith.cmpi ne, %convert_element_type3A_39, %cond3A_40 : i32
        scf.if %cond3A_41 {
          %mul3A_48 = arith.constant 128 : i32
          %mul3A_49 = arith.muli %add3A_29, %mul3A_48 : i32
          %dma_wait3A_50 = tpu.memref_slice %arg4[%mul3A_49] : memref<40960000xf32, #tpu.memory_space<hbm>> -> memref<51200xf32, #tpu.memory_space<hbm>>
          %dma_wait3A_51 = tpu.memref_slice %arg4[%mul3A_49] : memref<40960000xf32, #tpu.memory_space<hbm>> -> memref<51200xf32, #tpu.memory_space<hbm>>
          tpu.wait_dma2 semaphore(%arg12 : memref<!tpu.dma_semaphore, #tpu.memory_space<semaphore_mem>>) src(%arg8 : memref<51200xf32, #tpu.memory_space<vmem>>) dst(%dma_wait3A_51 : memref<51200xf32, #tpu.memory_space<hbm>>)
        } else {
        }
        %parallel_loop3A = arith.constant 0 : i32
        %parallel_loop3A_42 = arith.constant 25 : i32
        %parallel_loop3A_43 = arith.constant 1 : i32
        scf.for %parallel_loop3A_48 = %parallel_loop3A to %parallel_loop3A_42 step %parallel_loop3A_43  : i32 {
          %parallel_loop3A_49 = arith.constant 16 : i32
          %parallel_loop3A_50 = arith.muli %parallel_loop3A_48, %parallel_loop3A_49 : i32
          %parallel_loop3A_51 = arith.index_cast %parallel_loop3A_50 : i32 to index
          %parallel_loop3A_52 = tpu.vector_load %arg6[%parallel_loop3A_51] {strides = array<i32>} : memref<400xi32, #tpu.memory_space<vmem>>, vector<16xi32>,
          %parallel_loop3A_53 = vector.shape_cast %parallel_loop3A_52 : vector<16xi32> to vector<16xi32>
          %parallel_loop3A_54 = arith.constant 16 : i32
          %parallel_loop3A_55 = arith.muli %parallel_loop3A_48, %parallel_loop3A_54 : i32
          %parallel_loop3A_56 = arith.constant 128 : i32
          %parallel_loop3A_57 = arith.muli %parallel_loop3A_55, %parallel_loop3A_56 : i32
          %parallel_loop3A_58 = vector.extract_strided_slice %parallel_loop3A_53 {offsets = [0], sizes = [1], strides = [1]} : vector<16xi32> to vector<1xi32>
          %parallel_loop3A_59 = vector.extract %parallel_loop3A_58[0] : i32 from vector<1xi32>
          %parallel_loop3A_60 = vector.extract_strided_slice %parallel_loop3A_53 {offsets = [1], sizes = [1], strides = [1]} : vector<16xi32> to vector<1xi32>
          %parallel_loop3A_61 = vector.extract %parallel_loop3A_60[0] : i32 from vector<1xi32>
          %parallel_loop3A_62 = vector.extract_strided_slice %parallel_loop3A_53 {offsets = [2], sizes = [1], strides = [1]} : vector<16xi32> to vector<1xi32>
          %parallel_loop3A_63 = vector.extract %parallel_loop3A_62[0] : i32 from vector<1xi32>
          %parallel_loop3A_64 = vector.extract_strided_slice %parallel_loop3A_53 {offsets = [3], sizes = [1], strides = [1]} : vector<16xi32> to vector<1xi32>
          %parallel_loop3A_65 = vector.extract %parallel_loop3A_64[0] : i32 from vector<1xi32>
          %parallel_loop3A_66 = vector.extract_strided_slice %parallel_loop3A_53 {offsets = [4], sizes = [1], strides = [1]} : vector<16xi32> to vector<1xi32>
          %parallel_loop3A_67 = vector.extract %parallel_loop3A_66[0] : i32 from vector<1xi32>
          %parallel_loop3A_68 = vector.extract_strided_slice %parallel_loop3A_53 {offsets = [5], sizes = [1], strides = [1]} : vector<16xi32> to vector<1xi32>
          %parallel_loop3A_69 = vector.extract %parallel_loop3A_68[0] : i32 from vector<1xi32>
          %parallel_loop3A_70 = vector.extract_strided_slice %parallel_loop3A_53 {offsets = [6], sizes = [1], strides = [1]} : vector<16xi32> to vector<1xi32>
          %parallel_loop3A_71 = vector.extract %parallel_loop3A_70[0] : i32 from vector<1xi32>
          %parallel_loop3A_72 = vector.extract_strided_slice %parallel_loop3A_53 {offsets = [7], sizes = [1], strides = [1]} : vector<16xi32> to vector<1xi32>
          %parallel_loop3A_73 = vector.extract %parallel_loop3A_72[0] : i32 from vector<1xi32>
          %parallel_loop3A_74 = vector.extract_strided_slice %parallel_loop3A_53 {offsets = [8], sizes = [1], strides = [1]} : vector<16xi32> to vector<1xi32>
          %parallel_loop3A_75 = vector.extract %parallel_loop3A_74[0] : i32 from vector<1xi32>
          %parallel_loop3A_76 = vector.extract_strided_slice %parallel_loop3A_53 {offsets = [9], sizes = [1], strides = [1]} : vector<16xi32> to vector<1xi32>
          %parallel_loop3A_77 = vector.extract %parallel_loop3A_76[0] : i32 from vector<1xi32>
          %parallel_loop3A_78 = vector.extract_strided_slice %parallel_loop3A_53 {offsets = [10], sizes = [1], strides = [1]} : vector<16xi32> to vector<1xi32>
          %parallel_loop3A_79 = vector.extract %parallel_loop3A_78[0] : i32 from vector<1xi32>
          %parallel_loop3A_80 = vector.extract_strided_slice %parallel_loop3A_53 {offsets = [11], sizes = [1], strides = [1]} : vector<16xi32> to vector<1xi32>
          %parallel_loop3A_81 = vector.extract %parallel_loop3A_80[0] : i32 from vector<1xi32>
          %parallel_loop3A_82 = vector.extract_strided_slice %parallel_loop3A_53 {offsets = [12], sizes = [1], strides = [1]} : vector<16xi32> to vector<1xi32>
          %parallel_loop3A_83 = vector.extract %parallel_loop3A_82[0] : i32 from vector<1xi32>
          %parallel_loop3A_84 = vector.extract_strided_slice %parallel_loop3A_53 {offsets = [13], sizes = [1], strides = [1]} : vector<16xi32> to vector<1xi32>
          %parallel_loop3A_85 = vector.extract %parallel_loop3A_84[0] : i32 from vector<1xi32>
          %parallel_loop3A_86 = vector.extract_strided_slice %parallel_loop3A_53 {offsets = [14], sizes = [1], strides = [1]} : vector<16xi32> to vector<1xi32>
          %parallel_loop3A_87 = vector.extract %parallel_loop3A_86[0] : i32 from vector<1xi32>
          %parallel_loop3A_88 = vector.extract_strided_slice %parallel_loop3A_53 {offsets = [15], sizes = [1], strides = [1]} : vector<16xi32> to vector<1xi32>
          %parallel_loop3A_89 = vector.extract %parallel_loop3A_88[0] : i32 from vector<1xi32>
          %parallel_loop3A_90 = arith.constant 0 : i32
          %parallel_loop3A_91 = arith.addi %parallel_loop3A_57, %parallel_loop3A_90 : i32
          %parallel_loop3A_92 = arith.constant 128 : i32
          %parallel_loop3A_93 = arith.addi %parallel_loop3A_57, %parallel_loop3A_92 : i32
          %parallel_loop3A_94 = arith.constant 256 : i32
          %parallel_loop3A_95 = arith.addi %parallel_loop3A_57, %parallel_loop3A_94 : i32
          %parallel_loop3A_96 = arith.constant 384 : i32
          %parallel_loop3A_97 = arith.addi %parallel_loop3A_57, %parallel_loop3A_96 : i32
          %parallel_loop3A_98 = arith.constant 512 : i32
          %parallel_loop3A_99 = arith.addi %parallel_loop3A_57, %parallel_loop3A_98 : i32
          %parallel_loop3A_100 = arith.constant 640 : i32
          %parallel_loop3A_101 = arith.addi %parallel_loop3A_57, %parallel_loop3A_100 : i32
          %parallel_loop3A_102 = arith.constant 768 : i32
          %parallel_loop3A_103 = arith.addi %parallel_loop3A_57, %parallel_loop3A_102 : i32
          %parallel_loop3A_104 = arith.constant 896 : i32
          %parallel_loop3A_105 = arith.addi %parallel_loop3A_57, %parallel_loop3A_104 : i32
          %parallel_loop3A_106 = arith.constant 0 : i32
          %parallel_loop3A_107 = arith.addi %parallel_loop3A_59, %parallel_loop3A_106 : i32
          %parallel_loop3A_108 = arith.index_cast %parallel_loop3A_107 : i32 to index
          %parallel_loop3A_109 = tpu.vector_load %arg5[%parallel_loop3A_108] {strides = array<i32>} : memref<8192xf32, #tpu.memory_space<vmem>>, vector<16xf32>,
          %parallel_loop3A_110 = vector.shape_cast %parallel_loop3A_109 : vector<16xf32> to vector<16xf32>
          %parallel_loop3A_111 = arith.constant 16 : i32
          %parallel_loop3A_112 = arith.addi %parallel_loop3A_59, %parallel_loop3A_111 : i32
          %parallel_loop3A_113 = arith.index_cast %parallel_loop3A_112 : i32 to index
          %parallel_loop3A_114 = tpu.vector_load %arg5[%parallel_loop3A_113] {strides = array<i32>} : memref<8192xf32, #tpu.memory_space<vmem>>, vector<16xf32>,
          %parallel_loop3A_115 = vector.shape_cast %parallel_loop3A_114 : vector<16xf32> to vector<16xf32>
          %parallel_loop3A_116 = arith.constant 32 : i32
          %parallel_loop3A_117 = arith.addi %parallel_loop3A_59, %parallel_loop3A_116 : i32
          %parallel_loop3A_118 = arith.index_cast %parallel_loop3A_117 : i32 to index
          %parallel_loop3A_119 = tpu.vector_load %arg5[%parallel_loop3A_118] {strides = array<i32>} : memref<8192xf32, #tpu.memory_space<vmem>>, vector<16xf32>,
          %parallel_loop3A_120 = vector.shape_cast %parallel_loop3A_119 : vector<16xf32> to vector<16xf32>
          %parallel_loop3A_121 = arith.constant 48 : i32
          %parallel_loop3A_122 = arith.addi %parallel_loop3A_59, %parallel_loop3A_121 : i32
          %parallel_loop3A_123 = arith.index_cast %parallel_loop3A_122 : i32 to index
          %parallel_loop3A_124 = tpu.vector_load %arg5[%parallel_loop3A_123] {strides = array<i32>} : memref<8192xf32, #tpu.memory_space<vmem>>, vector<16xf32>,
          %parallel_loop3A_125 = vector.shape_cast %parallel_loop3A_124 : vector<16xf32> to vector<16xf32>
          %parallel_loop3A_126 = arith.constant 64 : i32
          %parallel_loop3A_127 = arith.addi %parallel_loop3A_59, %parallel_loop3A_126 : i32
          %parallel_loop3A_128 = arith.index_cast %parallel_loop3A_127 : i32 to index
          %parallel_loop3A_129 = tpu.vector_load %arg5[%parallel_loop3A_128] {strides = array<i32>} : memref<8192xf32, #tpu.memory_space<vmem>>, vector<16xf32>,
          %parallel_loop3A_130 = vector.shape_cast %parallel_loop3A_129 : vector<16xf32> to vector<16xf32>
          %parallel_loop3A_131 = arith.constant 80 : i32
          %parallel_loop3A_132 = arith.addi %parallel_loop3A_59, %parallel_loop3A_131 : i32
          %parallel_loop3A_133 = arith.index_cast %parallel_loop3A_132 : i32 to index
          %parallel_loop3A_134 = tpu.vector_load %arg5[%parallel_loop3A_133] {strides = array<i32>} : memref<8192xf32, #tpu.memory_space<vmem>>, vector<16xf32>,
          %parallel_loop3A_135 = vector.shape_cast %parallel_loop3A_134 : vector<16xf32> to vector<16xf32>
          %parallel_loop3A_136 = arith.constant 96 : i32
          %parallel_loop3A_137 = arith.addi %parallel_loop3A_59, %parallel_loop3A_136 : i32
          %parallel_loop3A_138 = arith.index_cast %parallel_loop3A_137 : i32 to index
          %parallel_loop3A_139 = tpu.vector_load %arg5[%parallel_loop3A_138] {strides = array<i32>} : memref<8192xf32, #tpu.memory_space<vmem>>, vector<16xf32>,
          %parallel_loop3A_140 = vector.shape_cast %parallel_loop3A_139 : vector<16xf32> to vector<16xf32>
          %parallel_loop3A_141 = arith.constant 112 : i32
          %parallel_loop3A_142 = arith.addi %parallel_loop3A_59, %parallel_loop3A_141 : i32
          %parallel_loop3A_143 = arith.index_cast %parallel_loop3A_142 : i32 to index
          %parallel_loop3A_144 = tpu.vector_load %arg5[%parallel_loop3A_143] {strides = array<i32>} : memref<8192xf32, #tpu.memory_space<vmem>>, vector<16xf32>,
          %parallel_loop3A_145 = vector.shape_cast %parallel_loop3A_144 : vector<16xf32> to vector<16xf32>
          %parallel_loop3A_146 = arith.constant 0 : i32
          %parallel_loop3A_147 = arith.addi %parallel_loop3A_61, %parallel_loop3A_146 : i32
          %parallel_loop3A_148 = arith.index_cast %parallel_loop3A_147 : i32 to index
          %parallel_loop3A_149 = tpu.vector_load %arg5[%parallel_loop3A_148] {strides = array<i32>} : memref<8192xf32, #tpu.memory_space<vmem>>, vector<16xf32>,
          %parallel_loop3A_150 = vector.shape_cast %parallel_loop3A_149 : vector<16xf32> to vector<16xf32>
          %parallel_loop3A_151 = arith.constant 16 : i32
          %parallel_loop3A_152 = arith.addi %parallel_loop3A_61, %parallel_loop3A_151 : i32
          %parallel_loop3A_153 = arith.index_cast %parallel_loop3A_152 : i32 to index
          %parallel_loop3A_154 = tpu.vector_load %arg5[%parallel_loop3A_153] {strides = array<i32>} : memref<8192xf32, #tpu.memory_space<vmem>>, vector<16xf32>,
          %parallel_loop3A_155 = vector.shape_cast %parallel_loop3A_154 : vector<16xf32> to vector<16xf32>
          %parallel_loop3A_156 = arith.constant 32 : i32
          %parallel_loop3A_157 = arith.addi %parallel_loop3A_61, %parallel_loop3A_156 : i32
          %parallel_loop3A_158 = arith.index_cast %parallel_loop3A_157 : i32 to index
          %parallel_loop3A_159 = tpu.vector_load %arg5[%parallel_loop3A_158] {strides = array<i32>} : memref<8192xf32, #tpu.memory_space<vmem>>, vector<16xf32>,
          %parallel_loop3A_160 = vector.shape_cast %parallel_loop3A_159 : vector<16xf32> to vector<16xf32>
          %parallel_loop3A_161 = arith.constant 48 : i32
          %parallel_loop3A_162 = arith.addi %parallel_loop3A_61, %parallel_loop3A_161 : i32
          %parallel_loop3A_163 = arith.index_cast %parallel_loop3A_162 : i32 to index
          %parallel_loop3A_164 = tpu.vector_load %arg5[%parallel_loop3A_163] {strides = array<i32>} : memref<8192xf32, #tpu.memory_space<vmem>>, vector<16xf32>,
          %parallel_loop3A_165 = vector.shape_cast %parallel_loop3A_164 : vector<16xf32> to vector<16xf32>
          %parallel_loop3A_166 = arith.constant 64 : i32
          %parallel_loop3A_167 = arith.addi %parallel_loop3A_61, %parallel_loop3A_166 : i32
          %parallel_loop3A_168 = arith.index_cast %parallel_loop3A_167 : i32 to index
          %parallel_loop3A_169 = tpu.vector_load %arg5[%parallel_loop3A_168] {strides = array<i32>} : memref<8192xf32, #tpu.memory_space<vmem>>, vector<16xf32>,
          %parallel_loop3A_170 = vector.shape_cast %parallel_loop3A_169 : vector<16xf32> to vector<16xf32>
          %parallel_loop3A_171 = arith.constant 80 : i32
          %parallel_loop3A_172 = arith.addi %parallel_loop3A_61, %parallel_loop3A_171 : i32
          %parallel_loop3A_173 = arith.index_cast %parallel_loop3A_172 : i32 to index
          %parallel_loop3A_174 = tpu.vector_load %arg5[%parallel_loop3A_173] {strides = array<i32>} : memref<8192xf32, #tpu.memory_space<vmem>>, vector<16xf32>,
          %parallel_loop3A_175 = vector.shape_cast %parallel_loop3A_174 : vector<16xf32> to vector<16xf32>
          %parallel_loop3A_176 = arith.constant 96 : i32
          %parallel_loop3A_177 = arith.addi %parallel_loop3A_61, %parallel_loop3A_176 : i32
          %parallel_loop3A_178 = arith.index_cast %parallel_loop3A_177 : i32 to index
          %parallel_loop3A_179 = tpu.vector_load %arg5[%parallel_loop3A_178] {strides = array<i32>} : memref<8192xf32, #tpu.memory_space<vmem>>, vector<16xf32>,
          %parallel_loop3A_180 = vector.shape_cast %parallel_loop3A_179 : vector<16xf32> to vector<16xf32>
          %parallel_loop3A_181 = arith.constant 112 : i32
          %parallel_loop3A_182 = arith.addi %parallel_loop3A_61, %parallel_loop3A_181 : i32
          %parallel_loop3A_183 = arith.index_cast %parallel_loop3A_182 : i32 to index
          %parallel_loop3A_184 = tpu.vector_load %arg5[%parallel_loop3A_183] {strides = array<i32>} : memref<8192xf32, #tpu.memory_space<vmem>>, vector<16xf32>,
          %parallel_loop3A_185 = vector.shape_cast %parallel_loop3A_184 : vector<16xf32> to vector<16xf32>
          %parallel_loop3A_186 = arith.constant 0 : i32
          %parallel_loop3A_187 = arith.addi %parallel_loop3A_63, %parallel_loop3A_186 : i32
          %parallel_loop3A_188 = arith.index_cast %parallel_loop3A_187 : i32 to index
          %parallel_loop3A_189 = tpu.vector_load %arg5[%parallel_loop3A_188] {strides = array<i32>} : memref<8192xf32, #tpu.memory_space<vmem>>, vector<16xf32>,
          %parallel_loop3A_190 = vector.shape_cast %parallel_loop3A_189 : vector<16xf32> to vector<16xf32>
          %parallel_loop3A_191 = arith.constant 16 : i32
          %parallel_loop3A_192 = arith.addi %parallel_loop3A_63, %parallel_loop3A_191 : i32
          %parallel_loop3A_193 = arith.index_cast %parallel_loop3A_192 : i32 to index
          %parallel_loop3A_194 = tpu.vector_load %arg5[%parallel_loop3A_193] {strides = array<i32>} : memref<8192xf32, #tpu.memory_space<vmem>>, vector<16xf32>,
          %parallel_loop3A_195 = vector.shape_cast %parallel_loop3A_194 : vector<16xf32> to vector<16xf32>
          %parallel_loop3A_196 = arith.constant 32 : i32
          %parallel_loop3A_197 = arith.addi %parallel_loop3A_63, %parallel_loop3A_196 : i32
          %parallel_loop3A_198 = arith.index_cast %parallel_loop3A_197 : i32 to index
          %parallel_loop3A_199 = tpu.vector_load %arg5[%parallel_loop3A_198] {strides = array<i32>} : memref<8192xf32, #tpu.memory_space<vmem>>, vector<16xf32>,
          %parallel_loop3A_200 = vector.shape_cast %parallel_loop3A_199 : vector<16xf32> to vector<16xf32>
          %parallel_loop3A_201 = arith.constant 48 : i32
          %parallel_loop3A_202 = arith.addi %parallel_loop3A_63, %parallel_loop3A_201 : i32
          %parallel_loop3A_203 = arith.index_cast %parallel_loop3A_202 : i32 to index
          %parallel_loop3A_204 = tpu.vector_load %arg5[%parallel_loop3A_203] {strides = array<i32>} : memref<8192xf32, #tpu.memory_space<vmem>>, vector<16xf32>,
          %parallel_loop3A_205 = vector.shape_cast %parallel_loop3A_204 : vector<16xf32> to vector<16xf32>
          %parallel_loop3A_206 = arith.constant 64 : i32
          %parallel_loop3A_207 = arith.addi %parallel_loop3A_63, %parallel_loop3A_206 : i32
          %parallel_loop3A_208 = arith.index_cast %parallel_loop3A_207 : i32 to index
          %parallel_loop3A_209 = tpu.vector_load %arg5[%parallel_loop3A_208] {strides = array<i32>} : memref<8192xf32, #tpu.memory_space<vmem>>, vector<16xf32>,
          %parallel_loop3A_210 = vector.shape_cast %parallel_loop3A_209 : vector<16xf32> to vector<16xf32>
          %parallel_loop3A_211 = arith.constant 80 : i32
          %parallel_loop3A_212 = arith.addi %parallel_loop3A_63, %parallel_loop3A_211 : i32
          %parallel_loop3A_213 = arith.index_cast %parallel_loop3A_212 : i32 to index
          %parallel_loop3A_214 = tpu.vector_load %arg5[%parallel_loop3A_213] {strides = array<i32>} : memref<8192xf32, #tpu.memory_space<vmem>>, vector<16xf32>,
          %parallel_loop3A_215 = vector.shape_cast %parallel_loop3A_214 : vector<16xf32> to vector<16xf32>
          %parallel_loop3A_216 = arith.constant 96 : i32
          %parallel_loop3A_217 = arith.addi %parallel_loop3A_63, %parallel_loop3A_216 : i32
          %parallel_loop3A_218 = arith.index_cast %parallel_loop3A_217 : i32 to index
          %parallel_loop3A_219 = tpu.vector_load %arg5[%parallel_loop3A_218] {strides = array<i32>} : memref<8192xf32, #tpu.memory_space<vmem>>, vector<16xf32>,
          %parallel_loop3A_220 = vector.shape_cast %parallel_loop3A_219 : vector<16xf32> to vector<16xf32>
          %parallel_loop3A_221 = arith.constant 112 : i32
          %parallel_loop3A_222 = arith.addi %parallel_loop3A_63, %parallel_loop3A_221 : i32
          %parallel_loop3A_223 = arith.index_cast %parallel_loop3A_222 : i32 to index
          %parallel_loop3A_224 = tpu.vector_load %arg5[%parallel_loop3A_223] {strides = array<i32>} : memref<8192xf32, #tpu.memory_space<vmem>>, vector<16xf32>,
          %parallel_loop3A_225 = vector.shape_cast %parallel_loop3A_224 : vector<16xf32> to vector<16xf32>
          %parallel_loop3A_226 = arith.constant 0 : i32
          %parallel_loop3A_227 = arith.addi %parallel_loop3A_65, %parallel_loop3A_226 : i32
          %parallel_loop3A_228 = arith.index_cast %parallel_loop3A_227 : i32 to index
          %parallel_loop3A_229 = tpu.vector_load %arg5[%parallel_loop3A_228] {strides = array<i32>} : memref<8192xf32, #tpu.memory_space<vmem>>, vector<16xf32>,
          %parallel_loop3A_230 = vector.shape_cast %parallel_loop3A_229 : vector<16xf32> to vector<16xf32>
          %parallel_loop3A_231 = arith.constant 16 : i32
          %parallel_loop3A_232 = arith.addi %parallel_loop3A_65, %parallel_loop3A_231 : i32
          %parallel_loop3A_233 = arith.index_cast %parallel_loop3A_232 : i32 to index
          %parallel_loop3A_234 = tpu.vector_load %arg5[%parallel_loop3A_233] {strides = array<i32>} : memref<8192xf32, #tpu.memory_space<vmem>>, vector<16xf32>,
          %parallel_loop3A_235 = vector.shape_cast %parallel_loop3A_234 : vector<16xf32> to vector<16xf32>
          %parallel_loop3A_236 = arith.constant 32 : i32
          %parallel_loop3A_237 = arith.addi %parallel_loop3A_65, %parallel_loop3A_236 : i32
          %parallel_loop3A_238 = arith.index_cast %parallel_loop3A_237 : i32 to index
          %parallel_loop3A_239 = tpu.vector_load %arg5[%parallel_loop3A_238] {strides = array<i32>} : memref<8192xf32, #tpu.memory_space<vmem>>, vector<16xf32>,
          %parallel_loop3A_240 = vector.shape_cast %parallel_loop3A_239 : vector<16xf32> to vector<16xf32>
          %parallel_loop3A_241 = arith.constant 48 : i32
          %parallel_loop3A_242 = arith.addi %parallel_loop3A_65, %parallel_loop3A_241 : i32
          %parallel_loop3A_243 = arith.index_cast %parallel_loop3A_242 : i32 to index
          %parallel_loop3A_244 = tpu.vector_load %arg5[%parallel_loop3A_243] {strides = array<i32>} : memref<8192xf32, #tpu.memory_space<vmem>>, vector<16xf32>,
          %parallel_loop3A_245 = vector.shape_cast %parallel_loop3A_244 : vector<16xf32> to vector<16xf32>
          %parallel_loop3A_246 = arith.constant 64 : i32
          %parallel_loop3A_247 = arith.addi %parallel_loop3A_65, %parallel_loop3A_246 : i32
          %parallel_loop3A_248 = arith.index_cast %parallel_loop3A_247 : i32 to index
          %parallel_loop3A_249 = tpu.vector_load %arg5[%parallel_loop3A_248] {strides = array<i32>} : memref<8192xf32, #tpu.memory_space<vmem>>, vector<16xf32>,
          %parallel_loop3A_250 = vector.shape_cast %parallel_loop3A_249 : vector<16xf32> to vector<16xf32>
          %parallel_loop3A_251 = arith.constant 80 : i32
          %parallel_loop3A_252 = arith.addi %parallel_loop3A_65, %parallel_loop3A_251 : i32
          %parallel_loop3A_253 = arith.index_cast %parallel_loop3A_252 : i32 to index
          %parallel_loop3A_254 = tpu.vector_load %arg5[%parallel_loop3A_253] {strides = array<i32>} : memref<8192xf32, #tpu.memory_space<vmem>>, vector<16xf32>,
          %parallel_loop3A_255 = vector.shape_cast %parallel_loop3A_254 : vector<16xf32> to vector<16xf32>
          %parallel_loop3A_256 = arith.constant 96 : i32
          %parallel_loop3A_257 = arith.addi %parallel_loop3A_65, %parallel_loop3A_256 : i32
          %parallel_loop3A_258 = arith.index_cast %parallel_loop3A_257 : i32 to index
          %parallel_loop3A_259 = tpu.vector_load %arg5[%parallel_loop3A_258] {strides = array<i32>} : memref<8192xf32, #tpu.memory_space<vmem>>, vector<16xf32>,
          %parallel_loop3A_260 = vector.shape_cast %parallel_loop3A_259 : vector<16xf32> to vector<16xf32>
          %parallel_loop3A_261 = arith.constant 112 : i32
          %parallel_loop3A_262 = arith.addi %parallel_loop3A_65, %parallel_loop3A_261 : i32
          %parallel_loop3A_263 = arith.index_cast %parallel_loop3A_262 : i32 to index
          %parallel_loop3A_264 = tpu.vector_load %arg5[%parallel_loop3A_263] {strides = array<i32>} : memref<8192xf32, #tpu.memory_space<vmem>>, vector<16xf32>,
          %parallel_loop3A_265 = vector.shape_cast %parallel_loop3A_264 : vector<16xf32> to vector<16xf32>
          %parallel_loop3A_266 = arith.constant 0 : i32
          %parallel_loop3A_267 = arith.addi %parallel_loop3A_67, %parallel_loop3A_266 : i32
          %parallel_loop3A_268 = arith.index_cast %parallel_loop3A_267 : i32 to index
          %parallel_loop3A_269 = tpu.vector_load %arg5[%parallel_loop3A_268] {strides = array<i32>} : memref<8192xf32, #tpu.memory_space<vmem>>, vector<16xf32>,
          %parallel_loop3A_270 = vector.shape_cast %parallel_loop3A_269 : vector<16xf32> to vector<16xf32>
          %parallel_loop3A_271 = arith.constant 16 : i32
          %parallel_loop3A_272 = arith.addi %parallel_loop3A_67, %parallel_loop3A_271 : i32
          %parallel_loop3A_273 = arith.index_cast %parallel_loop3A_272 : i32 to index
          %parallel_loop3A_274 = tpu.vector_load %arg5[%parallel_loop3A_273] {strides = array<i32>} : memref<8192xf32, #tpu.memory_space<vmem>>, vector<16xf32>,
          %parallel_loop3A_275 = vector.shape_cast %parallel_loop3A_274 : vector<16xf32> to vector<16xf32>
          %parallel_loop3A_276 = arith.constant 32 : i32
          %parallel_loop3A_277 = arith.addi %parallel_loop3A_67, %parallel_loop3A_276 : i32
          %parallel_loop3A_278 = arith.index_cast %parallel_loop3A_277 : i32 to index
          %parallel_loop3A_279 = tpu.vector_load %arg5[%parallel_loop3A_278] {strides = array<i32>} : memref<8192xf32, #tpu.memory_space<vmem>>, vector<16xf32>,
          %parallel_loop3A_280 = vector.shape_cast %parallel_loop3A_279 : vector<16xf32> to vector<16xf32>
          %parallel_loop3A_281 = arith.constant 48 : i32
          %parallel_loop3A_282 = arith.addi %parallel_loop3A_67, %parallel_loop3A_281 : i32
          %parallel_loop3A_283 = arith.index_cast %parallel_loop3A_282 : i32 to index
          %parallel_loop3A_284 = tpu.vector_load %arg5[%parallel_loop3A_283] {strides = array<i32>} : memref<8192xf32, #tpu.memory_space<vmem>>, vector<16xf32>,
          %parallel_loop3A_285 = vector.shape_cast %parallel_loop3A_284 : vector<16xf32> to vector<16xf32>
          %parallel_loop3A_286 = arith.constant 64 : i32
          %parallel_loop3A_287 = arith.addi %parallel_loop3A_67, %parallel_loop3A_286 : i32
          %parallel_loop3A_288 = arith.index_cast %parallel_loop3A_287 : i32 to index
          %parallel_loop3A_289 = tpu.vector_load %arg5[%parallel_loop3A_288] {strides = array<i32>} : memref<8192xf32, #tpu.memory_space<vmem>>, vector<16xf32>,
          %parallel_loop3A_290 = vector.shape_cast %parallel_loop3A_289 : vector<16xf32> to vector<16xf32>
          %parallel_loop3A_291 = arith.constant 80 : i32
          %parallel_loop3A_292 = arith.addi %parallel_loop3A_67, %parallel_loop3A_291 : i32
          %parallel_loop3A_293 = arith.index_cast %parallel_loop3A_292 : i32 to index
          %parallel_loop3A_294 = tpu.vector_load %arg5[%parallel_loop3A_293] {strides = array<i32>} : memref<8192xf32, #tpu.memory_space<vmem>>, vector<16xf32>,
          %parallel_loop3A_295 = vector.shape_cast %parallel_loop3A_294 : vector<16xf32> to vector<16xf32>
          %parallel_loop3A_296 = arith.constant 96 : i32
          %parallel_loop3A_297 = arith.addi %parallel_loop3A_67, %parallel_loop3A_296 : i32
          %parallel_loop3A_298 = arith.index_cast %parallel_loop3A_297 : i32 to index
          %parallel_loop3A_299 = tpu.vector_load %arg5[%parallel_loop3A_298] {strides = array<i32>} : memref<8192xf32, #tpu.memory_space<vmem>>, vector<16xf32>,
          %parallel_loop3A_300 = vector.shape_cast %parallel_loop3A_299 : vector<16xf32> to vector<16xf32>
          %parallel_loop3A_301 = arith.constant 112 : i32
          %parallel_loop3A_302 = arith.addi %parallel_loop3A_67, %parallel_loop3A_301 : i32
          %parallel_loop3A_303 = arith.index_cast %parallel_loop3A_302 : i32 to index
          %parallel_loop3A_304 = tpu.vector_load %arg5[%parallel_loop3A_303] {strides = array<i32>} : memref<8192xf32, #tpu.memory_space<vmem>>, vector<16xf32>,
          %parallel_loop3A_305 = vector.shape_cast %parallel_loop3A_304 : vector<16xf32> to vector<16xf32>
          %parallel_loop3A_306 = arith.constant 0 : i32
          %parallel_loop3A_307 = arith.addi %parallel_loop3A_69, %parallel_loop3A_306 : i32
          %parallel_loop3A_308 = arith.index_cast %parallel_loop3A_307 : i32 to index
          %parallel_loop3A_309 = tpu.vector_load %arg5[%parallel_loop3A_308] {strides = array<i32>} : memref<8192xf32, #tpu.memory_space<vmem>>, vector<16xf32>,
          %parallel_loop3A_310 = vector.shape_cast %parallel_loop3A_309 : vector<16xf32> to vector<16xf32>
          %parallel_loop3A_311 = arith.constant 16 : i32
          %parallel_loop3A_312 = arith.addi %parallel_loop3A_69, %parallel_loop3A_311 : i32
          %parallel_loop3A_313 = arith.index_cast %parallel_loop3A_312 : i32 to index
          %parallel_loop3A_314 = tpu.vector_load %arg5[%parallel_loop3A_313] {strides = array<i32>} : memref<8192xf32, #tpu.memory_space<vmem>>, vector<16xf32>,
          %parallel_loop3A_315 = vector.shape_cast %parallel_loop3A_314 : vector<16xf32> to vector<16xf32>
          %parallel_loop3A_316 = arith.constant 32 : i32
          %parallel_loop3A_317 = arith.addi %parallel_loop3A_69, %parallel_loop3A_316 : i32
          %parallel_loop3A_318 = arith.index_cast %parallel_loop3A_317 : i32 to index
          %parallel_loop3A_319 = tpu.vector_load %arg5[%parallel_loop3A_318] {strides = array<i32>} : memref<8192xf32, #tpu.memory_space<vmem>>, vector<16xf32>,
          %parallel_loop3A_320 = vector.shape_cast %parallel_loop3A_319 : vector<16xf32> to vector<16xf32>
          %parallel_loop3A_321 = arith.constant 48 : i32
          %parallel_loop3A_322 = arith.addi %parallel_loop3A_69, %parallel_loop3A_321 : i32
          %parallel_loop3A_323 = arith.index_cast %parallel_loop3A_322 : i32 to index
          %parallel_loop3A_324 = tpu.vector_load %arg5[%parallel_loop3A_323] {strides = array<i32>} : memref<8192xf32, #tpu.memory_space<vmem>>, vector<16xf32>,
          %parallel_loop3A_325 = vector.shape_cast %parallel_loop3A_324 : vector<16xf32> to vector<16xf32>
          %parallel_loop3A_326 = arith.constant 64 : i32
          %parallel_loop3A_327 = arith.addi %parallel_loop3A_69, %parallel_loop3A_326 : i32
          %parallel_loop3A_328 = arith.index_cast %parallel_loop3A_327 : i32 to index
          %parallel_loop3A_329 = tpu.vector_load %arg5[%parallel_loop3A_328] {strides = array<i32>} : memref<8192xf32, #tpu.memory_space<vmem>>, vector<16xf32>,
          %parallel_loop3A_330 = vector.shape_cast %parallel_loop3A_329 : vector<16xf32> to vector<16xf32>
          %parallel_loop3A_331 = arith.constant 80 : i32
          %parallel_loop3A_332 = arith.addi %parallel_loop3A_69, %parallel_loop3A_331 : i32
          %parallel_loop3A_333 = arith.index_cast %parallel_loop3A_332 : i32 to index
          %parallel_loop3A_334 = tpu.vector_load %arg5[%parallel_loop3A_333] {strides = array<i32>} : memref<8192xf32, #tpu.memory_space<vmem>>, vector<16xf32>,
          %parallel_loop3A_335 = vector.shape_cast %parallel_loop3A_334 : vector<16xf32> to vector<16xf32>
          %parallel_loop3A_336 = arith.constant 96 : i32
          %parallel_loop3A_337 = arith.addi %parallel_loop3A_69, %parallel_loop3A_336 : i32
          %parallel_loop3A_338 = arith.index_cast %parallel_loop3A_337 : i32 to index
          %parallel_loop3A_339 = tpu.vector_load %arg5[%parallel_loop3A_338] {strides = array<i32>} : memref<8192xf32, #tpu.memory_space<vmem>>, vector<16xf32>,
          %parallel_loop3A_340 = vector.shape_cast %parallel_loop3A_339 : vector<16xf32> to vector<16xf32>
          %parallel_loop3A_341 = arith.constant 112 : i32
          %parallel_loop3A_342 = arith.addi %parallel_loop3A_69, %parallel_loop3A_341 : i32
          %parallel_loop3A_343 = arith.index_cast %parallel_loop3A_342 : i32 to index
          %parallel_loop3A_344 = tpu.vector_load %arg5[%parallel_loop3A_343] {strides = array<i32>} : memref<8192xf32, #tpu.memory_space<vmem>>, vector<16xf32>,
          %parallel_loop3A_345 = vector.shape_cast %parallel_loop3A_344 : vector<16xf32> to vector<16xf32>
          %parallel_loop3A_346 = arith.constant 0 : i32
          %parallel_loop3A_347 = arith.addi %parallel_loop3A_71, %parallel_loop3A_346 : i32
          %parallel_loop3A_348 = arith.index_cast %parallel_loop3A_347 : i32 to index
          %parallel_loop3A_349 = tpu.vector_load %arg5[%parallel_loop3A_348] {strides = array<i32>} : memref<8192xf32, #tpu.memory_space<vmem>>, vector<16xf32>,
          %parallel_loop3A_350 = vector.shape_cast %parallel_loop3A_349 : vector<16xf32> to vector<16xf32>
          %parallel_loop3A_351 = arith.constant 16 : i32
          %parallel_loop3A_352 = arith.addi %parallel_loop3A_71, %parallel_loop3A_351 : i32
          %parallel_loop3A_353 = arith.index_cast %parallel_loop3A_352 : i32 to index
          %parallel_loop3A_354 = tpu.vector_load %arg5[%parallel_loop3A_353] {strides = array<i32>} : memref<8192xf32, #tpu.memory_space<vmem>>, vector<16xf32>,
          %parallel_loop3A_355 = vector.shape_cast %parallel_loop3A_354 : vector<16xf32> to vector<16xf32>
          %parallel_loop3A_356 = arith.constant 32 : i32
          %parallel_loop3A_357 = arith.addi %parallel_loop3A_71, %parallel_loop3A_356 : i32
          %parallel_loop3A_358 = arith.index_cast %parallel_loop3A_357 : i32 to index
          %parallel_loop3A_359 = tpu.vector_load %arg5[%parallel_loop3A_358] {strides = array<i32>} : memref<8192xf32, #tpu.memory_space<vmem>>, vector<16xf32>,
          %parallel_loop3A_360 = vector.shape_cast %parallel_loop3A_359 : vector<16xf32> to vector<16xf32>
          %parallel_loop3A_361 = arith.constant 48 : i32
          %parallel_loop3A_362 = arith.addi %parallel_loop3A_71, %parallel_loop3A_361 : i32
          %parallel_loop3A_363 = arith.index_cast %parallel_loop3A_362 : i32 to index
          %parallel_loop3A_364 = tpu.vector_load %arg5[%parallel_loop3A_363] {strides = array<i32>} : memref<8192xf32, #tpu.memory_space<vmem>>, vector<16xf32>,
          %parallel_loop3A_365 = vector.shape_cast %parallel_loop3A_364 : vector<16xf32> to vector<16xf32>
          %parallel_loop3A_366 = arith.constant 64 : i32
          %parallel_loop3A_367 = arith.addi %parallel_loop3A_71, %parallel_loop3A_366 : i32
          %parallel_loop3A_368 = arith.index_cast %parallel_loop3A_367 : i32 to index
          %parallel_loop3A_369 = tpu.vector_load %arg5[%parallel_loop3A_368] {strides = array<i32>} : memref<8192xf32, #tpu.memory_space<vmem>>, vector<16xf32>,
          %parallel_loop3A_370 = vector.shape_cast %parallel_loop3A_369 : vector<16xf32> to vector<16xf32>
          %parallel_loop3A_371 = arith.constant 80 : i32
          %parallel_loop3A_372 = arith.addi %parallel_loop3A_71, %parallel_loop3A_371 : i32
          %parallel_loop3A_373 = arith.index_cast %parallel_loop3A_372 : i32 to index
          %parallel_loop3A_374 = tpu.vector_load %arg5[%parallel_loop3A_373] {strides = array<i32>} : memref<8192xf32, #tpu.memory_space<vmem>>, vector<16xf32>,
          %parallel_loop3A_375 = vector.shape_cast %parallel_loop3A_374 : vector<16xf32> to vector<16xf32>
          %parallel_loop3A_376 = arith.constant 96 : i32
          %parallel_loop3A_377 = arith.addi %parallel_loop3A_71, %parallel_loop3A_376 : i32
          %parallel_loop3A_378 = arith.index_cast %parallel_loop3A_377 : i32 to index
          %parallel_loop3A_379 = tpu.vector_load %arg5[%parallel_loop3A_378] {strides = array<i32>} : memref<8192xf32, #tpu.memory_space<vmem>>, vector<16xf32>,
          %parallel_loop3A_380 = vector.shape_cast %parallel_loop3A_379 : vector<16xf32> to vector<16xf32>
          %parallel_loop3A_381 = arith.constant 112 : i32
          %parallel_loop3A_382 = arith.addi %parallel_loop3A_71, %parallel_loop3A_381 : i32
          %parallel_loop3A_383 = arith.index_cast %parallel_loop3A_382 : i32 to index
          %parallel_loop3A_384 = tpu.vector_load %arg5[%parallel_loop3A_383] {strides = array<i32>} : memref<8192xf32, #tpu.memory_space<vmem>>, vector<16xf32>,
          %parallel_loop3A_385 = vector.shape_cast %parallel_loop3A_384 : vector<16xf32> to vector<16xf32>
          %parallel_loop3A_386 = arith.constant 0 : i32
          %parallel_loop3A_387 = arith.addi %parallel_loop3A_73, %parallel_loop3A_386 : i32
          %parallel_loop3A_388 = arith.index_cast %parallel_loop3A_387 : i32 to index
          %parallel_loop3A_389 = tpu.vector_load %arg5[%parallel_loop3A_388] {strides = array<i32>} : memref<8192xf32, #tpu.memory_space<vmem>>, vector<16xf32>,
          %parallel_loop3A_390 = vector.shape_cast %parallel_loop3A_389 : vector<16xf32> to vector<16xf32>
          %parallel_loop3A_391 = arith.constant 16 : i32
          %parallel_loop3A_392 = arith.addi %parallel_loop3A_73, %parallel_loop3A_391 : i32
          %parallel_loop3A_393 = arith.index_cast %parallel_loop3A_392 : i32 to index
          %parallel_loop3A_394 = tpu.vector_load %arg5[%parallel_loop3A_393] {strides = array<i32>} : memref<8192xf32, #tpu.memory_space<vmem>>, vector<16xf32>,
          %parallel_loop3A_395 = vector.shape_cast %parallel_loop3A_394 : vector<16xf32> to vector<16xf32>
          %parallel_loop3A_396 = arith.constant 32 : i32
          %parallel_loop3A_397 = arith.addi %parallel_loop3A_73, %parallel_loop3A_396 : i32
          %parallel_loop3A_398 = arith.index_cast %parallel_loop3A_397 : i32 to index
          %parallel_loop3A_399 = tpu.vector_load %arg5[%parallel_loop3A_398] {strides = array<i32>} : memref<8192xf32, #tpu.memory_space<vmem>>, vector<16xf32>,
          %parallel_loop3A_400 = vector.shape_cast %parallel_loop3A_399 : vector<16xf32> to vector<16xf32>
          %parallel_loop3A_401 = arith.constant 48 : i32
          %parallel_loop3A_402 = arith.addi %parallel_loop3A_73, %parallel_loop3A_401 : i32
          %parallel_loop3A_403 = arith.index_cast %parallel_loop3A_402 : i32 to index
          %parallel_loop3A_404 = tpu.vector_load %arg5[%parallel_loop3A_403] {strides = array<i32>} : memref<8192xf32, #tpu.memory_space<vmem>>, vector<16xf32>,
          %parallel_loop3A_405 = vector.shape_cast %parallel_loop3A_404 : vector<16xf32> to vector<16xf32>
          %parallel_loop3A_406 = arith.constant 64 : i32
          %parallel_loop3A_407 = arith.addi %parallel_loop3A_73, %parallel_loop3A_406 : i32
          %parallel_loop3A_408 = arith.index_cast %parallel_loop3A_407 : i32 to index
          %parallel_loop3A_409 = tpu.vector_load %arg5[%parallel_loop3A_408] {strides = array<i32>} : memref<8192xf32, #tpu.memory_space<vmem>>, vector<16xf32>,
          %parallel_loop3A_410 = vector.shape_cast %parallel_loop3A_409 : vector<16xf32> to vector<16xf32>
          %parallel_loop3A_411 = arith.constant 80 : i32
          %parallel_loop3A_412 = arith.addi %parallel_loop3A_73, %parallel_loop3A_411 : i32
          %parallel_loop3A_413 = arith.index_cast %parallel_loop3A_412 : i32 to index
          %parallel_loop3A_414 = tpu.vector_load %arg5[%parallel_loop3A_413] {strides = array<i32>} : memref<8192xf32, #tpu.memory_space<vmem>>, vector<16xf32>,
          %parallel_loop3A_415 = vector.shape_cast %parallel_loop3A_414 : vector<16xf32> to vector<16xf32>
          %parallel_loop3A_416 = arith.constant 96 : i32
          %parallel_loop3A_417 = arith.addi %parallel_loop3A_73, %parallel_loop3A_416 : i32
          %parallel_loop3A_418 = arith.index_cast %parallel_loop3A_417 : i32 to index
          %parallel_loop3A_419 = tpu.vector_load %arg5[%parallel_loop3A_418] {strides = array<i32>} : memref<8192xf32, #tpu.memory_space<vmem>>, vector<16xf32>,
          %parallel_loop3A_420 = vector.shape_cast %parallel_loop3A_419 : vector<16xf32> to vector<16xf32>
          %parallel_loop3A_421 = arith.constant 112 : i32
          %parallel_loop3A_422 = arith.addi %parallel_loop3A_73, %parallel_loop3A_421 : i32
          %parallel_loop3A_423 = arith.index_cast %parallel_loop3A_422 : i32 to index
          %parallel_loop3A_424 = tpu.vector_load %arg5[%parallel_loop3A_423] {strides = array<i32>} : memref<8192xf32, #tpu.memory_space<vmem>>, vector<16xf32>,
          %parallel_loop3A_425 = vector.shape_cast %parallel_loop3A_424 : vector<16xf32> to vector<16xf32>
          %parallel_loop3A_426 = arith.constant 0 : i32
          %parallel_loop3A_427 = arith.addi %parallel_loop3A_91, %parallel_loop3A_426 : i32
          %parallel_loop3A_428 = arith.index_cast %parallel_loop3A_427 : i32 to index
          %parallel_loop3A_429 = tpu.vector_load %arg8[%parallel_loop3A_428] {strides = array<i32>} : memref<51200xf32, #tpu.memory_space<vmem>>, vector<16xf32>,
          %parallel_loop3A_430 = vector.shape_cast %parallel_loop3A_429 : vector<16xf32> to vector<16xf32>
          %parallel_loop3A_431 = vector.shape_cast %parallel_loop3A_110 : vector<16xf32> to vector<16xf32>
          tpu.vector_store %arg8[%parallel_loop3A_428], %parallel_loop3A_431 {strides = array<i32>} : memref<51200xf32, #tpu.memory_space<vmem>>, vector<16xf32>,
          %parallel_loop3A_432 = arith.constant 16 : i32
          %parallel_loop3A_433 = arith.addi %parallel_loop3A_91, %parallel_loop3A_432 : i32
          %parallel_loop3A_434 = arith.index_cast %parallel_loop3A_433 : i32 to index
          %parallel_loop3A_435 = tpu.vector_load %arg8[%parallel_loop3A_434] {strides = array<i32>} : memref<51200xf32, #tpu.memory_space<vmem>>, vector<16xf32>,
          %parallel_loop3A_436 = vector.shape_cast %parallel_loop3A_435 : vector<16xf32> to vector<16xf32>
          %parallel_loop3A_437 = vector.shape_cast %parallel_loop3A_115 : vector<16xf32> to vector<16xf32>
          tpu.vector_store %arg8[%parallel_loop3A_434], %parallel_loop3A_437 {strides = array<i32>} : memref<51200xf32, #tpu.memory_space<vmem>>, vector<16xf32>,
          %parallel_loop3A_438 = arith.constant 32 : i32
          %parallel_loop3A_439 = arith.addi %parallel_loop3A_91, %parallel_loop3A_438 : i32
          %parallel_loop3A_440 = arith.index_cast %parallel_loop3A_439 : i32 to index
          %parallel_loop3A_441 = tpu.vector_load %arg8[%parallel_loop3A_440] {strides = array<i32>} : memref<51200xf32, #tpu.memory_space<vmem>>, vector<16xf32>,
          %parallel_loop3A_442 = vector.shape_cast %parallel_loop3A_441 : vector<16xf32> to vector<16xf32>
          %parallel_loop3A_443 = vector.shape_cast %parallel_loop3A_120 : vector<16xf32> to vector<16xf32>
          tpu.vector_store %arg8[%parallel_loop3A_440], %parallel_loop3A_443 {strides = array<i32>} : memref<51200xf32, #tpu.memory_space<vmem>>, vector<16xf32>,
          %parallel_loop3A_444 = arith.constant 48 : i32
          %parallel_loop3A_445 = arith.addi %parallel_loop3A_91, %parallel_loop3A_444 : i32
          %parallel_loop3A_446 = arith.index_cast %parallel_loop3A_445 : i32 to index
          %parallel_loop3A_447 = tpu.vector_load %arg8[%parallel_loop3A_446] {strides = array<i32>} : memref<51200xf32, #tpu.memory_space<vmem>>, vector<16xf32>,
          %parallel_loop3A_448 = vector.shape_cast %parallel_loop3A_447 : vector<16xf32> to vector<16xf32>
          %parallel_loop3A_449 = vector.shape_cast %parallel_loop3A_125 : vector<16xf32> to vector<16xf32>
          tpu.vector_store %arg8[%parallel_loop3A_446], %parallel_loop3A_449 {strides = array<i32>} : memref<51200xf32, #tpu.memory_space<vmem>>, vector<16xf32>,
          %parallel_loop3A_450 = arith.constant 64 : i32
          %parallel_loop3A_451 = arith.addi %parallel_loop3A_91, %parallel_loop3A_450 : i32
          %parallel_loop3A_452 = arith.index_cast %parallel_loop3A_451 : i32 to index
          %parallel_loop3A_453 = tpu.vector_load %arg8[%parallel_loop3A_452] {strides = array<i32>} : memref<51200xf32, #tpu.memory_space<vmem>>, vector<16xf32>,
          %parallel_loop3A_454 = vector.shape_cast %parallel_loop3A_453 : vector<16xf32> to vector<16xf32>
          %parallel_loop3A_455 = vector.shape_cast %parallel_loop3A_130 : vector<16xf32> to vector<16xf32>
          tpu.vector_store %arg8[%parallel_loop3A_452], %parallel_loop3A_455 {strides = array<i32>} : memref<51200xf32, #tpu.memory_space<vmem>>, vector<16xf32>,
          %parallel_loop3A_456 = arith.constant 80 : i32
          %parallel_loop3A_457 = arith.addi %parallel_loop3A_91, %parallel_loop3A_456 : i32
          %parallel_loop3A_458 = arith.index_cast %parallel_loop3A_457 : i32 to index
          %parallel_loop3A_459 = tpu.vector_load %arg8[%parallel_loop3A_458] {strides = array<i32>} : memref<51200xf32, #tpu.memory_space<vmem>>, vector<16xf32>,
          %parallel_loop3A_460 = vector.shape_cast %parallel_loop3A_459 : vector<16xf32> to vector<16xf32>
          %parallel_loop3A_461 = vector.shape_cast %parallel_loop3A_135 : vector<16xf32> to vector<16xf32>
          tpu.vector_store %arg8[%parallel_loop3A_458], %parallel_loop3A_461 {strides = array<i32>} : memref<51200xf32, #tpu.memory_space<vmem>>, vector<16xf32>,
          %parallel_loop3A_462 = arith.constant 96 : i32
          %parallel_loop3A_463 = arith.addi %parallel_loop3A_91, %parallel_loop3A_462 : i32
          %parallel_loop3A_464 = arith.index_cast %parallel_loop3A_463 : i32 to index
          %parallel_loop3A_465 = tpu.vector_load %arg8[%parallel_loop3A_464] {strides = array<i32>} : memref<51200xf32, #tpu.memory_space<vmem>>, vector<16xf32>,
          %parallel_loop3A_466 = vector.shape_cast %parallel_loop3A_465 : vector<16xf32> to vector<16xf32>
          %parallel_loop3A_467 = vector.shape_cast %parallel_loop3A_140 : vector<16xf32> to vector<16xf32>
          tpu.vector_store %arg8[%parallel_loop3A_464], %parallel_loop3A_467 {strides = array<i32>} : memref<51200xf32, #tpu.memory_space<vmem>>, vector<16xf32>,
          %parallel_loop3A_468 = arith.constant 112 : i32
          %parallel_loop3A_469 = arith.addi %parallel_loop3A_91, %parallel_loop3A_468 : i32
          %parallel_loop3A_470 = arith.index_cast %parallel_loop3A_469 : i32 to index
          %parallel_loop3A_471 = tpu.vector_load %arg8[%parallel_loop3A_470] {strides = array<i32>} : memref<51200xf32, #tpu.memory_space<vmem>>, vector<16xf32>,
          %parallel_loop3A_472 = vector.shape_cast %parallel_loop3A_471 : vector<16xf32> to vector<16xf32>
          %parallel_loop3A_473 = vector.shape_cast %parallel_loop3A_145 : vector<16xf32> to vector<16xf32>
          tpu.vector_store %arg8[%parallel_loop3A_470], %parallel_loop3A_473 {strides = array<i32>} : memref<51200xf32, #tpu.memory_space<vmem>>, vector<16xf32>,
          %parallel_loop3A_474 = arith.constant 0 : i32
          %parallel_loop3A_475 = arith.addi %parallel_loop3A_93, %parallel_loop3A_474 : i32
          %parallel_loop3A_476 = arith.index_cast %parallel_loop3A_475 : i32 to index
          %parallel_loop3A_477 = tpu.vector_load %arg8[%parallel_loop3A_476] {strides = array<i32>} : memref<51200xf32, #tpu.memory_space<vmem>>, vector<16xf32>,
          %parallel_loop3A_478 = vector.shape_cast %parallel_loop3A_477 : vector<16xf32> to vector<16xf32>
          %parallel_loop3A_479 = vector.shape_cast %parallel_loop3A_150 : vector<16xf32> to vector<16xf32>
          tpu.vector_store %arg8[%parallel_loop3A_476], %parallel_loop3A_479 {strides = array<i32>} : memref<51200xf32, #tpu.memory_space<vmem>>, vector<16xf32>,
          %parallel_loop3A_480 = arith.constant 16 : i32
          %parallel_loop3A_481 = arith.addi %parallel_loop3A_93, %parallel_loop3A_480 : i32
          %parallel_loop3A_482 = arith.index_cast %parallel_loop3A_481 : i32 to index
          %parallel_loop3A_483 = tpu.vector_load %arg8[%parallel_loop3A_482] {strides = array<i32>} : memref<51200xf32, #tpu.memory_space<vmem>>, vector<16xf32>,
          %parallel_loop3A_484 = vector.shape_cast %parallel_loop3A_483 : vector<16xf32> to vector<16xf32>
          %parallel_loop3A_485 = vector.shape_cast %parallel_loop3A_155 : vector<16xf32> to vector<16xf32>
          tpu.vector_store %arg8[%parallel_loop3A_482], %parallel_loop3A_485 {strides = array<i32>} : memref<51200xf32, #tpu.memory_space<vmem>>, vector<16xf32>,
          %parallel_loop3A_486 = arith.constant 32 : i32
          %parallel_loop3A_487 = arith.addi %parallel_loop3A_93, %parallel_loop3A_486 : i32
          %parallel_loop3A_488 = arith.index_cast %parallel_loop3A_487 : i32 to index
          %parallel_loop3A_489 = tpu.vector_load %arg8[%parallel_loop3A_488] {strides = array<i32>} : memref<51200xf32, #tpu.memory_space<vmem>>, vector<16xf32>,
          %parallel_loop3A_490 = vector.shape_cast %parallel_loop3A_489 : vector<16xf32> to vector<16xf32>
          %parallel_loop3A_491 = vector.shape_cast %parallel_loop3A_160 : vector<16xf32> to vector<16xf32>
          tpu.vector_store %arg8[%parallel_loop3A_488], %parallel_loop3A_491 {strides = array<i32>} : memref<51200xf32, #tpu.memory_space<vmem>>, vector<16xf32>,
          %parallel_loop3A_492 = arith.constant 48 : i32
          %parallel_loop3A_493 = arith.addi %parallel_loop3A_93, %parallel_loop3A_492 : i32
          %parallel_loop3A_494 = arith.index_cast %parallel_loop3A_493 : i32 to index
          %parallel_loop3A_495 = tpu.vector_load %arg8[%parallel_loop3A_494] {strides = array<i32>} : memref<51200xf32, #tpu.memory_space<vmem>>, vector<16xf32>,
          %parallel_loop3A_496 = vector.shape_cast %parallel_loop3A_495 : vector<16xf32> to vector<16xf32>
          %parallel_loop3A_497 = vector.shape_cast %parallel_loop3A_165 : vector<16xf32> to vector<16xf32>
          tpu.vector_store %arg8[%parallel_loop3A_494], %parallel_loop3A_497 {strides = array<i32>} : memref<51200xf32, #tpu.memory_space<vmem>>, vector<16xf32>,
          %parallel_loop3A_498 = arith.constant 64 : i32
          %parallel_loop3A_499 = arith.addi %parallel_loop3A_93, %parallel_loop3A_498 : i32
          %parallel_loop3A_500 = arith.index_cast %parallel_loop3A_499 : i32 to index
          %parallel_loop3A_501 = tpu.vector_load %arg8[%parallel_loop3A_500] {strides = array<i32>} : memref<51200xf32, #tpu.memory_space<vmem>>, vector<16xf32>,
          %parallel_loop3A_502 = vector.shape_cast %parallel_loop3A_501 : vector<16xf32> to vector<16xf32>
          %parallel_loop3A_503 = vector.shape_cast %parallel_loop3A_170 : vector<16xf32> to vector<16xf32>
          tpu.vector_store %arg8[%parallel_loop3A_500], %parallel_loop3A_503 {strides = array<i32>} : memref<51200xf32, #tpu.memory_space<vmem>>, vector<16xf32>,
          %parallel_loop3A_504 = arith.constant 80 : i32
          %parallel_loop3A_505 = arith.addi %parallel_loop3A_93, %parallel_loop3A_504 : i32
          %parallel_loop3A_506 = arith.index_cast %parallel_loop3A_505 : i32 to index
          %parallel_loop3A_507 = tpu.vector_load %arg8[%parallel_loop3A_506] {strides = array<i32>} : memref<51200xf32, #tpu.memory_space<vmem>>, vector<16xf32>,
          %parallel_loop3A_508 = vector.shape_cast %parallel_loop3A_507 : vector<16xf32> to vector<16xf32>
          %parallel_loop3A_509 = vector.shape_cast %parallel_loop3A_175 : vector<16xf32> to vector<16xf32>
          tpu.vector_store %arg8[%parallel_loop3A_506], %parallel_loop3A_509 {strides = array<i32>} : memref<51200xf32, #tpu.memory_space<vmem>>, vector<16xf32>,
          %parallel_loop3A_510 = arith.constant 96 : i32
          %parallel_loop3A_511 = arith.addi %parallel_loop3A_93, %parallel_loop3A_510 : i32
          %parallel_loop3A_512 = arith.index_cast %parallel_loop3A_511 : i32 to index
          %parallel_loop3A_513 = tpu.vector_load %arg8[%parallel_loop3A_512] {strides = array<i32>} : memref<51200xf32, #tpu.memory_space<vmem>>, vector<16xf32>,
          %parallel_loop3A_514 = vector.shape_cast %parallel_loop3A_513 : vector<16xf32> to vector<16xf32>
          %parallel_loop3A_515 = vector.shape_cast %parallel_loop3A_180 : vector<16xf32> to vector<16xf32>
          tpu.vector_store %arg8[%parallel_loop3A_512], %parallel_loop3A_515 {strides = array<i32>} : memref<51200xf32, #tpu.memory_space<vmem>>, vector<16xf32>,
          %parallel_loop3A_516 = arith.constant 112 : i32
          %parallel_loop3A_517 = arith.addi %parallel_loop3A_93, %parallel_loop3A_516 : i32
          %parallel_loop3A_518 = arith.index_cast %parallel_loop3A_517 : i32 to index
          %parallel_loop3A_519 = tpu.vector_load %arg8[%parallel_loop3A_518] {strides = array<i32>} : memref<51200xf32, #tpu.memory_space<vmem>>, vector<16xf32>,
          %parallel_loop3A_520 = vector.shape_cast %parallel_loop3A_519 : vector<16xf32> to vector<16xf32>
          %parallel_loop3A_521 = vector.shape_cast %parallel_loop3A_185 : vector<16xf32> to vector<16xf32>
          tpu.vector_store %arg8[%parallel_loop3A_518], %parallel_loop3A_521 {strides = array<i32>} : memref<51200xf32, #tpu.memory_space<vmem>>, vector<16xf32>,
          %parallel_loop3A_522 = arith.constant 0 : i32
          %parallel_loop3A_523 = arith.addi %parallel_loop3A_95, %parallel_loop3A_522 : i32
          %parallel_loop3A_524 = arith.index_cast %parallel_loop3A_523 : i32 to index
          %parallel_loop3A_525 = tpu.vector_load %arg8[%parallel_loop3A_524] {strides = array<i32>} : memref<51200xf32, #tpu.memory_space<vmem>>, vector<16xf32>,
          %parallel_loop3A_526 = vector.shape_cast %parallel_loop3A_525 : vector<16xf32> to vector<16xf32>
          %parallel_loop3A_527 = vector.shape_cast %parallel_loop3A_190 : vector<16xf32> to vector<16xf32>
          tpu.vector_store %arg8[%parallel_loop3A_524], %parallel_loop3A_527 {strides = array<i32>} : memref<51200xf32, #tpu.memory_space<vmem>>, vector<16xf32>,
          %parallel_loop3A_528 = arith.constant 16 : i32
          %parallel_loop3A_529 = arith.addi %parallel_loop3A_95, %parallel_loop3A_528 : i32
          %parallel_loop3A_530 = arith.index_cast %parallel_loop3A_529 : i32 to index
          %parallel_loop3A_531 = tpu.vector_load %arg8[%parallel_loop3A_530] {strides = array<i32>} : memref<51200xf32, #tpu.memory_space<vmem>>, vector<16xf32>,
          %parallel_loop3A_532 = vector.shape_cast %parallel_loop3A_531 : vector<16xf32> to vector<16xf32>
          %parallel_loop3A_533 = vector.shape_cast %parallel_loop3A_195 : vector<16xf32> to vector<16xf32>
          tpu.vector_store %arg8[%parallel_loop3A_530], %parallel_loop3A_533 {strides = array<i32>} : memref<51200xf32, #tpu.memory_space<vmem>>, vector<16xf32>,
          %parallel_loop3A_534 = arith.constant 32 : i32
          %parallel_loop3A_535 = arith.addi %parallel_loop3A_95, %parallel_loop3A_534 : i32
          %parallel_loop3A_536 = arith.index_cast %parallel_loop3A_535 : i32 to index
          %parallel_loop3A_537 = tpu.vector_load %arg8[%parallel_loop3A_536] {strides = array<i32>} : memref<51200xf32, #tpu.memory_space<vmem>>, vector<16xf32>,
          %parallel_loop3A_538 = vector.shape_cast %parallel_loop3A_537 : vector<16xf32> to vector<16xf32>
          %parallel_loop3A_539 = vector.shape_cast %parallel_loop3A_200 : vector<16xf32> to vector<16xf32>
          tpu.vector_store %arg8[%parallel_loop3A_536], %parallel_loop3A_539 {strides = array<i32>} : memref<51200xf32, #tpu.memory_space<vmem>>, vector<16xf32>,
          %parallel_loop3A_540 = arith.constant 48 : i32
          %parallel_loop3A_541 = arith.addi %parallel_loop3A_95, %parallel_loop3A_540 : i32
          %parallel_loop3A_542 = arith.index_cast %parallel_loop3A_541 : i32 to index
          %parallel_loop3A_543 = tpu.vector_load %arg8[%parallel_loop3A_542] {strides = array<i32>} : memref<51200xf32, #tpu.memory_space<vmem>>, vector<16xf32>,
          %parallel_loop3A_544 = vector.shape_cast %parallel_loop3A_543 : vector<16xf32> to vector<16xf32>
          %parallel_loop3A_545 = vector.shape_cast %parallel_loop3A_205 : vector<16xf32> to vector<16xf32>
          tpu.vector_store %arg8[%parallel_loop3A_542], %parallel_loop3A_545 {strides = array<i32>} : memref<51200xf32, #tpu.memory_space<vmem>>, vector<16xf32>,
          %parallel_loop3A_546 = arith.constant 64 : i32
          %parallel_loop3A_547 = arith.addi %parallel_loop3A_95, %parallel_loop3A_546 : i32
          %parallel_loop3A_548 = arith.index_cast %parallel_loop3A_547 : i32 to index
          %parallel_loop3A_549 = tpu.vector_load %arg8[%parallel_loop3A_548] {strides = array<i32>} : memref<51200xf32, #tpu.memory_space<vmem>>, vector<16xf32>,
          %parallel_loop3A_550 = vector.shape_cast %parallel_loop3A_549 : vector<16xf32> to vector<16xf32>
          %parallel_loop3A_551 = vector.shape_cast %parallel_loop3A_210 : vector<16xf32> to vector<16xf32>
          tpu.vector_store %arg8[%parallel_loop3A_548], %parallel_loop3A_551 {strides = array<i32>} : memref<51200xf32, #tpu.memory_space<vmem>>, vector<16xf32>,
          %parallel_loop3A_552 = arith.constant 80 : i32
          %parallel_loop3A_553 = arith.addi %parallel_loop3A_95, %parallel_loop3A_552 : i32
          %parallel_loop3A_554 = arith.index_cast %parallel_loop3A_553 : i32 to index
          %parallel_loop3A_555 = tpu.vector_load %arg8[%parallel_loop3A_554] {strides = array<i32>} : memref<51200xf32, #tpu.memory_space<vmem>>, vector<16xf32>,
          %parallel_loop3A_556 = vector.shape_cast %parallel_loop3A_555 : vector<16xf32> to vector<16xf32>
          %parallel_loop3A_557 = vector.shape_cast %parallel_loop3A_215 : vector<16xf32> to vector<16xf32>
          tpu.vector_store %arg8[%parallel_loop3A_554], %parallel_loop3A_557 {strides = array<i32>} : memref<51200xf32, #tpu.memory_space<vmem>>, vector<16xf32>,
          %parallel_loop3A_558 = arith.constant 96 : i32
          %parallel_loop3A_559 = arith.addi %parallel_loop3A_95, %parallel_loop3A_558 : i32
          %parallel_loop3A_560 = arith.index_cast %parallel_loop3A_559 : i32 to index
          %parallel_loop3A_561 = tpu.vector_load %arg8[%parallel_loop3A_560] {strides = array<i32>} : memref<51200xf32, #tpu.memory_space<vmem>>, vector<16xf32>,
          %parallel_loop3A_562 = vector.shape_cast %parallel_loop3A_561 : vector<16xf32> to vector<16xf32>
          %parallel_loop3A_563 = vector.shape_cast %parallel_loop3A_220 : vector<16xf32> to vector<16xf32>
          tpu.vector_store %arg8[%parallel_loop3A_560], %parallel_loop3A_563 {strides = array<i32>} : memref<51200xf32, #tpu.memory_space<vmem>>, vector<16xf32>,
          %parallel_loop3A_564 = arith.constant 112 : i32
          %parallel_loop3A_565 = arith.addi %parallel_loop3A_95, %parallel_loop3A_564 : i32
          %parallel_loop3A_566 = arith.index_cast %parallel_loop3A_565 : i32 to index
          %parallel_loop3A_567 = tpu.vector_load %arg8[%parallel_loop3A_566] {strides = array<i32>} : memref<51200xf32, #tpu.memory_space<vmem>>, vector<16xf32>,
          %parallel_loop3A_568 = vector.shape_cast %parallel_loop3A_567 : vector<16xf32> to vector<16xf32>
          %parallel_loop3A_569 = vector.shape_cast %parallel_loop3A_225 : vector<16xf32> to vector<16xf32>
          tpu.vector_store %arg8[%parallel_loop3A_566], %parallel_loop3A_569 {strides = array<i32>} : memref<51200xf32, #tpu.memory_space<vmem>>, vector<16xf32>,
          %parallel_loop3A_570 = arith.constant 0 : i32
          %parallel_loop3A_571 = arith.addi %parallel_loop3A_97, %parallel_loop3A_570 : i32
          %parallel_loop3A_572 = arith.index_cast %parallel_loop3A_571 : i32 to index
          %parallel_loop3A_573 = tpu.vector_load %arg8[%parallel_loop3A_572] {strides = array<i32>} : memref<51200xf32, #tpu.memory_space<vmem>>, vector<16xf32>,
          %parallel_loop3A_574 = vector.shape_cast %parallel_loop3A_573 : vector<16xf32> to vector<16xf32>
          %parallel_loop3A_575 = vector.shape_cast %parallel_loop3A_230 : vector<16xf32> to vector<16xf32>
          tpu.vector_store %arg8[%parallel_loop3A_572], %parallel_loop3A_575 {strides = array<i32>} : memref<51200xf32, #tpu.memory_space<vmem>>, vector<16xf32>,
          %parallel_loop3A_576 = arith.constant 16 : i32
          %parallel_loop3A_577 = arith.addi %parallel_loop3A_97, %parallel_loop3A_576 : i32
          %parallel_loop3A_578 = arith.index_cast %parallel_loop3A_577 : i32 to index
          %parallel_loop3A_579 = tpu.vector_load %arg8[%parallel_loop3A_578] {strides = array<i32>} : memref<51200xf32, #tpu.memory_space<vmem>>, vector<16xf32>,
          %parallel_loop3A_580 = vector.shape_cast %parallel_loop3A_579 : vector<16xf32> to vector<16xf32>
          %parallel_loop3A_581 = vector.shape_cast %parallel_loop3A_235 : vector<16xf32> to vector<16xf32>
          tpu.vector_store %arg8[%parallel_loop3A_578], %parallel_loop3A_581 {strides = array<i32>} : memref<51200xf32, #tpu.memory_space<vmem>>, vector<16xf32>,
          %parallel_loop3A_582 = arith.constant 32 : i32
          %parallel_loop3A_583 = arith.addi %parallel_loop3A_97, %parallel_loop3A_582 : i32
          %parallel_loop3A_584 = arith.index_cast %parallel_loop3A_583 : i32 to index
          %parallel_loop3A_585 = tpu.vector_load %arg8[%parallel_loop3A_584] {strides = array<i32>} : memref<51200xf32, #tpu.memory_space<vmem>>, vector<16xf32>,
          %parallel_loop3A_586 = vector.shape_cast %parallel_loop3A_585 : vector<16xf32> to vector<16xf32>
          %parallel_loop3A_587 = vector.shape_cast %parallel_loop3A_240 : vector<16xf32> to vector<16xf32>
          tpu.vector_store %arg8[%parallel_loop3A_584], %parallel_loop3A_587 {strides = array<i32>} : memref<51200xf32, #tpu.memory_space<vmem>>, vector<16xf32>,
          %parallel_loop3A_588 = arith.constant 48 : i32
          %parallel_loop3A_589 = arith.addi %parallel_loop3A_97, %parallel_loop3A_588 : i32
          %parallel_loop3A_590 = arith.index_cast %parallel_loop3A_589 : i32 to index
          %parallel_loop3A_591 = tpu.vector_load %arg8[%parallel_loop3A_590] {strides = array<i32>} : memref<51200xf32, #tpu.memory_space<vmem>>, vector<16xf32>,
          %parallel_loop3A_592 = vector.shape_cast %parallel_loop3A_591 : vector<16xf32> to vector<16xf32>
          %parallel_loop3A_593 = vector.shape_cast %parallel_loop3A_245 : vector<16xf32> to vector<16xf32>
          tpu.vector_store %arg8[%parallel_loop3A_590], %parallel_loop3A_593 {strides = array<i32>} : memref<51200xf32, #tpu.memory_space<vmem>>, vector<16xf32>,
          %parallel_loop3A_594 = arith.constant 64 : i32
          %parallel_loop3A_595 = arith.addi %parallel_loop3A_97, %parallel_loop3A_594 : i32
          %parallel_loop3A_596 = arith.index_cast %parallel_loop3A_595 : i32 to index
          %parallel_loop3A_597 = tpu.vector_load %arg8[%parallel_loop3A_596] {strides = array<i32>} : memref<51200xf32, #tpu.memory_space<vmem>>, vector<16xf32>,
          %parallel_loop3A_598 = vector.shape_cast %parallel_loop3A_597 : vector<16xf32> to vector<16xf32>
          %parallel_loop3A_599 = vector.shape_cast %parallel_loop3A_250 : vector<16xf32> to vector<16xf32>
          tpu.vector_store %arg8[%parallel_loop3A_596], %parallel_loop3A_599 {strides = array<i32>} : memref<51200xf32, #tpu.memory_space<vmem>>, vector<16xf32>,
          %parallel_loop3A_600 = arith.constant 80 : i32
          %parallel_loop3A_601 = arith.addi %parallel_loop3A_97, %parallel_loop3A_600 : i32
          %parallel_loop3A_602 = arith.index_cast %parallel_loop3A_601 : i32 to index
          %parallel_loop3A_603 = tpu.vector_load %arg8[%parallel_loop3A_602] {strides = array<i32>} : memref<51200xf32, #tpu.memory_space<vmem>>, vector<16xf32>,
          %parallel_loop3A_604 = vector.shape_cast %parallel_loop3A_603 : vector<16xf32> to vector<16xf32>
          %parallel_loop3A_605 = vector.shape_cast %parallel_loop3A_255 : vector<16xf32> to vector<16xf32>
          tpu.vector_store %arg8[%parallel_loop3A_602], %parallel_loop3A_605 {strides = array<i32>} : memref<51200xf32, #tpu.memory_space<vmem>>, vector<16xf32>,
          %parallel_loop3A_606 = arith.constant 96 : i32
          %parallel_loop3A_607 = arith.addi %parallel_loop3A_97, %parallel_loop3A_606 : i32
          %parallel_loop3A_608 = arith.index_cast %parallel_loop3A_607 : i32 to index
          %parallel_loop3A_609 = tpu.vector_load %arg8[%parallel_loop3A_608] {strides = array<i32>} : memref<51200xf32, #tpu.memory_space<vmem>>, vector<16xf32>,
          %parallel_loop3A_610 = vector.shape_cast %parallel_loop3A_609 : vector<16xf32> to vector<16xf32>
          %parallel_loop3A_611 = vector.shape_cast %parallel_loop3A_260 : vector<16xf32> to vector<16xf32>
          tpu.vector_store %arg8[%parallel_loop3A_608], %parallel_loop3A_611 {strides = array<i32>} : memref<51200xf32, #tpu.memory_space<vmem>>, vector<16xf32>,
          %parallel_loop3A_612 = arith.constant 112 : i32
          %parallel_loop3A_613 = arith.addi %parallel_loop3A_97, %parallel_loop3A_612 : i32
          %parallel_loop3A_614 = arith.index_cast %parallel_loop3A_613 : i32 to index
          %parallel_loop3A_615 = tpu.vector_load %arg8[%parallel_loop3A_614] {strides = array<i32>} : memref<51200xf32, #tpu.memory_space<vmem>>, vector<16xf32>,
          %parallel_loop3A_616 = vector.shape_cast %parallel_loop3A_615 : vector<16xf32> to vector<16xf32>
          %parallel_loop3A_617 = vector.shape_cast %parallel_loop3A_265 : vector<16xf32> to vector<16xf32>
          tpu.vector_store %arg8[%parallel_loop3A_614], %parallel_loop3A_617 {strides = array<i32>} : memref<51200xf32, #tpu.memory_space<vmem>>, vector<16xf32>,
          %parallel_loop3A_618 = arith.constant 0 : i32
          %parallel_loop3A_619 = arith.addi %parallel_loop3A_99, %parallel_loop3A_618 : i32
          %parallel_loop3A_620 = arith.index_cast %parallel_loop3A_619 : i32 to index
          %parallel_loop3A_621 = tpu.vector_load %arg8[%parallel_loop3A_620] {strides = array<i32>} : memref<51200xf32, #tpu.memory_space<vmem>>, vector<16xf32>,
          %parallel_loop3A_622 = vector.shape_cast %parallel_loop3A_621 : vector<16xf32> to vector<16xf32>
          %parallel_loop3A_623 = vector.shape_cast %parallel_loop3A_270 : vector<16xf32> to vector<16xf32>
          tpu.vector_store %arg8[%parallel_loop3A_620], %parallel_loop3A_623 {strides = array<i32>} : memref<51200xf32, #tpu.memory_space<vmem>>, vector<16xf32>,
          %parallel_loop3A_624 = arith.constant 16 : i32
          %parallel_loop3A_625 = arith.addi %parallel_loop3A_99, %parallel_loop3A_624 : i32
          %parallel_loop3A_626 = arith.index_cast %parallel_loop3A_625 : i32 to index
          %parallel_loop3A_627 = tpu.vector_load %arg8[%parallel_loop3A_626] {strides = array<i32>} : memref<51200xf32, #tpu.memory_space<vmem>>, vector<16xf32>,
          %parallel_loop3A_628 = vector.shape_cast %parallel_loop3A_627 : vector<16xf32> to vector<16xf32>
          %parallel_loop3A_629 = vector.shape_cast %parallel_loop3A_275 : vector<16xf32> to vector<16xf32>
          tpu.vector_store %arg8[%parallel_loop3A_626], %parallel_loop3A_629 {strides = array<i32>} : memref<51200xf32, #tpu.memory_space<vmem>>, vector<16xf32>,
          %parallel_loop3A_630 = arith.constant 32 : i32
          %parallel_loop3A_631 = arith.addi %parallel_loop3A_99, %parallel_loop3A_630 : i32
          %parallel_loop3A_632 = arith.index_cast %parallel_loop3A_631 : i32 to index
          %parallel_loop3A_633 = tpu.vector_load %arg8[%parallel_loop3A_632] {strides = array<i32>} : memref<51200xf32, #tpu.memory_space<vmem>>, vector<16xf32>,
          %parallel_loop3A_634 = vector.shape_cast %parallel_loop3A_633 : vector<16xf32> to vector<16xf32>
          %parallel_loop3A_635 = vector.shape_cast %parallel_loop3A_280 : vector<16xf32> to vector<16xf32>
          tpu.vector_store %arg8[%parallel_loop3A_632], %parallel_loop3A_635 {strides = array<i32>} : memref<51200xf32, #tpu.memory_space<vmem>>, vector<16xf32>,
          %parallel_loop3A_636 = arith.constant 48 : i32
          %parallel_loop3A_637 = arith.addi %parallel_loop3A_99, %parallel_loop3A_636 : i32
          %parallel_loop3A_638 = arith.index_cast %parallel_loop3A_637 : i32 to index
          %parallel_loop3A_639 = tpu.vector_load %arg8[%parallel_loop3A_638] {strides = array<i32>} : memref<51200xf32, #tpu.memory_space<vmem>>, vector<16xf32>,
          %parallel_loop3A_640 = vector.shape_cast %parallel_loop3A_639 : vector<16xf32> to vector<16xf32>
          %parallel_loop3A_641 = vector.shape_cast %parallel_loop3A_285 : vector<16xf32> to vector<16xf32>
          tpu.vector_store %arg8[%parallel_loop3A_638], %parallel_loop3A_641 {strides = array<i32>} : memref<51200xf32, #tpu.memory_space<vmem>>, vector<16xf32>,
          %parallel_loop3A_642 = arith.constant 64 : i32
          %parallel_loop3A_643 = arith.addi %parallel_loop3A_99, %parallel_loop3A_642 : i32
          %parallel_loop3A_644 = arith.index_cast %parallel_loop3A_643 : i32 to index
          %parallel_loop3A_645 = tpu.vector_load %arg8[%parallel_loop3A_644] {strides = array<i32>} : memref<51200xf32, #tpu.memory_space<vmem>>, vector<16xf32>,
          %parallel_loop3A_646 = vector.shape_cast %parallel_loop3A_645 : vector<16xf32> to vector<16xf32>
          %parallel_loop3A_647 = vector.shape_cast %parallel_loop3A_290 : vector<16xf32> to vector<16xf32>
          tpu.vector_store %arg8[%parallel_loop3A_644], %parallel_loop3A_647 {strides = array<i32>} : memref<51200xf32, #tpu.memory_space<vmem>>, vector<16xf32>,
          %parallel_loop3A_648 = arith.constant 80 : i32
          %parallel_loop3A_649 = arith.addi %parallel_loop3A_99, %parallel_loop3A_648 : i32
          %parallel_loop3A_650 = arith.index_cast %parallel_loop3A_649 : i32 to index
          %parallel_loop3A_651 = tpu.vector_load %arg8[%parallel_loop3A_650] {strides = array<i32>} : memref<51200xf32, #tpu.memory_space<vmem>>, vector<16xf32>,
          %parallel_loop3A_652 = vector.shape_cast %parallel_loop3A_651 : vector<16xf32> to vector<16xf32>
          %parallel_loop3A_653 = vector.shape_cast %parallel_loop3A_295 : vector<16xf32> to vector<16xf32>
          tpu.vector_store %arg8[%parallel_loop3A_650], %parallel_loop3A_653 {strides = array<i32>} : memref<51200xf32, #tpu.memory_space<vmem>>, vector<16xf32>,
          %parallel_loop3A_654 = arith.constant 96 : i32
          %parallel_loop3A_655 = arith.addi %parallel_loop3A_99, %parallel_loop3A_654 : i32
          %parallel_loop3A_656 = arith.index_cast %parallel_loop3A_655 : i32 to index
          %parallel_loop3A_657 = tpu.vector_load %arg8[%parallel_loop3A_656] {strides = array<i32>} : memref<51200xf32, #tpu.memory_space<vmem>>, vector<16xf32>,
          %parallel_loop3A_658 = vector.shape_cast %parallel_loop3A_657 : vector<16xf32> to vector<16xf32>
          %parallel_loop3A_659 = vector.shape_cast %parallel_loop3A_300 : vector<16xf32> to vector<16xf32>
          tpu.vector_store %arg8[%parallel_loop3A_656], %parallel_loop3A_659 {strides = array<i32>} : memref<51200xf32, #tpu.memory_space<vmem>>, vector<16xf32>,
          %parallel_loop3A_660 = arith.constant 112 : i32
          %parallel_loop3A_661 = arith.addi %parallel_loop3A_99, %parallel_loop3A_660 : i32
          %parallel_loop3A_662 = arith.index_cast %parallel_loop3A_661 : i32 to index
          %parallel_loop3A_663 = tpu.vector_load %arg8[%parallel_loop3A_662] {strides = array<i32>} : memref<51200xf32, #tpu.memory_space<vmem>>, vector<16xf32>,
          %parallel_loop3A_664 = vector.shape_cast %parallel_loop3A_663 : vector<16xf32> to vector<16xf32>
          %parallel_loop3A_665 = vector.shape_cast %parallel_loop3A_305 : vector<16xf32> to vector<16xf32>
          tpu.vector_store %arg8[%parallel_loop3A_662], %parallel_loop3A_665 {strides = array<i32>} : memref<51200xf32, #tpu.memory_space<vmem>>, vector<16xf32>,
          %parallel_loop3A_666 = arith.constant 0 : i32
          %parallel_loop3A_667 = arith.addi %parallel_loop3A_101, %parallel_loop3A_666 : i32
          %parallel_loop3A_668 = arith.index_cast %parallel_loop3A_667 : i32 to index
          %parallel_loop3A_669 = tpu.vector_load %arg8[%parallel_loop3A_668] {strides = array<i32>} : memref<51200xf32, #tpu.memory_space<vmem>>, vector<16xf32>,
          %parallel_loop3A_670 = vector.shape_cast %parallel_loop3A_669 : vector<16xf32> to vector<16xf32>
          %parallel_loop3A_671 = vector.shape_cast %parallel_loop3A_310 : vector<16xf32> to vector<16xf32>
          tpu.vector_store %arg8[%parallel_loop3A_668], %parallel_loop3A_671 {strides = array<i32>} : memref<51200xf32, #tpu.memory_space<vmem>>, vector<16xf32>,
          %parallel_loop3A_672 = arith.constant 16 : i32
          %parallel_loop3A_673 = arith.addi %parallel_loop3A_101, %parallel_loop3A_672 : i32
          %parallel_loop3A_674 = arith.index_cast %parallel_loop3A_673 : i32 to index
          %parallel_loop3A_675 = tpu.vector_load %arg8[%parallel_loop3A_674] {strides = array<i32>} : memref<51200xf32, #tpu.memory_space<vmem>>, vector<16xf32>,
          %parallel_loop3A_676 = vector.shape_cast %parallel_loop3A_675 : vector<16xf32> to vector<16xf32>
          %parallel_loop3A_677 = vector.shape_cast %parallel_loop3A_315 : vector<16xf32> to vector<16xf32>
          tpu.vector_store %arg8[%parallel_loop3A_674], %parallel_loop3A_677 {strides = array<i32>} : memref<51200xf32, #tpu.memory_space<vmem>>, vector<16xf32>,
          %parallel_loop3A_678 = arith.constant 32 : i32
          %parallel_loop3A_679 = arith.addi %parallel_loop3A_101, %parallel_loop3A_678 : i32
          %parallel_loop3A_680 = arith.index_cast %parallel_loop3A_679 : i32 to index
          %parallel_loop3A_681 = tpu.vector_load %arg8[%parallel_loop3A_680] {strides = array<i32>} : memref<51200xf32, #tpu.memory_space<vmem>>, vector<16xf32>,
          %parallel_loop3A_682 = vector.shape_cast %parallel_loop3A_681 : vector<16xf32> to vector<16xf32>
          %parallel_loop3A_683 = vector.shape_cast %parallel_loop3A_320 : vector<16xf32> to vector<16xf32>
          tpu.vector_store %arg8[%parallel_loop3A_680], %parallel_loop3A_683 {strides = array<i32>} : memref<51200xf32, #tpu.memory_space<vmem>>, vector<16xf32>,
          %parallel_loop3A_684 = arith.constant 48 : i32
          %parallel_loop3A_685 = arith.addi %parallel_loop3A_101, %parallel_loop3A_684 : i32
          %parallel_loop3A_686 = arith.index_cast %parallel_loop3A_685 : i32 to index
          %parallel_loop3A_687 = tpu.vector_load %arg8[%parallel_loop3A_686] {strides = array<i32>} : memref<51200xf32, #tpu.memory_space<vmem>>, vector<16xf32>,
          %parallel_loop3A_688 = vector.shape_cast %parallel_loop3A_687 : vector<16xf32> to vector<16xf32>
          %parallel_loop3A_689 = vector.shape_cast %parallel_loop3A_325 : vector<16xf32> to vector<16xf32>
          tpu.vector_store %arg8[%parallel_loop3A_686], %parallel_loop3A_689 {strides = array<i32>} : memref<51200xf32, #tpu.memory_space<vmem>>, vector<16xf32>,
          %parallel_loop3A_690 = arith.constant 64 : i32
          %parallel_loop3A_691 = arith.addi %parallel_loop3A_101, %parallel_loop3A_690 : i32
          %parallel_loop3A_692 = arith.index_cast %parallel_loop3A_691 : i32 to index
          %parallel_loop3A_693 = tpu.vector_load %arg8[%parallel_loop3A_692] {strides = array<i32>} : memref<51200xf32, #tpu.memory_space<vmem>>, vector<16xf32>,
          %parallel_loop3A_694 = vector.shape_cast %parallel_loop3A_693 : vector<16xf32> to vector<16xf32>
          %parallel_loop3A_695 = vector.shape_cast %parallel_loop3A_330 : vector<16xf32> to vector<16xf32>
          tpu.vector_store %arg8[%parallel_loop3A_692], %parallel_loop3A_695 {strides = array<i32>} : memref<51200xf32, #tpu.memory_space<vmem>>, vector<16xf32>,
          %parallel_loop3A_696 = arith.constant 80 : i32
          %parallel_loop3A_697 = arith.addi %parallel_loop3A_101, %parallel_loop3A_696 : i32
          %parallel_loop3A_698 = arith.index_cast %parallel_loop3A_697 : i32 to index
          %parallel_loop3A_699 = tpu.vector_load %arg8[%parallel_loop3A_698] {strides = array<i32>} : memref<51200xf32, #tpu.memory_space<vmem>>, vector<16xf32>,
          %parallel_loop3A_700 = vector.shape_cast %parallel_loop3A_699 : vector<16xf32> to vector<16xf32>
          %parallel_loop3A_701 = vector.shape_cast %parallel_loop3A_335 : vector<16xf32> to vector<16xf32>
          tpu.vector_store %arg8[%parallel_loop3A_698], %parallel_loop3A_701 {strides = array<i32>} : memref<51200xf32, #tpu.memory_space<vmem>>, vector<16xf32>,
          %parallel_loop3A_702 = arith.constant 96 : i32
          %parallel_loop3A_703 = arith.addi %parallel_loop3A_101, %parallel_loop3A_702 : i32
          %parallel_loop3A_704 = arith.index_cast %parallel_loop3A_703 : i32 to index
          %parallel_loop3A_705 = tpu.vector_load %arg8[%parallel_loop3A_704] {strides = array<i32>} : memref<51200xf32, #tpu.memory_space<vmem>>, vector<16xf32>,
          %parallel_loop3A_706 = vector.shape_cast %parallel_loop3A_705 : vector<16xf32> to vector<16xf32>
          %parallel_loop3A_707 = vector.shape_cast %parallel_loop3A_340 : vector<16xf32> to vector<16xf32>
          tpu.vector_store %arg8[%parallel_loop3A_704], %parallel_loop3A_707 {strides = array<i32>} : memref<51200xf32, #tpu.memory_space<vmem>>, vector<16xf32>,
          %parallel_loop3A_708 = arith.constant 112 : i32
          %parallel_loop3A_709 = arith.addi %parallel_loop3A_101, %parallel_loop3A_708 : i32
          %parallel_loop3A_710 = arith.index_cast %parallel_loop3A_709 : i32 to index
          %parallel_loop3A_711 = tpu.vector_load %arg8[%parallel_loop3A_710] {strides = array<i32>} : memref<51200xf32, #tpu.memory_space<vmem>>, vector<16xf32>,
          %parallel_loop3A_712 = vector.shape_cast %parallel_loop3A_711 : vector<16xf32> to vector<16xf32>
          %parallel_loop3A_713 = vector.shape_cast %parallel_loop3A_345 : vector<16xf32> to vector<16xf32>
          tpu.vector_store %arg8[%parallel_loop3A_710], %parallel_loop3A_713 {strides = array<i32>} : memref<51200xf32, #tpu.memory_space<vmem>>, vector<16xf32>,
          %parallel_loop3A_714 = arith.constant 0 : i32
          %parallel_loop3A_715 = arith.addi %parallel_loop3A_103, %parallel_loop3A_714 : i32
          %parallel_loop3A_716 = arith.index_cast %parallel_loop3A_715 : i32 to index
          %parallel_loop3A_717 = tpu.vector_load %arg8[%parallel_loop3A_716] {strides = array<i32>} : memref<51200xf32, #tpu.memory_space<vmem>>, vector<16xf32>,
          %parallel_loop3A_718 = vector.shape_cast %parallel_loop3A_717 : vector<16xf32> to vector<16xf32>
          %parallel_loop3A_719 = vector.shape_cast %parallel_loop3A_350 : vector<16xf32> to vector<16xf32>
          tpu.vector_store %arg8[%parallel_loop3A_716], %parallel_loop3A_719 {strides = array<i32>} : memref<51200xf32, #tpu.memory_space<vmem>>, vector<16xf32>,
          %parallel_loop3A_720 = arith.constant 16 : i32
          %parallel_loop3A_721 = arith.addi %parallel_loop3A_103, %parallel_loop3A_720 : i32
          %parallel_loop3A_722 = arith.index_cast %parallel_loop3A_721 : i32 to index
          %parallel_loop3A_723 = tpu.vector_load %arg8[%parallel_loop3A_722] {strides = array<i32>} : memref<51200xf32, #tpu.memory_space<vmem>>, vector<16xf32>,
          %parallel_loop3A_724 = vector.shape_cast %parallel_loop3A_723 : vector<16xf32> to vector<16xf32>
          %parallel_loop3A_725 = vector.shape_cast %parallel_loop3A_355 : vector<16xf32> to vector<16xf32>
          tpu.vector_store %arg8[%parallel_loop3A_722], %parallel_loop3A_725 {strides = array<i32>} : memref<51200xf32, #tpu.memory_space<vmem>>, vector<16xf32>,
          %parallel_loop3A_726 = arith.constant 32 : i32
          %parallel_loop3A_727 = arith.addi %parallel_loop3A_103, %parallel_loop3A_726 : i32
          %parallel_loop3A_728 = arith.index_cast %parallel_loop3A_727 : i32 to index
          %parallel_loop3A_729 = tpu.vector_load %arg8[%parallel_loop3A_728] {strides = array<i32>} : memref<51200xf32, #tpu.memory_space<vmem>>, vector<16xf32>,
          %parallel_loop3A_730 = vector.shape_cast %parallel_loop3A_729 : vector<16xf32> to vector<16xf32>
          %parallel_loop3A_731 = vector.shape_cast %parallel_loop3A_360 : vector<16xf32> to vector<16xf32>
          tpu.vector_store %arg8[%parallel_loop3A_728], %parallel_loop3A_731 {strides = array<i32>} : memref<51200xf32, #tpu.memory_space<vmem>>, vector<16xf32>,
          %parallel_loop3A_732 = arith.constant 48 : i32
          %parallel_loop3A_733 = arith.addi %parallel_loop3A_103, %parallel_loop3A_732 : i32
          %parallel_loop3A_734 = arith.index_cast %parallel_loop3A_733 : i32 to index
          %parallel_loop3A_735 = tpu.vector_load %arg8[%parallel_loop3A_734] {strides = array<i32>} : memref<51200xf32, #tpu.memory_space<vmem>>, vector<16xf32>,
          %parallel_loop3A_736 = vector.shape_cast %parallel_loop3A_735 : vector<16xf32> to vector<16xf32>
          %parallel_loop3A_737 = vector.shape_cast %parallel_loop3A_365 : vector<16xf32> to vector<16xf32>
          tpu.vector_store %arg8[%parallel_loop3A_734], %parallel_loop3A_737 {strides = array<i32>} : memref<51200xf32, #tpu.memory_space<vmem>>, vector<16xf32>,
          %parallel_loop3A_738 = arith.constant 64 : i32
          %parallel_loop3A_739 = arith.addi %parallel_loop3A_103, %parallel_loop3A_738 : i32
          %parallel_loop3A_740 = arith.index_cast %parallel_loop3A_739 : i32 to index
          %parallel_loop3A_741 = tpu.vector_load %arg8[%parallel_loop3A_740] {strides = array<i32>} : memref<51200xf32, #tpu.memory_space<vmem>>, vector<16xf32>,
          %parallel_loop3A_742 = vector.shape_cast %parallel_loop3A_741 : vector<16xf32> to vector<16xf32>
          %parallel_loop3A_743 = vector.shape_cast %parallel_loop3A_370 : vector<16xf32> to vector<16xf32>
          tpu.vector_store %arg8[%parallel_loop3A_740], %parallel_loop3A_743 {strides = array<i32>} : memref<51200xf32, #tpu.memory_space<vmem>>, vector<16xf32>,
          %parallel_loop3A_744 = arith.constant 80 : i32
          %parallel_loop3A_745 = arith.addi %parallel_loop3A_103, %parallel_loop3A_744 : i32
          %parallel_loop3A_746 = arith.index_cast %parallel_loop3A_745 : i32 to index
          %parallel_loop3A_747 = tpu.vector_load %arg8[%parallel_loop3A_746] {strides = array<i32>} : memref<51200xf32, #tpu.memory_space<vmem>>, vector<16xf32>,
          %parallel_loop3A_748 = vector.shape_cast %parallel_loop3A_747 : vector<16xf32> to vector<16xf32>
          %parallel_loop3A_749 = vector.shape_cast %parallel_loop3A_375 : vector<16xf32> to vector<16xf32>
          tpu.vector_store %arg8[%parallel_loop3A_746], %parallel_loop3A_749 {strides = array<i32>} : memref<51200xf32, #tpu.memory_space<vmem>>, vector<16xf32>,
          %parallel_loop3A_750 = arith.constant 96 : i32
          %parallel_loop3A_751 = arith.addi %parallel_loop3A_103, %parallel_loop3A_750 : i32
          %parallel_loop3A_752 = arith.index_cast %parallel_loop3A_751 : i32 to index
          %parallel_loop3A_753 = tpu.vector_load %arg8[%parallel_loop3A_752] {strides = array<i32>} : memref<51200xf32, #tpu.memory_space<vmem>>, vector<16xf32>,
          %parallel_loop3A_754 = vector.shape_cast %parallel_loop3A_753 : vector<16xf32> to vector<16xf32>
          %parallel_loop3A_755 = vector.shape_cast %parallel_loop3A_380 : vector<16xf32> to vector<16xf32>
          tpu.vector_store %arg8[%parallel_loop3A_752], %parallel_loop3A_755 {strides = array<i32>} : memref<51200xf32, #tpu.memory_space<vmem>>, vector<16xf32>,
          %parallel_loop3A_756 = arith.constant 112 : i32
          %parallel_loop3A_757 = arith.addi %parallel_loop3A_103, %parallel_loop3A_756 : i32
          %parallel_loop3A_758 = arith.index_cast %parallel_loop3A_757 : i32 to index
          %parallel_loop3A_759 = tpu.vector_load %arg8[%parallel_loop3A_758] {strides = array<i32>} : memref<51200xf32, #tpu.memory_space<vmem>>, vector<16xf32>,
          %parallel_loop3A_760 = vector.shape_cast %parallel_loop3A_759 : vector<16xf32> to vector<16xf32>
          %parallel_loop3A_761 = vector.shape_cast %parallel_loop3A_385 : vector<16xf32> to vector<16xf32>
          tpu.vector_store %arg8[%parallel_loop3A_758], %parallel_loop3A_761 {strides = array<i32>} : memref<51200xf32, #tpu.memory_space<vmem>>, vector<16xf32>,
          %parallel_loop3A_762 = arith.constant 0 : i32
          %parallel_loop3A_763 = arith.addi %parallel_loop3A_105, %parallel_loop3A_762 : i32
          %parallel_loop3A_764 = arith.index_cast %parallel_loop3A_763 : i32 to index
          %parallel_loop3A_765 = tpu.vector_load %arg8[%parallel_loop3A_764] {strides = array<i32>} : memref<51200xf32, #tpu.memory_space<vmem>>, vector<16xf32>,
          %parallel_loop3A_766 = vector.shape_cast %parallel_loop3A_765 : vector<16xf32> to vector<16xf32>
          %parallel_loop3A_767 = vector.shape_cast %parallel_loop3A_390 : vector<16xf32> to vector<16xf32>
          tpu.vector_store %arg8[%parallel_loop3A_764], %parallel_loop3A_767 {strides = array<i32>} : memref<51200xf32, #tpu.memory_space<vmem>>, vector<16xf32>,
          %parallel_loop3A_768 = arith.constant 16 : i32
          %parallel_loop3A_769 = arith.addi %parallel_loop3A_105, %parallel_loop3A_768 : i32
          %parallel_loop3A_770 = arith.index_cast %parallel_loop3A_769 : i32 to index
          %parallel_loop3A_771 = tpu.vector_load %arg8[%parallel_loop3A_770] {strides = array<i32>} : memref<51200xf32, #tpu.memory_space<vmem>>, vector<16xf32>,
          %parallel_loop3A_772 = vector.shape_cast %parallel_loop3A_771 : vector<16xf32> to vector<16xf32>
          %parallel_loop3A_773 = vector.shape_cast %parallel_loop3A_395 : vector<16xf32> to vector<16xf32>
          tpu.vector_store %arg8[%parallel_loop3A_770], %parallel_loop3A_773 {strides = array<i32>} : memref<51200xf32, #tpu.memory_space<vmem>>, vector<16xf32>,
          %parallel_loop3A_774 = arith.constant 32 : i32
          %parallel_loop3A_775 = arith.addi %parallel_loop3A_105, %parallel_loop3A_774 : i32
          %parallel_loop3A_776 = arith.index_cast %parallel_loop3A_775 : i32 to index
          %parallel_loop3A_777 = tpu.vector_load %arg8[%parallel_loop3A_776] {strides = array<i32>} : memref<51200xf32, #tpu.memory_space<vmem>>, vector<16xf32>,
          %parallel_loop3A_778 = vector.shape_cast %parallel_loop3A_777 : vector<16xf32> to vector<16xf32>
          %parallel_loop3A_779 = vector.shape_cast %parallel_loop3A_400 : vector<16xf32> to vector<16xf32>
          tpu.vector_store %arg8[%parallel_loop3A_776], %parallel_loop3A_779 {strides = array<i32>} : memref<51200xf32, #tpu.memory_space<vmem>>, vector<16xf32>,
          %parallel_loop3A_780 = arith.constant 48 : i32
          %parallel_loop3A_781 = arith.addi %parallel_loop3A_105, %parallel_loop3A_780 : i32
          %parallel_loop3A_782 = arith.index_cast %parallel_loop3A_781 : i32 to index
          %parallel_loop3A_783 = tpu.vector_load %arg8[%parallel_loop3A_782] {strides = array<i32>} : memref<51200xf32, #tpu.memory_space<vmem>>, vector<16xf32>,
          %parallel_loop3A_784 = vector.shape_cast %parallel_loop3A_783 : vector<16xf32> to vector<16xf32>
          %parallel_loop3A_785 = vector.shape_cast %parallel_loop3A_405 : vector<16xf32> to vector<16xf32>
          tpu.vector_store %arg8[%parallel_loop3A_782], %parallel_loop3A_785 {strides = array<i32>} : memref<51200xf32, #tpu.memory_space<vmem>>, vector<16xf32>,
          %parallel_loop3A_786 = arith.constant 64 : i32
          %parallel_loop3A_787 = arith.addi %parallel_loop3A_105, %parallel_loop3A_786 : i32
          %parallel_loop3A_788 = arith.index_cast %parallel_loop3A_787 : i32 to index
          %parallel_loop3A_789 = tpu.vector_load %arg8[%parallel_loop3A_788] {strides = array<i32>} : memref<51200xf32, #tpu.memory_space<vmem>>, vector<16xf32>,
          %parallel_loop3A_790 = vector.shape_cast %parallel_loop3A_789 : vector<16xf32> to vector<16xf32>
          %parallel_loop3A_791 = vector.shape_cast %parallel_loop3A_410 : vector<16xf32> to vector<16xf32>
          tpu.vector_store %arg8[%parallel_loop3A_788], %parallel_loop3A_791 {strides = array<i32>} : memref<51200xf32, #tpu.memory_space<vmem>>, vector<16xf32>,
          %parallel_loop3A_792 = arith.constant 80 : i32
          %parallel_loop3A_793 = arith.addi %parallel_loop3A_105, %parallel_loop3A_792 : i32
          %parallel_loop3A_794 = arith.index_cast %parallel_loop3A_793 : i32 to index
          %parallel_loop3A_795 = tpu.vector_load %arg8[%parallel_loop3A_794] {strides = array<i32>} : memref<51200xf32, #tpu.memory_space<vmem>>, vector<16xf32>,
          %parallel_loop3A_796 = vector.shape_cast %parallel_loop3A_795 : vector<16xf32> to vector<16xf32>
          %parallel_loop3A_797 = vector.shape_cast %parallel_loop3A_415 : vector<16xf32> to vector<16xf32>
          tpu.vector_store %arg8[%parallel_loop3A_794], %parallel_loop3A_797 {strides = array<i32>} : memref<51200xf32, #tpu.memory_space<vmem>>, vector<16xf32>,
          %parallel_loop3A_798 = arith.constant 96 : i32
          %parallel_loop3A_799 = arith.addi %parallel_loop3A_105, %parallel_loop3A_798 : i32
          %parallel_loop3A_800 = arith.index_cast %parallel_loop3A_799 : i32 to index
          %parallel_loop3A_801 = tpu.vector_load %arg8[%parallel_loop3A_800] {strides = array<i32>} : memref<51200xf32, #tpu.memory_space<vmem>>, vector<16xf32>,
          %parallel_loop3A_802 = vector.shape_cast %parallel_loop3A_801 : vector<16xf32> to vector<16xf32>
          %parallel_loop3A_803 = vector.shape_cast %parallel_loop3A_420 : vector<16xf32> to vector<16xf32>
          tpu.vector_store %arg8[%parallel_loop3A_800], %parallel_loop3A_803 {strides = array<i32>} : memref<51200xf32, #tpu.memory_space<vmem>>, vector<16xf32>,
          %parallel_loop3A_804 = arith.constant 112 : i32
          %parallel_loop3A_805 = arith.addi %parallel_loop3A_105, %parallel_loop3A_804 : i32
          %parallel_loop3A_806 = arith.index_cast %parallel_loop3A_805 : i32 to index
          %parallel_loop3A_807 = tpu.vector_load %arg8[%parallel_loop3A_806] {strides = array<i32>} : memref<51200xf32, #tpu.memory_space<vmem>>, vector<16xf32>,
          %parallel_loop3A_808 = vector.shape_cast %parallel_loop3A_807 : vector<16xf32> to vector<16xf32>
          %parallel_loop3A_809 = vector.shape_cast %parallel_loop3A_425 : vector<16xf32> to vector<16xf32>
          tpu.vector_store %arg8[%parallel_loop3A_806], %parallel_loop3A_809 {strides = array<i32>} : memref<51200xf32, #tpu.memory_space<vmem>>, vector<16xf32>,
          %parallel_loop3A_810 = arith.constant 1024 : i32
          %parallel_loop3A_811 = arith.addi %parallel_loop3A_57, %parallel_loop3A_810 : i32
          %parallel_loop3A_812 = arith.constant 1152 : i32
          %parallel_loop3A_813 = arith.addi %parallel_loop3A_57, %parallel_loop3A_812 : i32
          %parallel_loop3A_814 = arith.constant 1280 : i32
          %parallel_loop3A_815 = arith.addi %parallel_loop3A_57, %parallel_loop3A_814 : i32
          %parallel_loop3A_816 = arith.constant 1408 : i32
          %parallel_loop3A_817 = arith.addi %parallel_loop3A_57, %parallel_loop3A_816 : i32
          %parallel_loop3A_818 = arith.constant 1536 : i32
          %parallel_loop3A_819 = arith.addi %parallel_loop3A_57, %parallel_loop3A_818 : i32
          %parallel_loop3A_820 = arith.constant 1664 : i32
          %parallel_loop3A_821 = arith.addi %parallel_loop3A_57, %parallel_loop3A_820 : i32
          %parallel_loop3A_822 = arith.constant 1792 : i32
          %parallel_loop3A_823 = arith.addi %parallel_loop3A_57, %parallel_loop3A_822 : i32
          %parallel_loop3A_824 = arith.constant 1920 : i32
          %parallel_loop3A_825 = arith.addi %parallel_loop3A_57, %parallel_loop3A_824 : i32
          %parallel_loop3A_826 = arith.constant 0 : i32
          %parallel_loop3A_827 = arith.addi %parallel_loop3A_75, %parallel_loop3A_826 : i32
          %parallel_loop3A_828 = arith.index_cast %parallel_loop3A_827 : i32 to index
          %parallel_loop3A_829 = tpu.vector_load %arg5[%parallel_loop3A_828] {strides = array<i32>} : memref<8192xf32, #tpu.memory_space<vmem>>, vector<16xf32>,
          %parallel_loop3A_830 = vector.shape_cast %parallel_loop3A_829 : vector<16xf32> to vector<16xf32>
          %parallel_loop3A_831 = arith.constant 16 : i32
          %parallel_loop3A_832 = arith.addi %parallel_loop3A_75, %parallel_loop3A_831 : i32
          %parallel_loop3A_833 = arith.index_cast %parallel_loop3A_832 : i32 to index
          %parallel_loop3A_834 = tpu.vector_load %arg5[%parallel_loop3A_833] {strides = array<i32>} : memref<8192xf32, #tpu.memory_space<vmem>>, vector<16xf32>,
          %parallel_loop3A_835 = vector.shape_cast %parallel_loop3A_834 : vector<16xf32> to vector<16xf32>
          %parallel_loop3A_836 = arith.constant 32 : i32
          %parallel_loop3A_837 = arith.addi %parallel_loop3A_75, %parallel_loop3A_836 : i32
          %parallel_loop3A_838 = arith.index_cast %parallel_loop3A_837 : i32 to index
          %parallel_loop3A_839 = tpu.vector_load %arg5[%parallel_loop3A_838] {strides = array<i32>} : memref<8192xf32, #tpu.memory_space<vmem>>, vector<16xf32>,
          %parallel_loop3A_840 = vector.shape_cast %parallel_loop3A_839 : vector<16xf32> to vector<16xf32>
          %parallel_loop3A_841 = arith.constant 48 : i32
          %parallel_loop3A_842 = arith.addi %parallel_loop3A_75, %parallel_loop3A_841 : i32
          %parallel_loop3A_843 = arith.index_cast %parallel_loop3A_842 : i32 to index
          %parallel_loop3A_844 = tpu.vector_load %arg5[%parallel_loop3A_843] {strides = array<i32>} : memref<8192xf32, #tpu.memory_space<vmem>>, vector<16xf32>,
          %parallel_loop3A_845 = vector.shape_cast %parallel_loop3A_844 : vector<16xf32> to vector<16xf32>
          %parallel_loop3A_846 = arith.constant 64 : i32
          %parallel_loop3A_847 = arith.addi %parallel_loop3A_75, %parallel_loop3A_846 : i32
          %parallel_loop3A_848 = arith.index_cast %parallel_loop3A_847 : i32 to index
          %parallel_loop3A_849 = tpu.vector_load %arg5[%parallel_loop3A_848] {strides = array<i32>} : memref<8192xf32, #tpu.memory_space<vmem>>, vector<16xf32>,
          %parallel_loop3A_850 = vector.shape_cast %parallel_loop3A_849 : vector<16xf32> to vector<16xf32>
          %parallel_loop3A_851 = arith.constant 80 : i32
          %parallel_loop3A_852 = arith.addi %parallel_loop3A_75, %parallel_loop3A_851 : i32
          %parallel_loop3A_853 = arith.index_cast %parallel_loop3A_852 : i32 to index
          %parallel_loop3A_854 = tpu.vector_load %arg5[%parallel_loop3A_853] {strides = array<i32>} : memref<8192xf32, #tpu.memory_space<vmem>>, vector<16xf32>,
          %parallel_loop3A_855 = vector.shape_cast %parallel_loop3A_854 : vector<16xf32> to vector<16xf32>
          %parallel_loop3A_856 = arith.constant 96 : i32
          %parallel_loop3A_857 = arith.addi %parallel_loop3A_75, %parallel_loop3A_856 : i32
          %parallel_loop3A_858 = arith.index_cast %parallel_loop3A_857 : i32 to index
          %parallel_loop3A_859 = tpu.vector_load %arg5[%parallel_loop3A_858] {strides = array<i32>} : memref<8192xf32, #tpu.memory_space<vmem>>, vector<16xf32>,
          %parallel_loop3A_860 = vector.shape_cast %parallel_loop3A_859 : vector<16xf32> to vector<16xf32>
          %parallel_loop3A_861 = arith.constant 112 : i32
          %parallel_loop3A_862 = arith.addi %parallel_loop3A_75, %parallel_loop3A_861 : i32
          %parallel_loop3A_863 = arith.index_cast %parallel_loop3A_862 : i32 to index
          %parallel_loop3A_864 = tpu.vector_load %arg5[%parallel_loop3A_863] {strides = array<i32>} : memref<8192xf32, #tpu.memory_space<vmem>>, vector<16xf32>,
          %parallel_loop3A_865 = vector.shape_cast %parallel_loop3A_864 : vector<16xf32> to vector<16xf32>
          %parallel_loop3A_866 = arith.constant 0 : i32
          %parallel_loop3A_867 = arith.addi %parallel_loop3A_77, %parallel_loop3A_866 : i32
          %parallel_loop3A_868 = arith.index_cast %parallel_loop3A_867 : i32 to index
          %parallel_loop3A_869 = tpu.vector_load %arg5[%parallel_loop3A_868] {strides = array<i32>} : memref<8192xf32, #tpu.memory_space<vmem>>, vector<16xf32>,
          %parallel_loop3A_870 = vector.shape_cast %parallel_loop3A_869 : vector<16xf32> to vector<16xf32>
          %parallel_loop3A_871 = arith.constant 16 : i32
          %parallel_loop3A_872 = arith.addi %parallel_loop3A_77, %parallel_loop3A_871 : i32
          %parallel_loop3A_873 = arith.index_cast %parallel_loop3A_872 : i32 to index
          %parallel_loop3A_874 = tpu.vector_load %arg5[%parallel_loop3A_873] {strides = array<i32>} : memref<8192xf32, #tpu.memory_space<vmem>>, vector<16xf32>,
          %parallel_loop3A_875 = vector.shape_cast %parallel_loop3A_874 : vector<16xf32> to vector<16xf32>
          %parallel_loop3A_876 = arith.constant 32 : i32
          %parallel_loop3A_877 = arith.addi %parallel_loop3A_77, %parallel_loop3A_876 : i32
          %parallel_loop3A_878 = arith.index_cast %parallel_loop3A_877 : i32 to index
          %parallel_loop3A_879 = tpu.vector_load %arg5[%parallel_loop3A_878] {strides = array<i32>} : memref<8192xf32, #tpu.memory_space<vmem>>, vector<16xf32>,
          %parallel_loop3A_880 = vector.shape_cast %parallel_loop3A_879 : vector<16xf32> to vector<16xf32>
          %parallel_loop3A_881 = arith.constant 48 : i32
          %parallel_loop3A_882 = arith.addi %parallel_loop3A_77, %parallel_loop3A_881 : i32
          %parallel_loop3A_883 = arith.index_cast %parallel_loop3A_882 : i32 to index
          %parallel_loop3A_884 = tpu.vector_load %arg5[%parallel_loop3A_883] {strides = array<i32>} : memref<8192xf32, #tpu.memory_space<vmem>>, vector<16xf32>,
          %parallel_loop3A_885 = vector.shape_cast %parallel_loop3A_884 : vector<16xf32> to vector<16xf32>
          %parallel_loop3A_886 = arith.constant 64 : i32
          %parallel_loop3A_887 = arith.addi %parallel_loop3A_77, %parallel_loop3A_886 : i32
          %parallel_loop3A_888 = arith.index_cast %parallel_loop3A_887 : i32 to index
          %parallel_loop3A_889 = tpu.vector_load %arg5[%parallel_loop3A_888] {strides = array<i32>} : memref<8192xf32, #tpu.memory_space<vmem>>, vector<16xf32>,
          %parallel_loop3A_890 = vector.shape_cast %parallel_loop3A_889 : vector<16xf32> to vector<16xf32>
          %parallel_loop3A_891 = arith.constant 80 : i32
          %parallel_loop3A_892 = arith.addi %parallel_loop3A_77, %parallel_loop3A_891 : i32
          %parallel_loop3A_893 = arith.index_cast %parallel_loop3A_892 : i32 to index
          %parallel_loop3A_894 = tpu.vector_load %arg5[%parallel_loop3A_893] {strides = array<i32>} : memref<8192xf32, #tpu.memory_space<vmem>>, vector<16xf32>,
          %parallel_loop3A_895 = vector.shape_cast %parallel_loop3A_894 : vector<16xf32> to vector<16xf32>
          %parallel_loop3A_896 = arith.constant 96 : i32
          %parallel_loop3A_897 = arith.addi %parallel_loop3A_77, %parallel_loop3A_896 : i32
          %parallel_loop3A_898 = arith.index_cast %parallel_loop3A_897 : i32 to index
          %parallel_loop3A_899 = tpu.vector_load %arg5[%parallel_loop3A_898] {strides = array<i32>} : memref<8192xf32, #tpu.memory_space<vmem>>, vector<16xf32>,
          %parallel_loop3A_900 = vector.shape_cast %parallel_loop3A_899 : vector<16xf32> to vector<16xf32>
          %parallel_loop3A_901 = arith.constant 112 : i32
          %parallel_loop3A_902 = arith.addi %parallel_loop3A_77, %parallel_loop3A_901 : i32
          %parallel_loop3A_903 = arith.index_cast %parallel_loop3A_902 : i32 to index
          %parallel_loop3A_904 = tpu.vector_load %arg5[%parallel_loop3A_903] {strides = array<i32>} : memref<8192xf32, #tpu.memory_space<vmem>>, vector<16xf32>,
          %parallel_loop3A_905 = vector.shape_cast %parallel_loop3A_904 : vector<16xf32> to vector<16xf32>
          %parallel_loop3A_906 = arith.constant 0 : i32
          %parallel_loop3A_907 = arith.addi %parallel_loop3A_79, %parallel_loop3A_906 : i32
          %parallel_loop3A_908 = arith.index_cast %parallel_loop3A_907 : i32 to index
          %parallel_loop3A_909 = tpu.vector_load %arg5[%parallel_loop3A_908] {strides = array<i32>} : memref<8192xf32, #tpu.memory_space<vmem>>, vector<16xf32>,
          %parallel_loop3A_910 = vector.shape_cast %parallel_loop3A_909 : vector<16xf32> to vector<16xf32>
          %parallel_loop3A_911 = arith.constant 16 : i32
          %parallel_loop3A_912 = arith.addi %parallel_loop3A_79, %parallel_loop3A_911 : i32
          %parallel_loop3A_913 = arith.index_cast %parallel_loop3A_912 : i32 to index
          %parallel_loop3A_914 = tpu.vector_load %arg5[%parallel_loop3A_913] {strides = array<i32>} : memref<8192xf32, #tpu.memory_space<vmem>>, vector<16xf32>,
          %parallel_loop3A_915 = vector.shape_cast %parallel_loop3A_914 : vector<16xf32> to vector<16xf32>
          %parallel_loop3A_916 = arith.constant 32 : i32
          %parallel_loop3A_917 = arith.addi %parallel_loop3A_79, %parallel_loop3A_916 : i32
          %parallel_loop3A_918 = arith.index_cast %parallel_loop3A_917 : i32 to index
          %parallel_loop3A_919 = tpu.vector_load %arg5[%parallel_loop3A_918] {strides = array<i32>} : memref<8192xf32, #tpu.memory_space<vmem>>, vector<16xf32>,
          %parallel_loop3A_920 = vector.shape_cast %parallel_loop3A_919 : vector<16xf32> to vector<16xf32>
          %parallel_loop3A_921 = arith.constant 48 : i32
          %parallel_loop3A_922 = arith.addi %parallel_loop3A_79, %parallel_loop3A_921 : i32
          %parallel_loop3A_923 = arith.index_cast %parallel_loop3A_922 : i32 to index
          %parallel_loop3A_924 = tpu.vector_load %arg5[%parallel_loop3A_923] {strides = array<i32>} : memref<8192xf32, #tpu.memory_space<vmem>>, vector<16xf32>,
          %parallel_loop3A_925 = vector.shape_cast %parallel_loop3A_924 : vector<16xf32> to vector<16xf32>
          %parallel_loop3A_926 = arith.constant 64 : i32
          %parallel_loop3A_927 = arith.addi %parallel_loop3A_79, %parallel_loop3A_926 : i32
          %parallel_loop3A_928 = arith.index_cast %parallel_loop3A_927 : i32 to index
          %parallel_loop3A_929 = tpu.vector_load %arg5[%parallel_loop3A_928] {strides = array<i32>} : memref<8192xf32, #tpu.memory_space<vmem>>, vector<16xf32>,
          %parallel_loop3A_930 = vector.shape_cast %parallel_loop3A_929 : vector<16xf32> to vector<16xf32>
          %parallel_loop3A_931 = arith.constant 80 : i32
          %parallel_loop3A_932 = arith.addi %parallel_loop3A_79, %parallel_loop3A_931 : i32
          %parallel_loop3A_933 = arith.index_cast %parallel_loop3A_932 : i32 to index
          %parallel_loop3A_934 = tpu.vector_load %arg5[%parallel_loop3A_933] {strides = array<i32>} : memref<8192xf32, #tpu.memory_space<vmem>>, vector<16xf32>,
          %parallel_loop3A_935 = vector.shape_cast %parallel_loop3A_934 : vector<16xf32> to vector<16xf32>
          %parallel_loop3A_936 = arith.constant 96 : i32
          %parallel_loop3A_937 = arith.addi %parallel_loop3A_79, %parallel_loop3A_936 : i32
          %parallel_loop3A_938 = arith.index_cast %parallel_loop3A_937 : i32 to index
          %parallel_loop3A_939 = tpu.vector_load %arg5[%parallel_loop3A_938] {strides = array<i32>} : memref<8192xf32, #tpu.memory_space<vmem>>, vector<16xf32>,
          %parallel_loop3A_940 = vector.shape_cast %parallel_loop3A_939 : vector<16xf32> to vector<16xf32>
          %parallel_loop3A_941 = arith.constant 112 : i32
          %parallel_loop3A_942 = arith.addi %parallel_loop3A_79, %parallel_loop3A_941 : i32
          %parallel_loop3A_943 = arith.index_cast %parallel_loop3A_942 : i32 to index
          %parallel_loop3A_944 = tpu.vector_load %arg5[%parallel_loop3A_943] {strides = array<i32>} : memref<8192xf32, #tpu.memory_space<vmem>>, vector<16xf32>,
          %parallel_loop3A_945 = vector.shape_cast %parallel_loop3A_944 : vector<16xf32> to vector<16xf32>
          %parallel_loop3A_946 = arith.constant 0 : i32
          %parallel_loop3A_947 = arith.addi %parallel_loop3A_81, %parallel_loop3A_946 : i32
          %parallel_loop3A_948 = arith.index_cast %parallel_loop3A_947 : i32 to index
          %parallel_loop3A_949 = tpu.vector_load %arg5[%parallel_loop3A_948] {strides = array<i32>} : memref<8192xf32, #tpu.memory_space<vmem>>, vector<16xf32>,
          %parallel_loop3A_950 = vector.shape_cast %parallel_loop3A_949 : vector<16xf32> to vector<16xf32>
          %parallel_loop3A_951 = arith.constant 16 : i32
          %parallel_loop3A_952 = arith.addi %parallel_loop3A_81, %parallel_loop3A_951 : i32
          %parallel_loop3A_953 = arith.index_cast %parallel_loop3A_952 : i32 to index
          %parallel_loop3A_954 = tpu.vector_load %arg5[%parallel_loop3A_953] {strides = array<i32>} : memref<8192xf32, #tpu.memory_space<vmem>>, vector<16xf32>,
          %parallel_loop3A_955 = vector.shape_cast %parallel_loop3A_954 : vector<16xf32> to vector<16xf32>
          %parallel_loop3A_956 = arith.constant 32 : i32
          %parallel_loop3A_957 = arith.addi %parallel_loop3A_81, %parallel_loop3A_956 : i32
          %parallel_loop3A_958 = arith.index_cast %parallel_loop3A_957 : i32 to index
          %parallel_loop3A_959 = tpu.vector_load %arg5[%parallel_loop3A_958] {strides = array<i32>} : memref<8192xf32, #tpu.memory_space<vmem>>, vector<16xf32>,
          %parallel_loop3A_960 = vector.shape_cast %parallel_loop3A_959 : vector<16xf32> to vector<16xf32>
          %parallel_loop3A_961 = arith.constant 48 : i32
          %parallel_loop3A_962 = arith.addi %parallel_loop3A_81, %parallel_loop3A_961 : i32
          %parallel_loop3A_963 = arith.index_cast %parallel_loop3A_962 : i32 to index
          %parallel_loop3A_964 = tpu.vector_load %arg5[%parallel_loop3A_963] {strides = array<i32>} : memref<8192xf32, #tpu.memory_space<vmem>>, vector<16xf32>,
          %parallel_loop3A_965 = vector.shape_cast %parallel_loop3A_964 : vector<16xf32> to vector<16xf32>
          %parallel_loop3A_966 = arith.constant 64 : i32
          %parallel_loop3A_967 = arith.addi %parallel_loop3A_81, %parallel_loop3A_966 : i32
          %parallel_loop3A_968 = arith.index_cast %parallel_loop3A_967 : i32 to index
          %parallel_loop3A_969 = tpu.vector_load %arg5[%parallel_loop3A_968] {strides = array<i32>} : memref<8192xf32, #tpu.memory_space<vmem>>, vector<16xf32>,
          %parallel_loop3A_970 = vector.shape_cast %parallel_loop3A_969 : vector<16xf32> to vector<16xf32>
          %parallel_loop3A_971 = arith.constant 80 : i32
          %parallel_loop3A_972 = arith.addi %parallel_loop3A_81, %parallel_loop3A_971 : i32
          %parallel_loop3A_973 = arith.index_cast %parallel_loop3A_972 : i32 to index
          %parallel_loop3A_974 = tpu.vector_load %arg5[%parallel_loop3A_973] {strides = array<i32>} : memref<8192xf32, #tpu.memory_space<vmem>>, vector<16xf32>,
          %parallel_loop3A_975 = vector.shape_cast %parallel_loop3A_974 : vector<16xf32> to vector<16xf32>
          %parallel_loop3A_976 = arith.constant 96 : i32
          %parallel_loop3A_977 = arith.addi %parallel_loop3A_81, %parallel_loop3A_976 : i32
          %parallel_loop3A_978 = arith.index_cast %parallel_loop3A_977 : i32 to index
          %parallel_loop3A_979 = tpu.vector_load %arg5[%parallel_loop3A_978] {strides = array<i32>} : memref<8192xf32, #tpu.memory_space<vmem>>, vector<16xf32>,
          %parallel_loop3A_980 = vector.shape_cast %parallel_loop3A_979 : vector<16xf32> to vector<16xf32>
          %parallel_loop3A_981 = arith.constant 112 : i32
          %parallel_loop3A_982 = arith.addi %parallel_loop3A_81, %parallel_loop3A_981 : i32
          %parallel_loop3A_983 = arith.index_cast %parallel_loop3A_982 : i32 to index
          %parallel_loop3A_984 = tpu.vector_load %arg5[%parallel_loop3A_983] {strides = array<i32>} : memref<8192xf32, #tpu.memory_space<vmem>>, vector<16xf32>,
          %parallel_loop3A_985 = vector.shape_cast %parallel_loop3A_984 : vector<16xf32> to vector<16xf32>
          %parallel_loop3A_986 = arith.constant 0 : i32
          %parallel_loop3A_987 = arith.addi %parallel_loop3A_83, %parallel_loop3A_986 : i32
          %parallel_loop3A_988 = arith.index_cast %parallel_loop3A_987 : i32 to index
          %parallel_loop3A_989 = tpu.vector_load %arg5[%parallel_loop3A_988] {strides = array<i32>} : memref<8192xf32, #tpu.memory_space<vmem>>, vector<16xf32>,
          %parallel_loop3A_990 = vector.shape_cast %parallel_loop3A_989 : vector<16xf32> to vector<16xf32>
          %parallel_loop3A_991 = arith.constant 16 : i32
          %parallel_loop3A_992 = arith.addi %parallel_loop3A_83, %parallel_loop3A_991 : i32
          %parallel_loop3A_993 = arith.index_cast %parallel_loop3A_992 : i32 to index
          %parallel_loop3A_994 = tpu.vector_load %arg5[%parallel_loop3A_993] {strides = array<i32>} : memref<8192xf32, #tpu.memory_space<vmem>>, vector<16xf32>,
          %parallel_loop3A_995 = vector.shape_cast %parallel_loop3A_994 : vector<16xf32> to vector<16xf32>
          %parallel_loop3A_996 = arith.constant 32 : i32
          %parallel_loop3A_997 = arith.addi %parallel_loop3A_83, %parallel_loop3A_996 : i32
          %parallel_loop3A_998 = arith.index_cast %parallel_loop3A_997 : i32 to index
          %parallel_loop3A_999 = tpu.vector_load %arg5[%parallel_loop3A_998] {strides = array<i32>} : memref<8192xf32, #tpu.memory_space<vmem>>, vector<16xf32>,
          %parallel_loop3A_1000 = vector.shape_cast %parallel_loop3A_999 : vector<16xf32> to vector<16xf32>
          %parallel_loop3A_1001 = arith.constant 48 : i32
          %parallel_loop3A_1002 = arith.addi %parallel_loop3A_83, %parallel_loop3A_1001 : i32
          %parallel_loop3A_1003 = arith.index_cast %parallel_loop3A_1002 : i32 to index
          %parallel_loop3A_1004 = tpu.vector_load %arg5[%parallel_loop3A_1003] {strides = array<i32>} : memref<8192xf32, #tpu.memory_space<vmem>>, vector<16xf32>,
          %parallel_loop3A_1005 = vector.shape_cast %parallel_loop3A_1004 : vector<16xf32> to vector<16xf32>
          %parallel_loop3A_1006 = arith.constant 64 : i32
          %parallel_loop3A_1007 = arith.addi %parallel_loop3A_83, %parallel_loop3A_1006 : i32
          %parallel_loop3A_1008 = arith.index_cast %parallel_loop3A_1007 : i32 to index
          %parallel_loop3A_1009 = tpu.vector_load %arg5[%parallel_loop3A_1008] {strides = array<i32>} : memref<8192xf32, #tpu.memory_space<vmem>>, vector<16xf32>,
          %parallel_loop3A_1010 = vector.shape_cast %parallel_loop3A_1009 : vector<16xf32> to vector<16xf32>
          %parallel_loop3A_1011 = arith.constant 80 : i32
          %parallel_loop3A_1012 = arith.addi %parallel_loop3A_83, %parallel_loop3A_1011 : i32
          %parallel_loop3A_1013 = arith.index_cast %parallel_loop3A_1012 : i32 to index
          %parallel_loop3A_1014 = tpu.vector_load %arg5[%parallel_loop3A_1013] {strides = array<i32>} : memref<8192xf32, #tpu.memory_space<vmem>>, vector<16xf32>,
          %parallel_loop3A_1015 = vector.shape_cast %parallel_loop3A_1014 : vector<16xf32> to vector<16xf32>
          %parallel_loop3A_1016 = arith.constant 96 : i32
          %parallel_loop3A_1017 = arith.addi %parallel_loop3A_83, %parallel_loop3A_1016 : i32
          %parallel_loop3A_1018 = arith.index_cast %parallel_loop3A_1017 : i32 to index
          %parallel_loop3A_1019 = tpu.vector_load %arg5[%parallel_loop3A_1018] {strides = array<i32>} : memref<8192xf32, #tpu.memory_space<vmem>>, vector<16xf32>,
          %parallel_loop3A_1020 = vector.shape_cast %parallel_loop3A_1019 : vector<16xf32> to vector<16xf32>
          %parallel_loop3A_1021 = arith.constant 112 : i32
          %parallel_loop3A_1022 = arith.addi %parallel_loop3A_83, %parallel_loop3A_1021 : i32
          %parallel_loop3A_1023 = arith.index_cast %parallel_loop3A_1022 : i32 to index
          %parallel_loop3A_1024 = tpu.vector_load %arg5[%parallel_loop3A_1023] {strides = array<i32>} : memref<8192xf32, #tpu.memory_space<vmem>>, vector<16xf32>,
          %parallel_loop3A_1025 = vector.shape_cast %parallel_loop3A_1024 : vector<16xf32> to vector<16xf32>
          %parallel_loop3A_1026 = arith.constant 0 : i32
          %parallel_loop3A_1027 = arith.addi %parallel_loop3A_85, %parallel_loop3A_1026 : i32
          %parallel_loop3A_1028 = arith.index_cast %parallel_loop3A_1027 : i32 to index
          %parallel_loop3A_1029 = tpu.vector_load %arg5[%parallel_loop3A_1028] {strides = array<i32>} : memref<8192xf32, #tpu.memory_space<vmem>>, vector<16xf32>,
          %parallel_loop3A_1030 = vector.shape_cast %parallel_loop3A_1029 : vector<16xf32> to vector<16xf32>
          %parallel_loop3A_1031 = arith.constant 16 : i32
          %parallel_loop3A_1032 = arith.addi %parallel_loop3A_85, %parallel_loop3A_1031 : i32
          %parallel_loop3A_1033 = arith.index_cast %parallel_loop3A_1032 : i32 to index
          %parallel_loop3A_1034 = tpu.vector_load %arg5[%parallel_loop3A_1033] {strides = array<i32>} : memref<8192xf32, #tpu.memory_space<vmem>>, vector<16xf32>,
          %parallel_loop3A_1035 = vector.shape_cast %parallel_loop3A_1034 : vector<16xf32> to vector<16xf32>
          %parallel_loop3A_1036 = arith.constant 32 : i32
          %parallel_loop3A_1037 = arith.addi %parallel_loop3A_85, %parallel_loop3A_1036 : i32
          %parallel_loop3A_1038 = arith.index_cast %parallel_loop3A_1037 : i32 to index
          %parallel_loop3A_1039 = tpu.vector_load %arg5[%parallel_loop3A_1038] {strides = array<i32>} : memref<8192xf32, #tpu.memory_space<vmem>>, vector<16xf32>,
          %parallel_loop3A_1040 = vector.shape_cast %parallel_loop3A_1039 : vector<16xf32> to vector<16xf32>
          %parallel_loop3A_1041 = arith.constant 48 : i32
          %parallel_loop3A_1042 = arith.addi %parallel_loop3A_85, %parallel_loop3A_1041 : i32
          %parallel_loop3A_1043 = arith.index_cast %parallel_loop3A_1042 : i32 to index
          %parallel_loop3A_1044 = tpu.vector_load %arg5[%parallel_loop3A_1043] {strides = array<i32>} : memref<8192xf32, #tpu.memory_space<vmem>>, vector<16xf32>,
          %parallel_loop3A_1045 = vector.shape_cast %parallel_loop3A_1044 : vector<16xf32> to vector<16xf32>
          %parallel_loop3A_1046 = arith.constant 64 : i32
          %parallel_loop3A_1047 = arith.addi %parallel_loop3A_85, %parallel_loop3A_1046 : i32
          %parallel_loop3A_1048 = arith.index_cast %parallel_loop3A_1047 : i32 to index
          %parallel_loop3A_1049 = tpu.vector_load %arg5[%parallel_loop3A_1048] {strides = array<i32>} : memref<8192xf32, #tpu.memory_space<vmem>>, vector<16xf32>,
          %parallel_loop3A_1050 = vector.shape_cast %parallel_loop3A_1049 : vector<16xf32> to vector<16xf32>
          %parallel_loop3A_1051 = arith.constant 80 : i32
          %parallel_loop3A_1052 = arith.addi %parallel_loop3A_85, %parallel_loop3A_1051 : i32
          %parallel_loop3A_1053 = arith.index_cast %parallel_loop3A_1052 : i32 to index
          %parallel_loop3A_1054 = tpu.vector_load %arg5[%parallel_loop3A_1053] {strides = array<i32>} : memref<8192xf32, #tpu.memory_space<vmem>>, vector<16xf32>,
          %parallel_loop3A_1055 = vector.shape_cast %parallel_loop3A_1054 : vector<16xf32> to vector<16xf32>
          %parallel_loop3A_1056 = arith.constant 96 : i32
          %parallel_loop3A_1057 = arith.addi %parallel_loop3A_85, %parallel_loop3A_1056 : i32
          %parallel_loop3A_1058 = arith.index_cast %parallel_loop3A_1057 : i32 to index
          %parallel_loop3A_1059 = tpu.vector_load %arg5[%parallel_loop3A_1058] {strides = array<i32>} : memref<8192xf32, #tpu.memory_space<vmem>>, vector<16xf32>,
          %parallel_loop3A_1060 = vector.shape_cast %parallel_loop3A_1059 : vector<16xf32> to vector<16xf32>
          %parallel_loop3A_1061 = arith.constant 112 : i32
          %parallel_loop3A_1062 = arith.addi %parallel_loop3A_85, %parallel_loop3A_1061 : i32
          %parallel_loop3A_1063 = arith.index_cast %parallel_loop3A_1062 : i32 to index
          %parallel_loop3A_1064 = tpu.vector_load %arg5[%parallel_loop3A_1063] {strides = array<i32>} : memref<8192xf32, #tpu.memory_space<vmem>>, vector<16xf32>,
          %parallel_loop3A_1065 = vector.shape_cast %parallel_loop3A_1064 : vector<16xf32> to vector<16xf32>
          %parallel_loop3A_1066 = arith.constant 0 : i32
          %parallel_loop3A_1067 = arith.addi %parallel_loop3A_87, %parallel_loop3A_1066 : i32
          %parallel_loop3A_1068 = arith.index_cast %parallel_loop3A_1067 : i32 to index
          %parallel_loop3A_1069 = tpu.vector_load %arg5[%parallel_loop3A_1068] {strides = array<i32>} : memref<8192xf32, #tpu.memory_space<vmem>>, vector<16xf32>,
          %parallel_loop3A_1070 = vector.shape_cast %parallel_loop3A_1069 : vector<16xf32> to vector<16xf32>
          %parallel_loop3A_1071 = arith.constant 16 : i32
          %parallel_loop3A_1072 = arith.addi %parallel_loop3A_87, %parallel_loop3A_1071 : i32
          %parallel_loop3A_1073 = arith.index_cast %parallel_loop3A_1072 : i32 to index
          %parallel_loop3A_1074 = tpu.vector_load %arg5[%parallel_loop3A_1073] {strides = array<i32>} : memref<8192xf32, #tpu.memory_space<vmem>>, vector<16xf32>,
          %parallel_loop3A_1075 = vector.shape_cast %parallel_loop3A_1074 : vector<16xf32> to vector<16xf32>
          %parallel_loop3A_1076 = arith.constant 32 : i32
          %parallel_loop3A_1077 = arith.addi %parallel_loop3A_87, %parallel_loop3A_1076 : i32
          %parallel_loop3A_1078 = arith.index_cast %parallel_loop3A_1077 : i32 to index
          %parallel_loop3A_1079 = tpu.vector_load %arg5[%parallel_loop3A_1078] {strides = array<i32>} : memref<8192xf32, #tpu.memory_space<vmem>>, vector<16xf32>,
          %parallel_loop3A_1080 = vector.shape_cast %parallel_loop3A_1079 : vector<16xf32> to vector<16xf32>
          %parallel_loop3A_1081 = arith.constant 48 : i32
          %parallel_loop3A_1082 = arith.addi %parallel_loop3A_87, %parallel_loop3A_1081 : i32
          %parallel_loop3A_1083 = arith.index_cast %parallel_loop3A_1082 : i32 to index
          %parallel_loop3A_1084 = tpu.vector_load %arg5[%parallel_loop3A_1083] {strides = array<i32>} : memref<8192xf32, #tpu.memory_space<vmem>>, vector<16xf32>,
          %parallel_loop3A_1085 = vector.shape_cast %parallel_loop3A_1084 : vector<16xf32> to vector<16xf32>
          %parallel_loop3A_1086 = arith.constant 64 : i32
          %parallel_loop3A_1087 = arith.addi %parallel_loop3A_87, %parallel_loop3A_1086 : i32
          %parallel_loop3A_1088 = arith.index_cast %parallel_loop3A_1087 : i32 to index
          %parallel_loop3A_1089 = tpu.vector_load %arg5[%parallel_loop3A_1088] {strides = array<i32>} : memref<8192xf32, #tpu.memory_space<vmem>>, vector<16xf32>,
          %parallel_loop3A_1090 = vector.shape_cast %parallel_loop3A_1089 : vector<16xf32> to vector<16xf32>
          %parallel_loop3A_1091 = arith.constant 80 : i32
          %parallel_loop3A_1092 = arith.addi %parallel_loop3A_87, %parallel_loop3A_1091 : i32
          %parallel_loop3A_1093 = arith.index_cast %parallel_loop3A_1092 : i32 to index
          %parallel_loop3A_1094 = tpu.vector_load %arg5[%parallel_loop3A_1093] {strides = array<i32>} : memref<8192xf32, #tpu.memory_space<vmem>>, vector<16xf32>,
          %parallel_loop3A_1095 = vector.shape_cast %parallel_loop3A_1094 : vector<16xf32> to vector<16xf32>
          %parallel_loop3A_1096 = arith.constant 96 : i32
          %parallel_loop3A_1097 = arith.addi %parallel_loop3A_87, %parallel_loop3A_1096 : i32
          %parallel_loop3A_1098 = arith.index_cast %parallel_loop3A_1097 : i32 to index
          %parallel_loop3A_1099 = tpu.vector_load %arg5[%parallel_loop3A_1098] {strides = array<i32>} : memref<8192xf32, #tpu.memory_space<vmem>>, vector<16xf32>,
          %parallel_loop3A_1100 = vector.shape_cast %parallel_loop3A_1099 : vector<16xf32> to vector<16xf32>
          %parallel_loop3A_1101 = arith.constant 112 : i32
          %parallel_loop3A_1102 = arith.addi %parallel_loop3A_87, %parallel_loop3A_1101 : i32
          %parallel_loop3A_1103 = arith.index_cast %parallel_loop3A_1102 : i32 to index
          %parallel_loop3A_1104 = tpu.vector_load %arg5[%parallel_loop3A_1103] {strides = array<i32>} : memref<8192xf32, #tpu.memory_space<vmem>>, vector<16xf32>,
          %parallel_loop3A_1105 = vector.shape_cast %parallel_loop3A_1104 : vector<16xf32> to vector<16xf32>
          %parallel_loop3A_1106 = arith.constant 0 : i32
          %parallel_loop3A_1107 = arith.addi %parallel_loop3A_89, %parallel_loop3A_1106 : i32
          %parallel_loop3A_1108 = arith.index_cast %parallel_loop3A_1107 : i32 to index
          %parallel_loop3A_1109 = tpu.vector_load %arg5[%parallel_loop3A_1108] {strides = array<i32>} : memref<8192xf32, #tpu.memory_space<vmem>>, vector<16xf32>,
          %parallel_loop3A_1110 = vector.shape_cast %parallel_loop3A_1109 : vector<16xf32> to vector<16xf32>
          %parallel_loop3A_1111 = arith.constant 16 : i32
          %parallel_loop3A_1112 = arith.addi %parallel_loop3A_89, %parallel_loop3A_1111 : i32
          %parallel_loop3A_1113 = arith.index_cast %parallel_loop3A_1112 : i32 to index
          %parallel_loop3A_1114 = tpu.vector_load %arg5[%parallel_loop3A_1113] {strides = array<i32>} : memref<8192xf32, #tpu.memory_space<vmem>>, vector<16xf32>,
          %parallel_loop3A_1115 = vector.shape_cast %parallel_loop3A_1114 : vector<16xf32> to vector<16xf32>
          %parallel_loop3A_1116 = arith.constant 32 : i32
          %parallel_loop3A_1117 = arith.addi %parallel_loop3A_89, %parallel_loop3A_1116 : i32
          %parallel_loop3A_1118 = arith.index_cast %parallel_loop3A_1117 : i32 to index
          %parallel_loop3A_1119 = tpu.vector_load %arg5[%parallel_loop3A_1118] {strides = array<i32>} : memref<8192xf32, #tpu.memory_space<vmem>>, vector<16xf32>,
          %parallel_loop3A_1120 = vector.shape_cast %parallel_loop3A_1119 : vector<16xf32> to vector<16xf32>
          %parallel_loop3A_1121 = arith.constant 48 : i32
          %parallel_loop3A_1122 = arith.addi %parallel_loop3A_89, %parallel_loop3A_1121 : i32
          %parallel_loop3A_1123 = arith.index_cast %parallel_loop3A_1122 : i32 to index
          %parallel_loop3A_1124 = tpu.vector_load %arg5[%parallel_loop3A_1123] {strides = array<i32>} : memref<8192xf32, #tpu.memory_space<vmem>>, vector<16xf32>,
          %parallel_loop3A_1125 = vector.shape_cast %parallel_loop3A_1124 : vector<16xf32> to vector<16xf32>
          %parallel_loop3A_1126 = arith.constant 64 : i32
          %parallel_loop3A_1127 = arith.addi %parallel_loop3A_89, %parallel_loop3A_1126 : i32
          %parallel_loop3A_1128 = arith.index_cast %parallel_loop3A_1127 : i32 to index
          %parallel_loop3A_1129 = tpu.vector_load %arg5[%parallel_loop3A_1128] {strides = array<i32>} : memref<8192xf32, #tpu.memory_space<vmem>>, vector<16xf32>,
          %parallel_loop3A_1130 = vector.shape_cast %parallel_loop3A_1129 : vector<16xf32> to vector<16xf32>
          %parallel_loop3A_1131 = arith.constant 80 : i32
          %parallel_loop3A_1132 = arith.addi %parallel_loop3A_89, %parallel_loop3A_1131 : i32
          %parallel_loop3A_1133 = arith.index_cast %parallel_loop3A_1132 : i32 to index
          %parallel_loop3A_1134 = tpu.vector_load %arg5[%parallel_loop3A_1133] {strides = array<i32>} : memref<8192xf32, #tpu.memory_space<vmem>>, vector<16xf32>,
          %parallel_loop3A_1135 = vector.shape_cast %parallel_loop3A_1134 : vector<16xf32> to vector<16xf32>
          %parallel_loop3A_1136 = arith.constant 96 : i32
          %parallel_loop3A_1137 = arith.addi %parallel_loop3A_89, %parallel_loop3A_1136 : i32
          %parallel_loop3A_1138 = arith.index_cast %parallel_loop3A_1137 : i32 to index
          %parallel_loop3A_1139 = tpu.vector_load %arg5[%parallel_loop3A_1138] {strides = array<i32>} : memref<8192xf32, #tpu.memory_space<vmem>>, vector<16xf32>,
          %parallel_loop3A_1140 = vector.shape_cast %parallel_loop3A_1139 : vector<16xf32> to vector<16xf32>
          %parallel_loop3A_1141 = arith.constant 112 : i32
          %parallel_loop3A_1142 = arith.addi %parallel_loop3A_89, %parallel_loop3A_1141 : i32
          %parallel_loop3A_1143 = arith.index_cast %parallel_loop3A_1142 : i32 to index
          %parallel_loop3A_1144 = tpu.vector_load %arg5[%parallel_loop3A_1143] {strides = array<i32>} : memref<8192xf32, #tpu.memory_space<vmem>>, vector<16xf32>,
          %parallel_loop3A_1145 = vector.shape_cast %parallel_loop3A_1144 : vector<16xf32> to vector<16xf32>
          %parallel_loop3A_1146 = arith.constant 0 : i32
          %parallel_loop3A_1147 = arith.addi %parallel_loop3A_811, %parallel_loop3A_1146 : i32
          %parallel_loop3A_1148 = arith.index_cast %parallel_loop3A_1147 : i32 to index
          %parallel_loop3A_1149 = tpu.vector_load %arg8[%parallel_loop3A_1148] {strides = array<i32>} : memref<51200xf32, #tpu.memory_space<vmem>>, vector<16xf32>,
          %parallel_loop3A_1150 = vector.shape_cast %parallel_loop3A_1149 : vector<16xf32> to vector<16xf32>
          %parallel_loop3A_1151 = vector.shape_cast %parallel_loop3A_830 : vector<16xf32> to vector<16xf32>
          tpu.vector_store %arg8[%parallel_loop3A_1148], %parallel_loop3A_1151 {strides = array<i32>} : memref<51200xf32, #tpu.memory_space<vmem>>, vector<16xf32>,
          %parallel_loop3A_1152 = arith.constant 16 : i32
          %parallel_loop3A_1153 = arith.addi %parallel_loop3A_811, %parallel_loop3A_1152 : i32
          %parallel_loop3A_1154 = arith.index_cast %parallel_loop3A_1153 : i32 to index
          %parallel_loop3A_1155 = tpu.vector_load %arg8[%parallel_loop3A_1154] {strides = array<i32>} : memref<51200xf32, #tpu.memory_space<vmem>>, vector<16xf32>,
          %parallel_loop3A_1156 = vector.shape_cast %parallel_loop3A_1155 : vector<16xf32> to vector<16xf32>
          %parallel_loop3A_1157 = vector.shape_cast %parallel_loop3A_835 : vector<16xf32> to vector<16xf32>
          tpu.vector_store %arg8[%parallel_loop3A_1154], %parallel_loop3A_1157 {strides = array<i32>} : memref<51200xf32, #tpu.memory_space<vmem>>, vector<16xf32>,
          %parallel_loop3A_1158 = arith.constant 32 : i32
          %parallel_loop3A_1159 = arith.addi %parallel_loop3A_811, %parallel_loop3A_1158 : i32
          %parallel_loop3A_1160 = arith.index_cast %parallel_loop3A_1159 : i32 to index
          %parallel_loop3A_1161 = tpu.vector_load %arg8[%parallel_loop3A_1160] {strides = array<i32>} : memref<51200xf32, #tpu.memory_space<vmem>>, vector<16xf32>,
          %parallel_loop3A_1162 = vector.shape_cast %parallel_loop3A_1161 : vector<16xf32> to vector<16xf32>
          %parallel_loop3A_1163 = vector.shape_cast %parallel_loop3A_840 : vector<16xf32> to vector<16xf32>
          tpu.vector_store %arg8[%parallel_loop3A_1160], %parallel_loop3A_1163 {strides = array<i32>} : memref<51200xf32, #tpu.memory_space<vmem>>, vector<16xf32>,
          %parallel_loop3A_1164 = arith.constant 48 : i32
          %parallel_loop3A_1165 = arith.addi %parallel_loop3A_811, %parallel_loop3A_1164 : i32
          %parallel_loop3A_1166 = arith.index_cast %parallel_loop3A_1165 : i32 to index
          %parallel_loop3A_1167 = tpu.vector_load %arg8[%parallel_loop3A_1166] {strides = array<i32>} : memref<51200xf32, #tpu.memory_space<vmem>>, vector<16xf32>,
          %parallel_loop3A_1168 = vector.shape_cast %parallel_loop3A_1167 : vector<16xf32> to vector<16xf32>
          %parallel_loop3A_1169 = vector.shape_cast %parallel_loop3A_845 : vector<16xf32> to vector<16xf32>
          tpu.vector_store %arg8[%parallel_loop3A_1166], %parallel_loop3A_1169 {strides = array<i32>} : memref<51200xf32, #tpu.memory_space<vmem>>, vector<16xf32>,
          %parallel_loop3A_1170 = arith.constant 64 : i32
          %parallel_loop3A_1171 = arith.addi %parallel_loop3A_811, %parallel_loop3A_1170 : i32
          %parallel_loop3A_1172 = arith.index_cast %parallel_loop3A_1171 : i32 to index
          %parallel_loop3A_1173 = tpu.vector_load %arg8[%parallel_loop3A_1172] {strides = array<i32>} : memref<51200xf32, #tpu.memory_space<vmem>>, vector<16xf32>,
          %parallel_loop3A_1174 = vector.shape_cast %parallel_loop3A_1173 : vector<16xf32> to vector<16xf32>
          %parallel_loop3A_1175 = vector.shape_cast %parallel_loop3A_850 : vector<16xf32> to vector<16xf32>
          tpu.vector_store %arg8[%parallel_loop3A_1172], %parallel_loop3A_1175 {strides = array<i32>} : memref<51200xf32, #tpu.memory_space<vmem>>, vector<16xf32>,
          %parallel_loop3A_1176 = arith.constant 80 : i32
          %parallel_loop3A_1177 = arith.addi %parallel_loop3A_811, %parallel_loop3A_1176 : i32
          %parallel_loop3A_1178 = arith.index_cast %parallel_loop3A_1177 : i32 to index
          %parallel_loop3A_1179 = tpu.vector_load %arg8[%parallel_loop3A_1178] {strides = array<i32>} : memref<51200xf32, #tpu.memory_space<vmem>>, vector<16xf32>,
          %parallel_loop3A_1180 = vector.shape_cast %parallel_loop3A_1179 : vector<16xf32> to vector<16xf32>
          %parallel_loop3A_1181 = vector.shape_cast %parallel_loop3A_855 : vector<16xf32> to vector<16xf32>
          tpu.vector_store %arg8[%parallel_loop3A_1178], %parallel_loop3A_1181 {strides = array<i32>} : memref<51200xf32, #tpu.memory_space<vmem>>, vector<16xf32>,
          %parallel_loop3A_1182 = arith.constant 96 : i32
          %parallel_loop3A_1183 = arith.addi %parallel_loop3A_811, %parallel_loop3A_1182 : i32
          %parallel_loop3A_1184 = arith.index_cast %parallel_loop3A_1183 : i32 to index
          %parallel_loop3A_1185 = tpu.vector_load %arg8[%parallel_loop3A_1184] {strides = array<i32>} : memref<51200xf32, #tpu.memory_space<vmem>>, vector<16xf32>,
          %parallel_loop3A_1186 = vector.shape_cast %parallel_loop3A_1185 : vector<16xf32> to vector<16xf32>
          %parallel_loop3A_1187 = vector.shape_cast %parallel_loop3A_860 : vector<16xf32> to vector<16xf32>
          tpu.vector_store %arg8[%parallel_loop3A_1184], %parallel_loop3A_1187 {strides = array<i32>} : memref<51200xf32, #tpu.memory_space<vmem>>, vector<16xf32>,
          %parallel_loop3A_1188 = arith.constant 112 : i32
          %parallel_loop3A_1189 = arith.addi %parallel_loop3A_811, %parallel_loop3A_1188 : i32
          %parallel_loop3A_1190 = arith.index_cast %parallel_loop3A_1189 : i32 to index
          %parallel_loop3A_1191 = tpu.vector_load %arg8[%parallel_loop3A_1190] {strides = array<i32>} : memref<51200xf32, #tpu.memory_space<vmem>>, vector<16xf32>,
          %parallel_loop3A_1192 = vector.shape_cast %parallel_loop3A_1191 : vector<16xf32> to vector<16xf32>
          %parallel_loop3A_1193 = vector.shape_cast %parallel_loop3A_865 : vector<16xf32> to vector<16xf32>
          tpu.vector_store %arg8[%parallel_loop3A_1190], %parallel_loop3A_1193 {strides = array<i32>} : memref<51200xf32, #tpu.memory_space<vmem>>, vector<16xf32>,
          %parallel_loop3A_1194 = arith.constant 0 : i32
          %parallel_loop3A_1195 = arith.addi %parallel_loop3A_813, %parallel_loop3A_1194 : i32
          %parallel_loop3A_1196 = arith.index_cast %parallel_loop3A_1195 : i32 to index
          %parallel_loop3A_1197 = tpu.vector_load %arg8[%parallel_loop3A_1196] {strides = array<i32>} : memref<51200xf32, #tpu.memory_space<vmem>>, vector<16xf32>,
          %parallel_loop3A_1198 = vector.shape_cast %parallel_loop3A_1197 : vector<16xf32> to vector<16xf32>
          %parallel_loop3A_1199 = vector.shape_cast %parallel_loop3A_870 : vector<16xf32> to vector<16xf32>
          tpu.vector_store %arg8[%parallel_loop3A_1196], %parallel_loop3A_1199 {strides = array<i32>} : memref<51200xf32, #tpu.memory_space<vmem>>, vector<16xf32>,
          %parallel_loop3A_1200 = arith.constant 16 : i32
          %parallel_loop3A_1201 = arith.addi %parallel_loop3A_813, %parallel_loop3A_1200 : i32
          %parallel_loop3A_1202 = arith.index_cast %parallel_loop3A_1201 : i32 to index
          %parallel_loop3A_1203 = tpu.vector_load %arg8[%parallel_loop3A_1202] {strides = array<i32>} : memref<51200xf32, #tpu.memory_space<vmem>>, vector<16xf32>,
          %parallel_loop3A_1204 = vector.shape_cast %parallel_loop3A_1203 : vector<16xf32> to vector<16xf32>
          %parallel_loop3A_1205 = vector.shape_cast %parallel_loop3A_875 : vector<16xf32> to vector<16xf32>
          tpu.vector_store %arg8[%parallel_loop3A_1202], %parallel_loop3A_1205 {strides = array<i32>} : memref<51200xf32, #tpu.memory_space<vmem>>, vector<16xf32>,
          %parallel_loop3A_1206 = arith.constant 32 : i32
          %parallel_loop3A_1207 = arith.addi %parallel_loop3A_813, %parallel_loop3A_1206 : i32
          %parallel_loop3A_1208 = arith.index_cast %parallel_loop3A_1207 : i32 to index
          %parallel_loop3A_1209 = tpu.vector_load %arg8[%parallel_loop3A_1208] {strides = array<i32>} : memref<51200xf32, #tpu.memory_space<vmem>>, vector<16xf32>,
          %parallel_loop3A_1210 = vector.shape_cast %parallel_loop3A_1209 : vector<16xf32> to vector<16xf32>
          %parallel_loop3A_1211 = vector.shape_cast %parallel_loop3A_880 : vector<16xf32> to vector<16xf32>
          tpu.vector_store %arg8[%parallel_loop3A_1208], %parallel_loop3A_1211 {strides = array<i32>} : memref<51200xf32, #tpu.memory_space<vmem>>, vector<16xf32>,
          %parallel_loop3A_1212 = arith.constant 48 : i32
          %parallel_loop3A_1213 = arith.addi %parallel_loop3A_813, %parallel_loop3A_1212 : i32
          %parallel_loop3A_1214 = arith.index_cast %parallel_loop3A_1213 : i32 to index
          %parallel_loop3A_1215 = tpu.vector_load %arg8[%parallel_loop3A_1214] {strides = array<i32>} : memref<51200xf32, #tpu.memory_space<vmem>>, vector<16xf32>,
          %parallel_loop3A_1216 = vector.shape_cast %parallel_loop3A_1215 : vector<16xf32> to vector<16xf32>
          %parallel_loop3A_1217 = vector.shape_cast %parallel_loop3A_885 : vector<16xf32> to vector<16xf32>
          tpu.vector_store %arg8[%parallel_loop3A_1214], %parallel_loop3A_1217 {strides = array<i32>} : memref<51200xf32, #tpu.memory_space<vmem>>, vector<16xf32>,
          %parallel_loop3A_1218 = arith.constant 64 : i32
          %parallel_loop3A_1219 = arith.addi %parallel_loop3A_813, %parallel_loop3A_1218 : i32
          %parallel_loop3A_1220 = arith.index_cast %parallel_loop3A_1219 : i32 to index
          %parallel_loop3A_1221 = tpu.vector_load %arg8[%parallel_loop3A_1220] {strides = array<i32>} : memref<51200xf32, #tpu.memory_space<vmem>>, vector<16xf32>,
          %parallel_loop3A_1222 = vector.shape_cast %parallel_loop3A_1221 : vector<16xf32> to vector<16xf32>
          %parallel_loop3A_1223 = vector.shape_cast %parallel_loop3A_890 : vector<16xf32> to vector<16xf32>
          tpu.vector_store %arg8[%parallel_loop3A_1220], %parallel_loop3A_1223 {strides = array<i32>} : memref<51200xf32, #tpu.memory_space<vmem>>, vector<16xf32>,
          %parallel_loop3A_1224 = arith.constant 80 : i32
          %parallel_loop3A_1225 = arith.addi %parallel_loop3A_813, %parallel_loop3A_1224 : i32
          %parallel_loop3A_1226 = arith.index_cast %parallel_loop3A_1225 : i32 to index
          %parallel_loop3A_1227 = tpu.vector_load %arg8[%parallel_loop3A_1226] {strides = array<i32>} : memref<51200xf32, #tpu.memory_space<vmem>>, vector<16xf32>,
          %parallel_loop3A_1228 = vector.shape_cast %parallel_loop3A_1227 : vector<16xf32> to vector<16xf32>
          %parallel_loop3A_1229 = vector.shape_cast %parallel_loop3A_895 : vector<16xf32> to vector<16xf32>
          tpu.vector_store %arg8[%parallel_loop3A_1226], %parallel_loop3A_1229 {strides = array<i32>} : memref<51200xf32, #tpu.memory_space<vmem>>, vector<16xf32>,
          %parallel_loop3A_1230 = arith.constant 96 : i32
          %parallel_loop3A_1231 = arith.addi %parallel_loop3A_813, %parallel_loop3A_1230 : i32
          %parallel_loop3A_1232 = arith.index_cast %parallel_loop3A_1231 : i32 to index
          %parallel_loop3A_1233 = tpu.vector_load %arg8[%parallel_loop3A_1232] {strides = array<i32>} : memref<51200xf32, #tpu.memory_space<vmem>>, vector<16xf32>,
          %parallel_loop3A_1234 = vector.shape_cast %parallel_loop3A_1233 : vector<16xf32> to vector<16xf32>
          %parallel_loop3A_1235 = vector.shape_cast %parallel_loop3A_900 : vector<16xf32> to vector<16xf32>
          tpu.vector_store %arg8[%parallel_loop3A_1232], %parallel_loop3A_1235 {strides = array<i32>} : memref<51200xf32, #tpu.memory_space<vmem>>, vector<16xf32>,
          %parallel_loop3A_1236 = arith.constant 112 : i32
          %parallel_loop3A_1237 = arith.addi %parallel_loop3A_813, %parallel_loop3A_1236 : i32
          %parallel_loop3A_1238 = arith.index_cast %parallel_loop3A_1237 : i32 to index
          %parallel_loop3A_1239 = tpu.vector_load %arg8[%parallel_loop3A_1238] {strides = array<i32>} : memref<51200xf32, #tpu.memory_space<vmem>>, vector<16xf32>,
          %parallel_loop3A_1240 = vector.shape_cast %parallel_loop3A_1239 : vector<16xf32> to vector<16xf32>
          %parallel_loop3A_1241 = vector.shape_cast %parallel_loop3A_905 : vector<16xf32> to vector<16xf32>
          tpu.vector_store %arg8[%parallel_loop3A_1238], %parallel_loop3A_1241 {strides = array<i32>} : memref<51200xf32, #tpu.memory_space<vmem>>, vector<16xf32>,
          %parallel_loop3A_1242 = arith.constant 0 : i32
          %parallel_loop3A_1243 = arith.addi %parallel_loop3A_815, %parallel_loop3A_1242 : i32
          %parallel_loop3A_1244 = arith.index_cast %parallel_loop3A_1243 : i32 to index
          %parallel_loop3A_1245 = tpu.vector_load %arg8[%parallel_loop3A_1244] {strides = array<i32>} : memref<51200xf32, #tpu.memory_space<vmem>>, vector<16xf32>,
          %parallel_loop3A_1246 = vector.shape_cast %parallel_loop3A_1245 : vector<16xf32> to vector<16xf32>
          %parallel_loop3A_1247 = vector.shape_cast %parallel_loop3A_910 : vector<16xf32> to vector<16xf32>
          tpu.vector_store %arg8[%parallel_loop3A_1244], %parallel_loop3A_1247 {strides = array<i32>} : memref<51200xf32, #tpu.memory_space<vmem>>, vector<16xf32>,
          %parallel_loop3A_1248 = arith.constant 16 : i32
          %parallel_loop3A_1249 = arith.addi %parallel_loop3A_815, %parallel_loop3A_1248 : i32
          %parallel_loop3A_1250 = arith.index_cast %parallel_loop3A_1249 : i32 to index
          %parallel_loop3A_1251 = tpu.vector_load %arg8[%parallel_loop3A_1250] {strides = array<i32>} : memref<51200xf32, #tpu.memory_space<vmem>>, vector<16xf32>,
          %parallel_loop3A_1252 = vector.shape_cast %parallel_loop3A_1251 : vector<16xf32> to vector<16xf32>
          %parallel_loop3A_1253 = vector.shape_cast %parallel_loop3A_915 : vector<16xf32> to vector<16xf32>
          tpu.vector_store %arg8[%parallel_loop3A_1250], %parallel_loop3A_1253 {strides = array<i32>} : memref<51200xf32, #tpu.memory_space<vmem>>, vector<16xf32>,
          %parallel_loop3A_1254 = arith.constant 32 : i32
          %parallel_loop3A_1255 = arith.addi %parallel_loop3A_815, %parallel_loop3A_1254 : i32
          %parallel_loop3A_1256 = arith.index_cast %parallel_loop3A_1255 : i32 to index
          %parallel_loop3A_1257 = tpu.vector_load %arg8[%parallel_loop3A_1256] {strides = array<i32>} : memref<51200xf32, #tpu.memory_space<vmem>>, vector<16xf32>,
          %parallel_loop3A_1258 = vector.shape_cast %parallel_loop3A_1257 : vector<16xf32> to vector<16xf32>
          %parallel_loop3A_1259 = vector.shape_cast %parallel_loop3A_920 : vector<16xf32> to vector<16xf32>
          tpu.vector_store %arg8[%parallel_loop3A_1256], %parallel_loop3A_1259 {strides = array<i32>} : memref<51200xf32, #tpu.memory_space<vmem>>, vector<16xf32>,
          %parallel_loop3A_1260 = arith.constant 48 : i32
          %parallel_loop3A_1261 = arith.addi %parallel_loop3A_815, %parallel_loop3A_1260 : i32
          %parallel_loop3A_1262 = arith.index_cast %parallel_loop3A_1261 : i32 to index
          %parallel_loop3A_1263 = tpu.vector_load %arg8[%parallel_loop3A_1262] {strides = array<i32>} : memref<51200xf32, #tpu.memory_space<vmem>>, vector<16xf32>,
          %parallel_loop3A_1264 = vector.shape_cast %parallel_loop3A_1263 : vector<16xf32> to vector<16xf32>
          %parallel_loop3A_1265 = vector.shape_cast %parallel_loop3A_925 : vector<16xf32> to vector<16xf32>
          tpu.vector_store %arg8[%parallel_loop3A_1262], %parallel_loop3A_1265 {strides = array<i32>} : memref<51200xf32, #tpu.memory_space<vmem>>, vector<16xf32>,
          %parallel_loop3A_1266 = arith.constant 64 : i32
          %parallel_loop3A_1267 = arith.addi %parallel_loop3A_815, %parallel_loop3A_1266 : i32
          %parallel_loop3A_1268 = arith.index_cast %parallel_loop3A_1267 : i32 to index
          %parallel_loop3A_1269 = tpu.vector_load %arg8[%parallel_loop3A_1268] {strides = array<i32>} : memref<51200xf32, #tpu.memory_space<vmem>>, vector<16xf32>,
          %parallel_loop3A_1270 = vector.shape_cast %parallel_loop3A_1269 : vector<16xf32> to vector<16xf32>
          %parallel_loop3A_1271 = vector.shape_cast %parallel_loop3A_930 : vector<16xf32> to vector<16xf32>
          tpu.vector_store %arg8[%parallel_loop3A_1268], %parallel_loop3A_1271 {strides = array<i32>} : memref<51200xf32, #tpu.memory_space<vmem>>, vector<16xf32>,
          %parallel_loop3A_1272 = arith.constant 80 : i32
          %parallel_loop3A_1273 = arith.addi %parallel_loop3A_815, %parallel_loop3A_1272 : i32
          %parallel_loop3A_1274 = arith.index_cast %parallel_loop3A_1273 : i32 to index
          %parallel_loop3A_1275 = tpu.vector_load %arg8[%parallel_loop3A_1274] {strides = array<i32>} : memref<51200xf32, #tpu.memory_space<vmem>>, vector<16xf32>,
          %parallel_loop3A_1276 = vector.shape_cast %parallel_loop3A_1275 : vector<16xf32> to vector<16xf32>
          %parallel_loop3A_1277 = vector.shape_cast %parallel_loop3A_935 : vector<16xf32> to vector<16xf32>
          tpu.vector_store %arg8[%parallel_loop3A_1274], %parallel_loop3A_1277 {strides = array<i32>} : memref<51200xf32, #tpu.memory_space<vmem>>, vector<16xf32>,
          %parallel_loop3A_1278 = arith.constant 96 : i32
          %parallel_loop3A_1279 = arith.addi %parallel_loop3A_815, %parallel_loop3A_1278 : i32
          %parallel_loop3A_1280 = arith.index_cast %parallel_loop3A_1279 : i32 to index
          %parallel_loop3A_1281 = tpu.vector_load %arg8[%parallel_loop3A_1280] {strides = array<i32>} : memref<51200xf32, #tpu.memory_space<vmem>>, vector<16xf32>,
          %parallel_loop3A_1282 = vector.shape_cast %parallel_loop3A_1281 : vector<16xf32> to vector<16xf32>
          %parallel_loop3A_1283 = vector.shape_cast %parallel_loop3A_940 : vector<16xf32> to vector<16xf32>
          tpu.vector_store %arg8[%parallel_loop3A_1280], %parallel_loop3A_1283 {strides = array<i32>} : memref<51200xf32, #tpu.memory_space<vmem>>, vector<16xf32>,
          %parallel_loop3A_1284 = arith.constant 112 : i32
          %parallel_loop3A_1285 = arith.addi %parallel_loop3A_815, %parallel_loop3A_1284 : i32
          %parallel_loop3A_1286 = arith.index_cast %parallel_loop3A_1285 : i32 to index
          %parallel_loop3A_1287 = tpu.vector_load %arg8[%parallel_loop3A_1286] {strides = array<i32>} : memref<51200xf32, #tpu.memory_space<vmem>>, vector<16xf32>,
          %parallel_loop3A_1288 = vector.shape_cast %parallel_loop3A_1287 : vector<16xf32> to vector<16xf32>
          %parallel_loop3A_1289 = vector.shape_cast %parallel_loop3A_945 : vector<16xf32> to vector<16xf32>
          tpu.vector_store %arg8[%parallel_loop3A_1286], %parallel_loop3A_1289 {strides = array<i32>} : memref<51200xf32, #tpu.memory_space<vmem>>, vector<16xf32>,
          %parallel_loop3A_1290 = arith.constant 0 : i32
          %parallel_loop3A_1291 = arith.addi %parallel_loop3A_817, %parallel_loop3A_1290 : i32
          %parallel_loop3A_1292 = arith.index_cast %parallel_loop3A_1291 : i32 to index
          %parallel_loop3A_1293 = tpu.vector_load %arg8[%parallel_loop3A_1292] {strides = array<i32>} : memref<51200xf32, #tpu.memory_space<vmem>>, vector<16xf32>,
          %parallel_loop3A_1294 = vector.shape_cast %parallel_loop3A_1293 : vector<16xf32> to vector<16xf32>
          %parallel_loop3A_1295 = vector.shape_cast %parallel_loop3A_950 : vector<16xf32> to vector<16xf32>
          tpu.vector_store %arg8[%parallel_loop3A_1292], %parallel_loop3A_1295 {strides = array<i32>} : memref<51200xf32, #tpu.memory_space<vmem>>, vector<16xf32>,
          %parallel_loop3A_1296 = arith.constant 16 : i32
          %parallel_loop3A_1297 = arith.addi %parallel_loop3A_817, %parallel_loop3A_1296 : i32
          %parallel_loop3A_1298 = arith.index_cast %parallel_loop3A_1297 : i32 to index
          %parallel_loop3A_1299 = tpu.vector_load %arg8[%parallel_loop3A_1298] {strides = array<i32>} : memref<51200xf32, #tpu.memory_space<vmem>>, vector<16xf32>,
          %parallel_loop3A_1300 = vector.shape_cast %parallel_loop3A_1299 : vector<16xf32> to vector<16xf32>
          %parallel_loop3A_1301 = vector.shape_cast %parallel_loop3A_955 : vector<16xf32> to vector<16xf32>
          tpu.vector_store %arg8[%parallel_loop3A_1298], %parallel_loop3A_1301 {strides = array<i32>} : memref<51200xf32, #tpu.memory_space<vmem>>, vector<16xf32>,
          %parallel_loop3A_1302 = arith.constant 32 : i32
          %parallel_loop3A_1303 = arith.addi %parallel_loop3A_817, %parallel_loop3A_1302 : i32
          %parallel_loop3A_1304 = arith.index_cast %parallel_loop3A_1303 : i32 to index
          %parallel_loop3A_1305 = tpu.vector_load %arg8[%parallel_loop3A_1304] {strides = array<i32>} : memref<51200xf32, #tpu.memory_space<vmem>>, vector<16xf32>,
          %parallel_loop3A_1306 = vector.shape_cast %parallel_loop3A_1305 : vector<16xf32> to vector<16xf32>
          %parallel_loop3A_1307 = vector.shape_cast %parallel_loop3A_960 : vector<16xf32> to vector<16xf32>
          tpu.vector_store %arg8[%parallel_loop3A_1304], %parallel_loop3A_1307 {strides = array<i32>} : memref<51200xf32, #tpu.memory_space<vmem>>, vector<16xf32>,
          %parallel_loop3A_1308 = arith.constant 48 : i32
          %parallel_loop3A_1309 = arith.addi %parallel_loop3A_817, %parallel_loop3A_1308 : i32
          %parallel_loop3A_1310 = arith.index_cast %parallel_loop3A_1309 : i32 to index
          %parallel_loop3A_1311 = tpu.vector_load %arg8[%parallel_loop3A_1310] {strides = array<i32>} : memref<51200xf32, #tpu.memory_space<vmem>>, vector<16xf32>,
          %parallel_loop3A_1312 = vector.shape_cast %parallel_loop3A_1311 : vector<16xf32> to vector<16xf32>
          %parallel_loop3A_1313 = vector.shape_cast %parallel_loop3A_965 : vector<16xf32> to vector<16xf32>
          tpu.vector_store %arg8[%parallel_loop3A_1310], %parallel_loop3A_1313 {strides = array<i32>} : memref<51200xf32, #tpu.memory_space<vmem>>, vector<16xf32>,
          %parallel_loop3A_1314 = arith.constant 64 : i32
          %parallel_loop3A_1315 = arith.addi %parallel_loop3A_817, %parallel_loop3A_1314 : i32
          %parallel_loop3A_1316 = arith.index_cast %parallel_loop3A_1315 : i32 to index
          %parallel_loop3A_1317 = tpu.vector_load %arg8[%parallel_loop3A_1316] {strides = array<i32>} : memref<51200xf32, #tpu.memory_space<vmem>>, vector<16xf32>,
          %parallel_loop3A_1318 = vector.shape_cast %parallel_loop3A_1317 : vector<16xf32> to vector<16xf32>
          %parallel_loop3A_1319 = vector.shape_cast %parallel_loop3A_970 : vector<16xf32> to vector<16xf32>
          tpu.vector_store %arg8[%parallel_loop3A_1316], %parallel_loop3A_1319 {strides = array<i32>} : memref<51200xf32, #tpu.memory_space<vmem>>, vector<16xf32>,
          %parallel_loop3A_1320 = arith.constant 80 : i32
          %parallel_loop3A_1321 = arith.addi %parallel_loop3A_817, %parallel_loop3A_1320 : i32
          %parallel_loop3A_1322 = arith.index_cast %parallel_loop3A_1321 : i32 to index
          %parallel_loop3A_1323 = tpu.vector_load %arg8[%parallel_loop3A_1322] {strides = array<i32>} : memref<51200xf32, #tpu.memory_space<vmem>>, vector<16xf32>,
          %parallel_loop3A_1324 = vector.shape_cast %parallel_loop3A_1323 : vector<16xf32> to vector<16xf32>
          %parallel_loop3A_1325 = vector.shape_cast %parallel_loop3A_975 : vector<16xf32> to vector<16xf32>
          tpu.vector_store %arg8[%parallel_loop3A_1322], %parallel_loop3A_1325 {strides = array<i32>} : memref<51200xf32, #tpu.memory_space<vmem>>, vector<16xf32>,
          %parallel_loop3A_1326 = arith.constant 96 : i32
          %parallel_loop3A_1327 = arith.addi %parallel_loop3A_817, %parallel_loop3A_1326 : i32
          %parallel_loop3A_1328 = arith.index_cast %parallel_loop3A_1327 : i32 to index
          %parallel_loop3A_1329 = tpu.vector_load %arg8[%parallel_loop3A_1328] {strides = array<i32>} : memref<51200xf32, #tpu.memory_space<vmem>>, vector<16xf32>,
          %parallel_loop3A_1330 = vector.shape_cast %parallel_loop3A_1329 : vector<16xf32> to vector<16xf32>
          %parallel_loop3A_1331 = vector.shape_cast %parallel_loop3A_980 : vector<16xf32> to vector<16xf32>
          tpu.vector_store %arg8[%parallel_loop3A_1328], %parallel_loop3A_1331 {strides = array<i32>} : memref<51200xf32, #tpu.memory_space<vmem>>, vector<16xf32>,
          %parallel_loop3A_1332 = arith.constant 112 : i32
          %parallel_loop3A_1333 = arith.addi %parallel_loop3A_817, %parallel_loop3A_1332 : i32
          %parallel_loop3A_1334 = arith.index_cast %parallel_loop3A_1333 : i32 to index
          %parallel_loop3A_1335 = tpu.vector_load %arg8[%parallel_loop3A_1334] {strides = array<i32>} : memref<51200xf32, #tpu.memory_space<vmem>>, vector<16xf32>,
          %parallel_loop3A_1336 = vector.shape_cast %parallel_loop3A_1335 : vector<16xf32> to vector<16xf32>
          %parallel_loop3A_1337 = vector.shape_cast %parallel_loop3A_985 : vector<16xf32> to vector<16xf32>
          tpu.vector_store %arg8[%parallel_loop3A_1334], %parallel_loop3A_1337 {strides = array<i32>} : memref<51200xf32, #tpu.memory_space<vmem>>, vector<16xf32>,
          %parallel_loop3A_1338 = arith.constant 0 : i32
          %parallel_loop3A_1339 = arith.addi %parallel_loop3A_819, %parallel_loop3A_1338 : i32
          %parallel_loop3A_1340 = arith.index_cast %parallel_loop3A_1339 : i32 to index
          %parallel_loop3A_1341 = tpu.vector_load %arg8[%parallel_loop3A_1340] {strides = array<i32>} : memref<51200xf32, #tpu.memory_space<vmem>>, vector<16xf32>,
          %parallel_loop3A_1342 = vector.shape_cast %parallel_loop3A_1341 : vector<16xf32> to vector<16xf32>
          %parallel_loop3A_1343 = vector.shape_cast %parallel_loop3A_990 : vector<16xf32> to vector<16xf32>
          tpu.vector_store %arg8[%parallel_loop3A_1340], %parallel_loop3A_1343 {strides = array<i32>} : memref<51200xf32, #tpu.memory_space<vmem>>, vector<16xf32>,
          %parallel_loop3A_1344 = arith.constant 16 : i32
          %parallel_loop3A_1345 = arith.addi %parallel_loop3A_819, %parallel_loop3A_1344 : i32
          %parallel_loop3A_1346 = arith.index_cast %parallel_loop3A_1345 : i32 to index
          %parallel_loop3A_1347 = tpu.vector_load %arg8[%parallel_loop3A_1346] {strides = array<i32>} : memref<51200xf32, #tpu.memory_space<vmem>>, vector<16xf32>,
          %parallel_loop3A_1348 = vector.shape_cast %parallel_loop3A_1347 : vector<16xf32> to vector<16xf32>
          %parallel_loop3A_1349 = vector.shape_cast %parallel_loop3A_995 : vector<16xf32> to vector<16xf32>
          tpu.vector_store %arg8[%parallel_loop3A_1346], %parallel_loop3A_1349 {strides = array<i32>} : memref<51200xf32, #tpu.memory_space<vmem>>, vector<16xf32>,
          %parallel_loop3A_1350 = arith.constant 32 : i32
          %parallel_loop3A_1351 = arith.addi %parallel_loop3A_819, %parallel_loop3A_1350 : i32
          %parallel_loop3A_1352 = arith.index_cast %parallel_loop3A_1351 : i32 to index
          %parallel_loop3A_1353 = tpu.vector_load %arg8[%parallel_loop3A_1352] {strides = array<i32>} : memref<51200xf32, #tpu.memory_space<vmem>>, vector<16xf32>,
          %parallel_loop3A_1354 = vector.shape_cast %parallel_loop3A_1353 : vector<16xf32> to vector<16xf32>
          %parallel_loop3A_1355 = vector.shape_cast %parallel_loop3A_1000 : vector<16xf32> to vector<16xf32>
          tpu.vector_store %arg8[%parallel_loop3A_1352], %parallel_loop3A_1355 {strides = array<i32>} : memref<51200xf32, #tpu.memory_space<vmem>>, vector<16xf32>,
          %parallel_loop3A_1356 = arith.constant 48 : i32
          %parallel_loop3A_1357 = arith.addi %parallel_loop3A_819, %parallel_loop3A_1356 : i32
          %parallel_loop3A_1358 = arith.index_cast %parallel_loop3A_1357 : i32 to index
          %parallel_loop3A_1359 = tpu.vector_load %arg8[%parallel_loop3A_1358] {strides = array<i32>} : memref<51200xf32, #tpu.memory_space<vmem>>, vector<16xf32>,
          %parallel_loop3A_1360 = vector.shape_cast %parallel_loop3A_1359 : vector<16xf32> to vector<16xf32>
          %parallel_loop3A_1361 = vector.shape_cast %parallel_loop3A_1005 : vector<16xf32> to vector<16xf32>
          tpu.vector_store %arg8[%parallel_loop3A_1358], %parallel_loop3A_1361 {strides = array<i32>} : memref<51200xf32, #tpu.memory_space<vmem>>, vector<16xf32>,
          %parallel_loop3A_1362 = arith.constant 64 : i32
          %parallel_loop3A_1363 = arith.addi %parallel_loop3A_819, %parallel_loop3A_1362 : i32
          %parallel_loop3A_1364 = arith.index_cast %parallel_loop3A_1363 : i32 to index
          %parallel_loop3A_1365 = tpu.vector_load %arg8[%parallel_loop3A_1364] {strides = array<i32>} : memref<51200xf32, #tpu.memory_space<vmem>>, vector<16xf32>,
          %parallel_loop3A_1366 = vector.shape_cast %parallel_loop3A_1365 : vector<16xf32> to vector<16xf32>
          %parallel_loop3A_1367 = vector.shape_cast %parallel_loop3A_1010 : vector<16xf32> to vector<16xf32>
          tpu.vector_store %arg8[%parallel_loop3A_1364], %parallel_loop3A_1367 {strides = array<i32>} : memref<51200xf32, #tpu.memory_space<vmem>>, vector<16xf32>,
          %parallel_loop3A_1368 = arith.constant 80 : i32
          %parallel_loop3A_1369 = arith.addi %parallel_loop3A_819, %parallel_loop3A_1368 : i32
          %parallel_loop3A_1370 = arith.index_cast %parallel_loop3A_1369 : i32 to index
          %parallel_loop3A_1371 = tpu.vector_load %arg8[%parallel_loop3A_1370] {strides = array<i32>} : memref<51200xf32, #tpu.memory_space<vmem>>, vector<16xf32>,
          %parallel_loop3A_1372 = vector.shape_cast %parallel_loop3A_1371 : vector<16xf32> to vector<16xf32>
          %parallel_loop3A_1373 = vector.shape_cast %parallel_loop3A_1015 : vector<16xf32> to vector<16xf32>
          tpu.vector_store %arg8[%parallel_loop3A_1370], %parallel_loop3A_1373 {strides = array<i32>} : memref<51200xf32, #tpu.memory_space<vmem>>, vector<16xf32>,
          %parallel_loop3A_1374 = arith.constant 96 : i32
          %parallel_loop3A_1375 = arith.addi %parallel_loop3A_819, %parallel_loop3A_1374 : i32
          %parallel_loop3A_1376 = arith.index_cast %parallel_loop3A_1375 : i32 to index
          %parallel_loop3A_1377 = tpu.vector_load %arg8[%parallel_loop3A_1376] {strides = array<i32>} : memref<51200xf32, #tpu.memory_space<vmem>>, vector<16xf32>,
          %parallel_loop3A_1378 = vector.shape_cast %parallel_loop3A_1377 : vector<16xf32> to vector<16xf32>
          %parallel_loop3A_1379 = vector.shape_cast %parallel_loop3A_1020 : vector<16xf32> to vector<16xf32>
          tpu.vector_store %arg8[%parallel_loop3A_1376], %parallel_loop3A_1379 {strides = array<i32>} : memref<51200xf32, #tpu.memory_space<vmem>>, vector<16xf32>,
          %parallel_loop3A_1380 = arith.constant 112 : i32
          %parallel_loop3A_1381 = arith.addi %parallel_loop3A_819, %parallel_loop3A_1380 : i32
          %parallel_loop3A_1382 = arith.index_cast %parallel_loop3A_1381 : i32 to index
          %parallel_loop3A_1383 = tpu.vector_load %arg8[%parallel_loop3A_1382] {strides = array<i32>} : memref<51200xf32, #tpu.memory_space<vmem>>, vector<16xf32>,
          %parallel_loop3A_1384 = vector.shape_cast %parallel_loop3A_1383 : vector<16xf32> to vector<16xf32>
          %parallel_loop3A_1385 = vector.shape_cast %parallel_loop3A_1025 : vector<16xf32> to vector<16xf32>
          tpu.vector_store %arg8[%parallel_loop3A_1382], %parallel_loop3A_1385 {strides = array<i32>} : memref<51200xf32, #tpu.memory_space<vmem>>, vector<16xf32>,
          %parallel_loop3A_1386 = arith.constant 0 : i32
          %parallel_loop3A_1387 = arith.addi %parallel_loop3A_821, %parallel_loop3A_1386 : i32
          %parallel_loop3A_1388 = arith.index_cast %parallel_loop3A_1387 : i32 to index
          %parallel_loop3A_1389 = tpu.vector_load %arg8[%parallel_loop3A_1388] {strides = array<i32>} : memref<51200xf32, #tpu.memory_space<vmem>>, vector<16xf32>,
          %parallel_loop3A_1390 = vector.shape_cast %parallel_loop3A_1389 : vector<16xf32> to vector<16xf32>
          %parallel_loop3A_1391 = vector.shape_cast %parallel_loop3A_1030 : vector<16xf32> to vector<16xf32>
          tpu.vector_store %arg8[%parallel_loop3A_1388], %parallel_loop3A_1391 {strides = array<i32>} : memref<51200xf32, #tpu.memory_space<vmem>>, vector<16xf32>,
          %parallel_loop3A_1392 = arith.constant 16 : i32
          %parallel_loop3A_1393 = arith.addi %parallel_loop3A_821, %parallel_loop3A_1392 : i32
          %parallel_loop3A_1394 = arith.index_cast %parallel_loop3A_1393 : i32 to index
          %parallel_loop3A_1395 = tpu.vector_load %arg8[%parallel_loop3A_1394] {strides = array<i32>} : memref<51200xf32, #tpu.memory_space<vmem>>, vector<16xf32>,
          %parallel_loop3A_1396 = vector.shape_cast %parallel_loop3A_1395 : vector<16xf32> to vector<16xf32>
          %parallel_loop3A_1397 = vector.shape_cast %parallel_loop3A_1035 : vector<16xf32> to vector<16xf32>
          tpu.vector_store %arg8[%parallel_loop3A_1394], %parallel_loop3A_1397 {strides = array<i32>} : memref<51200xf32, #tpu.memory_space<vmem>>, vector<16xf32>,
          %parallel_loop3A_1398 = arith.constant 32 : i32
          %parallel_loop3A_1399 = arith.addi %parallel_loop3A_821, %parallel_loop3A_1398 : i32
          %parallel_loop3A_1400 = arith.index_cast %parallel_loop3A_1399 : i32 to index
          %parallel_loop3A_1401 = tpu.vector_load %arg8[%parallel_loop3A_1400] {strides = array<i32>} : memref<51200xf32, #tpu.memory_space<vmem>>, vector<16xf32>,
          %parallel_loop3A_1402 = vector.shape_cast %parallel_loop3A_1401 : vector<16xf32> to vector<16xf32>
          %parallel_loop3A_1403 = vector.shape_cast %parallel_loop3A_1040 : vector<16xf32> to vector<16xf32>
          tpu.vector_store %arg8[%parallel_loop3A_1400], %parallel_loop3A_1403 {strides = array<i32>} : memref<51200xf32, #tpu.memory_space<vmem>>, vector<16xf32>,
          %parallel_loop3A_1404 = arith.constant 48 : i32
          %parallel_loop3A_1405 = arith.addi %parallel_loop3A_821, %parallel_loop3A_1404 : i32
          %parallel_loop3A_1406 = arith.index_cast %parallel_loop3A_1405 : i32 to index
          %parallel_loop3A_1407 = tpu.vector_load %arg8[%parallel_loop3A_1406] {strides = array<i32>} : memref<51200xf32, #tpu.memory_space<vmem>>, vector<16xf32>,
          %parallel_loop3A_1408 = vector.shape_cast %parallel_loop3A_1407 : vector<16xf32> to vector<16xf32>
          %parallel_loop3A_1409 = vector.shape_cast %parallel_loop3A_1045 : vector<16xf32> to vector<16xf32>
          tpu.vector_store %arg8[%parallel_loop3A_1406], %parallel_loop3A_1409 {strides = array<i32>} : memref<51200xf32, #tpu.memory_space<vmem>>, vector<16xf32>,
          %parallel_loop3A_1410 = arith.constant 64 : i32
          %parallel_loop3A_1411 = arith.addi %parallel_loop3A_821, %parallel_loop3A_1410 : i32
          %parallel_loop3A_1412 = arith.index_cast %parallel_loop3A_1411 : i32 to index
          %parallel_loop3A_1413 = tpu.vector_load %arg8[%parallel_loop3A_1412] {strides = array<i32>} : memref<51200xf32, #tpu.memory_space<vmem>>, vector<16xf32>,
          %parallel_loop3A_1414 = vector.shape_cast %parallel_loop3A_1413 : vector<16xf32> to vector<16xf32>
          %parallel_loop3A_1415 = vector.shape_cast %parallel_loop3A_1050 : vector<16xf32> to vector<16xf32>
          tpu.vector_store %arg8[%parallel_loop3A_1412], %parallel_loop3A_1415 {strides = array<i32>} : memref<51200xf32, #tpu.memory_space<vmem>>, vector<16xf32>,
          %parallel_loop3A_1416 = arith.constant 80 : i32
          %parallel_loop3A_1417 = arith.addi %parallel_loop3A_821, %parallel_loop3A_1416 : i32
          %parallel_loop3A_1418 = arith.index_cast %parallel_loop3A_1417 : i32 to index
          %parallel_loop3A_1419 = tpu.vector_load %arg8[%parallel_loop3A_1418] {strides = array<i32>} : memref<51200xf32, #tpu.memory_space<vmem>>, vector<16xf32>,
          %parallel_loop3A_1420 = vector.shape_cast %parallel_loop3A_1419 : vector<16xf32> to vector<16xf32>
          %parallel_loop3A_1421 = vector.shape_cast %parallel_loop3A_1055 : vector<16xf32> to vector<16xf32>
          tpu.vector_store %arg8[%parallel_loop3A_1418], %parallel_loop3A_1421 {strides = array<i32>} : memref<51200xf32, #tpu.memory_space<vmem>>, vector<16xf32>,
          %parallel_loop3A_1422 = arith.constant 96 : i32
          %parallel_loop3A_1423 = arith.addi %parallel_loop3A_821, %parallel_loop3A_1422 : i32
          %parallel_loop3A_1424 = arith.index_cast %parallel_loop3A_1423 : i32 to index
          %parallel_loop3A_1425 = tpu.vector_load %arg8[%parallel_loop3A_1424] {strides = array<i32>} : memref<51200xf32, #tpu.memory_space<vmem>>, vector<16xf32>,
          %parallel_loop3A_1426 = vector.shape_cast %parallel_loop3A_1425 : vector<16xf32> to vector<16xf32>
          %parallel_loop3A_1427 = vector.shape_cast %parallel_loop3A_1060 : vector<16xf32> to vector<16xf32>
          tpu.vector_store %arg8[%parallel_loop3A_1424], %parallel_loop3A_1427 {strides = array<i32>} : memref<51200xf32, #tpu.memory_space<vmem>>, vector<16xf32>,
          %parallel_loop3A_1428 = arith.constant 112 : i32
          %parallel_loop3A_1429 = arith.addi %parallel_loop3A_821, %parallel_loop3A_1428 : i32
          %parallel_loop3A_1430 = arith.index_cast %parallel_loop3A_1429 : i32 to index
          %parallel_loop3A_1431 = tpu.vector_load %arg8[%parallel_loop3A_1430] {strides = array<i32>} : memref<51200xf32, #tpu.memory_space<vmem>>, vector<16xf32>,
          %parallel_loop3A_1432 = vector.shape_cast %parallel_loop3A_1431 : vector<16xf32> to vector<16xf32>
          %parallel_loop3A_1433 = vector.shape_cast %parallel_loop3A_1065 : vector<16xf32> to vector<16xf32>
          tpu.vector_store %arg8[%parallel_loop3A_1430], %parallel_loop3A_1433 {strides = array<i32>} : memref<51200xf32, #tpu.memory_space<vmem>>, vector<16xf32>,
          %parallel_loop3A_1434 = arith.constant 0 : i32
          %parallel_loop3A_1435 = arith.addi %parallel_loop3A_823, %parallel_loop3A_1434 : i32
          %parallel_loop3A_1436 = arith.index_cast %parallel_loop3A_1435 : i32 to index
          %parallel_loop3A_1437 = tpu.vector_load %arg8[%parallel_loop3A_1436] {strides = array<i32>} : memref<51200xf32, #tpu.memory_space<vmem>>, vector<16xf32>,
          %parallel_loop3A_1438 = vector.shape_cast %parallel_loop3A_1437 : vector<16xf32> to vector<16xf32>
          %parallel_loop3A_1439 = vector.shape_cast %parallel_loop3A_1070 : vector<16xf32> to vector<16xf32>
          tpu.vector_store %arg8[%parallel_loop3A_1436], %parallel_loop3A_1439 {strides = array<i32>} : memref<51200xf32, #tpu.memory_space<vmem>>, vector<16xf32>,
          %parallel_loop3A_1440 = arith.constant 16 : i32
          %parallel_loop3A_1441 = arith.addi %parallel_loop3A_823, %parallel_loop3A_1440 : i32
          %parallel_loop3A_1442 = arith.index_cast %parallel_loop3A_1441 : i32 to index
          %parallel_loop3A_1443 = tpu.vector_load %arg8[%parallel_loop3A_1442] {strides = array<i32>} : memref<51200xf32, #tpu.memory_space<vmem>>, vector<16xf32>,
          %parallel_loop3A_1444 = vector.shape_cast %parallel_loop3A_1443 : vector<16xf32> to vector<16xf32>
          %parallel_loop3A_1445 = vector.shape_cast %parallel_loop3A_1075 : vector<16xf32> to vector<16xf32>
          tpu.vector_store %arg8[%parallel_loop3A_1442], %parallel_loop3A_1445 {strides = array<i32>} : memref<51200xf32, #tpu.memory_space<vmem>>, vector<16xf32>,
          %parallel_loop3A_1446 = arith.constant 32 : i32
          %parallel_loop3A_1447 = arith.addi %parallel_loop3A_823, %parallel_loop3A_1446 : i32
          %parallel_loop3A_1448 = arith.index_cast %parallel_loop3A_1447 : i32 to index
          %parallel_loop3A_1449 = tpu.vector_load %arg8[%parallel_loop3A_1448] {strides = array<i32>} : memref<51200xf32, #tpu.memory_space<vmem>>, vector<16xf32>,
          %parallel_loop3A_1450 = vector.shape_cast %parallel_loop3A_1449 : vector<16xf32> to vector<16xf32>
          %parallel_loop3A_1451 = vector.shape_cast %parallel_loop3A_1080 : vector<16xf32> to vector<16xf32>
          tpu.vector_store %arg8[%parallel_loop3A_1448], %parallel_loop3A_1451 {strides = array<i32>} : memref<51200xf32, #tpu.memory_space<vmem>>, vector<16xf32>,
          %parallel_loop3A_1452 = arith.constant 48 : i32
          %parallel_loop3A_1453 = arith.addi %parallel_loop3A_823, %parallel_loop3A_1452 : i32
          %parallel_loop3A_1454 = arith.index_cast %parallel_loop3A_1453 : i32 to index
          %parallel_loop3A_1455 = tpu.vector_load %arg8[%parallel_loop3A_1454] {strides = array<i32>} : memref<51200xf32, #tpu.memory_space<vmem>>, vector<16xf32>,
          %parallel_loop3A_1456 = vector.shape_cast %parallel_loop3A_1455 : vector<16xf32> to vector<16xf32>
          %parallel_loop3A_1457 = vector.shape_cast %parallel_loop3A_1085 : vector<16xf32> to vector<16xf32>
          tpu.vector_store %arg8[%parallel_loop3A_1454], %parallel_loop3A_1457 {strides = array<i32>} : memref<51200xf32, #tpu.memory_space<vmem>>, vector<16xf32>,
          %parallel_loop3A_1458 = arith.constant 64 : i32
          %parallel_loop3A_1459 = arith.addi %parallel_loop3A_823, %parallel_loop3A_1458 : i32
          %parallel_loop3A_1460 = arith.index_cast %parallel_loop3A_1459 : i32 to index
          %parallel_loop3A_1461 = tpu.vector_load %arg8[%parallel_loop3A_1460] {strides = array<i32>} : memref<51200xf32, #tpu.memory_space<vmem>>, vector<16xf32>,
          %parallel_loop3A_1462 = vector.shape_cast %parallel_loop3A_1461 : vector<16xf32> to vector<16xf32>
          %parallel_loop3A_1463 = vector.shape_cast %parallel_loop3A_1090 : vector<16xf32> to vector<16xf32>
          tpu.vector_store %arg8[%parallel_loop3A_1460], %parallel_loop3A_1463 {strides = array<i32>} : memref<51200xf32, #tpu.memory_space<vmem>>, vector<16xf32>,
          %parallel_loop3A_1464 = arith.constant 80 : i32
          %parallel_loop3A_1465 = arith.addi %parallel_loop3A_823, %parallel_loop3A_1464 : i32
          %parallel_loop3A_1466 = arith.index_cast %parallel_loop3A_1465 : i32 to index
          %parallel_loop3A_1467 = tpu.vector_load %arg8[%parallel_loop3A_1466] {strides = array<i32>} : memref<51200xf32, #tpu.memory_space<vmem>>, vector<16xf32>,
          %parallel_loop3A_1468 = vector.shape_cast %parallel_loop3A_1467 : vector<16xf32> to vector<16xf32>
          %parallel_loop3A_1469 = vector.shape_cast %parallel_loop3A_1095 : vector<16xf32> to vector<16xf32>
          tpu.vector_store %arg8[%parallel_loop3A_1466], %parallel_loop3A_1469 {strides = array<i32>} : memref<51200xf32, #tpu.memory_space<vmem>>, vector<16xf32>,
          %parallel_loop3A_1470 = arith.constant 96 : i32
          %parallel_loop3A_1471 = arith.addi %parallel_loop3A_823, %parallel_loop3A_1470 : i32
          %parallel_loop3A_1472 = arith.index_cast %parallel_loop3A_1471 : i32 to index
          %parallel_loop3A_1473 = tpu.vector_load %arg8[%parallel_loop3A_1472] {strides = array<i32>} : memref<51200xf32, #tpu.memory_space<vmem>>, vector<16xf32>,
          %parallel_loop3A_1474 = vector.shape_cast %parallel_loop3A_1473 : vector<16xf32> to vector<16xf32>
          %parallel_loop3A_1475 = vector.shape_cast %parallel_loop3A_1100 : vector<16xf32> to vector<16xf32>
          tpu.vector_store %arg8[%parallel_loop3A_1472], %parallel_loop3A_1475 {strides = array<i32>} : memref<51200xf32, #tpu.memory_space<vmem>>, vector<16xf32>,
          %parallel_loop3A_1476 = arith.constant 112 : i32
          %parallel_loop3A_1477 = arith.addi %parallel_loop3A_823, %parallel_loop3A_1476 : i32
          %parallel_loop3A_1478 = arith.index_cast %parallel_loop3A_1477 : i32 to index
          %parallel_loop3A_1479 = tpu.vector_load %arg8[%parallel_loop3A_1478] {strides = array<i32>} : memref<51200xf32, #tpu.memory_space<vmem>>, vector<16xf32>,
          %parallel_loop3A_1480 = vector.shape_cast %parallel_loop3A_1479 : vector<16xf32> to vector<16xf32>
          %parallel_loop3A_1481 = vector.shape_cast %parallel_loop3A_1105 : vector<16xf32> to vector<16xf32>
          tpu.vector_store %arg8[%parallel_loop3A_1478], %parallel_loop3A_1481 {strides = array<i32>} : memref<51200xf32, #tpu.memory_space<vmem>>, vector<16xf32>,
          %parallel_loop3A_1482 = arith.constant 0 : i32
          %parallel_loop3A_1483 = arith.addi %parallel_loop3A_825, %parallel_loop3A_1482 : i32
          %parallel_loop3A_1484 = arith.index_cast %parallel_loop3A_1483 : i32 to index
          %parallel_loop3A_1485 = tpu.vector_load %arg8[%parallel_loop3A_1484] {strides = array<i32>} : memref<51200xf32, #tpu.memory_space<vmem>>, vector<16xf32>,
          %parallel_loop3A_1486 = vector.shape_cast %parallel_loop3A_1485 : vector<16xf32> to vector<16xf32>
          %parallel_loop3A_1487 = vector.shape_cast %parallel_loop3A_1110 : vector<16xf32> to vector<16xf32>
          tpu.vector_store %arg8[%parallel_loop3A_1484], %parallel_loop3A_1487 {strides = array<i32>} : memref<51200xf32, #tpu.memory_space<vmem>>, vector<16xf32>,
          %parallel_loop3A_1488 = arith.constant 16 : i32
          %parallel_loop3A_1489 = arith.addi %parallel_loop3A_825, %parallel_loop3A_1488 : i32
          %parallel_loop3A_1490 = arith.index_cast %parallel_loop3A_1489 : i32 to index
          %parallel_loop3A_1491 = tpu.vector_load %arg8[%parallel_loop3A_1490] {strides = array<i32>} : memref<51200xf32, #tpu.memory_space<vmem>>, vector<16xf32>,
          %parallel_loop3A_1492 = vector.shape_cast %parallel_loop3A_1491 : vector<16xf32> to vector<16xf32>
          %parallel_loop3A_1493 = vector.shape_cast %parallel_loop3A_1115 : vector<16xf32> to vector<16xf32>
          tpu.vector_store %arg8[%parallel_loop3A_1490], %parallel_loop3A_1493 {strides = array<i32>} : memref<51200xf32, #tpu.memory_space<vmem>>, vector<16xf32>,
          %parallel_loop3A_1494 = arith.constant 32 : i32
          %parallel_loop3A_1495 = arith.addi %parallel_loop3A_825, %parallel_loop3A_1494 : i32
          %parallel_loop3A_1496 = arith.index_cast %parallel_loop3A_1495 : i32 to index
          %parallel_loop3A_1497 = tpu.vector_load %arg8[%parallel_loop3A_1496] {strides = array<i32>} : memref<51200xf32, #tpu.memory_space<vmem>>, vector<16xf32>,
          %parallel_loop3A_1498 = vector.shape_cast %parallel_loop3A_1497 : vector<16xf32> to vector<16xf32>
          %parallel_loop3A_1499 = vector.shape_cast %parallel_loop3A_1120 : vector<16xf32> to vector<16xf32>
          tpu.vector_store %arg8[%parallel_loop3A_1496], %parallel_loop3A_1499 {strides = array<i32>} : memref<51200xf32, #tpu.memory_space<vmem>>, vector<16xf32>,
          %parallel_loop3A_1500 = arith.constant 48 : i32
          %parallel_loop3A_1501 = arith.addi %parallel_loop3A_825, %parallel_loop3A_1500 : i32
          %parallel_loop3A_1502 = arith.index_cast %parallel_loop3A_1501 : i32 to index
          %parallel_loop3A_1503 = tpu.vector_load %arg8[%parallel_loop3A_1502] {strides = array<i32>} : memref<51200xf32, #tpu.memory_space<vmem>>, vector<16xf32>,
          %parallel_loop3A_1504 = vector.shape_cast %parallel_loop3A_1503 : vector<16xf32> to vector<16xf32>
          %parallel_loop3A_1505 = vector.shape_cast %parallel_loop3A_1125 : vector<16xf32> to vector<16xf32>
          tpu.vector_store %arg8[%parallel_loop3A_1502], %parallel_loop3A_1505 {strides = array<i32>} : memref<51200xf32, #tpu.memory_space<vmem>>, vector<16xf32>,
          %parallel_loop3A_1506 = arith.constant 64 : i32
          %parallel_loop3A_1507 = arith.addi %parallel_loop3A_825, %parallel_loop3A_1506 : i32
          %parallel_loop3A_1508 = arith.index_cast %parallel_loop3A_1507 : i32 to index
          %parallel_loop3A_1509 = tpu.vector_load %arg8[%parallel_loop3A_1508] {strides = array<i32>} : memref<51200xf32, #tpu.memory_space<vmem>>, vector<16xf32>,
          %parallel_loop3A_1510 = vector.shape_cast %parallel_loop3A_1509 : vector<16xf32> to vector<16xf32>
          %parallel_loop3A_1511 = vector.shape_cast %parallel_loop3A_1130 : vector<16xf32> to vector<16xf32>
          tpu.vector_store %arg8[%parallel_loop3A_1508], %parallel_loop3A_1511 {strides = array<i32>} : memref<51200xf32, #tpu.memory_space<vmem>>, vector<16xf32>,
          %parallel_loop3A_1512 = arith.constant 80 : i32
          %parallel_loop3A_1513 = arith.addi %parallel_loop3A_825, %parallel_loop3A_1512 : i32
          %parallel_loop3A_1514 = arith.index_cast %parallel_loop3A_1513 : i32 to index
          %parallel_loop3A_1515 = tpu.vector_load %arg8[%parallel_loop3A_1514] {strides = array<i32>} : memref<51200xf32, #tpu.memory_space<vmem>>, vector<16xf32>,
          %parallel_loop3A_1516 = vector.shape_cast %parallel_loop3A_1515 : vector<16xf32> to vector<16xf32>
          %parallel_loop3A_1517 = vector.shape_cast %parallel_loop3A_1135 : vector<16xf32> to vector<16xf32>
          tpu.vector_store %arg8[%parallel_loop3A_1514], %parallel_loop3A_1517 {strides = array<i32>} : memref<51200xf32, #tpu.memory_space<vmem>>, vector<16xf32>,
          %parallel_loop3A_1518 = arith.constant 96 : i32
          %parallel_loop3A_1519 = arith.addi %parallel_loop3A_825, %parallel_loop3A_1518 : i32
          %parallel_loop3A_1520 = arith.index_cast %parallel_loop3A_1519 : i32 to index
          %parallel_loop3A_1521 = tpu.vector_load %arg8[%parallel_loop3A_1520] {strides = array<i32>} : memref<51200xf32, #tpu.memory_space<vmem>>, vector<16xf32>,
          %parallel_loop3A_1522 = vector.shape_cast %parallel_loop3A_1521 : vector<16xf32> to vector<16xf32>
          %parallel_loop3A_1523 = vector.shape_cast %parallel_loop3A_1140 : vector<16xf32> to vector<16xf32>
          tpu.vector_store %arg8[%parallel_loop3A_1520], %parallel_loop3A_1523 {strides = array<i32>} : memref<51200xf32, #tpu.memory_space<vmem>>, vector<16xf32>,
          %parallel_loop3A_1524 = arith.constant 112 : i32
          %parallel_loop3A_1525 = arith.addi %parallel_loop3A_825, %parallel_loop3A_1524 : i32
          %parallel_loop3A_1526 = arith.index_cast %parallel_loop3A_1525 : i32 to index
          %parallel_loop3A_1527 = tpu.vector_load %arg8[%parallel_loop3A_1526] {strides = array<i32>} : memref<51200xf32, #tpu.memory_space<vmem>>, vector<16xf32>,
          %parallel_loop3A_1528 = vector.shape_cast %parallel_loop3A_1527 : vector<16xf32> to vector<16xf32>
          %parallel_loop3A_1529 = vector.shape_cast %parallel_loop3A_1145 : vector<16xf32> to vector<16xf32>
          tpu.vector_store %arg8[%parallel_loop3A_1526], %parallel_loop3A_1529 {strides = array<i32>} : memref<51200xf32, #tpu.memory_space<vmem>>, vector<16xf32>,
        } {sc.loop_unroll_factor = 2 : i64, sc.parallel_access}
        %mul3A_44 = arith.constant 128 : i32
        %mul3A_45 = arith.muli %add3A_29, %mul3A_44 : i32
        %dma_start3A_46 = tpu.memref_slice %arg4[%mul3A_45] : memref<40960000xf32, #tpu.memory_space<hbm>> -> memref<51200xf32, #tpu.memory_space<hbm>>
        %dma_start3A_47 = tpu.memref_slice %arg4[%mul3A_45] : memref<40960000xf32, #tpu.memory_space<hbm>> -> memref<51200xf32, #tpu.memory_space<hbm>>
        tpu.enqueue_dma source(%arg8 : memref<51200xf32, #tpu.memory_space<vmem>>) target(%dma_start3A_47 : memref<51200xf32, #tpu.memory_space<hbm>>) target_semaphore(%arg12 : memref<!tpu.dma_semaphore, #tpu.memory_space<semaphore_mem>>)
      } else {
      }
      %rem3A_20 = arith.constant 2 : i32
      %rem3A_21 = arith.remsi %scan3A_16, %rem3A_20 : i32
      %eq3A_22 = arith.constant 1 : i32
      %eq3A_23 = arith.cmpi eq, %rem3A_21, %eq3A_22 : i32
      %convert_element_type3A_24 = arith.extui %eq3A_23 : i1 to i32
      %cond3A_25 = arith.constant 0 : i32
      %cond3A_26 = arith.cmpi ne, %convert_element_type3A_24, %cond3A_25 : i32
      scf.if %cond3A_26 {
        %mul3A_27 = arith.constant 400 : i32
        %mul3A_28 = arith.muli %scan3A_16, %mul3A_27 : i32
        %add3A_29 = arith.addi %mul3A_2, %mul3A_28 : i32
        %dma_wait3A_30 = tpu.memref_slice %arg2[%add3A_29] : memref<320000xi32, #tpu.memory_space<hbm>> -> memref<400xi32, #tpu.memory_space<hbm>>
        %dma_wait3A_31 = tpu.memref_slice %arg2[%add3A_29] : memref<320000xi32, #tpu.memory_space<hbm>> -> memref<400xi32, #tpu.memory_space<hbm>>
        tpu.wait_dma2 semaphore(%arg11 : memref<!tpu.dma_semaphore, #tpu.memory_space<semaphore_mem>>) src(%dma_wait3A_31 : memref<400xi32, #tpu.memory_space<hbm>>) dst(%arg7 : memref<400xi32, #tpu.memory_space<vmem>>)
        %add3A_32 = arith.constant 1 : i32
        %add3A_33 = arith.addi %scan3A_16, %add3A_32 : i32
        %lt3A = arith.constant 25 : i32
        %lt3A_34 = arith.cmpi slt, %add3A_33, %lt3A : i32
        %convert_element_type3A_35 = arith.extui %lt3A_34 : i1 to i32
        %cond3A_36 = arith.constant 0 : i32
        %cond3A_37 = arith.cmpi ne, %convert_element_type3A_35, %cond3A_36 : i32
        scf.if %cond3A_37 {
          %add3A_48 = arith.constant 400 : i32
          %add3A_49 = arith.addi %add3A_29, %add3A_48 : i32
          %dma_start3A_50 = tpu.memref_slice %arg2[%add3A_49] : memref<320000xi32, #tpu.memory_space<hbm>> -> memref<400xi32, #tpu.memory_space<hbm>>
          %dma_start3A_51 = tpu.memref_slice %arg2[%add3A_49] : memref<320000xi32, #tpu.memory_space<hbm>> -> memref<400xi32, #tpu.memory_space<hbm>>
          tpu.enqueue_dma source(%dma_start3A_51 : memref<400xi32, #tpu.memory_space<hbm>>) target(%arg6 : memref<400xi32, #tpu.memory_space<vmem>>) target_semaphore(%arg10 : memref<!tpu.dma_semaphore, #tpu.memory_space<semaphore_mem>>)
        } else {
        }
        %ge3A = arith.constant 2 : i32
        %ge3A_38 = arith.cmpi sge, %scan3A_16, %ge3A : i32
        %convert_element_type3A_39 = arith.extui %ge3A_38 : i1 to i32
        %cond3A_40 = arith.constant 0 : i32
        %cond3A_41 = arith.cmpi ne, %convert_element_type3A_39, %cond3A_40 : i32
        scf.if %cond3A_41 {
          %mul3A_48 = arith.constant 128 : i32
          %mul3A_49 = arith.muli %add3A_29, %mul3A_48 : i32
          %dma_wait3A_50 = tpu.memref_slice %arg4[%mul3A_49] : memref<40960000xf32, #tpu.memory_space<hbm>> -> memref<51200xf32, #tpu.memory_space<hbm>>
          %dma_wait3A_51 = tpu.memref_slice %arg4[%mul3A_49] : memref<40960000xf32, #tpu.memory_space<hbm>> -> memref<51200xf32, #tpu.memory_space<hbm>>
          tpu.wait_dma2 semaphore(%arg13 : memref<!tpu.dma_semaphore, #tpu.memory_space<semaphore_mem>>) src(%arg9 : memref<51200xf32, #tpu.memory_space<vmem>>) dst(%dma_wait3A_51 : memref<51200xf32, #tpu.memory_space<hbm>>)
        } else {
        }
        %parallel_loop3A = arith.constant 0 : i32
        %parallel_loop3A_42 = arith.constant 25 : i32
        %parallel_loop3A_43 = arith.constant 1 : i32
        scf.for %parallel_loop3A_48 = %parallel_loop3A to %parallel_loop3A_42 step %parallel_loop3A_43  : i32 {
          %parallel_loop3A_49 = arith.constant 16 : i32
          %parallel_loop3A_50 = arith.muli %parallel_loop3A_48, %parallel_loop3A_49 : i32
          %parallel_loop3A_51 = arith.index_cast %parallel_loop3A_50 : i32 to index
          %parallel_loop3A_52 = tpu.vector_load %arg7[%parallel_loop3A_51] {strides = array<i32>} : memref<400xi32, #tpu.memory_space<vmem>>, vector<16xi32>,
          %parallel_loop3A_53 = vector.shape_cast %parallel_loop3A_52 : vector<16xi32> to vector<16xi32>
          %parallel_loop3A_54 = arith.constant 16 : i32
          %parallel_loop3A_55 = arith.muli %parallel_loop3A_48, %parallel_loop3A_54 : i32
          %parallel_loop3A_56 = arith.constant 128 : i32
          %parallel_loop3A_57 = arith.muli %parallel_loop3A_55, %parallel_loop3A_56 : i32
          %parallel_loop3A_58 = vector.extract_strided_slice %parallel_loop3A_53 {offsets = [0], sizes = [1], strides = [1]} : vector<16xi32> to vector<1xi32>
          %parallel_loop3A_59 = vector.extract %parallel_loop3A_58[0] : i32 from vector<1xi32>
          %parallel_loop3A_60 = vector.extract_strided_slice %parallel_loop3A_53 {offsets = [1], sizes = [1], strides = [1]} : vector<16xi32> to vector<1xi32>
          %parallel_loop3A_61 = vector.extract %parallel_loop3A_60[0] : i32 from vector<1xi32>
          %parallel_loop3A_62 = vector.extract_strided_slice %parallel_loop3A_53 {offsets = [2], sizes = [1], strides = [1]} : vector<16xi32> to vector<1xi32>
          %parallel_loop3A_63 = vector.extract %parallel_loop3A_62[0] : i32 from vector<1xi32>
          %parallel_loop3A_64 = vector.extract_strided_slice %parallel_loop3A_53 {offsets = [3], sizes = [1], strides = [1]} : vector<16xi32> to vector<1xi32>
          %parallel_loop3A_65 = vector.extract %parallel_loop3A_64[0] : i32 from vector<1xi32>
          %parallel_loop3A_66 = vector.extract_strided_slice %parallel_loop3A_53 {offsets = [4], sizes = [1], strides = [1]} : vector<16xi32> to vector<1xi32>
          %parallel_loop3A_67 = vector.extract %parallel_loop3A_66[0] : i32 from vector<1xi32>
          %parallel_loop3A_68 = vector.extract_strided_slice %parallel_loop3A_53 {offsets = [5], sizes = [1], strides = [1]} : vector<16xi32> to vector<1xi32>
          %parallel_loop3A_69 = vector.extract %parallel_loop3A_68[0] : i32 from vector<1xi32>
          %parallel_loop3A_70 = vector.extract_strided_slice %parallel_loop3A_53 {offsets = [6], sizes = [1], strides = [1]} : vector<16xi32> to vector<1xi32>
          %parallel_loop3A_71 = vector.extract %parallel_loop3A_70[0] : i32 from vector<1xi32>
          %parallel_loop3A_72 = vector.extract_strided_slice %parallel_loop3A_53 {offsets = [7], sizes = [1], strides = [1]} : vector<16xi32> to vector<1xi32>
          %parallel_loop3A_73 = vector.extract %parallel_loop3A_72[0] : i32 from vector<1xi32>
          %parallel_loop3A_74 = vector.extract_strided_slice %parallel_loop3A_53 {offsets = [8], sizes = [1], strides = [1]} : vector<16xi32> to vector<1xi32>
          %parallel_loop3A_75 = vector.extract %parallel_loop3A_74[0] : i32 from vector<1xi32>
          %parallel_loop3A_76 = vector.extract_strided_slice %parallel_loop3A_53 {offsets = [9], sizes = [1], strides = [1]} : vector<16xi32> to vector<1xi32>
          %parallel_loop3A_77 = vector.extract %parallel_loop3A_76[0] : i32 from vector<1xi32>
          %parallel_loop3A_78 = vector.extract_strided_slice %parallel_loop3A_53 {offsets = [10], sizes = [1], strides = [1]} : vector<16xi32> to vector<1xi32>
          %parallel_loop3A_79 = vector.extract %parallel_loop3A_78[0] : i32 from vector<1xi32>
          %parallel_loop3A_80 = vector.extract_strided_slice %parallel_loop3A_53 {offsets = [11], sizes = [1], strides = [1]} : vector<16xi32> to vector<1xi32>
          %parallel_loop3A_81 = vector.extract %parallel_loop3A_80[0] : i32 from vector<1xi32>
          %parallel_loop3A_82 = vector.extract_strided_slice %parallel_loop3A_53 {offsets = [12], sizes = [1], strides = [1]} : vector<16xi32> to vector<1xi32>
          %parallel_loop3A_83 = vector.extract %parallel_loop3A_82[0] : i32 from vector<1xi32>
          %parallel_loop3A_84 = vector.extract_strided_slice %parallel_loop3A_53 {offsets = [13], sizes = [1], strides = [1]} : vector<16xi32> to vector<1xi32>
          %parallel_loop3A_85 = vector.extract %parallel_loop3A_84[0] : i32 from vector<1xi32>
          %parallel_loop3A_86 = vector.extract_strided_slice %parallel_loop3A_53 {offsets = [14], sizes = [1], strides = [1]} : vector<16xi32> to vector<1xi32>
          %parallel_loop3A_87 = vector.extract %parallel_loop3A_86[0] : i32 from vector<1xi32>
          %parallel_loop3A_88 = vector.extract_strided_slice %parallel_loop3A_53 {offsets = [15], sizes = [1], strides = [1]} : vector<16xi32> to vector<1xi32>
          %parallel_loop3A_89 = vector.extract %parallel_loop3A_88[0] : i32 from vector<1xi32>
          %parallel_loop3A_90 = arith.constant 0 : i32
          %parallel_loop3A_91 = arith.addi %parallel_loop3A_57, %parallel_loop3A_90 : i32
          %parallel_loop3A_92 = arith.constant 128 : i32
          %parallel_loop3A_93 = arith.addi %parallel_loop3A_57, %parallel_loop3A_92 : i32
          %parallel_loop3A_94 = arith.constant 256 : i32
          %parallel_loop3A_95 = arith.addi %parallel_loop3A_57, %parallel_loop3A_94 : i32
          %parallel_loop3A_96 = arith.constant 384 : i32
          %parallel_loop3A_97 = arith.addi %parallel_loop3A_57, %parallel_loop3A_96 : i32
          %parallel_loop3A_98 = arith.constant 512 : i32
          %parallel_loop3A_99 = arith.addi %parallel_loop3A_57, %parallel_loop3A_98 : i32
          %parallel_loop3A_100 = arith.constant 640 : i32
          %parallel_loop3A_101 = arith.addi %parallel_loop3A_57, %parallel_loop3A_100 : i32
          %parallel_loop3A_102 = arith.constant 768 : i32
          %parallel_loop3A_103 = arith.addi %parallel_loop3A_57, %parallel_loop3A_102 : i32
          %parallel_loop3A_104 = arith.constant 896 : i32
          %parallel_loop3A_105 = arith.addi %parallel_loop3A_57, %parallel_loop3A_104 : i32
          %parallel_loop3A_106 = arith.constant 0 : i32
          %parallel_loop3A_107 = arith.addi %parallel_loop3A_59, %parallel_loop3A_106 : i32
          %parallel_loop3A_108 = arith.index_cast %parallel_loop3A_107 : i32 to index
          %parallel_loop3A_109 = tpu.vector_load %arg5[%parallel_loop3A_108] {strides = array<i32>} : memref<8192xf32, #tpu.memory_space<vmem>>, vector<16xf32>,
          %parallel_loop3A_110 = vector.shape_cast %parallel_loop3A_109 : vector<16xf32> to vector<16xf32>
          %parallel_loop3A_111 = arith.constant 16 : i32
          %parallel_loop3A_112 = arith.addi %parallel_loop3A_59, %parallel_loop3A_111 : i32
          %parallel_loop3A_113 = arith.index_cast %parallel_loop3A_112 : i32 to index
          %parallel_loop3A_114 = tpu.vector_load %arg5[%parallel_loop3A_113] {strides = array<i32>} : memref<8192xf32, #tpu.memory_space<vmem>>, vector<16xf32>,
          %parallel_loop3A_115 = vector.shape_cast %parallel_loop3A_114 : vector<16xf32> to vector<16xf32>
          %parallel_loop3A_116 = arith.constant 32 : i32
          %parallel_loop3A_117 = arith.addi %parallel_loop3A_59, %parallel_loop3A_116 : i32
          %parallel_loop3A_118 = arith.index_cast %parallel_loop3A_117 : i32 to index
          %parallel_loop3A_119 = tpu.vector_load %arg5[%parallel_loop3A_118] {strides = array<i32>} : memref<8192xf32, #tpu.memory_space<vmem>>, vector<16xf32>,
          %parallel_loop3A_120 = vector.shape_cast %parallel_loop3A_119 : vector<16xf32> to vector<16xf32>
          %parallel_loop3A_121 = arith.constant 48 : i32
          %parallel_loop3A_122 = arith.addi %parallel_loop3A_59, %parallel_loop3A_121 : i32
          %parallel_loop3A_123 = arith.index_cast %parallel_loop3A_122 : i32 to index
          %parallel_loop3A_124 = tpu.vector_load %arg5[%parallel_loop3A_123] {strides = array<i32>} : memref<8192xf32, #tpu.memory_space<vmem>>, vector<16xf32>,
          %parallel_loop3A_125 = vector.shape_cast %parallel_loop3A_124 : vector<16xf32> to vector<16xf32>
          %parallel_loop3A_126 = arith.constant 64 : i32
          %parallel_loop3A_127 = arith.addi %parallel_loop3A_59, %parallel_loop3A_126 : i32
          %parallel_loop3A_128 = arith.index_cast %parallel_loop3A_127 : i32 to index
          %parallel_loop3A_129 = tpu.vector_load %arg5[%parallel_loop3A_128] {strides = array<i32>} : memref<8192xf32, #tpu.memory_space<vmem>>, vector<16xf32>,
          %parallel_loop3A_130 = vector.shape_cast %parallel_loop3A_129 : vector<16xf32> to vector<16xf32>
          %parallel_loop3A_131 = arith.constant 80 : i32
          %parallel_loop3A_132 = arith.addi %parallel_loop3A_59, %parallel_loop3A_131 : i32
          %parallel_loop3A_133 = arith.index_cast %parallel_loop3A_132 : i32 to index
          %parallel_loop3A_134 = tpu.vector_load %arg5[%parallel_loop3A_133] {strides = array<i32>} : memref<8192xf32, #tpu.memory_space<vmem>>, vector<16xf32>,
          %parallel_loop3A_135 = vector.shape_cast %parallel_loop3A_134 : vector<16xf32> to vector<16xf32>
          %parallel_loop3A_136 = arith.constant 96 : i32
          %parallel_loop3A_137 = arith.addi %parallel_loop3A_59, %parallel_loop3A_136 : i32
          %parallel_loop3A_138 = arith.index_cast %parallel_loop3A_137 : i32 to index
          %parallel_loop3A_139 = tpu.vector_load %arg5[%parallel_loop3A_138] {strides = array<i32>} : memref<8192xf32, #tpu.memory_space<vmem>>, vector<16xf32>,
          %parallel_loop3A_140 = vector.shape_cast %parallel_loop3A_139 : vector<16xf32> to vector<16xf32>
          %parallel_loop3A_141 = arith.constant 112 : i32
          %parallel_loop3A_142 = arith.addi %parallel_loop3A_59, %parallel_loop3A_141 : i32
          %parallel_loop3A_143 = arith.index_cast %parallel_loop3A_142 : i32 to index
          %parallel_loop3A_144 = tpu.vector_load %arg5[%parallel_loop3A_143] {strides = array<i32>} : memref<8192xf32, #tpu.memory_space<vmem>>, vector<16xf32>,
          %parallel_loop3A_145 = vector.shape_cast %parallel_loop3A_144 : vector<16xf32> to vector<16xf32>
          %parallel_loop3A_146 = arith.constant 0 : i32
          %parallel_loop3A_147 = arith.addi %parallel_loop3A_61, %parallel_loop3A_146 : i32
          %parallel_loop3A_148 = arith.index_cast %parallel_loop3A_147 : i32 to index
          %parallel_loop3A_149 = tpu.vector_load %arg5[%parallel_loop3A_148] {strides = array<i32>} : memref<8192xf32, #tpu.memory_space<vmem>>, vector<16xf32>,
          %parallel_loop3A_150 = vector.shape_cast %parallel_loop3A_149 : vector<16xf32> to vector<16xf32>
          %parallel_loop3A_151 = arith.constant 16 : i32
          %parallel_loop3A_152 = arith.addi %parallel_loop3A_61, %parallel_loop3A_151 : i32
          %parallel_loop3A_153 = arith.index_cast %parallel_loop3A_152 : i32 to index
          %parallel_loop3A_154 = tpu.vector_load %arg5[%parallel_loop3A_153] {strides = array<i32>} : memref<8192xf32, #tpu.memory_space<vmem>>, vector<16xf32>,
          %parallel_loop3A_155 = vector.shape_cast %parallel_loop3A_154 : vector<16xf32> to vector<16xf32>
          %parallel_loop3A_156 = arith.constant 32 : i32
          %parallel_loop3A_157 = arith.addi %parallel_loop3A_61, %parallel_loop3A_156 : i32
          %parallel_loop3A_158 = arith.index_cast %parallel_loop3A_157 : i32 to index
          %parallel_loop3A_159 = tpu.vector_load %arg5[%parallel_loop3A_158] {strides = array<i32>} : memref<8192xf32, #tpu.memory_space<vmem>>, vector<16xf32>,
          %parallel_loop3A_160 = vector.shape_cast %parallel_loop3A_159 : vector<16xf32> to vector<16xf32>
          %parallel_loop3A_161 = arith.constant 48 : i32
          %parallel_loop3A_162 = arith.addi %parallel_loop3A_61, %parallel_loop3A_161 : i32
          %parallel_loop3A_163 = arith.index_cast %parallel_loop3A_162 : i32 to index
          %parallel_loop3A_164 = tpu.vector_load %arg5[%parallel_loop3A_163] {strides = array<i32>} : memref<8192xf32, #tpu.memory_space<vmem>>, vector<16xf32>,
          %parallel_loop3A_165 = vector.shape_cast %parallel_loop3A_164 : vector<16xf32> to vector<16xf32>
          %parallel_loop3A_166 = arith.constant 64 : i32
          %parallel_loop3A_167 = arith.addi %parallel_loop3A_61, %parallel_loop3A_166 : i32
          %parallel_loop3A_168 = arith.index_cast %parallel_loop3A_167 : i32 to index
          %parallel_loop3A_169 = tpu.vector_load %arg5[%parallel_loop3A_168] {strides = array<i32>} : memref<8192xf32, #tpu.memory_space<vmem>>, vector<16xf32>,
          %parallel_loop3A_170 = vector.shape_cast %parallel_loop3A_169 : vector<16xf32> to vector<16xf32>
          %parallel_loop3A_171 = arith.constant 80 : i32
          %parallel_loop3A_172 = arith.addi %parallel_loop3A_61, %parallel_loop3A_171 : i32
          %parallel_loop3A_173 = arith.index_cast %parallel_loop3A_172 : i32 to index
          %parallel_loop3A_174 = tpu.vector_load %arg5[%parallel_loop3A_173] {strides = array<i32>} : memref<8192xf32, #tpu.memory_space<vmem>>, vector<16xf32>,
          %parallel_loop3A_175 = vector.shape_cast %parallel_loop3A_174 : vector<16xf32> to vector<16xf32>
          %parallel_loop3A_176 = arith.constant 96 : i32
          %parallel_loop3A_177 = arith.addi %parallel_loop3A_61, %parallel_loop3A_176 : i32
          %parallel_loop3A_178 = arith.index_cast %parallel_loop3A_177 : i32 to index
          %parallel_loop3A_179 = tpu.vector_load %arg5[%parallel_loop3A_178] {strides = array<i32>} : memref<8192xf32, #tpu.memory_space<vmem>>, vector<16xf32>,
          %parallel_loop3A_180 = vector.shape_cast %parallel_loop3A_179 : vector<16xf32> to vector<16xf32>
          %parallel_loop3A_181 = arith.constant 112 : i32
          %parallel_loop3A_182 = arith.addi %parallel_loop3A_61, %parallel_loop3A_181 : i32
          %parallel_loop3A_183 = arith.index_cast %parallel_loop3A_182 : i32 to index
          %parallel_loop3A_184 = tpu.vector_load %arg5[%parallel_loop3A_183] {strides = array<i32>} : memref<8192xf32, #tpu.memory_space<vmem>>, vector<16xf32>,
          %parallel_loop3A_185 = vector.shape_cast %parallel_loop3A_184 : vector<16xf32> to vector<16xf32>
          %parallel_loop3A_186 = arith.constant 0 : i32
          %parallel_loop3A_187 = arith.addi %parallel_loop3A_63, %parallel_loop3A_186 : i32
          %parallel_loop3A_188 = arith.index_cast %parallel_loop3A_187 : i32 to index
          %parallel_loop3A_189 = tpu.vector_load %arg5[%parallel_loop3A_188] {strides = array<i32>} : memref<8192xf32, #tpu.memory_space<vmem>>, vector<16xf32>,
          %parallel_loop3A_190 = vector.shape_cast %parallel_loop3A_189 : vector<16xf32> to vector<16xf32>
          %parallel_loop3A_191 = arith.constant 16 : i32
          %parallel_loop3A_192 = arith.addi %parallel_loop3A_63, %parallel_loop3A_191 : i32
          %parallel_loop3A_193 = arith.index_cast %parallel_loop3A_192 : i32 to index
          %parallel_loop3A_194 = tpu.vector_load %arg5[%parallel_loop3A_193] {strides = array<i32>} : memref<8192xf32, #tpu.memory_space<vmem>>, vector<16xf32>,
          %parallel_loop3A_195 = vector.shape_cast %parallel_loop3A_194 : vector<16xf32> to vector<16xf32>
          %parallel_loop3A_196 = arith.constant 32 : i32
          %parallel_loop3A_197 = arith.addi %parallel_loop3A_63, %parallel_loop3A_196 : i32
          %parallel_loop3A_198 = arith.index_cast %parallel_loop3A_197 : i32 to index
          %parallel_loop3A_199 = tpu.vector_load %arg5[%parallel_loop3A_198] {strides = array<i32>} : memref<8192xf32, #tpu.memory_space<vmem>>, vector<16xf32>,
          %parallel_loop3A_200 = vector.shape_cast %parallel_loop3A_199 : vector<16xf32> to vector<16xf32>
          %parallel_loop3A_201 = arith.constant 48 : i32
          %parallel_loop3A_202 = arith.addi %parallel_loop3A_63, %parallel_loop3A_201 : i32
          %parallel_loop3A_203 = arith.index_cast %parallel_loop3A_202 : i32 to index
          %parallel_loop3A_204 = tpu.vector_load %arg5[%parallel_loop3A_203] {strides = array<i32>} : memref<8192xf32, #tpu.memory_space<vmem>>, vector<16xf32>,
          %parallel_loop3A_205 = vector.shape_cast %parallel_loop3A_204 : vector<16xf32> to vector<16xf32>
          %parallel_loop3A_206 = arith.constant 64 : i32
          %parallel_loop3A_207 = arith.addi %parallel_loop3A_63, %parallel_loop3A_206 : i32
          %parallel_loop3A_208 = arith.index_cast %parallel_loop3A_207 : i32 to index
          %parallel_loop3A_209 = tpu.vector_load %arg5[%parallel_loop3A_208] {strides = array<i32>} : memref<8192xf32, #tpu.memory_space<vmem>>, vector<16xf32>,
          %parallel_loop3A_210 = vector.shape_cast %parallel_loop3A_209 : vector<16xf32> to vector<16xf32>
          %parallel_loop3A_211 = arith.constant 80 : i32
          %parallel_loop3A_212 = arith.addi %parallel_loop3A_63, %parallel_loop3A_211 : i32
          %parallel_loop3A_213 = arith.index_cast %parallel_loop3A_212 : i32 to index
          %parallel_loop3A_214 = tpu.vector_load %arg5[%parallel_loop3A_213] {strides = array<i32>} : memref<8192xf32, #tpu.memory_space<vmem>>, vector<16xf32>,
          %parallel_loop3A_215 = vector.shape_cast %parallel_loop3A_214 : vector<16xf32> to vector<16xf32>
          %parallel_loop3A_216 = arith.constant 96 : i32
          %parallel_loop3A_217 = arith.addi %parallel_loop3A_63, %parallel_loop3A_216 : i32
          %parallel_loop3A_218 = arith.index_cast %parallel_loop3A_217 : i32 to index
          %parallel_loop3A_219 = tpu.vector_load %arg5[%parallel_loop3A_218] {strides = array<i32>} : memref<8192xf32, #tpu.memory_space<vmem>>, vector<16xf32>,
          %parallel_loop3A_220 = vector.shape_cast %parallel_loop3A_219 : vector<16xf32> to vector<16xf32>
          %parallel_loop3A_221 = arith.constant 112 : i32
          %parallel_loop3A_222 = arith.addi %parallel_loop3A_63, %parallel_loop3A_221 : i32
          %parallel_loop3A_223 = arith.index_cast %parallel_loop3A_222 : i32 to index
          %parallel_loop3A_224 = tpu.vector_load %arg5[%parallel_loop3A_223] {strides = array<i32>} : memref<8192xf32, #tpu.memory_space<vmem>>, vector<16xf32>,
          %parallel_loop3A_225 = vector.shape_cast %parallel_loop3A_224 : vector<16xf32> to vector<16xf32>
          %parallel_loop3A_226 = arith.constant 0 : i32
          %parallel_loop3A_227 = arith.addi %parallel_loop3A_65, %parallel_loop3A_226 : i32
          %parallel_loop3A_228 = arith.index_cast %parallel_loop3A_227 : i32 to index
          %parallel_loop3A_229 = tpu.vector_load %arg5[%parallel_loop3A_228] {strides = array<i32>} : memref<8192xf32, #tpu.memory_space<vmem>>, vector<16xf32>,
          %parallel_loop3A_230 = vector.shape_cast %parallel_loop3A_229 : vector<16xf32> to vector<16xf32>
          %parallel_loop3A_231 = arith.constant 16 : i32
          %parallel_loop3A_232 = arith.addi %parallel_loop3A_65, %parallel_loop3A_231 : i32
          %parallel_loop3A_233 = arith.index_cast %parallel_loop3A_232 : i32 to index
          %parallel_loop3A_234 = tpu.vector_load %arg5[%parallel_loop3A_233] {strides = array<i32>} : memref<8192xf32, #tpu.memory_space<vmem>>, vector<16xf32>,
          %parallel_loop3A_235 = vector.shape_cast %parallel_loop3A_234 : vector<16xf32> to vector<16xf32>
          %parallel_loop3A_236 = arith.constant 32 : i32
          %parallel_loop3A_237 = arith.addi %parallel_loop3A_65, %parallel_loop3A_236 : i32
          %parallel_loop3A_238 = arith.index_cast %parallel_loop3A_237 : i32 to index
          %parallel_loop3A_239 = tpu.vector_load %arg5[%parallel_loop3A_238] {strides = array<i32>} : memref<8192xf32, #tpu.memory_space<vmem>>, vector<16xf32>,
          %parallel_loop3A_240 = vector.shape_cast %parallel_loop3A_239 : vector<16xf32> to vector<16xf32>
          %parallel_loop3A_241 = arith.constant 48 : i32
          %parallel_loop3A_242 = arith.addi %parallel_loop3A_65, %parallel_loop3A_241 : i32
          %parallel_loop3A_243 = arith.index_cast %parallel_loop3A_242 : i32 to index
          %parallel_loop3A_244 = tpu.vector_load %arg5[%parallel_loop3A_243] {strides = array<i32>} : memref<8192xf32, #tpu.memory_space<vmem>>, vector<16xf32>,
          %parallel_loop3A_245 = vector.shape_cast %parallel_loop3A_244 : vector<16xf32> to vector<16xf32>
          %parallel_loop3A_246 = arith.constant 64 : i32
          %parallel_loop3A_247 = arith.addi %parallel_loop3A_65, %parallel_loop3A_246 : i32
          %parallel_loop3A_248 = arith.index_cast %parallel_loop3A_247 : i32 to index
          %parallel_loop3A_249 = tpu.vector_load %arg5[%parallel_loop3A_248] {strides = array<i32>} : memref<8192xf32, #tpu.memory_space<vmem>>, vector<16xf32>,
          %parallel_loop3A_250 = vector.shape_cast %parallel_loop3A_249 : vector<16xf32> to vector<16xf32>
          %parallel_loop3A_251 = arith.constant 80 : i32
          %parallel_loop3A_252 = arith.addi %parallel_loop3A_65, %parallel_loop3A_251 : i32
          %parallel_loop3A_253 = arith.index_cast %parallel_loop3A_252 : i32 to index
          %parallel_loop3A_254 = tpu.vector_load %arg5[%parallel_loop3A_253] {strides = array<i32>} : memref<8192xf32, #tpu.memory_space<vmem>>, vector<16xf32>,
          %parallel_loop3A_255 = vector.shape_cast %parallel_loop3A_254 : vector<16xf32> to vector<16xf32>
          %parallel_loop3A_256 = arith.constant 96 : i32
          %parallel_loop3A_257 = arith.addi %parallel_loop3A_65, %parallel_loop3A_256 : i32
          %parallel_loop3A_258 = arith.index_cast %parallel_loop3A_257 : i32 to index
          %parallel_loop3A_259 = tpu.vector_load %arg5[%parallel_loop3A_258] {strides = array<i32>} : memref<8192xf32, #tpu.memory_space<vmem>>, vector<16xf32>,
          %parallel_loop3A_260 = vector.shape_cast %parallel_loop3A_259 : vector<16xf32> to vector<16xf32>
          %parallel_loop3A_261 = arith.constant 112 : i32
          %parallel_loop3A_262 = arith.addi %parallel_loop3A_65, %parallel_loop3A_261 : i32
          %parallel_loop3A_263 = arith.index_cast %parallel_loop3A_262 : i32 to index
          %parallel_loop3A_264 = tpu.vector_load %arg5[%parallel_loop3A_263] {strides = array<i32>} : memref<8192xf32, #tpu.memory_space<vmem>>, vector<16xf32>,
          %parallel_loop3A_265 = vector.shape_cast %parallel_loop3A_264 : vector<16xf32> to vector<16xf32>
          %parallel_loop3A_266 = arith.constant 0 : i32
          %parallel_loop3A_267 = arith.addi %parallel_loop3A_67, %parallel_loop3A_266 : i32
          %parallel_loop3A_268 = arith.index_cast %parallel_loop3A_267 : i32 to index
          %parallel_loop3A_269 = tpu.vector_load %arg5[%parallel_loop3A_268] {strides = array<i32>} : memref<8192xf32, #tpu.memory_space<vmem>>, vector<16xf32>,
          %parallel_loop3A_270 = vector.shape_cast %parallel_loop3A_269 : vector<16xf32> to vector<16xf32>
          %parallel_loop3A_271 = arith.constant 16 : i32
          %parallel_loop3A_272 = arith.addi %parallel_loop3A_67, %parallel_loop3A_271 : i32
          %parallel_loop3A_273 = arith.index_cast %parallel_loop3A_272 : i32 to index
          %parallel_loop3A_274 = tpu.vector_load %arg5[%parallel_loop3A_273] {strides = array<i32>} : memref<8192xf32, #tpu.memory_space<vmem>>, vector<16xf32>,
          %parallel_loop3A_275 = vector.shape_cast %parallel_loop3A_274 : vector<16xf32> to vector<16xf32>
          %parallel_loop3A_276 = arith.constant 32 : i32
          %parallel_loop3A_277 = arith.addi %parallel_loop3A_67, %parallel_loop3A_276 : i32
          %parallel_loop3A_278 = arith.index_cast %parallel_loop3A_277 : i32 to index
          %parallel_loop3A_279 = tpu.vector_load %arg5[%parallel_loop3A_278] {strides = array<i32>} : memref<8192xf32, #tpu.memory_space<vmem>>, vector<16xf32>,
          %parallel_loop3A_280 = vector.shape_cast %parallel_loop3A_279 : vector<16xf32> to vector<16xf32>
          %parallel_loop3A_281 = arith.constant 48 : i32
          %parallel_loop3A_282 = arith.addi %parallel_loop3A_67, %parallel_loop3A_281 : i32
          %parallel_loop3A_283 = arith.index_cast %parallel_loop3A_282 : i32 to index
          %parallel_loop3A_284 = tpu.vector_load %arg5[%parallel_loop3A_283] {strides = array<i32>} : memref<8192xf32, #tpu.memory_space<vmem>>, vector<16xf32>,
          %parallel_loop3A_285 = vector.shape_cast %parallel_loop3A_284 : vector<16xf32> to vector<16xf32>
          %parallel_loop3A_286 = arith.constant 64 : i32
          %parallel_loop3A_287 = arith.addi %parallel_loop3A_67, %parallel_loop3A_286 : i32
          %parallel_loop3A_288 = arith.index_cast %parallel_loop3A_287 : i32 to index
          %parallel_loop3A_289 = tpu.vector_load %arg5[%parallel_loop3A_288] {strides = array<i32>} : memref<8192xf32, #tpu.memory_space<vmem>>, vector<16xf32>,
          %parallel_loop3A_290 = vector.shape_cast %parallel_loop3A_289 : vector<16xf32> to vector<16xf32>
          %parallel_loop3A_291 = arith.constant 80 : i32
          %parallel_loop3A_292 = arith.addi %parallel_loop3A_67, %parallel_loop3A_291 : i32
          %parallel_loop3A_293 = arith.index_cast %parallel_loop3A_292 : i32 to index
          %parallel_loop3A_294 = tpu.vector_load %arg5[%parallel_loop3A_293] {strides = array<i32>} : memref<8192xf32, #tpu.memory_space<vmem>>, vector<16xf32>,
          %parallel_loop3A_295 = vector.shape_cast %parallel_loop3A_294 : vector<16xf32> to vector<16xf32>
          %parallel_loop3A_296 = arith.constant 96 : i32
          %parallel_loop3A_297 = arith.addi %parallel_loop3A_67, %parallel_loop3A_296 : i32
          %parallel_loop3A_298 = arith.index_cast %parallel_loop3A_297 : i32 to index
          %parallel_loop3A_299 = tpu.vector_load %arg5[%parallel_loop3A_298] {strides = array<i32>} : memref<8192xf32, #tpu.memory_space<vmem>>, vector<16xf32>,
          %parallel_loop3A_300 = vector.shape_cast %parallel_loop3A_299 : vector<16xf32> to vector<16xf32>
          %parallel_loop3A_301 = arith.constant 112 : i32
          %parallel_loop3A_302 = arith.addi %parallel_loop3A_67, %parallel_loop3A_301 : i32
          %parallel_loop3A_303 = arith.index_cast %parallel_loop3A_302 : i32 to index
          %parallel_loop3A_304 = tpu.vector_load %arg5[%parallel_loop3A_303] {strides = array<i32>} : memref<8192xf32, #tpu.memory_space<vmem>>, vector<16xf32>,
          %parallel_loop3A_305 = vector.shape_cast %parallel_loop3A_304 : vector<16xf32> to vector<16xf32>
          %parallel_loop3A_306 = arith.constant 0 : i32
          %parallel_loop3A_307 = arith.addi %parallel_loop3A_69, %parallel_loop3A_306 : i32
          %parallel_loop3A_308 = arith.index_cast %parallel_loop3A_307 : i32 to index
          %parallel_loop3A_309 = tpu.vector_load %arg5[%parallel_loop3A_308] {strides = array<i32>} : memref<8192xf32, #tpu.memory_space<vmem>>, vector<16xf32>,
          %parallel_loop3A_310 = vector.shape_cast %parallel_loop3A_309 : vector<16xf32> to vector<16xf32>
          %parallel_loop3A_311 = arith.constant 16 : i32
          %parallel_loop3A_312 = arith.addi %parallel_loop3A_69, %parallel_loop3A_311 : i32
          %parallel_loop3A_313 = arith.index_cast %parallel_loop3A_312 : i32 to index
          %parallel_loop3A_314 = tpu.vector_load %arg5[%parallel_loop3A_313] {strides = array<i32>} : memref<8192xf32, #tpu.memory_space<vmem>>, vector<16xf32>,
          %parallel_loop3A_315 = vector.shape_cast %parallel_loop3A_314 : vector<16xf32> to vector<16xf32>
          %parallel_loop3A_316 = arith.constant 32 : i32
          %parallel_loop3A_317 = arith.addi %parallel_loop3A_69, %parallel_loop3A_316 : i32
          %parallel_loop3A_318 = arith.index_cast %parallel_loop3A_317 : i32 to index
          %parallel_loop3A_319 = tpu.vector_load %arg5[%parallel_loop3A_318] {strides = array<i32>} : memref<8192xf32, #tpu.memory_space<vmem>>, vector<16xf32>,
          %parallel_loop3A_320 = vector.shape_cast %parallel_loop3A_319 : vector<16xf32> to vector<16xf32>
          %parallel_loop3A_321 = arith.constant 48 : i32
          %parallel_loop3A_322 = arith.addi %parallel_loop3A_69, %parallel_loop3A_321 : i32
          %parallel_loop3A_323 = arith.index_cast %parallel_loop3A_322 : i32 to index
          %parallel_loop3A_324 = tpu.vector_load %arg5[%parallel_loop3A_323] {strides = array<i32>} : memref<8192xf32, #tpu.memory_space<vmem>>, vector<16xf32>,
          %parallel_loop3A_325 = vector.shape_cast %parallel_loop3A_324 : vector<16xf32> to vector<16xf32>
          %parallel_loop3A_326 = arith.constant 64 : i32
          %parallel_loop3A_327 = arith.addi %parallel_loop3A_69, %parallel_loop3A_326 : i32
          %parallel_loop3A_328 = arith.index_cast %parallel_loop3A_327 : i32 to index
          %parallel_loop3A_329 = tpu.vector_load %arg5[%parallel_loop3A_328] {strides = array<i32>} : memref<8192xf32, #tpu.memory_space<vmem>>, vector<16xf32>,
          %parallel_loop3A_330 = vector.shape_cast %parallel_loop3A_329 : vector<16xf32> to vector<16xf32>
          %parallel_loop3A_331 = arith.constant 80 : i32
          %parallel_loop3A_332 = arith.addi %parallel_loop3A_69, %parallel_loop3A_331 : i32
          %parallel_loop3A_333 = arith.index_cast %parallel_loop3A_332 : i32 to index
          %parallel_loop3A_334 = tpu.vector_load %arg5[%parallel_loop3A_333] {strides = array<i32>} : memref<8192xf32, #tpu.memory_space<vmem>>, vector<16xf32>,
          %parallel_loop3A_335 = vector.shape_cast %parallel_loop3A_334 : vector<16xf32> to vector<16xf32>
          %parallel_loop3A_336 = arith.constant 96 : i32
          %parallel_loop3A_337 = arith.addi %parallel_loop3A_69, %parallel_loop3A_336 : i32
          %parallel_loop3A_338 = arith.index_cast %parallel_loop3A_337 : i32 to index
          %parallel_loop3A_339 = tpu.vector_load %arg5[%parallel_loop3A_338] {strides = array<i32>} : memref<8192xf32, #tpu.memory_space<vmem>>, vector<16xf32>,
          %parallel_loop3A_340 = vector.shape_cast %parallel_loop3A_339 : vector<16xf32> to vector<16xf32>
          %parallel_loop3A_341 = arith.constant 112 : i32
          %parallel_loop3A_342 = arith.addi %parallel_loop3A_69, %parallel_loop3A_341 : i32
          %parallel_loop3A_343 = arith.index_cast %parallel_loop3A_342 : i32 to index
          %parallel_loop3A_344 = tpu.vector_load %arg5[%parallel_loop3A_343] {strides = array<i32>} : memref<8192xf32, #tpu.memory_space<vmem>>, vector<16xf32>,
          %parallel_loop3A_345 = vector.shape_cast %parallel_loop3A_344 : vector<16xf32> to vector<16xf32>
          %parallel_loop3A_346 = arith.constant 0 : i32
          %parallel_loop3A_347 = arith.addi %parallel_loop3A_71, %parallel_loop3A_346 : i32
          %parallel_loop3A_348 = arith.index_cast %parallel_loop3A_347 : i32 to index
          %parallel_loop3A_349 = tpu.vector_load %arg5[%parallel_loop3A_348] {strides = array<i32>} : memref<8192xf32, #tpu.memory_space<vmem>>, vector<16xf32>,
          %parallel_loop3A_350 = vector.shape_cast %parallel_loop3A_349 : vector<16xf32> to vector<16xf32>
          %parallel_loop3A_351 = arith.constant 16 : i32
          %parallel_loop3A_352 = arith.addi %parallel_loop3A_71, %parallel_loop3A_351 : i32
          %parallel_loop3A_353 = arith.index_cast %parallel_loop3A_352 : i32 to index
          %parallel_loop3A_354 = tpu.vector_load %arg5[%parallel_loop3A_353] {strides = array<i32>} : memref<8192xf32, #tpu.memory_space<vmem>>, vector<16xf32>,
          %parallel_loop3A_355 = vector.shape_cast %parallel_loop3A_354 : vector<16xf32> to vector<16xf32>
          %parallel_loop3A_356 = arith.constant 32 : i32
          %parallel_loop3A_357 = arith.addi %parallel_loop3A_71, %parallel_loop3A_356 : i32
          %parallel_loop3A_358 = arith.index_cast %parallel_loop3A_357 : i32 to index
          %parallel_loop3A_359 = tpu.vector_load %arg5[%parallel_loop3A_358] {strides = array<i32>} : memref<8192xf32, #tpu.memory_space<vmem>>, vector<16xf32>,
          %parallel_loop3A_360 = vector.shape_cast %parallel_loop3A_359 : vector<16xf32> to vector<16xf32>
          %parallel_loop3A_361 = arith.constant 48 : i32
          %parallel_loop3A_362 = arith.addi %parallel_loop3A_71, %parallel_loop3A_361 : i32
          %parallel_loop3A_363 = arith.index_cast %parallel_loop3A_362 : i32 to index
          %parallel_loop3A_364 = tpu.vector_load %arg5[%parallel_loop3A_363] {strides = array<i32>} : memref<8192xf32, #tpu.memory_space<vmem>>, vector<16xf32>,
          %parallel_loop3A_365 = vector.shape_cast %parallel_loop3A_364 : vector<16xf32> to vector<16xf32>
          %parallel_loop3A_366 = arith.constant 64 : i32
          %parallel_loop3A_367 = arith.addi %parallel_loop3A_71, %parallel_loop3A_366 : i32
          %parallel_loop3A_368 = arith.index_cast %parallel_loop3A_367 : i32 to index
          %parallel_loop3A_369 = tpu.vector_load %arg5[%parallel_loop3A_368] {strides = array<i32>} : memref<8192xf32, #tpu.memory_space<vmem>>, vector<16xf32>,
          %parallel_loop3A_370 = vector.shape_cast %parallel_loop3A_369 : vector<16xf32> to vector<16xf32>
          %parallel_loop3A_371 = arith.constant 80 : i32
          %parallel_loop3A_372 = arith.addi %parallel_loop3A_71, %parallel_loop3A_371 : i32
          %parallel_loop3A_373 = arith.index_cast %parallel_loop3A_372 : i32 to index
          %parallel_loop3A_374 = tpu.vector_load %arg5[%parallel_loop3A_373] {strides = array<i32>} : memref<8192xf32, #tpu.memory_space<vmem>>, vector<16xf32>,
          %parallel_loop3A_375 = vector.shape_cast %parallel_loop3A_374 : vector<16xf32> to vector<16xf32>
          %parallel_loop3A_376 = arith.constant 96 : i32
          %parallel_loop3A_377 = arith.addi %parallel_loop3A_71, %parallel_loop3A_376 : i32
          %parallel_loop3A_378 = arith.index_cast %parallel_loop3A_377 : i32 to index
          %parallel_loop3A_379 = tpu.vector_load %arg5[%parallel_loop3A_378] {strides = array<i32>} : memref<8192xf32, #tpu.memory_space<vmem>>, vector<16xf32>,
          %parallel_loop3A_380 = vector.shape_cast %parallel_loop3A_379 : vector<16xf32> to vector<16xf32>
          %parallel_loop3A_381 = arith.constant 112 : i32
          %parallel_loop3A_382 = arith.addi %parallel_loop3A_71, %parallel_loop3A_381 : i32
          %parallel_loop3A_383 = arith.index_cast %parallel_loop3A_382 : i32 to index
          %parallel_loop3A_384 = tpu.vector_load %arg5[%parallel_loop3A_383] {strides = array<i32>} : memref<8192xf32, #tpu.memory_space<vmem>>, vector<16xf32>,
          %parallel_loop3A_385 = vector.shape_cast %parallel_loop3A_384 : vector<16xf32> to vector<16xf32>
          %parallel_loop3A_386 = arith.constant 0 : i32
          %parallel_loop3A_387 = arith.addi %parallel_loop3A_73, %parallel_loop3A_386 : i32
          %parallel_loop3A_388 = arith.index_cast %parallel_loop3A_387 : i32 to index
          %parallel_loop3A_389 = tpu.vector_load %arg5[%parallel_loop3A_388] {strides = array<i32>} : memref<8192xf32, #tpu.memory_space<vmem>>, vector<16xf32>,
          %parallel_loop3A_390 = vector.shape_cast %parallel_loop3A_389 : vector<16xf32> to vector<16xf32>
          %parallel_loop3A_391 = arith.constant 16 : i32
          %parallel_loop3A_392 = arith.addi %parallel_loop3A_73, %parallel_loop3A_391 : i32
          %parallel_loop3A_393 = arith.index_cast %parallel_loop3A_392 : i32 to index
          %parallel_loop3A_394 = tpu.vector_load %arg5[%parallel_loop3A_393] {strides = array<i32>} : memref<8192xf32, #tpu.memory_space<vmem>>, vector<16xf32>,
          %parallel_loop3A_395 = vector.shape_cast %parallel_loop3A_394 : vector<16xf32> to vector<16xf32>
          %parallel_loop3A_396 = arith.constant 32 : i32
          %parallel_loop3A_397 = arith.addi %parallel_loop3A_73, %parallel_loop3A_396 : i32
          %parallel_loop3A_398 = arith.index_cast %parallel_loop3A_397 : i32 to index
          %parallel_loop3A_399 = tpu.vector_load %arg5[%parallel_loop3A_398] {strides = array<i32>} : memref<8192xf32, #tpu.memory_space<vmem>>, vector<16xf32>,
          %parallel_loop3A_400 = vector.shape_cast %parallel_loop3A_399 : vector<16xf32> to vector<16xf32>
          %parallel_loop3A_401 = arith.constant 48 : i32
          %parallel_loop3A_402 = arith.addi %parallel_loop3A_73, %parallel_loop3A_401 : i32
          %parallel_loop3A_403 = arith.index_cast %parallel_loop3A_402 : i32 to index
          %parallel_loop3A_404 = tpu.vector_load %arg5[%parallel_loop3A_403] {strides = array<i32>} : memref<8192xf32, #tpu.memory_space<vmem>>, vector<16xf32>,
          %parallel_loop3A_405 = vector.shape_cast %parallel_loop3A_404 : vector<16xf32> to vector<16xf32>
          %parallel_loop3A_406 = arith.constant 64 : i32
          %parallel_loop3A_407 = arith.addi %parallel_loop3A_73, %parallel_loop3A_406 : i32
          %parallel_loop3A_408 = arith.index_cast %parallel_loop3A_407 : i32 to index
          %parallel_loop3A_409 = tpu.vector_load %arg5[%parallel_loop3A_408] {strides = array<i32>} : memref<8192xf32, #tpu.memory_space<vmem>>, vector<16xf32>,
          %parallel_loop3A_410 = vector.shape_cast %parallel_loop3A_409 : vector<16xf32> to vector<16xf32>
          %parallel_loop3A_411 = arith.constant 80 : i32
          %parallel_loop3A_412 = arith.addi %parallel_loop3A_73, %parallel_loop3A_411 : i32
          %parallel_loop3A_413 = arith.index_cast %parallel_loop3A_412 : i32 to index
          %parallel_loop3A_414 = tpu.vector_load %arg5[%parallel_loop3A_413] {strides = array<i32>} : memref<8192xf32, #tpu.memory_space<vmem>>, vector<16xf32>,
          %parallel_loop3A_415 = vector.shape_cast %parallel_loop3A_414 : vector<16xf32> to vector<16xf32>
          %parallel_loop3A_416 = arith.constant 96 : i32
          %parallel_loop3A_417 = arith.addi %parallel_loop3A_73, %parallel_loop3A_416 : i32
          %parallel_loop3A_418 = arith.index_cast %parallel_loop3A_417 : i32 to index
          %parallel_loop3A_419 = tpu.vector_load %arg5[%parallel_loop3A_418] {strides = array<i32>} : memref<8192xf32, #tpu.memory_space<vmem>>, vector<16xf32>,
          %parallel_loop3A_420 = vector.shape_cast %parallel_loop3A_419 : vector<16xf32> to vector<16xf32>
          %parallel_loop3A_421 = arith.constant 112 : i32
          %parallel_loop3A_422 = arith.addi %parallel_loop3A_73, %parallel_loop3A_421 : i32
          %parallel_loop3A_423 = arith.index_cast %parallel_loop3A_422 : i32 to index
          %parallel_loop3A_424 = tpu.vector_load %arg5[%parallel_loop3A_423] {strides = array<i32>} : memref<8192xf32, #tpu.memory_space<vmem>>, vector<16xf32>,
          %parallel_loop3A_425 = vector.shape_cast %parallel_loop3A_424 : vector<16xf32> to vector<16xf32>
          %parallel_loop3A_426 = arith.constant 0 : i32
          %parallel_loop3A_427 = arith.addi %parallel_loop3A_91, %parallel_loop3A_426 : i32
          %parallel_loop3A_428 = arith.index_cast %parallel_loop3A_427 : i32 to index
          %parallel_loop3A_429 = tpu.vector_load %arg9[%parallel_loop3A_428] {strides = array<i32>} : memref<51200xf32, #tpu.memory_space<vmem>>, vector<16xf32>,
          %parallel_loop3A_430 = vector.shape_cast %parallel_loop3A_429 : vector<16xf32> to vector<16xf32>
          %parallel_loop3A_431 = vector.shape_cast %parallel_loop3A_110 : vector<16xf32> to vector<16xf32>
          tpu.vector_store %arg9[%parallel_loop3A_428], %parallel_loop3A_431 {strides = array<i32>} : memref<51200xf32, #tpu.memory_space<vmem>>, vector<16xf32>,
          %parallel_loop3A_432 = arith.constant 16 : i32
          %parallel_loop3A_433 = arith.addi %parallel_loop3A_91, %parallel_loop3A_432 : i32
          %parallel_loop3A_434 = arith.index_cast %parallel_loop3A_433 : i32 to index
          %parallel_loop3A_435 = tpu.vector_load %arg9[%parallel_loop3A_434] {strides = array<i32>} : memref<51200xf32, #tpu.memory_space<vmem>>, vector<16xf32>,
          %parallel_loop3A_436 = vector.shape_cast %parallel_loop3A_435 : vector<16xf32> to vector<16xf32>
          %parallel_loop3A_437 = vector.shape_cast %parallel_loop3A_115 : vector<16xf32> to vector<16xf32>
          tpu.vector_store %arg9[%parallel_loop3A_434], %parallel_loop3A_437 {strides = array<i32>} : memref<51200xf32, #tpu.memory_space<vmem>>, vector<16xf32>,
          %parallel_loop3A_438 = arith.constant 32 : i32
          %parallel_loop3A_439 = arith.addi %parallel_loop3A_91, %parallel_loop3A_438 : i32
          %parallel_loop3A_440 = arith.index_cast %parallel_loop3A_439 : i32 to index
          %parallel_loop3A_441 = tpu.vector_load %arg9[%parallel_loop3A_440] {strides = array<i32>} : memref<51200xf32, #tpu.memory_space<vmem>>, vector<16xf32>,
          %parallel_loop3A_442 = vector.shape_cast %parallel_loop3A_441 : vector<16xf32> to vector<16xf32>
          %parallel_loop3A_443 = vector.shape_cast %parallel_loop3A_120 : vector<16xf32> to vector<16xf32>
          tpu.vector_store %arg9[%parallel_loop3A_440], %parallel_loop3A_443 {strides = array<i32>} : memref<51200xf32, #tpu.memory_space<vmem>>, vector<16xf32>,
          %parallel_loop3A_444 = arith.constant 48 : i32
          %parallel_loop3A_445 = arith.addi %parallel_loop3A_91, %parallel_loop3A_444 : i32
          %parallel_loop3A_446 = arith.index_cast %parallel_loop3A_445 : i32 to index
          %parallel_loop3A_447 = tpu.vector_load %arg9[%parallel_loop3A_446] {strides = array<i32>} : memref<51200xf32, #tpu.memory_space<vmem>>, vector<16xf32>,
          %parallel_loop3A_448 = vector.shape_cast %parallel_loop3A_447 : vector<16xf32> to vector<16xf32>
          %parallel_loop3A_449 = vector.shape_cast %parallel_loop3A_125 : vector<16xf32> to vector<16xf32>
          tpu.vector_store %arg9[%parallel_loop3A_446], %parallel_loop3A_449 {strides = array<i32>} : memref<51200xf32, #tpu.memory_space<vmem>>, vector<16xf32>,
          %parallel_loop3A_450 = arith.constant 64 : i32
          %parallel_loop3A_451 = arith.addi %parallel_loop3A_91, %parallel_loop3A_450 : i32
          %parallel_loop3A_452 = arith.index_cast %parallel_loop3A_451 : i32 to index
          %parallel_loop3A_453 = tpu.vector_load %arg9[%parallel_loop3A_452] {strides = array<i32>} : memref<51200xf32, #tpu.memory_space<vmem>>, vector<16xf32>,
          %parallel_loop3A_454 = vector.shape_cast %parallel_loop3A_453 : vector<16xf32> to vector<16xf32>
          %parallel_loop3A_455 = vector.shape_cast %parallel_loop3A_130 : vector<16xf32> to vector<16xf32>
          tpu.vector_store %arg9[%parallel_loop3A_452], %parallel_loop3A_455 {strides = array<i32>} : memref<51200xf32, #tpu.memory_space<vmem>>, vector<16xf32>,
          %parallel_loop3A_456 = arith.constant 80 : i32
          %parallel_loop3A_457 = arith.addi %parallel_loop3A_91, %parallel_loop3A_456 : i32
          %parallel_loop3A_458 = arith.index_cast %parallel_loop3A_457 : i32 to index
          %parallel_loop3A_459 = tpu.vector_load %arg9[%parallel_loop3A_458] {strides = array<i32>} : memref<51200xf32, #tpu.memory_space<vmem>>, vector<16xf32>,
          %parallel_loop3A_460 = vector.shape_cast %parallel_loop3A_459 : vector<16xf32> to vector<16xf32>
          %parallel_loop3A_461 = vector.shape_cast %parallel_loop3A_135 : vector<16xf32> to vector<16xf32>
          tpu.vector_store %arg9[%parallel_loop3A_458], %parallel_loop3A_461 {strides = array<i32>} : memref<51200xf32, #tpu.memory_space<vmem>>, vector<16xf32>,
          %parallel_loop3A_462 = arith.constant 96 : i32
          %parallel_loop3A_463 = arith.addi %parallel_loop3A_91, %parallel_loop3A_462 : i32
          %parallel_loop3A_464 = arith.index_cast %parallel_loop3A_463 : i32 to index
          %parallel_loop3A_465 = tpu.vector_load %arg9[%parallel_loop3A_464] {strides = array<i32>} : memref<51200xf32, #tpu.memory_space<vmem>>, vector<16xf32>,
          %parallel_loop3A_466 = vector.shape_cast %parallel_loop3A_465 : vector<16xf32> to vector<16xf32>
          %parallel_loop3A_467 = vector.shape_cast %parallel_loop3A_140 : vector<16xf32> to vector<16xf32>
          tpu.vector_store %arg9[%parallel_loop3A_464], %parallel_loop3A_467 {strides = array<i32>} : memref<51200xf32, #tpu.memory_space<vmem>>, vector<16xf32>,
          %parallel_loop3A_468 = arith.constant 112 : i32
          %parallel_loop3A_469 = arith.addi %parallel_loop3A_91, %parallel_loop3A_468 : i32
          %parallel_loop3A_470 = arith.index_cast %parallel_loop3A_469 : i32 to index
          %parallel_loop3A_471 = tpu.vector_load %arg9[%parallel_loop3A_470] {strides = array<i32>} : memref<51200xf32, #tpu.memory_space<vmem>>, vector<16xf32>,
          %parallel_loop3A_472 = vector.shape_cast %parallel_loop3A_471 : vector<16xf32> to vector<16xf32>
          %parallel_loop3A_473 = vector.shape_cast %parallel_loop3A_145 : vector<16xf32> to vector<16xf32>
          tpu.vector_store %arg9[%parallel_loop3A_470], %parallel_loop3A_473 {strides = array<i32>} : memref<51200xf32, #tpu.memory_space<vmem>>, vector<16xf32>,
          %parallel_loop3A_474 = arith.constant 0 : i32
          %parallel_loop3A_475 = arith.addi %parallel_loop3A_93, %parallel_loop3A_474 : i32
          %parallel_loop3A_476 = arith.index_cast %parallel_loop3A_475 : i32 to index
          %parallel_loop3A_477 = tpu.vector_load %arg9[%parallel_loop3A_476] {strides = array<i32>} : memref<51200xf32, #tpu.memory_space<vmem>>, vector<16xf32>,
          %parallel_loop3A_478 = vector.shape_cast %parallel_loop3A_477 : vector<16xf32> to vector<16xf32>
          %parallel_loop3A_479 = vector.shape_cast %parallel_loop3A_150 : vector<16xf32> to vector<16xf32>
          tpu.vector_store %arg9[%parallel_loop3A_476], %parallel_loop3A_479 {strides = array<i32>} : memref<51200xf32, #tpu.memory_space<vmem>>, vector<16xf32>,
          %parallel_loop3A_480 = arith.constant 16 : i32
          %parallel_loop3A_481 = arith.addi %parallel_loop3A_93, %parallel_loop3A_480 : i32
          %parallel_loop3A_482 = arith.index_cast %parallel_loop3A_481 : i32 to index
          %parallel_loop3A_483 = tpu.vector_load %arg9[%parallel_loop3A_482] {strides = array<i32>} : memref<51200xf32, #tpu.memory_space<vmem>>, vector<16xf32>,
          %parallel_loop3A_484 = vector.shape_cast %parallel_loop3A_483 : vector<16xf32> to vector<16xf32>
          %parallel_loop3A_485 = vector.shape_cast %parallel_loop3A_155 : vector<16xf32> to vector<16xf32>
          tpu.vector_store %arg9[%parallel_loop3A_482], %parallel_loop3A_485 {strides = array<i32>} : memref<51200xf32, #tpu.memory_space<vmem>>, vector<16xf32>,
          %parallel_loop3A_486 = arith.constant 32 : i32
          %parallel_loop3A_487 = arith.addi %parallel_loop3A_93, %parallel_loop3A_486 : i32
          %parallel_loop3A_488 = arith.index_cast %parallel_loop3A_487 : i32 to index
          %parallel_loop3A_489 = tpu.vector_load %arg9[%parallel_loop3A_488] {strides = array<i32>} : memref<51200xf32, #tpu.memory_space<vmem>>, vector<16xf32>,
          %parallel_loop3A_490 = vector.shape_cast %parallel_loop3A_489 : vector<16xf32> to vector<16xf32>
          %parallel_loop3A_491 = vector.shape_cast %parallel_loop3A_160 : vector<16xf32> to vector<16xf32>
          tpu.vector_store %arg9[%parallel_loop3A_488], %parallel_loop3A_491 {strides = array<i32>} : memref<51200xf32, #tpu.memory_space<vmem>>, vector<16xf32>,
          %parallel_loop3A_492 = arith.constant 48 : i32
          %parallel_loop3A_493 = arith.addi %parallel_loop3A_93, %parallel_loop3A_492 : i32
          %parallel_loop3A_494 = arith.index_cast %parallel_loop3A_493 : i32 to index
          %parallel_loop3A_495 = tpu.vector_load %arg9[%parallel_loop3A_494] {strides = array<i32>} : memref<51200xf32, #tpu.memory_space<vmem>>, vector<16xf32>,
          %parallel_loop3A_496 = vector.shape_cast %parallel_loop3A_495 : vector<16xf32> to vector<16xf32>
          %parallel_loop3A_497 = vector.shape_cast %parallel_loop3A_165 : vector<16xf32> to vector<16xf32>
          tpu.vector_store %arg9[%parallel_loop3A_494], %parallel_loop3A_497 {strides = array<i32>} : memref<51200xf32, #tpu.memory_space<vmem>>, vector<16xf32>,
          %parallel_loop3A_498 = arith.constant 64 : i32
          %parallel_loop3A_499 = arith.addi %parallel_loop3A_93, %parallel_loop3A_498 : i32
          %parallel_loop3A_500 = arith.index_cast %parallel_loop3A_499 : i32 to index
          %parallel_loop3A_501 = tpu.vector_load %arg9[%parallel_loop3A_500] {strides = array<i32>} : memref<51200xf32, #tpu.memory_space<vmem>>, vector<16xf32>,
          %parallel_loop3A_502 = vector.shape_cast %parallel_loop3A_501 : vector<16xf32> to vector<16xf32>
          %parallel_loop3A_503 = vector.shape_cast %parallel_loop3A_170 : vector<16xf32> to vector<16xf32>
          tpu.vector_store %arg9[%parallel_loop3A_500], %parallel_loop3A_503 {strides = array<i32>} : memref<51200xf32, #tpu.memory_space<vmem>>, vector<16xf32>,
          %parallel_loop3A_504 = arith.constant 80 : i32
          %parallel_loop3A_505 = arith.addi %parallel_loop3A_93, %parallel_loop3A_504 : i32
          %parallel_loop3A_506 = arith.index_cast %parallel_loop3A_505 : i32 to index
          %parallel_loop3A_507 = tpu.vector_load %arg9[%parallel_loop3A_506] {strides = array<i32>} : memref<51200xf32, #tpu.memory_space<vmem>>, vector<16xf32>,
          %parallel_loop3A_508 = vector.shape_cast %parallel_loop3A_507 : vector<16xf32> to vector<16xf32>
          %parallel_loop3A_509 = vector.shape_cast %parallel_loop3A_175 : vector<16xf32> to vector<16xf32>
          tpu.vector_store %arg9[%parallel_loop3A_506], %parallel_loop3A_509 {strides = array<i32>} : memref<51200xf32, #tpu.memory_space<vmem>>, vector<16xf32>,
          %parallel_loop3A_510 = arith.constant 96 : i32
          %parallel_loop3A_511 = arith.addi %parallel_loop3A_93, %parallel_loop3A_510 : i32
          %parallel_loop3A_512 = arith.index_cast %parallel_loop3A_511 : i32 to index
          %parallel_loop3A_513 = tpu.vector_load %arg9[%parallel_loop3A_512] {strides = array<i32>} : memref<51200xf32, #tpu.memory_space<vmem>>, vector<16xf32>,
          %parallel_loop3A_514 = vector.shape_cast %parallel_loop3A_513 : vector<16xf32> to vector<16xf32>
          %parallel_loop3A_515 = vector.shape_cast %parallel_loop3A_180 : vector<16xf32> to vector<16xf32>
          tpu.vector_store %arg9[%parallel_loop3A_512], %parallel_loop3A_515 {strides = array<i32>} : memref<51200xf32, #tpu.memory_space<vmem>>, vector<16xf32>,
          %parallel_loop3A_516 = arith.constant 112 : i32
          %parallel_loop3A_517 = arith.addi %parallel_loop3A_93, %parallel_loop3A_516 : i32
          %parallel_loop3A_518 = arith.index_cast %parallel_loop3A_517 : i32 to index
          %parallel_loop3A_519 = tpu.vector_load %arg9[%parallel_loop3A_518] {strides = array<i32>} : memref<51200xf32, #tpu.memory_space<vmem>>, vector<16xf32>,
          %parallel_loop3A_520 = vector.shape_cast %parallel_loop3A_519 : vector<16xf32> to vector<16xf32>
          %parallel_loop3A_521 = vector.shape_cast %parallel_loop3A_185 : vector<16xf32> to vector<16xf32>
          tpu.vector_store %arg9[%parallel_loop3A_518], %parallel_loop3A_521 {strides = array<i32>} : memref<51200xf32, #tpu.memory_space<vmem>>, vector<16xf32>,
          %parallel_loop3A_522 = arith.constant 0 : i32
          %parallel_loop3A_523 = arith.addi %parallel_loop3A_95, %parallel_loop3A_522 : i32
          %parallel_loop3A_524 = arith.index_cast %parallel_loop3A_523 : i32 to index
          %parallel_loop3A_525 = tpu.vector_load %arg9[%parallel_loop3A_524] {strides = array<i32>} : memref<51200xf32, #tpu.memory_space<vmem>>, vector<16xf32>,
          %parallel_loop3A_526 = vector.shape_cast %parallel_loop3A_525 : vector<16xf32> to vector<16xf32>
          %parallel_loop3A_527 = vector.shape_cast %parallel_loop3A_190 : vector<16xf32> to vector<16xf32>
          tpu.vector_store %arg9[%parallel_loop3A_524], %parallel_loop3A_527 {strides = array<i32>} : memref<51200xf32, #tpu.memory_space<vmem>>, vector<16xf32>,
          %parallel_loop3A_528 = arith.constant 16 : i32
          %parallel_loop3A_529 = arith.addi %parallel_loop3A_95, %parallel_loop3A_528 : i32
          %parallel_loop3A_530 = arith.index_cast %parallel_loop3A_529 : i32 to index
          %parallel_loop3A_531 = tpu.vector_load %arg9[%parallel_loop3A_530] {strides = array<i32>} : memref<51200xf32, #tpu.memory_space<vmem>>, vector<16xf32>,
          %parallel_loop3A_532 = vector.shape_cast %parallel_loop3A_531 : vector<16xf32> to vector<16xf32>
          %parallel_loop3A_533 = vector.shape_cast %parallel_loop3A_195 : vector<16xf32> to vector<16xf32>
          tpu.vector_store %arg9[%parallel_loop3A_530], %parallel_loop3A_533 {strides = array<i32>} : memref<51200xf32, #tpu.memory_space<vmem>>, vector<16xf32>,
          %parallel_loop3A_534 = arith.constant 32 : i32
          %parallel_loop3A_535 = arith.addi %parallel_loop3A_95, %parallel_loop3A_534 : i32
          %parallel_loop3A_536 = arith.index_cast %parallel_loop3A_535 : i32 to index
          %parallel_loop3A_537 = tpu.vector_load %arg9[%parallel_loop3A_536] {strides = array<i32>} : memref<51200xf32, #tpu.memory_space<vmem>>, vector<16xf32>,
          %parallel_loop3A_538 = vector.shape_cast %parallel_loop3A_537 : vector<16xf32> to vector<16xf32>
          %parallel_loop3A_539 = vector.shape_cast %parallel_loop3A_200 : vector<16xf32> to vector<16xf32>
          tpu.vector_store %arg9[%parallel_loop3A_536], %parallel_loop3A_539 {strides = array<i32>} : memref<51200xf32, #tpu.memory_space<vmem>>, vector<16xf32>,
          %parallel_loop3A_540 = arith.constant 48 : i32
          %parallel_loop3A_541 = arith.addi %parallel_loop3A_95, %parallel_loop3A_540 : i32
          %parallel_loop3A_542 = arith.index_cast %parallel_loop3A_541 : i32 to index
          %parallel_loop3A_543 = tpu.vector_load %arg9[%parallel_loop3A_542] {strides = array<i32>} : memref<51200xf32, #tpu.memory_space<vmem>>, vector<16xf32>,
          %parallel_loop3A_544 = vector.shape_cast %parallel_loop3A_543 : vector<16xf32> to vector<16xf32>
          %parallel_loop3A_545 = vector.shape_cast %parallel_loop3A_205 : vector<16xf32> to vector<16xf32>
          tpu.vector_store %arg9[%parallel_loop3A_542], %parallel_loop3A_545 {strides = array<i32>} : memref<51200xf32, #tpu.memory_space<vmem>>, vector<16xf32>,
          %parallel_loop3A_546 = arith.constant 64 : i32
          %parallel_loop3A_547 = arith.addi %parallel_loop3A_95, %parallel_loop3A_546 : i32
          %parallel_loop3A_548 = arith.index_cast %parallel_loop3A_547 : i32 to index
          %parallel_loop3A_549 = tpu.vector_load %arg9[%parallel_loop3A_548] {strides = array<i32>} : memref<51200xf32, #tpu.memory_space<vmem>>, vector<16xf32>,
          %parallel_loop3A_550 = vector.shape_cast %parallel_loop3A_549 : vector<16xf32> to vector<16xf32>
          %parallel_loop3A_551 = vector.shape_cast %parallel_loop3A_210 : vector<16xf32> to vector<16xf32>
          tpu.vector_store %arg9[%parallel_loop3A_548], %parallel_loop3A_551 {strides = array<i32>} : memref<51200xf32, #tpu.memory_space<vmem>>, vector<16xf32>,
          %parallel_loop3A_552 = arith.constant 80 : i32
          %parallel_loop3A_553 = arith.addi %parallel_loop3A_95, %parallel_loop3A_552 : i32
          %parallel_loop3A_554 = arith.index_cast %parallel_loop3A_553 : i32 to index
          %parallel_loop3A_555 = tpu.vector_load %arg9[%parallel_loop3A_554] {strides = array<i32>} : memref<51200xf32, #tpu.memory_space<vmem>>, vector<16xf32>,
          %parallel_loop3A_556 = vector.shape_cast %parallel_loop3A_555 : vector<16xf32> to vector<16xf32>
          %parallel_loop3A_557 = vector.shape_cast %parallel_loop3A_215 : vector<16xf32> to vector<16xf32>
          tpu.vector_store %arg9[%parallel_loop3A_554], %parallel_loop3A_557 {strides = array<i32>} : memref<51200xf32, #tpu.memory_space<vmem>>, vector<16xf32>,
          %parallel_loop3A_558 = arith.constant 96 : i32
          %parallel_loop3A_559 = arith.addi %parallel_loop3A_95, %parallel_loop3A_558 : i32
          %parallel_loop3A_560 = arith.index_cast %parallel_loop3A_559 : i32 to index
          %parallel_loop3A_561 = tpu.vector_load %arg9[%parallel_loop3A_560] {strides = array<i32>} : memref<51200xf32, #tpu.memory_space<vmem>>, vector<16xf32>,
          %parallel_loop3A_562 = vector.shape_cast %parallel_loop3A_561 : vector<16xf32> to vector<16xf32>
          %parallel_loop3A_563 = vector.shape_cast %parallel_loop3A_220 : vector<16xf32> to vector<16xf32>
          tpu.vector_store %arg9[%parallel_loop3A_560], %parallel_loop3A_563 {strides = array<i32>} : memref<51200xf32, #tpu.memory_space<vmem>>, vector<16xf32>,
          %parallel_loop3A_564 = arith.constant 112 : i32
          %parallel_loop3A_565 = arith.addi %parallel_loop3A_95, %parallel_loop3A_564 : i32
          %parallel_loop3A_566 = arith.index_cast %parallel_loop3A_565 : i32 to index
          %parallel_loop3A_567 = tpu.vector_load %arg9[%parallel_loop3A_566] {strides = array<i32>} : memref<51200xf32, #tpu.memory_space<vmem>>, vector<16xf32>,
          %parallel_loop3A_568 = vector.shape_cast %parallel_loop3A_567 : vector<16xf32> to vector<16xf32>
          %parallel_loop3A_569 = vector.shape_cast %parallel_loop3A_225 : vector<16xf32> to vector<16xf32>
          tpu.vector_store %arg9[%parallel_loop3A_566], %parallel_loop3A_569 {strides = array<i32>} : memref<51200xf32, #tpu.memory_space<vmem>>, vector<16xf32>,
          %parallel_loop3A_570 = arith.constant 0 : i32
          %parallel_loop3A_571 = arith.addi %parallel_loop3A_97, %parallel_loop3A_570 : i32
          %parallel_loop3A_572 = arith.index_cast %parallel_loop3A_571 : i32 to index
          %parallel_loop3A_573 = tpu.vector_load %arg9[%parallel_loop3A_572] {strides = array<i32>} : memref<51200xf32, #tpu.memory_space<vmem>>, vector<16xf32>,
          %parallel_loop3A_574 = vector.shape_cast %parallel_loop3A_573 : vector<16xf32> to vector<16xf32>
          %parallel_loop3A_575 = vector.shape_cast %parallel_loop3A_230 : vector<16xf32> to vector<16xf32>
          tpu.vector_store %arg9[%parallel_loop3A_572], %parallel_loop3A_575 {strides = array<i32>} : memref<51200xf32, #tpu.memory_space<vmem>>, vector<16xf32>,
          %parallel_loop3A_576 = arith.constant 16 : i32
          %parallel_loop3A_577 = arith.addi %parallel_loop3A_97, %parallel_loop3A_576 : i32
          %parallel_loop3A_578 = arith.index_cast %parallel_loop3A_577 : i32 to index
          %parallel_loop3A_579 = tpu.vector_load %arg9[%parallel_loop3A_578] {strides = array<i32>} : memref<51200xf32, #tpu.memory_space<vmem>>, vector<16xf32>,
          %parallel_loop3A_580 = vector.shape_cast %parallel_loop3A_579 : vector<16xf32> to vector<16xf32>
          %parallel_loop3A_581 = vector.shape_cast %parallel_loop3A_235 : vector<16xf32> to vector<16xf32>
          tpu.vector_store %arg9[%parallel_loop3A_578], %parallel_loop3A_581 {strides = array<i32>} : memref<51200xf32, #tpu.memory_space<vmem>>, vector<16xf32>,
          %parallel_loop3A_582 = arith.constant 32 : i32
          %parallel_loop3A_583 = arith.addi %parallel_loop3A_97, %parallel_loop3A_582 : i32
          %parallel_loop3A_584 = arith.index_cast %parallel_loop3A_583 : i32 to index
          %parallel_loop3A_585 = tpu.vector_load %arg9[%parallel_loop3A_584] {strides = array<i32>} : memref<51200xf32, #tpu.memory_space<vmem>>, vector<16xf32>,
          %parallel_loop3A_586 = vector.shape_cast %parallel_loop3A_585 : vector<16xf32> to vector<16xf32>
          %parallel_loop3A_587 = vector.shape_cast %parallel_loop3A_240 : vector<16xf32> to vector<16xf32>
          tpu.vector_store %arg9[%parallel_loop3A_584], %parallel_loop3A_587 {strides = array<i32>} : memref<51200xf32, #tpu.memory_space<vmem>>, vector<16xf32>,
          %parallel_loop3A_588 = arith.constant 48 : i32
          %parallel_loop3A_589 = arith.addi %parallel_loop3A_97, %parallel_loop3A_588 : i32
          %parallel_loop3A_590 = arith.index_cast %parallel_loop3A_589 : i32 to index
          %parallel_loop3A_591 = tpu.vector_load %arg9[%parallel_loop3A_590] {strides = array<i32>} : memref<51200xf32, #tpu.memory_space<vmem>>, vector<16xf32>,
          %parallel_loop3A_592 = vector.shape_cast %parallel_loop3A_591 : vector<16xf32> to vector<16xf32>
          %parallel_loop3A_593 = vector.shape_cast %parallel_loop3A_245 : vector<16xf32> to vector<16xf32>
          tpu.vector_store %arg9[%parallel_loop3A_590], %parallel_loop3A_593 {strides = array<i32>} : memref<51200xf32, #tpu.memory_space<vmem>>, vector<16xf32>,
          %parallel_loop3A_594 = arith.constant 64 : i32
          %parallel_loop3A_595 = arith.addi %parallel_loop3A_97, %parallel_loop3A_594 : i32
          %parallel_loop3A_596 = arith.index_cast %parallel_loop3A_595 : i32 to index
          %parallel_loop3A_597 = tpu.vector_load %arg9[%parallel_loop3A_596] {strides = array<i32>} : memref<51200xf32, #tpu.memory_space<vmem>>, vector<16xf32>,
          %parallel_loop3A_598 = vector.shape_cast %parallel_loop3A_597 : vector<16xf32> to vector<16xf32>
          %parallel_loop3A_599 = vector.shape_cast %parallel_loop3A_250 : vector<16xf32> to vector<16xf32>
          tpu.vector_store %arg9[%parallel_loop3A_596], %parallel_loop3A_599 {strides = array<i32>} : memref<51200xf32, #tpu.memory_space<vmem>>, vector<16xf32>,
          %parallel_loop3A_600 = arith.constant 80 : i32
          %parallel_loop3A_601 = arith.addi %parallel_loop3A_97, %parallel_loop3A_600 : i32
          %parallel_loop3A_602 = arith.index_cast %parallel_loop3A_601 : i32 to index
          %parallel_loop3A_603 = tpu.vector_load %arg9[%parallel_loop3A_602] {strides = array<i32>} : memref<51200xf32, #tpu.memory_space<vmem>>, vector<16xf32>,
          %parallel_loop3A_604 = vector.shape_cast %parallel_loop3A_603 : vector<16xf32> to vector<16xf32>
          %parallel_loop3A_605 = vector.shape_cast %parallel_loop3A_255 : vector<16xf32> to vector<16xf32>
          tpu.vector_store %arg9[%parallel_loop3A_602], %parallel_loop3A_605 {strides = array<i32>} : memref<51200xf32, #tpu.memory_space<vmem>>, vector<16xf32>,
          %parallel_loop3A_606 = arith.constant 96 : i32
          %parallel_loop3A_607 = arith.addi %parallel_loop3A_97, %parallel_loop3A_606 : i32
          %parallel_loop3A_608 = arith.index_cast %parallel_loop3A_607 : i32 to index
          %parallel_loop3A_609 = tpu.vector_load %arg9[%parallel_loop3A_608] {strides = array<i32>} : memref<51200xf32, #tpu.memory_space<vmem>>, vector<16xf32>,
          %parallel_loop3A_610 = vector.shape_cast %parallel_loop3A_609 : vector<16xf32> to vector<16xf32>
          %parallel_loop3A_611 = vector.shape_cast %parallel_loop3A_260 : vector<16xf32> to vector<16xf32>
          tpu.vector_store %arg9[%parallel_loop3A_608], %parallel_loop3A_611 {strides = array<i32>} : memref<51200xf32, #tpu.memory_space<vmem>>, vector<16xf32>,
          %parallel_loop3A_612 = arith.constant 112 : i32
          %parallel_loop3A_613 = arith.addi %parallel_loop3A_97, %parallel_loop3A_612 : i32
          %parallel_loop3A_614 = arith.index_cast %parallel_loop3A_613 : i32 to index
          %parallel_loop3A_615 = tpu.vector_load %arg9[%parallel_loop3A_614] {strides = array<i32>} : memref<51200xf32, #tpu.memory_space<vmem>>, vector<16xf32>,
          %parallel_loop3A_616 = vector.shape_cast %parallel_loop3A_615 : vector<16xf32> to vector<16xf32>
          %parallel_loop3A_617 = vector.shape_cast %parallel_loop3A_265 : vector<16xf32> to vector<16xf32>
          tpu.vector_store %arg9[%parallel_loop3A_614], %parallel_loop3A_617 {strides = array<i32>} : memref<51200xf32, #tpu.memory_space<vmem>>, vector<16xf32>,
          %parallel_loop3A_618 = arith.constant 0 : i32
          %parallel_loop3A_619 = arith.addi %parallel_loop3A_99, %parallel_loop3A_618 : i32
          %parallel_loop3A_620 = arith.index_cast %parallel_loop3A_619 : i32 to index
          %parallel_loop3A_621 = tpu.vector_load %arg9[%parallel_loop3A_620] {strides = array<i32>} : memref<51200xf32, #tpu.memory_space<vmem>>, vector<16xf32>,
          %parallel_loop3A_622 = vector.shape_cast %parallel_loop3A_621 : vector<16xf32> to vector<16xf32>
          %parallel_loop3A_623 = vector.shape_cast %parallel_loop3A_270 : vector<16xf32> to vector<16xf32>
          tpu.vector_store %arg9[%parallel_loop3A_620], %parallel_loop3A_623 {strides = array<i32>} : memref<51200xf32, #tpu.memory_space<vmem>>, vector<16xf32>,
          %parallel_loop3A_624 = arith.constant 16 : i32
          %parallel_loop3A_625 = arith.addi %parallel_loop3A_99, %parallel_loop3A_624 : i32
          %parallel_loop3A_626 = arith.index_cast %parallel_loop3A_625 : i32 to index
          %parallel_loop3A_627 = tpu.vector_load %arg9[%parallel_loop3A_626] {strides = array<i32>} : memref<51200xf32, #tpu.memory_space<vmem>>, vector<16xf32>,
          %parallel_loop3A_628 = vector.shape_cast %parallel_loop3A_627 : vector<16xf32> to vector<16xf32>
          %parallel_loop3A_629 = vector.shape_cast %parallel_loop3A_275 : vector<16xf32> to vector<16xf32>
          tpu.vector_store %arg9[%parallel_loop3A_626], %parallel_loop3A_629 {strides = array<i32>} : memref<51200xf32, #tpu.memory_space<vmem>>, vector<16xf32>,
          %parallel_loop3A_630 = arith.constant 32 : i32
          %parallel_loop3A_631 = arith.addi %parallel_loop3A_99, %parallel_loop3A_630 : i32
          %parallel_loop3A_632 = arith.index_cast %parallel_loop3A_631 : i32 to index
          %parallel_loop3A_633 = tpu.vector_load %arg9[%parallel_loop3A_632] {strides = array<i32>} : memref<51200xf32, #tpu.memory_space<vmem>>, vector<16xf32>,
          %parallel_loop3A_634 = vector.shape_cast %parallel_loop3A_633 : vector<16xf32> to vector<16xf32>
          %parallel_loop3A_635 = vector.shape_cast %parallel_loop3A_280 : vector<16xf32> to vector<16xf32>
          tpu.vector_store %arg9[%parallel_loop3A_632], %parallel_loop3A_635 {strides = array<i32>} : memref<51200xf32, #tpu.memory_space<vmem>>, vector<16xf32>,
          %parallel_loop3A_636 = arith.constant 48 : i32
          %parallel_loop3A_637 = arith.addi %parallel_loop3A_99, %parallel_loop3A_636 : i32
          %parallel_loop3A_638 = arith.index_cast %parallel_loop3A_637 : i32 to index
          %parallel_loop3A_639 = tpu.vector_load %arg9[%parallel_loop3A_638] {strides = array<i32>} : memref<51200xf32, #tpu.memory_space<vmem>>, vector<16xf32>,
          %parallel_loop3A_640 = vector.shape_cast %parallel_loop3A_639 : vector<16xf32> to vector<16xf32>
          %parallel_loop3A_641 = vector.shape_cast %parallel_loop3A_285 : vector<16xf32> to vector<16xf32>
          tpu.vector_store %arg9[%parallel_loop3A_638], %parallel_loop3A_641 {strides = array<i32>} : memref<51200xf32, #tpu.memory_space<vmem>>, vector<16xf32>,
          %parallel_loop3A_642 = arith.constant 64 : i32
          %parallel_loop3A_643 = arith.addi %parallel_loop3A_99, %parallel_loop3A_642 : i32
          %parallel_loop3A_644 = arith.index_cast %parallel_loop3A_643 : i32 to index
          %parallel_loop3A_645 = tpu.vector_load %arg9[%parallel_loop3A_644] {strides = array<i32>} : memref<51200xf32, #tpu.memory_space<vmem>>, vector<16xf32>,
          %parallel_loop3A_646 = vector.shape_cast %parallel_loop3A_645 : vector<16xf32> to vector<16xf32>
          %parallel_loop3A_647 = vector.shape_cast %parallel_loop3A_290 : vector<16xf32> to vector<16xf32>
          tpu.vector_store %arg9[%parallel_loop3A_644], %parallel_loop3A_647 {strides = array<i32>} : memref<51200xf32, #tpu.memory_space<vmem>>, vector<16xf32>,
          %parallel_loop3A_648 = arith.constant 80 : i32
          %parallel_loop3A_649 = arith.addi %parallel_loop3A_99, %parallel_loop3A_648 : i32
          %parallel_loop3A_650 = arith.index_cast %parallel_loop3A_649 : i32 to index
          %parallel_loop3A_651 = tpu.vector_load %arg9[%parallel_loop3A_650] {strides = array<i32>} : memref<51200xf32, #tpu.memory_space<vmem>>, vector<16xf32>,
          %parallel_loop3A_652 = vector.shape_cast %parallel_loop3A_651 : vector<16xf32> to vector<16xf32>
          %parallel_loop3A_653 = vector.shape_cast %parallel_loop3A_295 : vector<16xf32> to vector<16xf32>
          tpu.vector_store %arg9[%parallel_loop3A_650], %parallel_loop3A_653 {strides = array<i32>} : memref<51200xf32, #tpu.memory_space<vmem>>, vector<16xf32>,
          %parallel_loop3A_654 = arith.constant 96 : i32
          %parallel_loop3A_655 = arith.addi %parallel_loop3A_99, %parallel_loop3A_654 : i32
          %parallel_loop3A_656 = arith.index_cast %parallel_loop3A_655 : i32 to index
          %parallel_loop3A_657 = tpu.vector_load %arg9[%parallel_loop3A_656] {strides = array<i32>} : memref<51200xf32, #tpu.memory_space<vmem>>, vector<16xf32>,
          %parallel_loop3A_658 = vector.shape_cast %parallel_loop3A_657 : vector<16xf32> to vector<16xf32>
          %parallel_loop3A_659 = vector.shape_cast %parallel_loop3A_300 : vector<16xf32> to vector<16xf32>
          tpu.vector_store %arg9[%parallel_loop3A_656], %parallel_loop3A_659 {strides = array<i32>} : memref<51200xf32, #tpu.memory_space<vmem>>, vector<16xf32>,
          %parallel_loop3A_660 = arith.constant 112 : i32
          %parallel_loop3A_661 = arith.addi %parallel_loop3A_99, %parallel_loop3A_660 : i32
          %parallel_loop3A_662 = arith.index_cast %parallel_loop3A_661 : i32 to index
          %parallel_loop3A_663 = tpu.vector_load %arg9[%parallel_loop3A_662] {strides = array<i32>} : memref<51200xf32, #tpu.memory_space<vmem>>, vector<16xf32>,
          %parallel_loop3A_664 = vector.shape_cast %parallel_loop3A_663 : vector<16xf32> to vector<16xf32>
          %parallel_loop3A_665 = vector.shape_cast %parallel_loop3A_305 : vector<16xf32> to vector<16xf32>
          tpu.vector_store %arg9[%parallel_loop3A_662], %parallel_loop3A_665 {strides = array<i32>} : memref<51200xf32, #tpu.memory_space<vmem>>, vector<16xf32>,
          %parallel_loop3A_666 = arith.constant 0 : i32
          %parallel_loop3A_667 = arith.addi %parallel_loop3A_101, %parallel_loop3A_666 : i32
          %parallel_loop3A_668 = arith.index_cast %parallel_loop3A_667 : i32 to index
          %parallel_loop3A_669 = tpu.vector_load %arg9[%parallel_loop3A_668] {strides = array<i32>} : memref<51200xf32, #tpu.memory_space<vmem>>, vector<16xf32>,
          %parallel_loop3A_670 = vector.shape_cast %parallel_loop3A_669 : vector<16xf32> to vector<16xf32>
          %parallel_loop3A_671 = vector.shape_cast %parallel_loop3A_310 : vector<16xf32> to vector<16xf32>
          tpu.vector_store %arg9[%parallel_loop3A_668], %parallel_loop3A_671 {strides = array<i32>} : memref<51200xf32, #tpu.memory_space<vmem>>, vector<16xf32>,
          %parallel_loop3A_672 = arith.constant 16 : i32
          %parallel_loop3A_673 = arith.addi %parallel_loop3A_101, %parallel_loop3A_672 : i32
          %parallel_loop3A_674 = arith.index_cast %parallel_loop3A_673 : i32 to index
          %parallel_loop3A_675 = tpu.vector_load %arg9[%parallel_loop3A_674] {strides = array<i32>} : memref<51200xf32, #tpu.memory_space<vmem>>, vector<16xf32>,
          %parallel_loop3A_676 = vector.shape_cast %parallel_loop3A_675 : vector<16xf32> to vector<16xf32>
          %parallel_loop3A_677 = vector.shape_cast %parallel_loop3A_315 : vector<16xf32> to vector<16xf32>
          tpu.vector_store %arg9[%parallel_loop3A_674], %parallel_loop3A_677 {strides = array<i32>} : memref<51200xf32, #tpu.memory_space<vmem>>, vector<16xf32>,
          %parallel_loop3A_678 = arith.constant 32 : i32
          %parallel_loop3A_679 = arith.addi %parallel_loop3A_101, %parallel_loop3A_678 : i32
          %parallel_loop3A_680 = arith.index_cast %parallel_loop3A_679 : i32 to index
          %parallel_loop3A_681 = tpu.vector_load %arg9[%parallel_loop3A_680] {strides = array<i32>} : memref<51200xf32, #tpu.memory_space<vmem>>, vector<16xf32>,
          %parallel_loop3A_682 = vector.shape_cast %parallel_loop3A_681 : vector<16xf32> to vector<16xf32>
          %parallel_loop3A_683 = vector.shape_cast %parallel_loop3A_320 : vector<16xf32> to vector<16xf32>
          tpu.vector_store %arg9[%parallel_loop3A_680], %parallel_loop3A_683 {strides = array<i32>} : memref<51200xf32, #tpu.memory_space<vmem>>, vector<16xf32>,
          %parallel_loop3A_684 = arith.constant 48 : i32
          %parallel_loop3A_685 = arith.addi %parallel_loop3A_101, %parallel_loop3A_684 : i32
          %parallel_loop3A_686 = arith.index_cast %parallel_loop3A_685 : i32 to index
          %parallel_loop3A_687 = tpu.vector_load %arg9[%parallel_loop3A_686] {strides = array<i32>} : memref<51200xf32, #tpu.memory_space<vmem>>, vector<16xf32>,
          %parallel_loop3A_688 = vector.shape_cast %parallel_loop3A_687 : vector<16xf32> to vector<16xf32>
          %parallel_loop3A_689 = vector.shape_cast %parallel_loop3A_325 : vector<16xf32> to vector<16xf32>
          tpu.vector_store %arg9[%parallel_loop3A_686], %parallel_loop3A_689 {strides = array<i32>} : memref<51200xf32, #tpu.memory_space<vmem>>, vector<16xf32>,
          %parallel_loop3A_690 = arith.constant 64 : i32
          %parallel_loop3A_691 = arith.addi %parallel_loop3A_101, %parallel_loop3A_690 : i32
          %parallel_loop3A_692 = arith.index_cast %parallel_loop3A_691 : i32 to index
          %parallel_loop3A_693 = tpu.vector_load %arg9[%parallel_loop3A_692] {strides = array<i32>} : memref<51200xf32, #tpu.memory_space<vmem>>, vector<16xf32>,
          %parallel_loop3A_694 = vector.shape_cast %parallel_loop3A_693 : vector<16xf32> to vector<16xf32>
          %parallel_loop3A_695 = vector.shape_cast %parallel_loop3A_330 : vector<16xf32> to vector<16xf32>
          tpu.vector_store %arg9[%parallel_loop3A_692], %parallel_loop3A_695 {strides = array<i32>} : memref<51200xf32, #tpu.memory_space<vmem>>, vector<16xf32>,
          %parallel_loop3A_696 = arith.constant 80 : i32
          %parallel_loop3A_697 = arith.addi %parallel_loop3A_101, %parallel_loop3A_696 : i32
          %parallel_loop3A_698 = arith.index_cast %parallel_loop3A_697 : i32 to index
          %parallel_loop3A_699 = tpu.vector_load %arg9[%parallel_loop3A_698] {strides = array<i32>} : memref<51200xf32, #tpu.memory_space<vmem>>, vector<16xf32>,
          %parallel_loop3A_700 = vector.shape_cast %parallel_loop3A_699 : vector<16xf32> to vector<16xf32>
          %parallel_loop3A_701 = vector.shape_cast %parallel_loop3A_335 : vector<16xf32> to vector<16xf32>
          tpu.vector_store %arg9[%parallel_loop3A_698], %parallel_loop3A_701 {strides = array<i32>} : memref<51200xf32, #tpu.memory_space<vmem>>, vector<16xf32>,
          %parallel_loop3A_702 = arith.constant 96 : i32
          %parallel_loop3A_703 = arith.addi %parallel_loop3A_101, %parallel_loop3A_702 : i32
          %parallel_loop3A_704 = arith.index_cast %parallel_loop3A_703 : i32 to index
          %parallel_loop3A_705 = tpu.vector_load %arg9[%parallel_loop3A_704] {strides = array<i32>} : memref<51200xf32, #tpu.memory_space<vmem>>, vector<16xf32>,
          %parallel_loop3A_706 = vector.shape_cast %parallel_loop3A_705 : vector<16xf32> to vector<16xf32>
          %parallel_loop3A_707 = vector.shape_cast %parallel_loop3A_340 : vector<16xf32> to vector<16xf32>
          tpu.vector_store %arg9[%parallel_loop3A_704], %parallel_loop3A_707 {strides = array<i32>} : memref<51200xf32, #tpu.memory_space<vmem>>, vector<16xf32>,
          %parallel_loop3A_708 = arith.constant 112 : i32
          %parallel_loop3A_709 = arith.addi %parallel_loop3A_101, %parallel_loop3A_708 : i32
          %parallel_loop3A_710 = arith.index_cast %parallel_loop3A_709 : i32 to index
          %parallel_loop3A_711 = tpu.vector_load %arg9[%parallel_loop3A_710] {strides = array<i32>} : memref<51200xf32, #tpu.memory_space<vmem>>, vector<16xf32>,
          %parallel_loop3A_712 = vector.shape_cast %parallel_loop3A_711 : vector<16xf32> to vector<16xf32>
          %parallel_loop3A_713 = vector.shape_cast %parallel_loop3A_345 : vector<16xf32> to vector<16xf32>
          tpu.vector_store %arg9[%parallel_loop3A_710], %parallel_loop3A_713 {strides = array<i32>} : memref<51200xf32, #tpu.memory_space<vmem>>, vector<16xf32>,
          %parallel_loop3A_714 = arith.constant 0 : i32
          %parallel_loop3A_715 = arith.addi %parallel_loop3A_103, %parallel_loop3A_714 : i32
          %parallel_loop3A_716 = arith.index_cast %parallel_loop3A_715 : i32 to index
          %parallel_loop3A_717 = tpu.vector_load %arg9[%parallel_loop3A_716] {strides = array<i32>} : memref<51200xf32, #tpu.memory_space<vmem>>, vector<16xf32>,
          %parallel_loop3A_718 = vector.shape_cast %parallel_loop3A_717 : vector<16xf32> to vector<16xf32>
          %parallel_loop3A_719 = vector.shape_cast %parallel_loop3A_350 : vector<16xf32> to vector<16xf32>
          tpu.vector_store %arg9[%parallel_loop3A_716], %parallel_loop3A_719 {strides = array<i32>} : memref<51200xf32, #tpu.memory_space<vmem>>, vector<16xf32>,
          %parallel_loop3A_720 = arith.constant 16 : i32
          %parallel_loop3A_721 = arith.addi %parallel_loop3A_103, %parallel_loop3A_720 : i32
          %parallel_loop3A_722 = arith.index_cast %parallel_loop3A_721 : i32 to index
          %parallel_loop3A_723 = tpu.vector_load %arg9[%parallel_loop3A_722] {strides = array<i32>} : memref<51200xf32, #tpu.memory_space<vmem>>, vector<16xf32>,
          %parallel_loop3A_724 = vector.shape_cast %parallel_loop3A_723 : vector<16xf32> to vector<16xf32>
          %parallel_loop3A_725 = vector.shape_cast %parallel_loop3A_355 : vector<16xf32> to vector<16xf32>
          tpu.vector_store %arg9[%parallel_loop3A_722], %parallel_loop3A_725 {strides = array<i32>} : memref<51200xf32, #tpu.memory_space<vmem>>, vector<16xf32>,
          %parallel_loop3A_726 = arith.constant 32 : i32
          %parallel_loop3A_727 = arith.addi %parallel_loop3A_103, %parallel_loop3A_726 : i32
          %parallel_loop3A_728 = arith.index_cast %parallel_loop3A_727 : i32 to index
          %parallel_loop3A_729 = tpu.vector_load %arg9[%parallel_loop3A_728] {strides = array<i32>} : memref<51200xf32, #tpu.memory_space<vmem>>, vector<16xf32>,
          %parallel_loop3A_730 = vector.shape_cast %parallel_loop3A_729 : vector<16xf32> to vector<16xf32>
          %parallel_loop3A_731 = vector.shape_cast %parallel_loop3A_360 : vector<16xf32> to vector<16xf32>
          tpu.vector_store %arg9[%parallel_loop3A_728], %parallel_loop3A_731 {strides = array<i32>} : memref<51200xf32, #tpu.memory_space<vmem>>, vector<16xf32>,
          %parallel_loop3A_732 = arith.constant 48 : i32
          %parallel_loop3A_733 = arith.addi %parallel_loop3A_103, %parallel_loop3A_732 : i32
          %parallel_loop3A_734 = arith.index_cast %parallel_loop3A_733 : i32 to index
          %parallel_loop3A_735 = tpu.vector_load %arg9[%parallel_loop3A_734] {strides = array<i32>} : memref<51200xf32, #tpu.memory_space<vmem>>, vector<16xf32>,
          %parallel_loop3A_736 = vector.shape_cast %parallel_loop3A_735 : vector<16xf32> to vector<16xf32>
          %parallel_loop3A_737 = vector.shape_cast %parallel_loop3A_365 : vector<16xf32> to vector<16xf32>
          tpu.vector_store %arg9[%parallel_loop3A_734], %parallel_loop3A_737 {strides = array<i32>} : memref<51200xf32, #tpu.memory_space<vmem>>, vector<16xf32>,
          %parallel_loop3A_738 = arith.constant 64 : i32
          %parallel_loop3A_739 = arith.addi %parallel_loop3A_103, %parallel_loop3A_738 : i32
          %parallel_loop3A_740 = arith.index_cast %parallel_loop3A_739 : i32 to index
          %parallel_loop3A_741 = tpu.vector_load %arg9[%parallel_loop3A_740] {strides = array<i32>} : memref<51200xf32, #tpu.memory_space<vmem>>, vector<16xf32>,
          %parallel_loop3A_742 = vector.shape_cast %parallel_loop3A_741 : vector<16xf32> to vector<16xf32>
          %parallel_loop3A_743 = vector.shape_cast %parallel_loop3A_370 : vector<16xf32> to vector<16xf32>
          tpu.vector_store %arg9[%parallel_loop3A_740], %parallel_loop3A_743 {strides = array<i32>} : memref<51200xf32, #tpu.memory_space<vmem>>, vector<16xf32>,
          %parallel_loop3A_744 = arith.constant 80 : i32
          %parallel_loop3A_745 = arith.addi %parallel_loop3A_103, %parallel_loop3A_744 : i32
          %parallel_loop3A_746 = arith.index_cast %parallel_loop3A_745 : i32 to index
          %parallel_loop3A_747 = tpu.vector_load %arg9[%parallel_loop3A_746] {strides = array<i32>} : memref<51200xf32, #tpu.memory_space<vmem>>, vector<16xf32>,
          %parallel_loop3A_748 = vector.shape_cast %parallel_loop3A_747 : vector<16xf32> to vector<16xf32>
          %parallel_loop3A_749 = vector.shape_cast %parallel_loop3A_375 : vector<16xf32> to vector<16xf32>
          tpu.vector_store %arg9[%parallel_loop3A_746], %parallel_loop3A_749 {strides = array<i32>} : memref<51200xf32, #tpu.memory_space<vmem>>, vector<16xf32>,
          %parallel_loop3A_750 = arith.constant 96 : i32
          %parallel_loop3A_751 = arith.addi %parallel_loop3A_103, %parallel_loop3A_750 : i32
          %parallel_loop3A_752 = arith.index_cast %parallel_loop3A_751 : i32 to index
          %parallel_loop3A_753 = tpu.vector_load %arg9[%parallel_loop3A_752] {strides = array<i32>} : memref<51200xf32, #tpu.memory_space<vmem>>, vector<16xf32>,
          %parallel_loop3A_754 = vector.shape_cast %parallel_loop3A_753 : vector<16xf32> to vector<16xf32>
          %parallel_loop3A_755 = vector.shape_cast %parallel_loop3A_380 : vector<16xf32> to vector<16xf32>
          tpu.vector_store %arg9[%parallel_loop3A_752], %parallel_loop3A_755 {strides = array<i32>} : memref<51200xf32, #tpu.memory_space<vmem>>, vector<16xf32>,
          %parallel_loop3A_756 = arith.constant 112 : i32
          %parallel_loop3A_757 = arith.addi %parallel_loop3A_103, %parallel_loop3A_756 : i32
          %parallel_loop3A_758 = arith.index_cast %parallel_loop3A_757 : i32 to index
          %parallel_loop3A_759 = tpu.vector_load %arg9[%parallel_loop3A_758] {strides = array<i32>} : memref<51200xf32, #tpu.memory_space<vmem>>, vector<16xf32>,
          %parallel_loop3A_760 = vector.shape_cast %parallel_loop3A_759 : vector<16xf32> to vector<16xf32>
          %parallel_loop3A_761 = vector.shape_cast %parallel_loop3A_385 : vector<16xf32> to vector<16xf32>
          tpu.vector_store %arg9[%parallel_loop3A_758], %parallel_loop3A_761 {strides = array<i32>} : memref<51200xf32, #tpu.memory_space<vmem>>, vector<16xf32>,
          %parallel_loop3A_762 = arith.constant 0 : i32
          %parallel_loop3A_763 = arith.addi %parallel_loop3A_105, %parallel_loop3A_762 : i32
          %parallel_loop3A_764 = arith.index_cast %parallel_loop3A_763 : i32 to index
          %parallel_loop3A_765 = tpu.vector_load %arg9[%parallel_loop3A_764] {strides = array<i32>} : memref<51200xf32, #tpu.memory_space<vmem>>, vector<16xf32>,
          %parallel_loop3A_766 = vector.shape_cast %parallel_loop3A_765 : vector<16xf32> to vector<16xf32>
          %parallel_loop3A_767 = vector.shape_cast %parallel_loop3A_390 : vector<16xf32> to vector<16xf32>
          tpu.vector_store %arg9[%parallel_loop3A_764], %parallel_loop3A_767 {strides = array<i32>} : memref<51200xf32, #tpu.memory_space<vmem>>, vector<16xf32>,
          %parallel_loop3A_768 = arith.constant 16 : i32
          %parallel_loop3A_769 = arith.addi %parallel_loop3A_105, %parallel_loop3A_768 : i32
          %parallel_loop3A_770 = arith.index_cast %parallel_loop3A_769 : i32 to index
          %parallel_loop3A_771 = tpu.vector_load %arg9[%parallel_loop3A_770] {strides = array<i32>} : memref<51200xf32, #tpu.memory_space<vmem>>, vector<16xf32>,
          %parallel_loop3A_772 = vector.shape_cast %parallel_loop3A_771 : vector<16xf32> to vector<16xf32>
          %parallel_loop3A_773 = vector.shape_cast %parallel_loop3A_395 : vector<16xf32> to vector<16xf32>
          tpu.vector_store %arg9[%parallel_loop3A_770], %parallel_loop3A_773 {strides = array<i32>} : memref<51200xf32, #tpu.memory_space<vmem>>, vector<16xf32>,
          %parallel_loop3A_774 = arith.constant 32 : i32
          %parallel_loop3A_775 = arith.addi %parallel_loop3A_105, %parallel_loop3A_774 : i32
          %parallel_loop3A_776 = arith.index_cast %parallel_loop3A_775 : i32 to index
          %parallel_loop3A_777 = tpu.vector_load %arg9[%parallel_loop3A_776] {strides = array<i32>} : memref<51200xf32, #tpu.memory_space<vmem>>, vector<16xf32>,
          %parallel_loop3A_778 = vector.shape_cast %parallel_loop3A_777 : vector<16xf32> to vector<16xf32>
          %parallel_loop3A_779 = vector.shape_cast %parallel_loop3A_400 : vector<16xf32> to vector<16xf32>
          tpu.vector_store %arg9[%parallel_loop3A_776], %parallel_loop3A_779 {strides = array<i32>} : memref<51200xf32, #tpu.memory_space<vmem>>, vector<16xf32>,
          %parallel_loop3A_780 = arith.constant 48 : i32
          %parallel_loop3A_781 = arith.addi %parallel_loop3A_105, %parallel_loop3A_780 : i32
          %parallel_loop3A_782 = arith.index_cast %parallel_loop3A_781 : i32 to index
          %parallel_loop3A_783 = tpu.vector_load %arg9[%parallel_loop3A_782] {strides = array<i32>} : memref<51200xf32, #tpu.memory_space<vmem>>, vector<16xf32>,
          %parallel_loop3A_784 = vector.shape_cast %parallel_loop3A_783 : vector<16xf32> to vector<16xf32>
          %parallel_loop3A_785 = vector.shape_cast %parallel_loop3A_405 : vector<16xf32> to vector<16xf32>
          tpu.vector_store %arg9[%parallel_loop3A_782], %parallel_loop3A_785 {strides = array<i32>} : memref<51200xf32, #tpu.memory_space<vmem>>, vector<16xf32>,
          %parallel_loop3A_786 = arith.constant 64 : i32
          %parallel_loop3A_787 = arith.addi %parallel_loop3A_105, %parallel_loop3A_786 : i32
          %parallel_loop3A_788 = arith.index_cast %parallel_loop3A_787 : i32 to index
          %parallel_loop3A_789 = tpu.vector_load %arg9[%parallel_loop3A_788] {strides = array<i32>} : memref<51200xf32, #tpu.memory_space<vmem>>, vector<16xf32>,
          %parallel_loop3A_790 = vector.shape_cast %parallel_loop3A_789 : vector<16xf32> to vector<16xf32>
          %parallel_loop3A_791 = vector.shape_cast %parallel_loop3A_410 : vector<16xf32> to vector<16xf32>
          tpu.vector_store %arg9[%parallel_loop3A_788], %parallel_loop3A_791 {strides = array<i32>} : memref<51200xf32, #tpu.memory_space<vmem>>, vector<16xf32>,
          %parallel_loop3A_792 = arith.constant 80 : i32
          %parallel_loop3A_793 = arith.addi %parallel_loop3A_105, %parallel_loop3A_792 : i32
          %parallel_loop3A_794 = arith.index_cast %parallel_loop3A_793 : i32 to index
          %parallel_loop3A_795 = tpu.vector_load %arg9[%parallel_loop3A_794] {strides = array<i32>} : memref<51200xf32, #tpu.memory_space<vmem>>, vector<16xf32>,
          %parallel_loop3A_796 = vector.shape_cast %parallel_loop3A_795 : vector<16xf32> to vector<16xf32>
          %parallel_loop3A_797 = vector.shape_cast %parallel_loop3A_415 : vector<16xf32> to vector<16xf32>
          tpu.vector_store %arg9[%parallel_loop3A_794], %parallel_loop3A_797 {strides = array<i32>} : memref<51200xf32, #tpu.memory_space<vmem>>, vector<16xf32>,
          %parallel_loop3A_798 = arith.constant 96 : i32
          %parallel_loop3A_799 = arith.addi %parallel_loop3A_105, %parallel_loop3A_798 : i32
          %parallel_loop3A_800 = arith.index_cast %parallel_loop3A_799 : i32 to index
          %parallel_loop3A_801 = tpu.vector_load %arg9[%parallel_loop3A_800] {strides = array<i32>} : memref<51200xf32, #tpu.memory_space<vmem>>, vector<16xf32>,
          %parallel_loop3A_802 = vector.shape_cast %parallel_loop3A_801 : vector<16xf32> to vector<16xf32>
          %parallel_loop3A_803 = vector.shape_cast %parallel_loop3A_420 : vector<16xf32> to vector<16xf32>
          tpu.vector_store %arg9[%parallel_loop3A_800], %parallel_loop3A_803 {strides = array<i32>} : memref<51200xf32, #tpu.memory_space<vmem>>, vector<16xf32>,
          %parallel_loop3A_804 = arith.constant 112 : i32
          %parallel_loop3A_805 = arith.addi %parallel_loop3A_105, %parallel_loop3A_804 : i32
          %parallel_loop3A_806 = arith.index_cast %parallel_loop3A_805 : i32 to index
          %parallel_loop3A_807 = tpu.vector_load %arg9[%parallel_loop3A_806] {strides = array<i32>} : memref<51200xf32, #tpu.memory_space<vmem>>, vector<16xf32>,
          %parallel_loop3A_808 = vector.shape_cast %parallel_loop3A_807 : vector<16xf32> to vector<16xf32>
          %parallel_loop3A_809 = vector.shape_cast %parallel_loop3A_425 : vector<16xf32> to vector<16xf32>
          tpu.vector_store %arg9[%parallel_loop3A_806], %parallel_loop3A_809 {strides = array<i32>} : memref<51200xf32, #tpu.memory_space<vmem>>, vector<16xf32>,
          %parallel_loop3A_810 = arith.constant 1024 : i32
          %parallel_loop3A_811 = arith.addi %parallel_loop3A_57, %parallel_loop3A_810 : i32
          %parallel_loop3A_812 = arith.constant 1152 : i32
          %parallel_loop3A_813 = arith.addi %parallel_loop3A_57, %parallel_loop3A_812 : i32
          %parallel_loop3A_814 = arith.constant 1280 : i32
          %parallel_loop3A_815 = arith.addi %parallel_loop3A_57, %parallel_loop3A_814 : i32
          %parallel_loop3A_816 = arith.constant 1408 : i32
          %parallel_loop3A_817 = arith.addi %parallel_loop3A_57, %parallel_loop3A_816 : i32
          %parallel_loop3A_818 = arith.constant 1536 : i32
          %parallel_loop3A_819 = arith.addi %parallel_loop3A_57, %parallel_loop3A_818 : i32
          %parallel_loop3A_820 = arith.constant 1664 : i32
          %parallel_loop3A_821 = arith.addi %parallel_loop3A_57, %parallel_loop3A_820 : i32
          %parallel_loop3A_822 = arith.constant 1792 : i32
          %parallel_loop3A_823 = arith.addi %parallel_loop3A_57, %parallel_loop3A_822 : i32
          %parallel_loop3A_824 = arith.constant 1920 : i32
          %parallel_loop3A_825 = arith.addi %parallel_loop3A_57, %parallel_loop3A_824 : i32
          %parallel_loop3A_826 = arith.constant 0 : i32
          %parallel_loop3A_827 = arith.addi %parallel_loop3A_75, %parallel_loop3A_826 : i32
          %parallel_loop3A_828 = arith.index_cast %parallel_loop3A_827 : i32 to index
          %parallel_loop3A_829 = tpu.vector_load %arg5[%parallel_loop3A_828] {strides = array<i32>} : memref<8192xf32, #tpu.memory_space<vmem>>, vector<16xf32>,
          %parallel_loop3A_830 = vector.shape_cast %parallel_loop3A_829 : vector<16xf32> to vector<16xf32>
          %parallel_loop3A_831 = arith.constant 16 : i32
          %parallel_loop3A_832 = arith.addi %parallel_loop3A_75, %parallel_loop3A_831 : i32
          %parallel_loop3A_833 = arith.index_cast %parallel_loop3A_832 : i32 to index
          %parallel_loop3A_834 = tpu.vector_load %arg5[%parallel_loop3A_833] {strides = array<i32>} : memref<8192xf32, #tpu.memory_space<vmem>>, vector<16xf32>,
          %parallel_loop3A_835 = vector.shape_cast %parallel_loop3A_834 : vector<16xf32> to vector<16xf32>
          %parallel_loop3A_836 = arith.constant 32 : i32
          %parallel_loop3A_837 = arith.addi %parallel_loop3A_75, %parallel_loop3A_836 : i32
          %parallel_loop3A_838 = arith.index_cast %parallel_loop3A_837 : i32 to index
          %parallel_loop3A_839 = tpu.vector_load %arg5[%parallel_loop3A_838] {strides = array<i32>} : memref<8192xf32, #tpu.memory_space<vmem>>, vector<16xf32>,
          %parallel_loop3A_840 = vector.shape_cast %parallel_loop3A_839 : vector<16xf32> to vector<16xf32>
          %parallel_loop3A_841 = arith.constant 48 : i32
          %parallel_loop3A_842 = arith.addi %parallel_loop3A_75, %parallel_loop3A_841 : i32
          %parallel_loop3A_843 = arith.index_cast %parallel_loop3A_842 : i32 to index
          %parallel_loop3A_844 = tpu.vector_load %arg5[%parallel_loop3A_843] {strides = array<i32>} : memref<8192xf32, #tpu.memory_space<vmem>>, vector<16xf32>,
          %parallel_loop3A_845 = vector.shape_cast %parallel_loop3A_844 : vector<16xf32> to vector<16xf32>
          %parallel_loop3A_846 = arith.constant 64 : i32
          %parallel_loop3A_847 = arith.addi %parallel_loop3A_75, %parallel_loop3A_846 : i32
          %parallel_loop3A_848 = arith.index_cast %parallel_loop3A_847 : i32 to index
          %parallel_loop3A_849 = tpu.vector_load %arg5[%parallel_loop3A_848] {strides = array<i32>} : memref<8192xf32, #tpu.memory_space<vmem>>, vector<16xf32>,
          %parallel_loop3A_850 = vector.shape_cast %parallel_loop3A_849 : vector<16xf32> to vector<16xf32>
          %parallel_loop3A_851 = arith.constant 80 : i32
          %parallel_loop3A_852 = arith.addi %parallel_loop3A_75, %parallel_loop3A_851 : i32
          %parallel_loop3A_853 = arith.index_cast %parallel_loop3A_852 : i32 to index
          %parallel_loop3A_854 = tpu.vector_load %arg5[%parallel_loop3A_853] {strides = array<i32>} : memref<8192xf32, #tpu.memory_space<vmem>>, vector<16xf32>,
          %parallel_loop3A_855 = vector.shape_cast %parallel_loop3A_854 : vector<16xf32> to vector<16xf32>
          %parallel_loop3A_856 = arith.constant 96 : i32
          %parallel_loop3A_857 = arith.addi %parallel_loop3A_75, %parallel_loop3A_856 : i32
          %parallel_loop3A_858 = arith.index_cast %parallel_loop3A_857 : i32 to index
          %parallel_loop3A_859 = tpu.vector_load %arg5[%parallel_loop3A_858] {strides = array<i32>} : memref<8192xf32, #tpu.memory_space<vmem>>, vector<16xf32>,
          %parallel_loop3A_860 = vector.shape_cast %parallel_loop3A_859 : vector<16xf32> to vector<16xf32>
          %parallel_loop3A_861 = arith.constant 112 : i32
          %parallel_loop3A_862 = arith.addi %parallel_loop3A_75, %parallel_loop3A_861 : i32
          %parallel_loop3A_863 = arith.index_cast %parallel_loop3A_862 : i32 to index
          %parallel_loop3A_864 = tpu.vector_load %arg5[%parallel_loop3A_863] {strides = array<i32>} : memref<8192xf32, #tpu.memory_space<vmem>>, vector<16xf32>,
          %parallel_loop3A_865 = vector.shape_cast %parallel_loop3A_864 : vector<16xf32> to vector<16xf32>
          %parallel_loop3A_866 = arith.constant 0 : i32
          %parallel_loop3A_867 = arith.addi %parallel_loop3A_77, %parallel_loop3A_866 : i32
          %parallel_loop3A_868 = arith.index_cast %parallel_loop3A_867 : i32 to index
          %parallel_loop3A_869 = tpu.vector_load %arg5[%parallel_loop3A_868] {strides = array<i32>} : memref<8192xf32, #tpu.memory_space<vmem>>, vector<16xf32>,
          %parallel_loop3A_870 = vector.shape_cast %parallel_loop3A_869 : vector<16xf32> to vector<16xf32>
          %parallel_loop3A_871 = arith.constant 16 : i32
          %parallel_loop3A_872 = arith.addi %parallel_loop3A_77, %parallel_loop3A_871 : i32
          %parallel_loop3A_873 = arith.index_cast %parallel_loop3A_872 : i32 to index
          %parallel_loop3A_874 = tpu.vector_load %arg5[%parallel_loop3A_873] {strides = array<i32>} : memref<8192xf32, #tpu.memory_space<vmem>>, vector<16xf32>,
          %parallel_loop3A_875 = vector.shape_cast %parallel_loop3A_874 : vector<16xf32> to vector<16xf32>
          %parallel_loop3A_876 = arith.constant 32 : i32
          %parallel_loop3A_877 = arith.addi %parallel_loop3A_77, %parallel_loop3A_876 : i32
          %parallel_loop3A_878 = arith.index_cast %parallel_loop3A_877 : i32 to index
          %parallel_loop3A_879 = tpu.vector_load %arg5[%parallel_loop3A_878] {strides = array<i32>} : memref<8192xf32, #tpu.memory_space<vmem>>, vector<16xf32>,
          %parallel_loop3A_880 = vector.shape_cast %parallel_loop3A_879 : vector<16xf32> to vector<16xf32>
          %parallel_loop3A_881 = arith.constant 48 : i32
          %parallel_loop3A_882 = arith.addi %parallel_loop3A_77, %parallel_loop3A_881 : i32
          %parallel_loop3A_883 = arith.index_cast %parallel_loop3A_882 : i32 to index
          %parallel_loop3A_884 = tpu.vector_load %arg5[%parallel_loop3A_883] {strides = array<i32>} : memref<8192xf32, #tpu.memory_space<vmem>>, vector<16xf32>,
          %parallel_loop3A_885 = vector.shape_cast %parallel_loop3A_884 : vector<16xf32> to vector<16xf32>
          %parallel_loop3A_886 = arith.constant 64 : i32
          %parallel_loop3A_887 = arith.addi %parallel_loop3A_77, %parallel_loop3A_886 : i32
          %parallel_loop3A_888 = arith.index_cast %parallel_loop3A_887 : i32 to index
          %parallel_loop3A_889 = tpu.vector_load %arg5[%parallel_loop3A_888] {strides = array<i32>} : memref<8192xf32, #tpu.memory_space<vmem>>, vector<16xf32>,
          %parallel_loop3A_890 = vector.shape_cast %parallel_loop3A_889 : vector<16xf32> to vector<16xf32>
          %parallel_loop3A_891 = arith.constant 80 : i32
          %parallel_loop3A_892 = arith.addi %parallel_loop3A_77, %parallel_loop3A_891 : i32
          %parallel_loop3A_893 = arith.index_cast %parallel_loop3A_892 : i32 to index
          %parallel_loop3A_894 = tpu.vector_load %arg5[%parallel_loop3A_893] {strides = array<i32>} : memref<8192xf32, #tpu.memory_space<vmem>>, vector<16xf32>,
          %parallel_loop3A_895 = vector.shape_cast %parallel_loop3A_894 : vector<16xf32> to vector<16xf32>
          %parallel_loop3A_896 = arith.constant 96 : i32
          %parallel_loop3A_897 = arith.addi %parallel_loop3A_77, %parallel_loop3A_896 : i32
          %parallel_loop3A_898 = arith.index_cast %parallel_loop3A_897 : i32 to index
          %parallel_loop3A_899 = tpu.vector_load %arg5[%parallel_loop3A_898] {strides = array<i32>} : memref<8192xf32, #tpu.memory_space<vmem>>, vector<16xf32>,
          %parallel_loop3A_900 = vector.shape_cast %parallel_loop3A_899 : vector<16xf32> to vector<16xf32>
          %parallel_loop3A_901 = arith.constant 112 : i32
          %parallel_loop3A_902 = arith.addi %parallel_loop3A_77, %parallel_loop3A_901 : i32
          %parallel_loop3A_903 = arith.index_cast %parallel_loop3A_902 : i32 to index
          %parallel_loop3A_904 = tpu.vector_load %arg5[%parallel_loop3A_903] {strides = array<i32>} : memref<8192xf32, #tpu.memory_space<vmem>>, vector<16xf32>,
          %parallel_loop3A_905 = vector.shape_cast %parallel_loop3A_904 : vector<16xf32> to vector<16xf32>
          %parallel_loop3A_906 = arith.constant 0 : i32
          %parallel_loop3A_907 = arith.addi %parallel_loop3A_79, %parallel_loop3A_906 : i32
          %parallel_loop3A_908 = arith.index_cast %parallel_loop3A_907 : i32 to index
          %parallel_loop3A_909 = tpu.vector_load %arg5[%parallel_loop3A_908] {strides = array<i32>} : memref<8192xf32, #tpu.memory_space<vmem>>, vector<16xf32>,
          %parallel_loop3A_910 = vector.shape_cast %parallel_loop3A_909 : vector<16xf32> to vector<16xf32>
          %parallel_loop3A_911 = arith.constant 16 : i32
          %parallel_loop3A_912 = arith.addi %parallel_loop3A_79, %parallel_loop3A_911 : i32
          %parallel_loop3A_913 = arith.index_cast %parallel_loop3A_912 : i32 to index
          %parallel_loop3A_914 = tpu.vector_load %arg5[%parallel_loop3A_913] {strides = array<i32>} : memref<8192xf32, #tpu.memory_space<vmem>>, vector<16xf32>,
          %parallel_loop3A_915 = vector.shape_cast %parallel_loop3A_914 : vector<16xf32> to vector<16xf32>
          %parallel_loop3A_916 = arith.constant 32 : i32
          %parallel_loop3A_917 = arith.addi %parallel_loop3A_79, %parallel_loop3A_916 : i32
          %parallel_loop3A_918 = arith.index_cast %parallel_loop3A_917 : i32 to index
          %parallel_loop3A_919 = tpu.vector_load %arg5[%parallel_loop3A_918] {strides = array<i32>} : memref<8192xf32, #tpu.memory_space<vmem>>, vector<16xf32>,
          %parallel_loop3A_920 = vector.shape_cast %parallel_loop3A_919 : vector<16xf32> to vector<16xf32>
          %parallel_loop3A_921 = arith.constant 48 : i32
          %parallel_loop3A_922 = arith.addi %parallel_loop3A_79, %parallel_loop3A_921 : i32
          %parallel_loop3A_923 = arith.index_cast %parallel_loop3A_922 : i32 to index
          %parallel_loop3A_924 = tpu.vector_load %arg5[%parallel_loop3A_923] {strides = array<i32>} : memref<8192xf32, #tpu.memory_space<vmem>>, vector<16xf32>,
          %parallel_loop3A_925 = vector.shape_cast %parallel_loop3A_924 : vector<16xf32> to vector<16xf32>
          %parallel_loop3A_926 = arith.constant 64 : i32
          %parallel_loop3A_927 = arith.addi %parallel_loop3A_79, %parallel_loop3A_926 : i32
          %parallel_loop3A_928 = arith.index_cast %parallel_loop3A_927 : i32 to index
          %parallel_loop3A_929 = tpu.vector_load %arg5[%parallel_loop3A_928] {strides = array<i32>} : memref<8192xf32, #tpu.memory_space<vmem>>, vector<16xf32>,
          %parallel_loop3A_930 = vector.shape_cast %parallel_loop3A_929 : vector<16xf32> to vector<16xf32>
          %parallel_loop3A_931 = arith.constant 80 : i32
          %parallel_loop3A_932 = arith.addi %parallel_loop3A_79, %parallel_loop3A_931 : i32
          %parallel_loop3A_933 = arith.index_cast %parallel_loop3A_932 : i32 to index
          %parallel_loop3A_934 = tpu.vector_load %arg5[%parallel_loop3A_933] {strides = array<i32>} : memref<8192xf32, #tpu.memory_space<vmem>>, vector<16xf32>,
          %parallel_loop3A_935 = vector.shape_cast %parallel_loop3A_934 : vector<16xf32> to vector<16xf32>
          %parallel_loop3A_936 = arith.constant 96 : i32
          %parallel_loop3A_937 = arith.addi %parallel_loop3A_79, %parallel_loop3A_936 : i32
          %parallel_loop3A_938 = arith.index_cast %parallel_loop3A_937 : i32 to index
          %parallel_loop3A_939 = tpu.vector_load %arg5[%parallel_loop3A_938] {strides = array<i32>} : memref<8192xf32, #tpu.memory_space<vmem>>, vector<16xf32>,
          %parallel_loop3A_940 = vector.shape_cast %parallel_loop3A_939 : vector<16xf32> to vector<16xf32>
          %parallel_loop3A_941 = arith.constant 112 : i32
          %parallel_loop3A_942 = arith.addi %parallel_loop3A_79, %parallel_loop3A_941 : i32
          %parallel_loop3A_943 = arith.index_cast %parallel_loop3A_942 : i32 to index
          %parallel_loop3A_944 = tpu.vector_load %arg5[%parallel_loop3A_943] {strides = array<i32>} : memref<8192xf32, #tpu.memory_space<vmem>>, vector<16xf32>,
          %parallel_loop3A_945 = vector.shape_cast %parallel_loop3A_944 : vector<16xf32> to vector<16xf32>
          %parallel_loop3A_946 = arith.constant 0 : i32
          %parallel_loop3A_947 = arith.addi %parallel_loop3A_81, %parallel_loop3A_946 : i32
          %parallel_loop3A_948 = arith.index_cast %parallel_loop3A_947 : i32 to index
          %parallel_loop3A_949 = tpu.vector_load %arg5[%parallel_loop3A_948] {strides = array<i32>} : memref<8192xf32, #tpu.memory_space<vmem>>, vector<16xf32>,
          %parallel_loop3A_950 = vector.shape_cast %parallel_loop3A_949 : vector<16xf32> to vector<16xf32>
          %parallel_loop3A_951 = arith.constant 16 : i32
          %parallel_loop3A_952 = arith.addi %parallel_loop3A_81, %parallel_loop3A_951 : i32
          %parallel_loop3A_953 = arith.index_cast %parallel_loop3A_952 : i32 to index
          %parallel_loop3A_954 = tpu.vector_load %arg5[%parallel_loop3A_953] {strides = array<i32>} : memref<8192xf32, #tpu.memory_space<vmem>>, vector<16xf32>,
          %parallel_loop3A_955 = vector.shape_cast %parallel_loop3A_954 : vector<16xf32> to vector<16xf32>
          %parallel_loop3A_956 = arith.constant 32 : i32
          %parallel_loop3A_957 = arith.addi %parallel_loop3A_81, %parallel_loop3A_956 : i32
          %parallel_loop3A_958 = arith.index_cast %parallel_loop3A_957 : i32 to index
          %parallel_loop3A_959 = tpu.vector_load %arg5[%parallel_loop3A_958] {strides = array<i32>} : memref<8192xf32, #tpu.memory_space<vmem>>, vector<16xf32>,
          %parallel_loop3A_960 = vector.shape_cast %parallel_loop3A_959 : vector<16xf32> to vector<16xf32>
          %parallel_loop3A_961 = arith.constant 48 : i32
          %parallel_loop3A_962 = arith.addi %parallel_loop3A_81, %parallel_loop3A_961 : i32
          %parallel_loop3A_963 = arith.index_cast %parallel_loop3A_962 : i32 to index
          %parallel_loop3A_964 = tpu.vector_load %arg5[%parallel_loop3A_963] {strides = array<i32>} : memref<8192xf32, #tpu.memory_space<vmem>>, vector<16xf32>,
          %parallel_loop3A_965 = vector.shape_cast %parallel_loop3A_964 : vector<16xf32> to vector<16xf32>
          %parallel_loop3A_966 = arith.constant 64 : i32
          %parallel_loop3A_967 = arith.addi %parallel_loop3A_81, %parallel_loop3A_966 : i32
          %parallel_loop3A_968 = arith.index_cast %parallel_loop3A_967 : i32 to index
          %parallel_loop3A_969 = tpu.vector_load %arg5[%parallel_loop3A_968] {strides = array<i32>} : memref<8192xf32, #tpu.memory_space<vmem>>, vector<16xf32>,
          %parallel_loop3A_970 = vector.shape_cast %parallel_loop3A_969 : vector<16xf32> to vector<16xf32>
          %parallel_loop3A_971 = arith.constant 80 : i32
          %parallel_loop3A_972 = arith.addi %parallel_loop3A_81, %parallel_loop3A_971 : i32
          %parallel_loop3A_973 = arith.index_cast %parallel_loop3A_972 : i32 to index
          %parallel_loop3A_974 = tpu.vector_load %arg5[%parallel_loop3A_973] {strides = array<i32>} : memref<8192xf32, #tpu.memory_space<vmem>>, vector<16xf32>,
          %parallel_loop3A_975 = vector.shape_cast %parallel_loop3A_974 : vector<16xf32> to vector<16xf32>
          %parallel_loop3A_976 = arith.constant 96 : i32
          %parallel_loop3A_977 = arith.addi %parallel_loop3A_81, %parallel_loop3A_976 : i32
          %parallel_loop3A_978 = arith.index_cast %parallel_loop3A_977 : i32 to index
          %parallel_loop3A_979 = tpu.vector_load %arg5[%parallel_loop3A_978] {strides = array<i32>} : memref<8192xf32, #tpu.memory_space<vmem>>, vector<16xf32>,
          %parallel_loop3A_980 = vector.shape_cast %parallel_loop3A_979 : vector<16xf32> to vector<16xf32>
          %parallel_loop3A_981 = arith.constant 112 : i32
          %parallel_loop3A_982 = arith.addi %parallel_loop3A_81, %parallel_loop3A_981 : i32
          %parallel_loop3A_983 = arith.index_cast %parallel_loop3A_982 : i32 to index
          %parallel_loop3A_984 = tpu.vector_load %arg5[%parallel_loop3A_983] {strides = array<i32>} : memref<8192xf32, #tpu.memory_space<vmem>>, vector<16xf32>,
          %parallel_loop3A_985 = vector.shape_cast %parallel_loop3A_984 : vector<16xf32> to vector<16xf32>
          %parallel_loop3A_986 = arith.constant 0 : i32
          %parallel_loop3A_987 = arith.addi %parallel_loop3A_83, %parallel_loop3A_986 : i32
          %parallel_loop3A_988 = arith.index_cast %parallel_loop3A_987 : i32 to index
          %parallel_loop3A_989 = tpu.vector_load %arg5[%parallel_loop3A_988] {strides = array<i32>} : memref<8192xf32, #tpu.memory_space<vmem>>, vector<16xf32>,
          %parallel_loop3A_990 = vector.shape_cast %parallel_loop3A_989 : vector<16xf32> to vector<16xf32>
          %parallel_loop3A_991 = arith.constant 16 : i32
          %parallel_loop3A_992 = arith.addi %parallel_loop3A_83, %parallel_loop3A_991 : i32
          %parallel_loop3A_993 = arith.index_cast %parallel_loop3A_992 : i32 to index
          %parallel_loop3A_994 = tpu.vector_load %arg5[%parallel_loop3A_993] {strides = array<i32>} : memref<8192xf32, #tpu.memory_space<vmem>>, vector<16xf32>,
          %parallel_loop3A_995 = vector.shape_cast %parallel_loop3A_994 : vector<16xf32> to vector<16xf32>
          %parallel_loop3A_996 = arith.constant 32 : i32
          %parallel_loop3A_997 = arith.addi %parallel_loop3A_83, %parallel_loop3A_996 : i32
          %parallel_loop3A_998 = arith.index_cast %parallel_loop3A_997 : i32 to index
          %parallel_loop3A_999 = tpu.vector_load %arg5[%parallel_loop3A_998] {strides = array<i32>} : memref<8192xf32, #tpu.memory_space<vmem>>, vector<16xf32>,
          %parallel_loop3A_1000 = vector.shape_cast %parallel_loop3A_999 : vector<16xf32> to vector<16xf32>
          %parallel_loop3A_1001 = arith.constant 48 : i32
          %parallel_loop3A_1002 = arith.addi %parallel_loop3A_83, %parallel_loop3A_1001 : i32
          %parallel_loop3A_1003 = arith.index_cast %parallel_loop3A_1002 : i32 to index
          %parallel_loop3A_1004 = tpu.vector_load %arg5[%parallel_loop3A_1003] {strides = array<i32>} : memref<8192xf32, #tpu.memory_space<vmem>>, vector<16xf32>,
          %parallel_loop3A_1005 = vector.shape_cast %parallel_loop3A_1004 : vector<16xf32> to vector<16xf32>
          %parallel_loop3A_1006 = arith.constant 64 : i32
          %parallel_loop3A_1007 = arith.addi %parallel_loop3A_83, %parallel_loop3A_1006 : i32
          %parallel_loop3A_1008 = arith.index_cast %parallel_loop3A_1007 : i32 to index
          %parallel_loop3A_1009 = tpu.vector_load %arg5[%parallel_loop3A_1008] {strides = array<i32>} : memref<8192xf32, #tpu.memory_space<vmem>>, vector<16xf32>,
          %parallel_loop3A_1010 = vector.shape_cast %parallel_loop3A_1009 : vector<16xf32> to vector<16xf32>
          %parallel_loop3A_1011 = arith.constant 80 : i32
          %parallel_loop3A_1012 = arith.addi %parallel_loop3A_83, %parallel_loop3A_1011 : i32
          %parallel_loop3A_1013 = arith.index_cast %parallel_loop3A_1012 : i32 to index
          %parallel_loop3A_1014 = tpu.vector_load %arg5[%parallel_loop3A_1013] {strides = array<i32>} : memref<8192xf32, #tpu.memory_space<vmem>>, vector<16xf32>,
          %parallel_loop3A_1015 = vector.shape_cast %parallel_loop3A_1014 : vector<16xf32> to vector<16xf32>
          %parallel_loop3A_1016 = arith.constant 96 : i32
          %parallel_loop3A_1017 = arith.addi %parallel_loop3A_83, %parallel_loop3A_1016 : i32
          %parallel_loop3A_1018 = arith.index_cast %parallel_loop3A_1017 : i32 to index
          %parallel_loop3A_1019 = tpu.vector_load %arg5[%parallel_loop3A_1018] {strides = array<i32>} : memref<8192xf32, #tpu.memory_space<vmem>>, vector<16xf32>,
          %parallel_loop3A_1020 = vector.shape_cast %parallel_loop3A_1019 : vector<16xf32> to vector<16xf32>
          %parallel_loop3A_1021 = arith.constant 112 : i32
          %parallel_loop3A_1022 = arith.addi %parallel_loop3A_83, %parallel_loop3A_1021 : i32
          %parallel_loop3A_1023 = arith.index_cast %parallel_loop3A_1022 : i32 to index
          %parallel_loop3A_1024 = tpu.vector_load %arg5[%parallel_loop3A_1023] {strides = array<i32>} : memref<8192xf32, #tpu.memory_space<vmem>>, vector<16xf32>,
          %parallel_loop3A_1025 = vector.shape_cast %parallel_loop3A_1024 : vector<16xf32> to vector<16xf32>
          %parallel_loop3A_1026 = arith.constant 0 : i32
          %parallel_loop3A_1027 = arith.addi %parallel_loop3A_85, %parallel_loop3A_1026 : i32
          %parallel_loop3A_1028 = arith.index_cast %parallel_loop3A_1027 : i32 to index
          %parallel_loop3A_1029 = tpu.vector_load %arg5[%parallel_loop3A_1028] {strides = array<i32>} : memref<8192xf32, #tpu.memory_space<vmem>>, vector<16xf32>,
          %parallel_loop3A_1030 = vector.shape_cast %parallel_loop3A_1029 : vector<16xf32> to vector<16xf32>
          %parallel_loop3A_1031 = arith.constant 16 : i32
          %parallel_loop3A_1032 = arith.addi %parallel_loop3A_85, %parallel_loop3A_1031 : i32
          %parallel_loop3A_1033 = arith.index_cast %parallel_loop3A_1032 : i32 to index
          %parallel_loop3A_1034 = tpu.vector_load %arg5[%parallel_loop3A_1033] {strides = array<i32>} : memref<8192xf32, #tpu.memory_space<vmem>>, vector<16xf32>,
          %parallel_loop3A_1035 = vector.shape_cast %parallel_loop3A_1034 : vector<16xf32> to vector<16xf32>
          %parallel_loop3A_1036 = arith.constant 32 : i32
          %parallel_loop3A_1037 = arith.addi %parallel_loop3A_85, %parallel_loop3A_1036 : i32
          %parallel_loop3A_1038 = arith.index_cast %parallel_loop3A_1037 : i32 to index
          %parallel_loop3A_1039 = tpu.vector_load %arg5[%parallel_loop3A_1038] {strides = array<i32>} : memref<8192xf32, #tpu.memory_space<vmem>>, vector<16xf32>,
          %parallel_loop3A_1040 = vector.shape_cast %parallel_loop3A_1039 : vector<16xf32> to vector<16xf32>
          %parallel_loop3A_1041 = arith.constant 48 : i32
          %parallel_loop3A_1042 = arith.addi %parallel_loop3A_85, %parallel_loop3A_1041 : i32
          %parallel_loop3A_1043 = arith.index_cast %parallel_loop3A_1042 : i32 to index
          %parallel_loop3A_1044 = tpu.vector_load %arg5[%parallel_loop3A_1043] {strides = array<i32>} : memref<8192xf32, #tpu.memory_space<vmem>>, vector<16xf32>,
          %parallel_loop3A_1045 = vector.shape_cast %parallel_loop3A_1044 : vector<16xf32> to vector<16xf32>
          %parallel_loop3A_1046 = arith.constant 64 : i32
          %parallel_loop3A_1047 = arith.addi %parallel_loop3A_85, %parallel_loop3A_1046 : i32
          %parallel_loop3A_1048 = arith.index_cast %parallel_loop3A_1047 : i32 to index
          %parallel_loop3A_1049 = tpu.vector_load %arg5[%parallel_loop3A_1048] {strides = array<i32>} : memref<8192xf32, #tpu.memory_space<vmem>>, vector<16xf32>,
          %parallel_loop3A_1050 = vector.shape_cast %parallel_loop3A_1049 : vector<16xf32> to vector<16xf32>
          %parallel_loop3A_1051 = arith.constant 80 : i32
          %parallel_loop3A_1052 = arith.addi %parallel_loop3A_85, %parallel_loop3A_1051 : i32
          %parallel_loop3A_1053 = arith.index_cast %parallel_loop3A_1052 : i32 to index
          %parallel_loop3A_1054 = tpu.vector_load %arg5[%parallel_loop3A_1053] {strides = array<i32>} : memref<8192xf32, #tpu.memory_space<vmem>>, vector<16xf32>,
          %parallel_loop3A_1055 = vector.shape_cast %parallel_loop3A_1054 : vector<16xf32> to vector<16xf32>
          %parallel_loop3A_1056 = arith.constant 96 : i32
          %parallel_loop3A_1057 = arith.addi %parallel_loop3A_85, %parallel_loop3A_1056 : i32
          %parallel_loop3A_1058 = arith.index_cast %parallel_loop3A_1057 : i32 to index
          %parallel_loop3A_1059 = tpu.vector_load %arg5[%parallel_loop3A_1058] {strides = array<i32>} : memref<8192xf32, #tpu.memory_space<vmem>>, vector<16xf32>,
          %parallel_loop3A_1060 = vector.shape_cast %parallel_loop3A_1059 : vector<16xf32> to vector<16xf32>
          %parallel_loop3A_1061 = arith.constant 112 : i32
          %parallel_loop3A_1062 = arith.addi %parallel_loop3A_85, %parallel_loop3A_1061 : i32
          %parallel_loop3A_1063 = arith.index_cast %parallel_loop3A_1062 : i32 to index
          %parallel_loop3A_1064 = tpu.vector_load %arg5[%parallel_loop3A_1063] {strides = array<i32>} : memref<8192xf32, #tpu.memory_space<vmem>>, vector<16xf32>,
          %parallel_loop3A_1065 = vector.shape_cast %parallel_loop3A_1064 : vector<16xf32> to vector<16xf32>
          %parallel_loop3A_1066 = arith.constant 0 : i32
          %parallel_loop3A_1067 = arith.addi %parallel_loop3A_87, %parallel_loop3A_1066 : i32
          %parallel_loop3A_1068 = arith.index_cast %parallel_loop3A_1067 : i32 to index
          %parallel_loop3A_1069 = tpu.vector_load %arg5[%parallel_loop3A_1068] {strides = array<i32>} : memref<8192xf32, #tpu.memory_space<vmem>>, vector<16xf32>,
          %parallel_loop3A_1070 = vector.shape_cast %parallel_loop3A_1069 : vector<16xf32> to vector<16xf32>
          %parallel_loop3A_1071 = arith.constant 16 : i32
          %parallel_loop3A_1072 = arith.addi %parallel_loop3A_87, %parallel_loop3A_1071 : i32
          %parallel_loop3A_1073 = arith.index_cast %parallel_loop3A_1072 : i32 to index
          %parallel_loop3A_1074 = tpu.vector_load %arg5[%parallel_loop3A_1073] {strides = array<i32>} : memref<8192xf32, #tpu.memory_space<vmem>>, vector<16xf32>,
          %parallel_loop3A_1075 = vector.shape_cast %parallel_loop3A_1074 : vector<16xf32> to vector<16xf32>
          %parallel_loop3A_1076 = arith.constant 32 : i32
          %parallel_loop3A_1077 = arith.addi %parallel_loop3A_87, %parallel_loop3A_1076 : i32
          %parallel_loop3A_1078 = arith.index_cast %parallel_loop3A_1077 : i32 to index
          %parallel_loop3A_1079 = tpu.vector_load %arg5[%parallel_loop3A_1078] {strides = array<i32>} : memref<8192xf32, #tpu.memory_space<vmem>>, vector<16xf32>,
          %parallel_loop3A_1080 = vector.shape_cast %parallel_loop3A_1079 : vector<16xf32> to vector<16xf32>
          %parallel_loop3A_1081 = arith.constant 48 : i32
          %parallel_loop3A_1082 = arith.addi %parallel_loop3A_87, %parallel_loop3A_1081 : i32
          %parallel_loop3A_1083 = arith.index_cast %parallel_loop3A_1082 : i32 to index
          %parallel_loop3A_1084 = tpu.vector_load %arg5[%parallel_loop3A_1083] {strides = array<i32>} : memref<8192xf32, #tpu.memory_space<vmem>>, vector<16xf32>,
          %parallel_loop3A_1085 = vector.shape_cast %parallel_loop3A_1084 : vector<16xf32> to vector<16xf32>
          %parallel_loop3A_1086 = arith.constant 64 : i32
          %parallel_loop3A_1087 = arith.addi %parallel_loop3A_87, %parallel_loop3A_1086 : i32
          %parallel_loop3A_1088 = arith.index_cast %parallel_loop3A_1087 : i32 to index
          %parallel_loop3A_1089 = tpu.vector_load %arg5[%parallel_loop3A_1088] {strides = array<i32>} : memref<8192xf32, #tpu.memory_space<vmem>>, vector<16xf32>,
          %parallel_loop3A_1090 = vector.shape_cast %parallel_loop3A_1089 : vector<16xf32> to vector<16xf32>
          %parallel_loop3A_1091 = arith.constant 80 : i32
          %parallel_loop3A_1092 = arith.addi %parallel_loop3A_87, %parallel_loop3A_1091 : i32
          %parallel_loop3A_1093 = arith.index_cast %parallel_loop3A_1092 : i32 to index
          %parallel_loop3A_1094 = tpu.vector_load %arg5[%parallel_loop3A_1093] {strides = array<i32>} : memref<8192xf32, #tpu.memory_space<vmem>>, vector<16xf32>,
          %parallel_loop3A_1095 = vector.shape_cast %parallel_loop3A_1094 : vector<16xf32> to vector<16xf32>
          %parallel_loop3A_1096 = arith.constant 96 : i32
          %parallel_loop3A_1097 = arith.addi %parallel_loop3A_87, %parallel_loop3A_1096 : i32
          %parallel_loop3A_1098 = arith.index_cast %parallel_loop3A_1097 : i32 to index
          %parallel_loop3A_1099 = tpu.vector_load %arg5[%parallel_loop3A_1098] {strides = array<i32>} : memref<8192xf32, #tpu.memory_space<vmem>>, vector<16xf32>,
          %parallel_loop3A_1100 = vector.shape_cast %parallel_loop3A_1099 : vector<16xf32> to vector<16xf32>
          %parallel_loop3A_1101 = arith.constant 112 : i32
          %parallel_loop3A_1102 = arith.addi %parallel_loop3A_87, %parallel_loop3A_1101 : i32
          %parallel_loop3A_1103 = arith.index_cast %parallel_loop3A_1102 : i32 to index
          %parallel_loop3A_1104 = tpu.vector_load %arg5[%parallel_loop3A_1103] {strides = array<i32>} : memref<8192xf32, #tpu.memory_space<vmem>>, vector<16xf32>,
          %parallel_loop3A_1105 = vector.shape_cast %parallel_loop3A_1104 : vector<16xf32> to vector<16xf32>
          %parallel_loop3A_1106 = arith.constant 0 : i32
          %parallel_loop3A_1107 = arith.addi %parallel_loop3A_89, %parallel_loop3A_1106 : i32
          %parallel_loop3A_1108 = arith.index_cast %parallel_loop3A_1107 : i32 to index
          %parallel_loop3A_1109 = tpu.vector_load %arg5[%parallel_loop3A_1108] {strides = array<i32>} : memref<8192xf32, #tpu.memory_space<vmem>>, vector<16xf32>,
          %parallel_loop3A_1110 = vector.shape_cast %parallel_loop3A_1109 : vector<16xf32> to vector<16xf32>
          %parallel_loop3A_1111 = arith.constant 16 : i32
          %parallel_loop3A_1112 = arith.addi %parallel_loop3A_89, %parallel_loop3A_1111 : i32
          %parallel_loop3A_1113 = arith.index_cast %parallel_loop3A_1112 : i32 to index
          %parallel_loop3A_1114 = tpu.vector_load %arg5[%parallel_loop3A_1113] {strides = array<i32>} : memref<8192xf32, #tpu.memory_space<vmem>>, vector<16xf32>,
          %parallel_loop3A_1115 = vector.shape_cast %parallel_loop3A_1114 : vector<16xf32> to vector<16xf32>
          %parallel_loop3A_1116 = arith.constant 32 : i32
          %parallel_loop3A_1117 = arith.addi %parallel_loop3A_89, %parallel_loop3A_1116 : i32
          %parallel_loop3A_1118 = arith.index_cast %parallel_loop3A_1117 : i32 to index
          %parallel_loop3A_1119 = tpu.vector_load %arg5[%parallel_loop3A_1118] {strides = array<i32>} : memref<8192xf32, #tpu.memory_space<vmem>>, vector<16xf32>,
          %parallel_loop3A_1120 = vector.shape_cast %parallel_loop3A_1119 : vector<16xf32> to vector<16xf32>
          %parallel_loop3A_1121 = arith.constant 48 : i32
          %parallel_loop3A_1122 = arith.addi %parallel_loop3A_89, %parallel_loop3A_1121 : i32
          %parallel_loop3A_1123 = arith.index_cast %parallel_loop3A_1122 : i32 to index
          %parallel_loop3A_1124 = tpu.vector_load %arg5[%parallel_loop3A_1123] {strides = array<i32>} : memref<8192xf32, #tpu.memory_space<vmem>>, vector<16xf32>,
          %parallel_loop3A_1125 = vector.shape_cast %parallel_loop3A_1124 : vector<16xf32> to vector<16xf32>
          %parallel_loop3A_1126 = arith.constant 64 : i32
          %parallel_loop3A_1127 = arith.addi %parallel_loop3A_89, %parallel_loop3A_1126 : i32
          %parallel_loop3A_1128 = arith.index_cast %parallel_loop3A_1127 : i32 to index
          %parallel_loop3A_1129 = tpu.vector_load %arg5[%parallel_loop3A_1128] {strides = array<i32>} : memref<8192xf32, #tpu.memory_space<vmem>>, vector<16xf32>,
          %parallel_loop3A_1130 = vector.shape_cast %parallel_loop3A_1129 : vector<16xf32> to vector<16xf32>
          %parallel_loop3A_1131 = arith.constant 80 : i32
          %parallel_loop3A_1132 = arith.addi %parallel_loop3A_89, %parallel_loop3A_1131 : i32
          %parallel_loop3A_1133 = arith.index_cast %parallel_loop3A_1132 : i32 to index
          %parallel_loop3A_1134 = tpu.vector_load %arg5[%parallel_loop3A_1133] {strides = array<i32>} : memref<8192xf32, #tpu.memory_space<vmem>>, vector<16xf32>,
          %parallel_loop3A_1135 = vector.shape_cast %parallel_loop3A_1134 : vector<16xf32> to vector<16xf32>
          %parallel_loop3A_1136 = arith.constant 96 : i32
          %parallel_loop3A_1137 = arith.addi %parallel_loop3A_89, %parallel_loop3A_1136 : i32
          %parallel_loop3A_1138 = arith.index_cast %parallel_loop3A_1137 : i32 to index
          %parallel_loop3A_1139 = tpu.vector_load %arg5[%parallel_loop3A_1138] {strides = array<i32>} : memref<8192xf32, #tpu.memory_space<vmem>>, vector<16xf32>,
          %parallel_loop3A_1140 = vector.shape_cast %parallel_loop3A_1139 : vector<16xf32> to vector<16xf32>
          %parallel_loop3A_1141 = arith.constant 112 : i32
          %parallel_loop3A_1142 = arith.addi %parallel_loop3A_89, %parallel_loop3A_1141 : i32
          %parallel_loop3A_1143 = arith.index_cast %parallel_loop3A_1142 : i32 to index
          %parallel_loop3A_1144 = tpu.vector_load %arg5[%parallel_loop3A_1143] {strides = array<i32>} : memref<8192xf32, #tpu.memory_space<vmem>>, vector<16xf32>,
          %parallel_loop3A_1145 = vector.shape_cast %parallel_loop3A_1144 : vector<16xf32> to vector<16xf32>
          %parallel_loop3A_1146 = arith.constant 0 : i32
          %parallel_loop3A_1147 = arith.addi %parallel_loop3A_811, %parallel_loop3A_1146 : i32
          %parallel_loop3A_1148 = arith.index_cast %parallel_loop3A_1147 : i32 to index
          %parallel_loop3A_1149 = tpu.vector_load %arg9[%parallel_loop3A_1148] {strides = array<i32>} : memref<51200xf32, #tpu.memory_space<vmem>>, vector<16xf32>,
          %parallel_loop3A_1150 = vector.shape_cast %parallel_loop3A_1149 : vector<16xf32> to vector<16xf32>
          %parallel_loop3A_1151 = vector.shape_cast %parallel_loop3A_830 : vector<16xf32> to vector<16xf32>
          tpu.vector_store %arg9[%parallel_loop3A_1148], %parallel_loop3A_1151 {strides = array<i32>} : memref<51200xf32, #tpu.memory_space<vmem>>, vector<16xf32>,
          %parallel_loop3A_1152 = arith.constant 16 : i32
          %parallel_loop3A_1153 = arith.addi %parallel_loop3A_811, %parallel_loop3A_1152 : i32
          %parallel_loop3A_1154 = arith.index_cast %parallel_loop3A_1153 : i32 to index
          %parallel_loop3A_1155 = tpu.vector_load %arg9[%parallel_loop3A_1154] {strides = array<i32>} : memref<51200xf32, #tpu.memory_space<vmem>>, vector<16xf32>,
          %parallel_loop3A_1156 = vector.shape_cast %parallel_loop3A_1155 : vector<16xf32> to vector<16xf32>
          %parallel_loop3A_1157 = vector.shape_cast %parallel_loop3A_835 : vector<16xf32> to vector<16xf32>
          tpu.vector_store %arg9[%parallel_loop3A_1154], %parallel_loop3A_1157 {strides = array<i32>} : memref<51200xf32, #tpu.memory_space<vmem>>, vector<16xf32>,
          %parallel_loop3A_1158 = arith.constant 32 : i32
          %parallel_loop3A_1159 = arith.addi %parallel_loop3A_811, %parallel_loop3A_1158 : i32
          %parallel_loop3A_1160 = arith.index_cast %parallel_loop3A_1159 : i32 to index
          %parallel_loop3A_1161 = tpu.vector_load %arg9[%parallel_loop3A_1160] {strides = array<i32>} : memref<51200xf32, #tpu.memory_space<vmem>>, vector<16xf32>,
          %parallel_loop3A_1162 = vector.shape_cast %parallel_loop3A_1161 : vector<16xf32> to vector<16xf32>
          %parallel_loop3A_1163 = vector.shape_cast %parallel_loop3A_840 : vector<16xf32> to vector<16xf32>
          tpu.vector_store %arg9[%parallel_loop3A_1160], %parallel_loop3A_1163 {strides = array<i32>} : memref<51200xf32, #tpu.memory_space<vmem>>, vector<16xf32>,
          %parallel_loop3A_1164 = arith.constant 48 : i32
          %parallel_loop3A_1165 = arith.addi %parallel_loop3A_811, %parallel_loop3A_1164 : i32
          %parallel_loop3A_1166 = arith.index_cast %parallel_loop3A_1165 : i32 to index
          %parallel_loop3A_1167 = tpu.vector_load %arg9[%parallel_loop3A_1166] {strides = array<i32>} : memref<51200xf32, #tpu.memory_space<vmem>>, vector<16xf32>,
          %parallel_loop3A_1168 = vector.shape_cast %parallel_loop3A_1167 : vector<16xf32> to vector<16xf32>
          %parallel_loop3A_1169 = vector.shape_cast %parallel_loop3A_845 : vector<16xf32> to vector<16xf32>
          tpu.vector_store %arg9[%parallel_loop3A_1166], %parallel_loop3A_1169 {strides = array<i32>} : memref<51200xf32, #tpu.memory_space<vmem>>, vector<16xf32>,
          %parallel_loop3A_1170 = arith.constant 64 : i32
          %parallel_loop3A_1171 = arith.addi %parallel_loop3A_811, %parallel_loop3A_1170 : i32
          %parallel_loop3A_1172 = arith.index_cast %parallel_loop3A_1171 : i32 to index
          %parallel_loop3A_1173 = tpu.vector_load %arg9[%parallel_loop3A_1172] {strides = array<i32>} : memref<51200xf32, #tpu.memory_space<vmem>>, vector<16xf32>,
          %parallel_loop3A_1174 = vector.shape_cast %parallel_loop3A_1173 : vector<16xf32> to vector<16xf32>
          %parallel_loop3A_1175 = vector.shape_cast %parallel_loop3A_850 : vector<16xf32> to vector<16xf32>
          tpu.vector_store %arg9[%parallel_loop3A_1172], %parallel_loop3A_1175 {strides = array<i32>} : memref<51200xf32, #tpu.memory_space<vmem>>, vector<16xf32>,
          %parallel_loop3A_1176 = arith.constant 80 : i32
          %parallel_loop3A_1177 = arith.addi %parallel_loop3A_811, %parallel_loop3A_1176 : i32
          %parallel_loop3A_1178 = arith.index_cast %parallel_loop3A_1177 : i32 to index
          %parallel_loop3A_1179 = tpu.vector_load %arg9[%parallel_loop3A_1178] {strides = array<i32>} : memref<51200xf32, #tpu.memory_space<vmem>>, vector<16xf32>,
          %parallel_loop3A_1180 = vector.shape_cast %parallel_loop3A_1179 : vector<16xf32> to vector<16xf32>
          %parallel_loop3A_1181 = vector.shape_cast %parallel_loop3A_855 : vector<16xf32> to vector<16xf32>
          tpu.vector_store %arg9[%parallel_loop3A_1178], %parallel_loop3A_1181 {strides = array<i32>} : memref<51200xf32, #tpu.memory_space<vmem>>, vector<16xf32>,
          %parallel_loop3A_1182 = arith.constant 96 : i32
          %parallel_loop3A_1183 = arith.addi %parallel_loop3A_811, %parallel_loop3A_1182 : i32
          %parallel_loop3A_1184 = arith.index_cast %parallel_loop3A_1183 : i32 to index
          %parallel_loop3A_1185 = tpu.vector_load %arg9[%parallel_loop3A_1184] {strides = array<i32>} : memref<51200xf32, #tpu.memory_space<vmem>>, vector<16xf32>,
          %parallel_loop3A_1186 = vector.shape_cast %parallel_loop3A_1185 : vector<16xf32> to vector<16xf32>
          %parallel_loop3A_1187 = vector.shape_cast %parallel_loop3A_860 : vector<16xf32> to vector<16xf32>
          tpu.vector_store %arg9[%parallel_loop3A_1184], %parallel_loop3A_1187 {strides = array<i32>} : memref<51200xf32, #tpu.memory_space<vmem>>, vector<16xf32>,
          %parallel_loop3A_1188 = arith.constant 112 : i32
          %parallel_loop3A_1189 = arith.addi %parallel_loop3A_811, %parallel_loop3A_1188 : i32
          %parallel_loop3A_1190 = arith.index_cast %parallel_loop3A_1189 : i32 to index
          %parallel_loop3A_1191 = tpu.vector_load %arg9[%parallel_loop3A_1190] {strides = array<i32>} : memref<51200xf32, #tpu.memory_space<vmem>>, vector<16xf32>,
          %parallel_loop3A_1192 = vector.shape_cast %parallel_loop3A_1191 : vector<16xf32> to vector<16xf32>
          %parallel_loop3A_1193 = vector.shape_cast %parallel_loop3A_865 : vector<16xf32> to vector<16xf32>
          tpu.vector_store %arg9[%parallel_loop3A_1190], %parallel_loop3A_1193 {strides = array<i32>} : memref<51200xf32, #tpu.memory_space<vmem>>, vector<16xf32>,
          %parallel_loop3A_1194 = arith.constant 0 : i32
          %parallel_loop3A_1195 = arith.addi %parallel_loop3A_813, %parallel_loop3A_1194 : i32
          %parallel_loop3A_1196 = arith.index_cast %parallel_loop3A_1195 : i32 to index
          %parallel_loop3A_1197 = tpu.vector_load %arg9[%parallel_loop3A_1196] {strides = array<i32>} : memref<51200xf32, #tpu.memory_space<vmem>>, vector<16xf32>,
          %parallel_loop3A_1198 = vector.shape_cast %parallel_loop3A_1197 : vector<16xf32> to vector<16xf32>
          %parallel_loop3A_1199 = vector.shape_cast %parallel_loop3A_870 : vector<16xf32> to vector<16xf32>
          tpu.vector_store %arg9[%parallel_loop3A_1196], %parallel_loop3A_1199 {strides = array<i32>} : memref<51200xf32, #tpu.memory_space<vmem>>, vector<16xf32>,
          %parallel_loop3A_1200 = arith.constant 16 : i32
          %parallel_loop3A_1201 = arith.addi %parallel_loop3A_813, %parallel_loop3A_1200 : i32
          %parallel_loop3A_1202 = arith.index_cast %parallel_loop3A_1201 : i32 to index
          %parallel_loop3A_1203 = tpu.vector_load %arg9[%parallel_loop3A_1202] {strides = array<i32>} : memref<51200xf32, #tpu.memory_space<vmem>>, vector<16xf32>,
          %parallel_loop3A_1204 = vector.shape_cast %parallel_loop3A_1203 : vector<16xf32> to vector<16xf32>
          %parallel_loop3A_1205 = vector.shape_cast %parallel_loop3A_875 : vector<16xf32> to vector<16xf32>
          tpu.vector_store %arg9[%parallel_loop3A_1202], %parallel_loop3A_1205 {strides = array<i32>} : memref<51200xf32, #tpu.memory_space<vmem>>, vector<16xf32>,
          %parallel_loop3A_1206 = arith.constant 32 : i32
          %parallel_loop3A_1207 = arith.addi %parallel_loop3A_813, %parallel_loop3A_1206 : i32
          %parallel_loop3A_1208 = arith.index_cast %parallel_loop3A_1207 : i32 to index
          %parallel_loop3A_1209 = tpu.vector_load %arg9[%parallel_loop3A_1208] {strides = array<i32>} : memref<51200xf32, #tpu.memory_space<vmem>>, vector<16xf32>,
          %parallel_loop3A_1210 = vector.shape_cast %parallel_loop3A_1209 : vector<16xf32> to vector<16xf32>
          %parallel_loop3A_1211 = vector.shape_cast %parallel_loop3A_880 : vector<16xf32> to vector<16xf32>
          tpu.vector_store %arg9[%parallel_loop3A_1208], %parallel_loop3A_1211 {strides = array<i32>} : memref<51200xf32, #tpu.memory_space<vmem>>, vector<16xf32>,
          %parallel_loop3A_1212 = arith.constant 48 : i32
          %parallel_loop3A_1213 = arith.addi %parallel_loop3A_813, %parallel_loop3A_1212 : i32
          %parallel_loop3A_1214 = arith.index_cast %parallel_loop3A_1213 : i32 to index
          %parallel_loop3A_1215 = tpu.vector_load %arg9[%parallel_loop3A_1214] {strides = array<i32>} : memref<51200xf32, #tpu.memory_space<vmem>>, vector<16xf32>,
          %parallel_loop3A_1216 = vector.shape_cast %parallel_loop3A_1215 : vector<16xf32> to vector<16xf32>
          %parallel_loop3A_1217 = vector.shape_cast %parallel_loop3A_885 : vector<16xf32> to vector<16xf32>
          tpu.vector_store %arg9[%parallel_loop3A_1214], %parallel_loop3A_1217 {strides = array<i32>} : memref<51200xf32, #tpu.memory_space<vmem>>, vector<16xf32>,
          %parallel_loop3A_1218 = arith.constant 64 : i32
          %parallel_loop3A_1219 = arith.addi %parallel_loop3A_813, %parallel_loop3A_1218 : i32
          %parallel_loop3A_1220 = arith.index_cast %parallel_loop3A_1219 : i32 to index
          %parallel_loop3A_1221 = tpu.vector_load %arg9[%parallel_loop3A_1220] {strides = array<i32>} : memref<51200xf32, #tpu.memory_space<vmem>>, vector<16xf32>,
          %parallel_loop3A_1222 = vector.shape_cast %parallel_loop3A_1221 : vector<16xf32> to vector<16xf32>
          %parallel_loop3A_1223 = vector.shape_cast %parallel_loop3A_890 : vector<16xf32> to vector<16xf32>
          tpu.vector_store %arg9[%parallel_loop3A_1220], %parallel_loop3A_1223 {strides = array<i32>} : memref<51200xf32, #tpu.memory_space<vmem>>, vector<16xf32>,
          %parallel_loop3A_1224 = arith.constant 80 : i32
          %parallel_loop3A_1225 = arith.addi %parallel_loop3A_813, %parallel_loop3A_1224 : i32
          %parallel_loop3A_1226 = arith.index_cast %parallel_loop3A_1225 : i32 to index
          %parallel_loop3A_1227 = tpu.vector_load %arg9[%parallel_loop3A_1226] {strides = array<i32>} : memref<51200xf32, #tpu.memory_space<vmem>>, vector<16xf32>,
          %parallel_loop3A_1228 = vector.shape_cast %parallel_loop3A_1227 : vector<16xf32> to vector<16xf32>
          %parallel_loop3A_1229 = vector.shape_cast %parallel_loop3A_895 : vector<16xf32> to vector<16xf32>
          tpu.vector_store %arg9[%parallel_loop3A_1226], %parallel_loop3A_1229 {strides = array<i32>} : memref<51200xf32, #tpu.memory_space<vmem>>, vector<16xf32>,
          %parallel_loop3A_1230 = arith.constant 96 : i32
          %parallel_loop3A_1231 = arith.addi %parallel_loop3A_813, %parallel_loop3A_1230 : i32
          %parallel_loop3A_1232 = arith.index_cast %parallel_loop3A_1231 : i32 to index
          %parallel_loop3A_1233 = tpu.vector_load %arg9[%parallel_loop3A_1232] {strides = array<i32>} : memref<51200xf32, #tpu.memory_space<vmem>>, vector<16xf32>,
          %parallel_loop3A_1234 = vector.shape_cast %parallel_loop3A_1233 : vector<16xf32> to vector<16xf32>
          %parallel_loop3A_1235 = vector.shape_cast %parallel_loop3A_900 : vector<16xf32> to vector<16xf32>
          tpu.vector_store %arg9[%parallel_loop3A_1232], %parallel_loop3A_1235 {strides = array<i32>} : memref<51200xf32, #tpu.memory_space<vmem>>, vector<16xf32>,
          %parallel_loop3A_1236 = arith.constant 112 : i32
          %parallel_loop3A_1237 = arith.addi %parallel_loop3A_813, %parallel_loop3A_1236 : i32
          %parallel_loop3A_1238 = arith.index_cast %parallel_loop3A_1237 : i32 to index
          %parallel_loop3A_1239 = tpu.vector_load %arg9[%parallel_loop3A_1238] {strides = array<i32>} : memref<51200xf32, #tpu.memory_space<vmem>>, vector<16xf32>,
          %parallel_loop3A_1240 = vector.shape_cast %parallel_loop3A_1239 : vector<16xf32> to vector<16xf32>
          %parallel_loop3A_1241 = vector.shape_cast %parallel_loop3A_905 : vector<16xf32> to vector<16xf32>
          tpu.vector_store %arg9[%parallel_loop3A_1238], %parallel_loop3A_1241 {strides = array<i32>} : memref<51200xf32, #tpu.memory_space<vmem>>, vector<16xf32>,
          %parallel_loop3A_1242 = arith.constant 0 : i32
          %parallel_loop3A_1243 = arith.addi %parallel_loop3A_815, %parallel_loop3A_1242 : i32
          %parallel_loop3A_1244 = arith.index_cast %parallel_loop3A_1243 : i32 to index
          %parallel_loop3A_1245 = tpu.vector_load %arg9[%parallel_loop3A_1244] {strides = array<i32>} : memref<51200xf32, #tpu.memory_space<vmem>>, vector<16xf32>,
          %parallel_loop3A_1246 = vector.shape_cast %parallel_loop3A_1245 : vector<16xf32> to vector<16xf32>
          %parallel_loop3A_1247 = vector.shape_cast %parallel_loop3A_910 : vector<16xf32> to vector<16xf32>
          tpu.vector_store %arg9[%parallel_loop3A_1244], %parallel_loop3A_1247 {strides = array<i32>} : memref<51200xf32, #tpu.memory_space<vmem>>, vector<16xf32>,
          %parallel_loop3A_1248 = arith.constant 16 : i32
          %parallel_loop3A_1249 = arith.addi %parallel_loop3A_815, %parallel_loop3A_1248 : i32
          %parallel_loop3A_1250 = arith.index_cast %parallel_loop3A_1249 : i32 to index
          %parallel_loop3A_1251 = tpu.vector_load %arg9[%parallel_loop3A_1250] {strides = array<i32>} : memref<51200xf32, #tpu.memory_space<vmem>>, vector<16xf32>,
          %parallel_loop3A_1252 = vector.shape_cast %parallel_loop3A_1251 : vector<16xf32> to vector<16xf32>
          %parallel_loop3A_1253 = vector.shape_cast %parallel_loop3A_915 : vector<16xf32> to vector<16xf32>
          tpu.vector_store %arg9[%parallel_loop3A_1250], %parallel_loop3A_1253 {strides = array<i32>} : memref<51200xf32, #tpu.memory_space<vmem>>, vector<16xf32>,
          %parallel_loop3A_1254 = arith.constant 32 : i32
          %parallel_loop3A_1255 = arith.addi %parallel_loop3A_815, %parallel_loop3A_1254 : i32
          %parallel_loop3A_1256 = arith.index_cast %parallel_loop3A_1255 : i32 to index
          %parallel_loop3A_1257 = tpu.vector_load %arg9[%parallel_loop3A_1256] {strides = array<i32>} : memref<51200xf32, #tpu.memory_space<vmem>>, vector<16xf32>,
          %parallel_loop3A_1258 = vector.shape_cast %parallel_loop3A_1257 : vector<16xf32> to vector<16xf32>
          %parallel_loop3A_1259 = vector.shape_cast %parallel_loop3A_920 : vector<16xf32> to vector<16xf32>
          tpu.vector_store %arg9[%parallel_loop3A_1256], %parallel_loop3A_1259 {strides = array<i32>} : memref<51200xf32, #tpu.memory_space<vmem>>, vector<16xf32>,
          %parallel_loop3A_1260 = arith.constant 48 : i32
          %parallel_loop3A_1261 = arith.addi %parallel_loop3A_815, %parallel_loop3A_1260 : i32
          %parallel_loop3A_1262 = arith.index_cast %parallel_loop3A_1261 : i32 to index
          %parallel_loop3A_1263 = tpu.vector_load %arg9[%parallel_loop3A_1262] {strides = array<i32>} : memref<51200xf32, #tpu.memory_space<vmem>>, vector<16xf32>,
          %parallel_loop3A_1264 = vector.shape_cast %parallel_loop3A_1263 : vector<16xf32> to vector<16xf32>
          %parallel_loop3A_1265 = vector.shape_cast %parallel_loop3A_925 : vector<16xf32> to vector<16xf32>
          tpu.vector_store %arg9[%parallel_loop3A_1262], %parallel_loop3A_1265 {strides = array<i32>} : memref<51200xf32, #tpu.memory_space<vmem>>, vector<16xf32>,
          %parallel_loop3A_1266 = arith.constant 64 : i32
          %parallel_loop3A_1267 = arith.addi %parallel_loop3A_815, %parallel_loop3A_1266 : i32
          %parallel_loop3A_1268 = arith.index_cast %parallel_loop3A_1267 : i32 to index
          %parallel_loop3A_1269 = tpu.vector_load %arg9[%parallel_loop3A_1268] {strides = array<i32>} : memref<51200xf32, #tpu.memory_space<vmem>>, vector<16xf32>,
          %parallel_loop3A_1270 = vector.shape_cast %parallel_loop3A_1269 : vector<16xf32> to vector<16xf32>
          %parallel_loop3A_1271 = vector.shape_cast %parallel_loop3A_930 : vector<16xf32> to vector<16xf32>
          tpu.vector_store %arg9[%parallel_loop3A_1268], %parallel_loop3A_1271 {strides = array<i32>} : memref<51200xf32, #tpu.memory_space<vmem>>, vector<16xf32>,
          %parallel_loop3A_1272 = arith.constant 80 : i32
          %parallel_loop3A_1273 = arith.addi %parallel_loop3A_815, %parallel_loop3A_1272 : i32
          %parallel_loop3A_1274 = arith.index_cast %parallel_loop3A_1273 : i32 to index
          %parallel_loop3A_1275 = tpu.vector_load %arg9[%parallel_loop3A_1274] {strides = array<i32>} : memref<51200xf32, #tpu.memory_space<vmem>>, vector<16xf32>,
          %parallel_loop3A_1276 = vector.shape_cast %parallel_loop3A_1275 : vector<16xf32> to vector<16xf32>
          %parallel_loop3A_1277 = vector.shape_cast %parallel_loop3A_935 : vector<16xf32> to vector<16xf32>
          tpu.vector_store %arg9[%parallel_loop3A_1274], %parallel_loop3A_1277 {strides = array<i32>} : memref<51200xf32, #tpu.memory_space<vmem>>, vector<16xf32>,
          %parallel_loop3A_1278 = arith.constant 96 : i32
          %parallel_loop3A_1279 = arith.addi %parallel_loop3A_815, %parallel_loop3A_1278 : i32
          %parallel_loop3A_1280 = arith.index_cast %parallel_loop3A_1279 : i32 to index
          %parallel_loop3A_1281 = tpu.vector_load %arg9[%parallel_loop3A_1280] {strides = array<i32>} : memref<51200xf32, #tpu.memory_space<vmem>>, vector<16xf32>,
          %parallel_loop3A_1282 = vector.shape_cast %parallel_loop3A_1281 : vector<16xf32> to vector<16xf32>
          %parallel_loop3A_1283 = vector.shape_cast %parallel_loop3A_940 : vector<16xf32> to vector<16xf32>
          tpu.vector_store %arg9[%parallel_loop3A_1280], %parallel_loop3A_1283 {strides = array<i32>} : memref<51200xf32, #tpu.memory_space<vmem>>, vector<16xf32>,
          %parallel_loop3A_1284 = arith.constant 112 : i32
          %parallel_loop3A_1285 = arith.addi %parallel_loop3A_815, %parallel_loop3A_1284 : i32
          %parallel_loop3A_1286 = arith.index_cast %parallel_loop3A_1285 : i32 to index
          %parallel_loop3A_1287 = tpu.vector_load %arg9[%parallel_loop3A_1286] {strides = array<i32>} : memref<51200xf32, #tpu.memory_space<vmem>>, vector<16xf32>,
          %parallel_loop3A_1288 = vector.shape_cast %parallel_loop3A_1287 : vector<16xf32> to vector<16xf32>
          %parallel_loop3A_1289 = vector.shape_cast %parallel_loop3A_945 : vector<16xf32> to vector<16xf32>
          tpu.vector_store %arg9[%parallel_loop3A_1286], %parallel_loop3A_1289 {strides = array<i32>} : memref<51200xf32, #tpu.memory_space<vmem>>, vector<16xf32>,
          %parallel_loop3A_1290 = arith.constant 0 : i32
          %parallel_loop3A_1291 = arith.addi %parallel_loop3A_817, %parallel_loop3A_1290 : i32
          %parallel_loop3A_1292 = arith.index_cast %parallel_loop3A_1291 : i32 to index
          %parallel_loop3A_1293 = tpu.vector_load %arg9[%parallel_loop3A_1292] {strides = array<i32>} : memref<51200xf32, #tpu.memory_space<vmem>>, vector<16xf32>,
          %parallel_loop3A_1294 = vector.shape_cast %parallel_loop3A_1293 : vector<16xf32> to vector<16xf32>
          %parallel_loop3A_1295 = vector.shape_cast %parallel_loop3A_950 : vector<16xf32> to vector<16xf32>
          tpu.vector_store %arg9[%parallel_loop3A_1292], %parallel_loop3A_1295 {strides = array<i32>} : memref<51200xf32, #tpu.memory_space<vmem>>, vector<16xf32>,
          %parallel_loop3A_1296 = arith.constant 16 : i32
          %parallel_loop3A_1297 = arith.addi %parallel_loop3A_817, %parallel_loop3A_1296 : i32
          %parallel_loop3A_1298 = arith.index_cast %parallel_loop3A_1297 : i32 to index
          %parallel_loop3A_1299 = tpu.vector_load %arg9[%parallel_loop3A_1298] {strides = array<i32>} : memref<51200xf32, #tpu.memory_space<vmem>>, vector<16xf32>,
          %parallel_loop3A_1300 = vector.shape_cast %parallel_loop3A_1299 : vector<16xf32> to vector<16xf32>
          %parallel_loop3A_1301 = vector.shape_cast %parallel_loop3A_955 : vector<16xf32> to vector<16xf32>
          tpu.vector_store %arg9[%parallel_loop3A_1298], %parallel_loop3A_1301 {strides = array<i32>} : memref<51200xf32, #tpu.memory_space<vmem>>, vector<16xf32>,
          %parallel_loop3A_1302 = arith.constant 32 : i32
          %parallel_loop3A_1303 = arith.addi %parallel_loop3A_817, %parallel_loop3A_1302 : i32
          %parallel_loop3A_1304 = arith.index_cast %parallel_loop3A_1303 : i32 to index
          %parallel_loop3A_1305 = tpu.vector_load %arg9[%parallel_loop3A_1304] {strides = array<i32>} : memref<51200xf32, #tpu.memory_space<vmem>>, vector<16xf32>,
          %parallel_loop3A_1306 = vector.shape_cast %parallel_loop3A_1305 : vector<16xf32> to vector<16xf32>
          %parallel_loop3A_1307 = vector.shape_cast %parallel_loop3A_960 : vector<16xf32> to vector<16xf32>
          tpu.vector_store %arg9[%parallel_loop3A_1304], %parallel_loop3A_1307 {strides = array<i32>} : memref<51200xf32, #tpu.memory_space<vmem>>, vector<16xf32>,
          %parallel_loop3A_1308 = arith.constant 48 : i32
          %parallel_loop3A_1309 = arith.addi %parallel_loop3A_817, %parallel_loop3A_1308 : i32
          %parallel_loop3A_1310 = arith.index_cast %parallel_loop3A_1309 : i32 to index
          %parallel_loop3A_1311 = tpu.vector_load %arg9[%parallel_loop3A_1310] {strides = array<i32>} : memref<51200xf32, #tpu.memory_space<vmem>>, vector<16xf32>,
          %parallel_loop3A_1312 = vector.shape_cast %parallel_loop3A_1311 : vector<16xf32> to vector<16xf32>
          %parallel_loop3A_1313 = vector.shape_cast %parallel_loop3A_965 : vector<16xf32> to vector<16xf32>
          tpu.vector_store %arg9[%parallel_loop3A_1310], %parallel_loop3A_1313 {strides = array<i32>} : memref<51200xf32, #tpu.memory_space<vmem>>, vector<16xf32>,
          %parallel_loop3A_1314 = arith.constant 64 : i32
          %parallel_loop3A_1315 = arith.addi %parallel_loop3A_817, %parallel_loop3A_1314 : i32
          %parallel_loop3A_1316 = arith.index_cast %parallel_loop3A_1315 : i32 to index
          %parallel_loop3A_1317 = tpu.vector_load %arg9[%parallel_loop3A_1316] {strides = array<i32>} : memref<51200xf32, #tpu.memory_space<vmem>>, vector<16xf32>,
          %parallel_loop3A_1318 = vector.shape_cast %parallel_loop3A_1317 : vector<16xf32> to vector<16xf32>
          %parallel_loop3A_1319 = vector.shape_cast %parallel_loop3A_970 : vector<16xf32> to vector<16xf32>
          tpu.vector_store %arg9[%parallel_loop3A_1316], %parallel_loop3A_1319 {strides = array<i32>} : memref<51200xf32, #tpu.memory_space<vmem>>, vector<16xf32>,
          %parallel_loop3A_1320 = arith.constant 80 : i32
          %parallel_loop3A_1321 = arith.addi %parallel_loop3A_817, %parallel_loop3A_1320 : i32
          %parallel_loop3A_1322 = arith.index_cast %parallel_loop3A_1321 : i32 to index
          %parallel_loop3A_1323 = tpu.vector_load %arg9[%parallel_loop3A_1322] {strides = array<i32>} : memref<51200xf32, #tpu.memory_space<vmem>>, vector<16xf32>,
          %parallel_loop3A_1324 = vector.shape_cast %parallel_loop3A_1323 : vector<16xf32> to vector<16xf32>
          %parallel_loop3A_1325 = vector.shape_cast %parallel_loop3A_975 : vector<16xf32> to vector<16xf32>
          tpu.vector_store %arg9[%parallel_loop3A_1322], %parallel_loop3A_1325 {strides = array<i32>} : memref<51200xf32, #tpu.memory_space<vmem>>, vector<16xf32>,
          %parallel_loop3A_1326 = arith.constant 96 : i32
          %parallel_loop3A_1327 = arith.addi %parallel_loop3A_817, %parallel_loop3A_1326 : i32
          %parallel_loop3A_1328 = arith.index_cast %parallel_loop3A_1327 : i32 to index
          %parallel_loop3A_1329 = tpu.vector_load %arg9[%parallel_loop3A_1328] {strides = array<i32>} : memref<51200xf32, #tpu.memory_space<vmem>>, vector<16xf32>,
          %parallel_loop3A_1330 = vector.shape_cast %parallel_loop3A_1329 : vector<16xf32> to vector<16xf32>
          %parallel_loop3A_1331 = vector.shape_cast %parallel_loop3A_980 : vector<16xf32> to vector<16xf32>
          tpu.vector_store %arg9[%parallel_loop3A_1328], %parallel_loop3A_1331 {strides = array<i32>} : memref<51200xf32, #tpu.memory_space<vmem>>, vector<16xf32>,
          %parallel_loop3A_1332 = arith.constant 112 : i32
          %parallel_loop3A_1333 = arith.addi %parallel_loop3A_817, %parallel_loop3A_1332 : i32
          %parallel_loop3A_1334 = arith.index_cast %parallel_loop3A_1333 : i32 to index
          %parallel_loop3A_1335 = tpu.vector_load %arg9[%parallel_loop3A_1334] {strides = array<i32>} : memref<51200xf32, #tpu.memory_space<vmem>>, vector<16xf32>,
          %parallel_loop3A_1336 = vector.shape_cast %parallel_loop3A_1335 : vector<16xf32> to vector<16xf32>
          %parallel_loop3A_1337 = vector.shape_cast %parallel_loop3A_985 : vector<16xf32> to vector<16xf32>
          tpu.vector_store %arg9[%parallel_loop3A_1334], %parallel_loop3A_1337 {strides = array<i32>} : memref<51200xf32, #tpu.memory_space<vmem>>, vector<16xf32>,
          %parallel_loop3A_1338 = arith.constant 0 : i32
          %parallel_loop3A_1339 = arith.addi %parallel_loop3A_819, %parallel_loop3A_1338 : i32
          %parallel_loop3A_1340 = arith.index_cast %parallel_loop3A_1339 : i32 to index
          %parallel_loop3A_1341 = tpu.vector_load %arg9[%parallel_loop3A_1340] {strides = array<i32>} : memref<51200xf32, #tpu.memory_space<vmem>>, vector<16xf32>,
          %parallel_loop3A_1342 = vector.shape_cast %parallel_loop3A_1341 : vector<16xf32> to vector<16xf32>
          %parallel_loop3A_1343 = vector.shape_cast %parallel_loop3A_990 : vector<16xf32> to vector<16xf32>
          tpu.vector_store %arg9[%parallel_loop3A_1340], %parallel_loop3A_1343 {strides = array<i32>} : memref<51200xf32, #tpu.memory_space<vmem>>, vector<16xf32>,
          %parallel_loop3A_1344 = arith.constant 16 : i32
          %parallel_loop3A_1345 = arith.addi %parallel_loop3A_819, %parallel_loop3A_1344 : i32
          %parallel_loop3A_1346 = arith.index_cast %parallel_loop3A_1345 : i32 to index
          %parallel_loop3A_1347 = tpu.vector_load %arg9[%parallel_loop3A_1346] {strides = array<i32>} : memref<51200xf32, #tpu.memory_space<vmem>>, vector<16xf32>,
          %parallel_loop3A_1348 = vector.shape_cast %parallel_loop3A_1347 : vector<16xf32> to vector<16xf32>
          %parallel_loop3A_1349 = vector.shape_cast %parallel_loop3A_995 : vector<16xf32> to vector<16xf32>
          tpu.vector_store %arg9[%parallel_loop3A_1346], %parallel_loop3A_1349 {strides = array<i32>} : memref<51200xf32, #tpu.memory_space<vmem>>, vector<16xf32>,
          %parallel_loop3A_1350 = arith.constant 32 : i32
          %parallel_loop3A_1351 = arith.addi %parallel_loop3A_819, %parallel_loop3A_1350 : i32
          %parallel_loop3A_1352 = arith.index_cast %parallel_loop3A_1351 : i32 to index
          %parallel_loop3A_1353 = tpu.vector_load %arg9[%parallel_loop3A_1352] {strides = array<i32>} : memref<51200xf32, #tpu.memory_space<vmem>>, vector<16xf32>,
          %parallel_loop3A_1354 = vector.shape_cast %parallel_loop3A_1353 : vector<16xf32> to vector<16xf32>
          %parallel_loop3A_1355 = vector.shape_cast %parallel_loop3A_1000 : vector<16xf32> to vector<16xf32>
          tpu.vector_store %arg9[%parallel_loop3A_1352], %parallel_loop3A_1355 {strides = array<i32>} : memref<51200xf32, #tpu.memory_space<vmem>>, vector<16xf32>,
          %parallel_loop3A_1356 = arith.constant 48 : i32
          %parallel_loop3A_1357 = arith.addi %parallel_loop3A_819, %parallel_loop3A_1356 : i32
          %parallel_loop3A_1358 = arith.index_cast %parallel_loop3A_1357 : i32 to index
          %parallel_loop3A_1359 = tpu.vector_load %arg9[%parallel_loop3A_1358] {strides = array<i32>} : memref<51200xf32, #tpu.memory_space<vmem>>, vector<16xf32>,
          %parallel_loop3A_1360 = vector.shape_cast %parallel_loop3A_1359 : vector<16xf32> to vector<16xf32>
          %parallel_loop3A_1361 = vector.shape_cast %parallel_loop3A_1005 : vector<16xf32> to vector<16xf32>
          tpu.vector_store %arg9[%parallel_loop3A_1358], %parallel_loop3A_1361 {strides = array<i32>} : memref<51200xf32, #tpu.memory_space<vmem>>, vector<16xf32>,
          %parallel_loop3A_1362 = arith.constant 64 : i32
          %parallel_loop3A_1363 = arith.addi %parallel_loop3A_819, %parallel_loop3A_1362 : i32
          %parallel_loop3A_1364 = arith.index_cast %parallel_loop3A_1363 : i32 to index
          %parallel_loop3A_1365 = tpu.vector_load %arg9[%parallel_loop3A_1364] {strides = array<i32>} : memref<51200xf32, #tpu.memory_space<vmem>>, vector<16xf32>,
          %parallel_loop3A_1366 = vector.shape_cast %parallel_loop3A_1365 : vector<16xf32> to vector<16xf32>
          %parallel_loop3A_1367 = vector.shape_cast %parallel_loop3A_1010 : vector<16xf32> to vector<16xf32>
          tpu.vector_store %arg9[%parallel_loop3A_1364], %parallel_loop3A_1367 {strides = array<i32>} : memref<51200xf32, #tpu.memory_space<vmem>>, vector<16xf32>,
          %parallel_loop3A_1368 = arith.constant 80 : i32
          %parallel_loop3A_1369 = arith.addi %parallel_loop3A_819, %parallel_loop3A_1368 : i32
          %parallel_loop3A_1370 = arith.index_cast %parallel_loop3A_1369 : i32 to index
          %parallel_loop3A_1371 = tpu.vector_load %arg9[%parallel_loop3A_1370] {strides = array<i32>} : memref<51200xf32, #tpu.memory_space<vmem>>, vector<16xf32>,
          %parallel_loop3A_1372 = vector.shape_cast %parallel_loop3A_1371 : vector<16xf32> to vector<16xf32>
          %parallel_loop3A_1373 = vector.shape_cast %parallel_loop3A_1015 : vector<16xf32> to vector<16xf32>
          tpu.vector_store %arg9[%parallel_loop3A_1370], %parallel_loop3A_1373 {strides = array<i32>} : memref<51200xf32, #tpu.memory_space<vmem>>, vector<16xf32>,
          %parallel_loop3A_1374 = arith.constant 96 : i32
          %parallel_loop3A_1375 = arith.addi %parallel_loop3A_819, %parallel_loop3A_1374 : i32
          %parallel_loop3A_1376 = arith.index_cast %parallel_loop3A_1375 : i32 to index
          %parallel_loop3A_1377 = tpu.vector_load %arg9[%parallel_loop3A_1376] {strides = array<i32>} : memref<51200xf32, #tpu.memory_space<vmem>>, vector<16xf32>,
          %parallel_loop3A_1378 = vector.shape_cast %parallel_loop3A_1377 : vector<16xf32> to vector<16xf32>
          %parallel_loop3A_1379 = vector.shape_cast %parallel_loop3A_1020 : vector<16xf32> to vector<16xf32>
          tpu.vector_store %arg9[%parallel_loop3A_1376], %parallel_loop3A_1379 {strides = array<i32>} : memref<51200xf32, #tpu.memory_space<vmem>>, vector<16xf32>,
          %parallel_loop3A_1380 = arith.constant 112 : i32
          %parallel_loop3A_1381 = arith.addi %parallel_loop3A_819, %parallel_loop3A_1380 : i32
          %parallel_loop3A_1382 = arith.index_cast %parallel_loop3A_1381 : i32 to index
          %parallel_loop3A_1383 = tpu.vector_load %arg9[%parallel_loop3A_1382] {strides = array<i32>} : memref<51200xf32, #tpu.memory_space<vmem>>, vector<16xf32>,
          %parallel_loop3A_1384 = vector.shape_cast %parallel_loop3A_1383 : vector<16xf32> to vector<16xf32>
          %parallel_loop3A_1385 = vector.shape_cast %parallel_loop3A_1025 : vector<16xf32> to vector<16xf32>
          tpu.vector_store %arg9[%parallel_loop3A_1382], %parallel_loop3A_1385 {strides = array<i32>} : memref<51200xf32, #tpu.memory_space<vmem>>, vector<16xf32>,
          %parallel_loop3A_1386 = arith.constant 0 : i32
          %parallel_loop3A_1387 = arith.addi %parallel_loop3A_821, %parallel_loop3A_1386 : i32
          %parallel_loop3A_1388 = arith.index_cast %parallel_loop3A_1387 : i32 to index
          %parallel_loop3A_1389 = tpu.vector_load %arg9[%parallel_loop3A_1388] {strides = array<i32>} : memref<51200xf32, #tpu.memory_space<vmem>>, vector<16xf32>,
          %parallel_loop3A_1390 = vector.shape_cast %parallel_loop3A_1389 : vector<16xf32> to vector<16xf32>
          %parallel_loop3A_1391 = vector.shape_cast %parallel_loop3A_1030 : vector<16xf32> to vector<16xf32>
          tpu.vector_store %arg9[%parallel_loop3A_1388], %parallel_loop3A_1391 {strides = array<i32>} : memref<51200xf32, #tpu.memory_space<vmem>>, vector<16xf32>,
          %parallel_loop3A_1392 = arith.constant 16 : i32
          %parallel_loop3A_1393 = arith.addi %parallel_loop3A_821, %parallel_loop3A_1392 : i32
          %parallel_loop3A_1394 = arith.index_cast %parallel_loop3A_1393 : i32 to index
          %parallel_loop3A_1395 = tpu.vector_load %arg9[%parallel_loop3A_1394] {strides = array<i32>} : memref<51200xf32, #tpu.memory_space<vmem>>, vector<16xf32>,
          %parallel_loop3A_1396 = vector.shape_cast %parallel_loop3A_1395 : vector<16xf32> to vector<16xf32>
          %parallel_loop3A_1397 = vector.shape_cast %parallel_loop3A_1035 : vector<16xf32> to vector<16xf32>
          tpu.vector_store %arg9[%parallel_loop3A_1394], %parallel_loop3A_1397 {strides = array<i32>} : memref<51200xf32, #tpu.memory_space<vmem>>, vector<16xf32>,
          %parallel_loop3A_1398 = arith.constant 32 : i32
          %parallel_loop3A_1399 = arith.addi %parallel_loop3A_821, %parallel_loop3A_1398 : i32
          %parallel_loop3A_1400 = arith.index_cast %parallel_loop3A_1399 : i32 to index
          %parallel_loop3A_1401 = tpu.vector_load %arg9[%parallel_loop3A_1400] {strides = array<i32>} : memref<51200xf32, #tpu.memory_space<vmem>>, vector<16xf32>,
          %parallel_loop3A_1402 = vector.shape_cast %parallel_loop3A_1401 : vector<16xf32> to vector<16xf32>
          %parallel_loop3A_1403 = vector.shape_cast %parallel_loop3A_1040 : vector<16xf32> to vector<16xf32>
          tpu.vector_store %arg9[%parallel_loop3A_1400], %parallel_loop3A_1403 {strides = array<i32>} : memref<51200xf32, #tpu.memory_space<vmem>>, vector<16xf32>,
          %parallel_loop3A_1404 = arith.constant 48 : i32
          %parallel_loop3A_1405 = arith.addi %parallel_loop3A_821, %parallel_loop3A_1404 : i32
          %parallel_loop3A_1406 = arith.index_cast %parallel_loop3A_1405 : i32 to index
          %parallel_loop3A_1407 = tpu.vector_load %arg9[%parallel_loop3A_1406] {strides = array<i32>} : memref<51200xf32, #tpu.memory_space<vmem>>, vector<16xf32>,
          %parallel_loop3A_1408 = vector.shape_cast %parallel_loop3A_1407 : vector<16xf32> to vector<16xf32>
          %parallel_loop3A_1409 = vector.shape_cast %parallel_loop3A_1045 : vector<16xf32> to vector<16xf32>
          tpu.vector_store %arg9[%parallel_loop3A_1406], %parallel_loop3A_1409 {strides = array<i32>} : memref<51200xf32, #tpu.memory_space<vmem>>, vector<16xf32>,
          %parallel_loop3A_1410 = arith.constant 64 : i32
          %parallel_loop3A_1411 = arith.addi %parallel_loop3A_821, %parallel_loop3A_1410 : i32
          %parallel_loop3A_1412 = arith.index_cast %parallel_loop3A_1411 : i32 to index
          %parallel_loop3A_1413 = tpu.vector_load %arg9[%parallel_loop3A_1412] {strides = array<i32>} : memref<51200xf32, #tpu.memory_space<vmem>>, vector<16xf32>,
          %parallel_loop3A_1414 = vector.shape_cast %parallel_loop3A_1413 : vector<16xf32> to vector<16xf32>
          %parallel_loop3A_1415 = vector.shape_cast %parallel_loop3A_1050 : vector<16xf32> to vector<16xf32>
          tpu.vector_store %arg9[%parallel_loop3A_1412], %parallel_loop3A_1415 {strides = array<i32>} : memref<51200xf32, #tpu.memory_space<vmem>>, vector<16xf32>,
          %parallel_loop3A_1416 = arith.constant 80 : i32
          %parallel_loop3A_1417 = arith.addi %parallel_loop3A_821, %parallel_loop3A_1416 : i32
          %parallel_loop3A_1418 = arith.index_cast %parallel_loop3A_1417 : i32 to index
          %parallel_loop3A_1419 = tpu.vector_load %arg9[%parallel_loop3A_1418] {strides = array<i32>} : memref<51200xf32, #tpu.memory_space<vmem>>, vector<16xf32>,
          %parallel_loop3A_1420 = vector.shape_cast %parallel_loop3A_1419 : vector<16xf32> to vector<16xf32>
          %parallel_loop3A_1421 = vector.shape_cast %parallel_loop3A_1055 : vector<16xf32> to vector<16xf32>
          tpu.vector_store %arg9[%parallel_loop3A_1418], %parallel_loop3A_1421 {strides = array<i32>} : memref<51200xf32, #tpu.memory_space<vmem>>, vector<16xf32>,
          %parallel_loop3A_1422 = arith.constant 96 : i32
          %parallel_loop3A_1423 = arith.addi %parallel_loop3A_821, %parallel_loop3A_1422 : i32
          %parallel_loop3A_1424 = arith.index_cast %parallel_loop3A_1423 : i32 to index
          %parallel_loop3A_1425 = tpu.vector_load %arg9[%parallel_loop3A_1424] {strides = array<i32>} : memref<51200xf32, #tpu.memory_space<vmem>>, vector<16xf32>,
          %parallel_loop3A_1426 = vector.shape_cast %parallel_loop3A_1425 : vector<16xf32> to vector<16xf32>
          %parallel_loop3A_1427 = vector.shape_cast %parallel_loop3A_1060 : vector<16xf32> to vector<16xf32>
          tpu.vector_store %arg9[%parallel_loop3A_1424], %parallel_loop3A_1427 {strides = array<i32>} : memref<51200xf32, #tpu.memory_space<vmem>>, vector<16xf32>,
          %parallel_loop3A_1428 = arith.constant 112 : i32
          %parallel_loop3A_1429 = arith.addi %parallel_loop3A_821, %parallel_loop3A_1428 : i32
          %parallel_loop3A_1430 = arith.index_cast %parallel_loop3A_1429 : i32 to index
          %parallel_loop3A_1431 = tpu.vector_load %arg9[%parallel_loop3A_1430] {strides = array<i32>} : memref<51200xf32, #tpu.memory_space<vmem>>, vector<16xf32>,
          %parallel_loop3A_1432 = vector.shape_cast %parallel_loop3A_1431 : vector<16xf32> to vector<16xf32>
          %parallel_loop3A_1433 = vector.shape_cast %parallel_loop3A_1065 : vector<16xf32> to vector<16xf32>
          tpu.vector_store %arg9[%parallel_loop3A_1430], %parallel_loop3A_1433 {strides = array<i32>} : memref<51200xf32, #tpu.memory_space<vmem>>, vector<16xf32>,
          %parallel_loop3A_1434 = arith.constant 0 : i32
          %parallel_loop3A_1435 = arith.addi %parallel_loop3A_823, %parallel_loop3A_1434 : i32
          %parallel_loop3A_1436 = arith.index_cast %parallel_loop3A_1435 : i32 to index
          %parallel_loop3A_1437 = tpu.vector_load %arg9[%parallel_loop3A_1436] {strides = array<i32>} : memref<51200xf32, #tpu.memory_space<vmem>>, vector<16xf32>,
          %parallel_loop3A_1438 = vector.shape_cast %parallel_loop3A_1437 : vector<16xf32> to vector<16xf32>
          %parallel_loop3A_1439 = vector.shape_cast %parallel_loop3A_1070 : vector<16xf32> to vector<16xf32>
          tpu.vector_store %arg9[%parallel_loop3A_1436], %parallel_loop3A_1439 {strides = array<i32>} : memref<51200xf32, #tpu.memory_space<vmem>>, vector<16xf32>,
          %parallel_loop3A_1440 = arith.constant 16 : i32
          %parallel_loop3A_1441 = arith.addi %parallel_loop3A_823, %parallel_loop3A_1440 : i32
          %parallel_loop3A_1442 = arith.index_cast %parallel_loop3A_1441 : i32 to index
          %parallel_loop3A_1443 = tpu.vector_load %arg9[%parallel_loop3A_1442] {strides = array<i32>} : memref<51200xf32, #tpu.memory_space<vmem>>, vector<16xf32>,
          %parallel_loop3A_1444 = vector.shape_cast %parallel_loop3A_1443 : vector<16xf32> to vector<16xf32>
          %parallel_loop3A_1445 = vector.shape_cast %parallel_loop3A_1075 : vector<16xf32> to vector<16xf32>
          tpu.vector_store %arg9[%parallel_loop3A_1442], %parallel_loop3A_1445 {strides = array<i32>} : memref<51200xf32, #tpu.memory_space<vmem>>, vector<16xf32>,
          %parallel_loop3A_1446 = arith.constant 32 : i32
          %parallel_loop3A_1447 = arith.addi %parallel_loop3A_823, %parallel_loop3A_1446 : i32
          %parallel_loop3A_1448 = arith.index_cast %parallel_loop3A_1447 : i32 to index
          %parallel_loop3A_1449 = tpu.vector_load %arg9[%parallel_loop3A_1448] {strides = array<i32>} : memref<51200xf32, #tpu.memory_space<vmem>>, vector<16xf32>,
          %parallel_loop3A_1450 = vector.shape_cast %parallel_loop3A_1449 : vector<16xf32> to vector<16xf32>
          %parallel_loop3A_1451 = vector.shape_cast %parallel_loop3A_1080 : vector<16xf32> to vector<16xf32>
          tpu.vector_store %arg9[%parallel_loop3A_1448], %parallel_loop3A_1451 {strides = array<i32>} : memref<51200xf32, #tpu.memory_space<vmem>>, vector<16xf32>,
          %parallel_loop3A_1452 = arith.constant 48 : i32
          %parallel_loop3A_1453 = arith.addi %parallel_loop3A_823, %parallel_loop3A_1452 : i32
          %parallel_loop3A_1454 = arith.index_cast %parallel_loop3A_1453 : i32 to index
          %parallel_loop3A_1455 = tpu.vector_load %arg9[%parallel_loop3A_1454] {strides = array<i32>} : memref<51200xf32, #tpu.memory_space<vmem>>, vector<16xf32>,
          %parallel_loop3A_1456 = vector.shape_cast %parallel_loop3A_1455 : vector<16xf32> to vector<16xf32>
          %parallel_loop3A_1457 = vector.shape_cast %parallel_loop3A_1085 : vector<16xf32> to vector<16xf32>
          tpu.vector_store %arg9[%parallel_loop3A_1454], %parallel_loop3A_1457 {strides = array<i32>} : memref<51200xf32, #tpu.memory_space<vmem>>, vector<16xf32>,
          %parallel_loop3A_1458 = arith.constant 64 : i32
          %parallel_loop3A_1459 = arith.addi %parallel_loop3A_823, %parallel_loop3A_1458 : i32
          %parallel_loop3A_1460 = arith.index_cast %parallel_loop3A_1459 : i32 to index
          %parallel_loop3A_1461 = tpu.vector_load %arg9[%parallel_loop3A_1460] {strides = array<i32>} : memref<51200xf32, #tpu.memory_space<vmem>>, vector<16xf32>,
          %parallel_loop3A_1462 = vector.shape_cast %parallel_loop3A_1461 : vector<16xf32> to vector<16xf32>
          %parallel_loop3A_1463 = vector.shape_cast %parallel_loop3A_1090 : vector<16xf32> to vector<16xf32>
          tpu.vector_store %arg9[%parallel_loop3A_1460], %parallel_loop3A_1463 {strides = array<i32>} : memref<51200xf32, #tpu.memory_space<vmem>>, vector<16xf32>,
          %parallel_loop3A_1464 = arith.constant 80 : i32
          %parallel_loop3A_1465 = arith.addi %parallel_loop3A_823, %parallel_loop3A_1464 : i32
          %parallel_loop3A_1466 = arith.index_cast %parallel_loop3A_1465 : i32 to index
          %parallel_loop3A_1467 = tpu.vector_load %arg9[%parallel_loop3A_1466] {strides = array<i32>} : memref<51200xf32, #tpu.memory_space<vmem>>, vector<16xf32>,
          %parallel_loop3A_1468 = vector.shape_cast %parallel_loop3A_1467 : vector<16xf32> to vector<16xf32>
          %parallel_loop3A_1469 = vector.shape_cast %parallel_loop3A_1095 : vector<16xf32> to vector<16xf32>
          tpu.vector_store %arg9[%parallel_loop3A_1466], %parallel_loop3A_1469 {strides = array<i32>} : memref<51200xf32, #tpu.memory_space<vmem>>, vector<16xf32>,
          %parallel_loop3A_1470 = arith.constant 96 : i32
          %parallel_loop3A_1471 = arith.addi %parallel_loop3A_823, %parallel_loop3A_1470 : i32
          %parallel_loop3A_1472 = arith.index_cast %parallel_loop3A_1471 : i32 to index
          %parallel_loop3A_1473 = tpu.vector_load %arg9[%parallel_loop3A_1472] {strides = array<i32>} : memref<51200xf32, #tpu.memory_space<vmem>>, vector<16xf32>,
          %parallel_loop3A_1474 = vector.shape_cast %parallel_loop3A_1473 : vector<16xf32> to vector<16xf32>
          %parallel_loop3A_1475 = vector.shape_cast %parallel_loop3A_1100 : vector<16xf32> to vector<16xf32>
          tpu.vector_store %arg9[%parallel_loop3A_1472], %parallel_loop3A_1475 {strides = array<i32>} : memref<51200xf32, #tpu.memory_space<vmem>>, vector<16xf32>,
          %parallel_loop3A_1476 = arith.constant 112 : i32
          %parallel_loop3A_1477 = arith.addi %parallel_loop3A_823, %parallel_loop3A_1476 : i32
          %parallel_loop3A_1478 = arith.index_cast %parallel_loop3A_1477 : i32 to index
          %parallel_loop3A_1479 = tpu.vector_load %arg9[%parallel_loop3A_1478] {strides = array<i32>} : memref<51200xf32, #tpu.memory_space<vmem>>, vector<16xf32>,
          %parallel_loop3A_1480 = vector.shape_cast %parallel_loop3A_1479 : vector<16xf32> to vector<16xf32>
          %parallel_loop3A_1481 = vector.shape_cast %parallel_loop3A_1105 : vector<16xf32> to vector<16xf32>
          tpu.vector_store %arg9[%parallel_loop3A_1478], %parallel_loop3A_1481 {strides = array<i32>} : memref<51200xf32, #tpu.memory_space<vmem>>, vector<16xf32>,
          %parallel_loop3A_1482 = arith.constant 0 : i32
          %parallel_loop3A_1483 = arith.addi %parallel_loop3A_825, %parallel_loop3A_1482 : i32
          %parallel_loop3A_1484 = arith.index_cast %parallel_loop3A_1483 : i32 to index
          %parallel_loop3A_1485 = tpu.vector_load %arg9[%parallel_loop3A_1484] {strides = array<i32>} : memref<51200xf32, #tpu.memory_space<vmem>>, vector<16xf32>,
          %parallel_loop3A_1486 = vector.shape_cast %parallel_loop3A_1485 : vector<16xf32> to vector<16xf32>
          %parallel_loop3A_1487 = vector.shape_cast %parallel_loop3A_1110 : vector<16xf32> to vector<16xf32>
          tpu.vector_store %arg9[%parallel_loop3A_1484], %parallel_loop3A_1487 {strides = array<i32>} : memref<51200xf32, #tpu.memory_space<vmem>>, vector<16xf32>,
          %parallel_loop3A_1488 = arith.constant 16 : i32
          %parallel_loop3A_1489 = arith.addi %parallel_loop3A_825, %parallel_loop3A_1488 : i32
          %parallel_loop3A_1490 = arith.index_cast %parallel_loop3A_1489 : i32 to index
          %parallel_loop3A_1491 = tpu.vector_load %arg9[%parallel_loop3A_1490] {strides = array<i32>} : memref<51200xf32, #tpu.memory_space<vmem>>, vector<16xf32>,
          %parallel_loop3A_1492 = vector.shape_cast %parallel_loop3A_1491 : vector<16xf32> to vector<16xf32>
          %parallel_loop3A_1493 = vector.shape_cast %parallel_loop3A_1115 : vector<16xf32> to vector<16xf32>
          tpu.vector_store %arg9[%parallel_loop3A_1490], %parallel_loop3A_1493 {strides = array<i32>} : memref<51200xf32, #tpu.memory_space<vmem>>, vector<16xf32>,
          %parallel_loop3A_1494 = arith.constant 32 : i32
          %parallel_loop3A_1495 = arith.addi %parallel_loop3A_825, %parallel_loop3A_1494 : i32
          %parallel_loop3A_1496 = arith.index_cast %parallel_loop3A_1495 : i32 to index
          %parallel_loop3A_1497 = tpu.vector_load %arg9[%parallel_loop3A_1496] {strides = array<i32>} : memref<51200xf32, #tpu.memory_space<vmem>>, vector<16xf32>,
          %parallel_loop3A_1498 = vector.shape_cast %parallel_loop3A_1497 : vector<16xf32> to vector<16xf32>
          %parallel_loop3A_1499 = vector.shape_cast %parallel_loop3A_1120 : vector<16xf32> to vector<16xf32>
          tpu.vector_store %arg9[%parallel_loop3A_1496], %parallel_loop3A_1499 {strides = array<i32>} : memref<51200xf32, #tpu.memory_space<vmem>>, vector<16xf32>,
          %parallel_loop3A_1500 = arith.constant 48 : i32
          %parallel_loop3A_1501 = arith.addi %parallel_loop3A_825, %parallel_loop3A_1500 : i32
          %parallel_loop3A_1502 = arith.index_cast %parallel_loop3A_1501 : i32 to index
          %parallel_loop3A_1503 = tpu.vector_load %arg9[%parallel_loop3A_1502] {strides = array<i32>} : memref<51200xf32, #tpu.memory_space<vmem>>, vector<16xf32>,
          %parallel_loop3A_1504 = vector.shape_cast %parallel_loop3A_1503 : vector<16xf32> to vector<16xf32>
          %parallel_loop3A_1505 = vector.shape_cast %parallel_loop3A_1125 : vector<16xf32> to vector<16xf32>
          tpu.vector_store %arg9[%parallel_loop3A_1502], %parallel_loop3A_1505 {strides = array<i32>} : memref<51200xf32, #tpu.memory_space<vmem>>, vector<16xf32>,
          %parallel_loop3A_1506 = arith.constant 64 : i32
          %parallel_loop3A_1507 = arith.addi %parallel_loop3A_825, %parallel_loop3A_1506 : i32
          %parallel_loop3A_1508 = arith.index_cast %parallel_loop3A_1507 : i32 to index
          %parallel_loop3A_1509 = tpu.vector_load %arg9[%parallel_loop3A_1508] {strides = array<i32>} : memref<51200xf32, #tpu.memory_space<vmem>>, vector<16xf32>,
          %parallel_loop3A_1510 = vector.shape_cast %parallel_loop3A_1509 : vector<16xf32> to vector<16xf32>
          %parallel_loop3A_1511 = vector.shape_cast %parallel_loop3A_1130 : vector<16xf32> to vector<16xf32>
          tpu.vector_store %arg9[%parallel_loop3A_1508], %parallel_loop3A_1511 {strides = array<i32>} : memref<51200xf32, #tpu.memory_space<vmem>>, vector<16xf32>,
          %parallel_loop3A_1512 = arith.constant 80 : i32
          %parallel_loop3A_1513 = arith.addi %parallel_loop3A_825, %parallel_loop3A_1512 : i32
          %parallel_loop3A_1514 = arith.index_cast %parallel_loop3A_1513 : i32 to index
          %parallel_loop3A_1515 = tpu.vector_load %arg9[%parallel_loop3A_1514] {strides = array<i32>} : memref<51200xf32, #tpu.memory_space<vmem>>, vector<16xf32>,
          %parallel_loop3A_1516 = vector.shape_cast %parallel_loop3A_1515 : vector<16xf32> to vector<16xf32>
          %parallel_loop3A_1517 = vector.shape_cast %parallel_loop3A_1135 : vector<16xf32> to vector<16xf32>
          tpu.vector_store %arg9[%parallel_loop3A_1514], %parallel_loop3A_1517 {strides = array<i32>} : memref<51200xf32, #tpu.memory_space<vmem>>, vector<16xf32>,
          %parallel_loop3A_1518 = arith.constant 96 : i32
          %parallel_loop3A_1519 = arith.addi %parallel_loop3A_825, %parallel_loop3A_1518 : i32
          %parallel_loop3A_1520 = arith.index_cast %parallel_loop3A_1519 : i32 to index
          %parallel_loop3A_1521 = tpu.vector_load %arg9[%parallel_loop3A_1520] {strides = array<i32>} : memref<51200xf32, #tpu.memory_space<vmem>>, vector<16xf32>,
          %parallel_loop3A_1522 = vector.shape_cast %parallel_loop3A_1521 : vector<16xf32> to vector<16xf32>
          %parallel_loop3A_1523 = vector.shape_cast %parallel_loop3A_1140 : vector<16xf32> to vector<16xf32>
          tpu.vector_store %arg9[%parallel_loop3A_1520], %parallel_loop3A_1523 {strides = array<i32>} : memref<51200xf32, #tpu.memory_space<vmem>>, vector<16xf32>,
          %parallel_loop3A_1524 = arith.constant 112 : i32
          %parallel_loop3A_1525 = arith.addi %parallel_loop3A_825, %parallel_loop3A_1524 : i32
          %parallel_loop3A_1526 = arith.index_cast %parallel_loop3A_1525 : i32 to index
          %parallel_loop3A_1527 = tpu.vector_load %arg9[%parallel_loop3A_1526] {strides = array<i32>} : memref<51200xf32, #tpu.memory_space<vmem>>, vector<16xf32>,
          %parallel_loop3A_1528 = vector.shape_cast %parallel_loop3A_1527 : vector<16xf32> to vector<16xf32>
          %parallel_loop3A_1529 = vector.shape_cast %parallel_loop3A_1145 : vector<16xf32> to vector<16xf32>
          tpu.vector_store %arg9[%parallel_loop3A_1526], %parallel_loop3A_1529 {strides = array<i32>} : memref<51200xf32, #tpu.memory_space<vmem>>, vector<16xf32>,
        } {sc.loop_unroll_factor = 2 : i64, sc.parallel_access}
        %mul3A_44 = arith.constant 128 : i32
        %mul3A_45 = arith.muli %add3A_29, %mul3A_44 : i32
        %dma_start3A_46 = tpu.memref_slice %arg4[%mul3A_45] : memref<40960000xf32, #tpu.memory_space<hbm>> -> memref<51200xf32, #tpu.memory_space<hbm>>
        %dma_start3A_47 = tpu.memref_slice %arg4[%mul3A_45] : memref<40960000xf32, #tpu.memory_space<hbm>> -> memref<51200xf32, #tpu.memory_space<hbm>>
        tpu.enqueue_dma source(%arg9 : memref<51200xf32, #tpu.memory_space<vmem>>) target(%dma_start3A_47 : memref<51200xf32, #tpu.memory_space<hbm>>) target_semaphore(%arg13 : memref<!tpu.dma_semaphore, #tpu.memory_space<semaphore_mem>>)
      } else {
      }
    }
    %scan3A_8 = arith.constant 25 : i32
    %mul3A_9 = arith.constant 128 : i32
    %mul3A_10 = arith.muli %mul3A_2, %mul3A_9 : i32
    %dma_wait3A = tpu.memref_slice %arg4[%mul3A_10] : memref<40960000xf32, #tpu.memory_space<hbm>> -> memref<51200xf32, #tpu.memory_space<hbm>>
    %dma_wait3A_11 = tpu.memref_slice %arg4[%mul3A_10] : memref<40960000xf32, #tpu.memory_space<hbm>> -> memref<51200xf32, #tpu.memory_space<hbm>>
    tpu.wait_dma2 semaphore(%arg12 : memref<!tpu.dma_semaphore, #tpu.memory_space<semaphore_mem>>) src(%arg8 : memref<51200xf32, #tpu.memory_space<vmem>>) dst(%dma_wait3A_11 : memref<51200xf32, #tpu.memory_space<hbm>>)
    %mul3A_12 = arith.constant 128 : i32
    %mul3A_13 = arith.muli %mul3A_2, %mul3A_12 : i32
    %dma_wait3A_14 = tpu.memref_slice %arg4[%mul3A_13] : memref<40960000xf32, #tpu.memory_space<hbm>> -> memref<51200xf32, #tpu.memory_space<hbm>>
    %dma_wait3A_15 = tpu.memref_slice %arg4[%mul3A_13] : memref<40960000xf32, #tpu.memory_space<hbm>> -> memref<51200xf32, #tpu.memory_space<hbm>>
    tpu.wait_dma2 semaphore(%arg13 : memref<!tpu.dma_semaphore, #tpu.memory_space<semaphore_mem>>) src(%arg9 : memref<51200xf32, #tpu.memory_space<vmem>>) dst(%dma_wait3A_15 : memref<51200xf32, #tpu.memory_space<hbm>>)
    return
  }
}

module attributes {stable_mosaic.version = 14 : i64} {
  func.func @_prelude_body(%arg0: memref<16x128xf32, #tpu.memory_space<vmem>>, %arg1: memref<2500x128xi32, #tpu.memory_space<vmem>>, %arg2: memref<2500x128xi32, #tpu.memory_space<vmem>>, %arg3: memref<2500x128xi32, #tpu.memory_space<vmem>>, %arg4: memref<64x128xf32, #tpu.memory_space<vmem>>, %arg5: memref<2500x128xi32, #tpu.memory_space<vmem>>) attributes {dimension_semantics = [], scalar_prefetch = 0 : i64, scratch_operands = 0 : i64, tpu.core_type = #tpu.core_type<tc>} {
    %iota3A = tpu.iota {dimensions = array<i32: 0>} : vector<64x1xi32>
    %jit3A = arith.constant 12 : i32
    %div3A = vector.broadcast %jit3A : i32 to vector<64x1xi32>
    %div3A_0 = arith.divsi %iota3A, %div3A : vector<64x1xi32>
    %sign3A = arith.constant 0 : i32
    %sign3A_1 = vector.broadcast %sign3A : i32 to vector<64x1xi32>
    %sign3A_2 = arith.cmpi sgt, %iota3A, %sign3A_1 : vector<64x1xi32>
    %sign3A_3 = arith.extui %sign3A_2 : vector<64x1xi1> to vector<64x1xi32>
    %sign3A_4 = arith.constant 0 : i32
    %sign3A_5 = vector.broadcast %sign3A_4 : i32 to vector<64x1xi32>
    %sign3A_6 = arith.cmpi slt, %iota3A, %sign3A_5 : vector<64x1xi32>
    %sign3A_7 = arith.extui %sign3A_6 : vector<64x1xi1> to vector<64x1xi32>
    %sign3A_8 = arith.subi %sign3A_3, %sign3A_7 : vector<64x1xi32>
    %sign3A_9 = arith.constant 0 : i32
    %sign3A_10 = arith.cmpi sgt, %jit3A, %sign3A_9 : i32
    %sign3A_11 = arith.extui %sign3A_10 : i1 to i32
    %sign3A_12 = arith.constant 0 : i32
    %sign3A_13 = arith.cmpi slt, %jit3A, %sign3A_12 : i32
    %sign3A_14 = arith.extui %sign3A_13 : i1 to i32
    %sign3A_15 = arith.subi %sign3A_11, %sign3A_14 : i32
    %ne3A = vector.broadcast %sign3A_15 : i32 to vector<64x1xi32>
    %ne3A_16 = arith.cmpi ne, %sign3A_8, %ne3A : vector<64x1xi32>
    %rem3A = vector.broadcast %jit3A : i32 to vector<64x1xi32>
    %rem3A_17 = arith.remsi %iota3A, %rem3A : vector<64x1xi32>
    %ne3A_18 = arith.constant 0 : i32
    %ne3A_19 = vector.broadcast %ne3A_18 : i32 to vector<64x1xi32>
    %ne3A_20 = arith.cmpi ne, %rem3A_17, %ne3A_19 : vector<64x1xi32>
    %and3A = arith.andi %ne3A_16, %ne3A_20 : vector<64x1xi1>
    %sub3A = arith.constant 1 : i32
    %sub3A_21 = vector.broadcast %sub3A : i32 to vector<64x1xi32>
    %sub3A_22 = arith.subi %div3A_0, %sub3A_21 : vector<64x1xi32>
    %select_n3A = arith.select %and3A, %sub3A_22, %div3A_0 : vector<64x1xi1>, vector<64x1xi32>
    %jit3A_23 = arith.constant 2 : i32
    %div3A_24 = vector.broadcast %jit3A_23 : i32 to vector<64x1xi32>
    %div3A_25 = arith.divsi %iota3A, %div3A_24 : vector<64x1xi32>
    %sign3A_26 = arith.constant 0 : i32
    %sign3A_27 = vector.broadcast %sign3A_26 : i32 to vector<64x1xi32>
    %sign3A_28 = arith.cmpi sgt, %iota3A, %sign3A_27 : vector<64x1xi32>
    %sign3A_29 = arith.extui %sign3A_28 : vector<64x1xi1> to vector<64x1xi32>
    %sign3A_30 = arith.constant 0 : i32
    %sign3A_31 = vector.broadcast %sign3A_30 : i32 to vector<64x1xi32>
    %sign3A_32 = arith.cmpi slt, %iota3A, %sign3A_31 : vector<64x1xi32>
    %sign3A_33 = arith.extui %sign3A_32 : vector<64x1xi1> to vector<64x1xi32>
    %sign3A_34 = arith.subi %sign3A_29, %sign3A_33 : vector<64x1xi32>
    %sign3A_35 = arith.constant 0 : i32
    %sign3A_36 = arith.cmpi sgt, %jit3A_23, %sign3A_35 : i32
    %sign3A_37 = arith.extui %sign3A_36 : i1 to i32
    %sign3A_38 = arith.constant 0 : i32
    %sign3A_39 = arith.cmpi slt, %jit3A_23, %sign3A_38 : i32
    %sign3A_40 = arith.extui %sign3A_39 : i1 to i32
    %sign3A_41 = arith.subi %sign3A_37, %sign3A_40 : i32
    %ne3A_42 = vector.broadcast %sign3A_41 : i32 to vector<64x1xi32>
    %ne3A_43 = arith.cmpi ne, %sign3A_34, %ne3A_42 : vector<64x1xi32>
    %rem3A_44 = vector.broadcast %jit3A_23 : i32 to vector<64x1xi32>
    %rem3A_45 = arith.remsi %iota3A, %rem3A_44 : vector<64x1xi32>
    %ne3A_46 = arith.constant 0 : i32
    %ne3A_47 = vector.broadcast %ne3A_46 : i32 to vector<64x1xi32>
    %ne3A_48 = arith.cmpi ne, %rem3A_45, %ne3A_47 : vector<64x1xi32>
    %and3A_49 = arith.andi %ne3A_43, %ne3A_48 : vector<64x1xi1>
    %sub3A_50 = arith.constant 1 : i32
    %sub3A_51 = vector.broadcast %sub3A_50 : i32 to vector<64x1xi32>
    %sub3A_52 = arith.subi %div3A_25, %sub3A_51 : vector<64x1xi32>
    %select_n3A_53 = arith.select %and3A_49, %sub3A_52, %div3A_25 : vector<64x1xi1>, vector<64x1xi32>
    %jit3A_54 = arith.constant 6 : i32
    %eq3A = arith.constant 0 : i32
    %eq3A_55 = arith.cmpi eq, %jit3A_54, %eq3A : i32
    %jit3A_56 = arith.constant 1 : i32
    %select_n3A_57 = arith.select %eq3A_55, %jit3A_56, %jit3A_54 : i32
    %rem3A_58 = vector.broadcast %select_n3A_57 : i32 to vector<64x1xi32>
    %rem3A_59 = arith.remsi %select_n3A_53, %rem3A_58 : vector<64x1xi32>
    %ne3A_60 = arith.constant 0 : i32
    %ne3A_61 = vector.broadcast %ne3A_60 : i32 to vector<64x1xi32>
    %ne3A_62 = arith.cmpi ne, %rem3A_59, %ne3A_61 : vector<64x1xi32>
    %lt3A = arith.constant 0 : i32
    %lt3A_63 = vector.broadcast %lt3A : i32 to vector<64x1xi32>
    %lt3A_64 = arith.cmpi slt, %rem3A_59, %lt3A_63 : vector<64x1xi32>
    %lt3A_65 = arith.constant 0 : i32
    %lt3A_66 = arith.cmpi slt, %select_n3A_57, %lt3A_65 : i32
    %ne3A_67 = vector.broadcast %lt3A_66 : i1 to vector<64x1xi1>
    %ne3A_68 = vector.broadcast %ne3A_67 : vector<64x1xi1> to vector<64x1xi1>
    %ne3A_69 = arith.xori %lt3A_64, %ne3A_68 : vector<64x1xi1>
    %and3A_70 = arith.andi %ne3A_69, %ne3A_62 : vector<64x1xi1>
    %add3A = vector.broadcast %select_n3A_57 : i32 to vector<64x1xi32>
    %add3A_71 = arith.addi %rem3A_59, %add3A : vector<64x1xi32>
    %select_n3A_72 = arith.select %and3A_70, %add3A_71, %rem3A_59 : vector<64x1xi1>, vector<64x1xi32>
    %jit3A_73 = arith.constant 2 : i32
    %eq3A_74 = arith.constant 0 : i32
    %eq3A_75 = arith.cmpi eq, %jit3A_73, %eq3A_74 : i32
    %jit3A_76 = arith.constant 1 : i32
    %select_n3A_77 = arith.select %eq3A_75, %jit3A_76, %jit3A_73 : i32
    %rem3A_78 = vector.broadcast %select_n3A_77 : i32 to vector<64x1xi32>
    %rem3A_79 = arith.remsi %iota3A, %rem3A_78 : vector<64x1xi32>
    %ne3A_80 = arith.constant 0 : i32
    %ne3A_81 = vector.broadcast %ne3A_80 : i32 to vector<64x1xi32>
    %ne3A_82 = arith.cmpi ne, %rem3A_79, %ne3A_81 : vector<64x1xi32>
    %lt3A_83 = arith.constant 0 : i32
    %lt3A_84 = vector.broadcast %lt3A_83 : i32 to vector<64x1xi32>
    %lt3A_85 = arith.cmpi slt, %rem3A_79, %lt3A_84 : vector<64x1xi32>
    %lt3A_86 = arith.constant 0 : i32
    %lt3A_87 = arith.cmpi slt, %select_n3A_77, %lt3A_86 : i32
    %ne3A_88 = vector.broadcast %lt3A_87 : i1 to vector<64x1xi1>
    %ne3A_89 = vector.broadcast %ne3A_88 : vector<64x1xi1> to vector<64x1xi1>
    %ne3A_90 = arith.xori %lt3A_85, %ne3A_89 : vector<64x1xi1>
    %and3A_91 = arith.andi %ne3A_90, %ne3A_82 : vector<64x1xi1>
    %add3A_92 = vector.broadcast %select_n3A_77 : i32 to vector<64x1xi32>
    %add3A_93 = arith.addi %rem3A_79, %add3A_92 : vector<64x1xi32>
    %select_n3A_94 = arith.select %and3A_91, %add3A_93, %rem3A_79 : vector<64x1xi1>, vector<64x1xi32>
    %broadcast_in_dim3A = arith.constant 0.000000e+00 : f32
    %broadcast_in_dim3A_95 = vector.broadcast %broadcast_in_dim3A : f32 to vector<64x128xf32>
    %eq3A_96 = arith.constant 0 : i32
    %eq3A_97 = vector.broadcast %eq3A_96 : i32 to vector<64x1xi32>
    %eq3A_98 = arith.cmpi eq, %select_n3A, %eq3A_97 : vector<64x1xi32>
    %convert_element_type3A = arith.extui %eq3A_98 : vector<64x1xi1> to vector<64x1xi32>
    %convert_element_type3A_99 = arith.sitofp %convert_element_type3A : vector<64x1xi32> to vector<64x1xf32>
    %add3A_100 = arith.constant 5 : i32
    %add3A_101 = vector.broadcast %add3A_100 : i32 to vector<64x1xi32>
    %add3A_102 = arith.addi %add3A_101, %select_n3A_72 : vector<64x1xi32>
    %eq3A_103 = arith.constant 0 : i32
    %eq3A_104 = vector.broadcast %eq3A_103 : i32 to vector<64x1xi32>
    %eq3A_105 = arith.cmpi eq, %add3A_102, %eq3A_104 : vector<64x1xi32>
    %convert_element_type3A_106 = arith.extui %eq3A_105 : vector<64x1xi1> to vector<64x1xi32>
    %convert_element_type3A_107 = arith.sitofp %convert_element_type3A_106 : vector<64x1xi32> to vector<64x1xf32>
    %add3A_108 = arith.addf %convert_element_type3A_99, %convert_element_type3A_107 : vector<64x1xf32>
    %add3A_109 = arith.constant 11 : i32
    %add3A_110 = vector.broadcast %add3A_109 : i32 to vector<64x1xi32>
    %add3A_111 = arith.addi %add3A_110, %select_n3A_94 : vector<64x1xi32>
    %eq3A_112 = arith.constant 0 : i32
    %eq3A_113 = vector.broadcast %eq3A_112 : i32 to vector<64x1xi32>
    %eq3A_114 = arith.cmpi eq, %add3A_111, %eq3A_113 : vector<64x1xi32>
    %convert_element_type3A_115 = arith.extui %eq3A_114 : vector<64x1xi1> to vector<64x1xi32>
    %convert_element_type3A_116 = arith.sitofp %convert_element_type3A_115 : vector<64x1xi32> to vector<64x1xf32>
    %add3A_117 = arith.addf %add3A_108, %convert_element_type3A_116 : vector<64x1xf32>
    %get3A = arith.constant 0 : index
    %get3A_118 = arith.constant 0 : index
    %get3A_119 = vector.load %arg0[%get3A, %get3A_118] : memref<16x128xf32, #tpu.memory_space<vmem>>, vector<1x128xf32>
    %get3A_120 = vector.shape_cast %get3A_119 : vector<1x128xf32> to vector<128xf32>
    %broadcast_in_dim3A_121 = vector.shape_cast %get3A_120 : vector<128xf32> to vector<1x128xf32>
    %mul3A = vector.broadcast %add3A_117 : vector<64x1xf32> to vector<64x128xf32>
    %mul3A_122 = vector.broadcast %broadcast_in_dim3A_121 : vector<1x128xf32> to vector<64x128xf32>
    %mul3A_123 = arith.mulf %mul3A, %mul3A_122 : vector<64x128xf32>
    %add3A_124 = arith.addf %broadcast_in_dim3A_95, %mul3A_123 : vector<64x128xf32>
    %eq3A_125 = arith.constant 1 : i32
    %eq3A_126 = vector.broadcast %eq3A_125 : i32 to vector<64x1xi32>
    %eq3A_127 = arith.cmpi eq, %select_n3A, %eq3A_126 : vector<64x1xi32>
    %convert_element_type3A_128 = arith.extui %eq3A_127 : vector<64x1xi1> to vector<64x1xi32>
    %convert_element_type3A_129 = arith.sitofp %convert_element_type3A_128 : vector<64x1xi32> to vector<64x1xf32>
    %add3A_130 = arith.constant 5 : i32
    %add3A_131 = vector.broadcast %add3A_130 : i32 to vector<64x1xi32>
    %add3A_132 = arith.addi %add3A_131, %select_n3A_72 : vector<64x1xi32>
    %eq3A_133 = arith.constant 1 : i32
    %eq3A_134 = vector.broadcast %eq3A_133 : i32 to vector<64x1xi32>
    %eq3A_135 = arith.cmpi eq, %add3A_132, %eq3A_134 : vector<64x1xi32>
    %convert_element_type3A_136 = arith.extui %eq3A_135 : vector<64x1xi1> to vector<64x1xi32>
    %convert_element_type3A_137 = arith.sitofp %convert_element_type3A_136 : vector<64x1xi32> to vector<64x1xf32>
    %add3A_138 = arith.addf %convert_element_type3A_129, %convert_element_type3A_137 : vector<64x1xf32>
    %add3A_139 = arith.constant 11 : i32
    %add3A_140 = vector.broadcast %add3A_139 : i32 to vector<64x1xi32>
    %add3A_141 = arith.addi %add3A_140, %select_n3A_94 : vector<64x1xi32>
    %eq3A_142 = arith.constant 1 : i32
    %eq3A_143 = vector.broadcast %eq3A_142 : i32 to vector<64x1xi32>
    %eq3A_144 = arith.cmpi eq, %add3A_141, %eq3A_143 : vector<64x1xi32>
    %convert_element_type3A_145 = arith.extui %eq3A_144 : vector<64x1xi1> to vector<64x1xi32>
    %convert_element_type3A_146 = arith.sitofp %convert_element_type3A_145 : vector<64x1xi32> to vector<64x1xf32>
    %add3A_147 = arith.addf %add3A_138, %convert_element_type3A_146 : vector<64x1xf32>
    %get3A_148 = arith.constant 1 : index
    %get3A_149 = arith.constant 0 : index
    %get3A_150 = vector.load %arg0[%get3A_148, %get3A_149] : memref<16x128xf32, #tpu.memory_space<vmem>>, vector<1x128xf32>
    %get3A_151 = vector.shape_cast %get3A_150 : vector<1x128xf32> to vector<128xf32>
    %broadcast_in_dim3A_152 = vector.shape_cast %get3A_151 : vector<128xf32> to vector<1x128xf32>
    %mul3A_153 = vector.broadcast %add3A_147 : vector<64x1xf32> to vector<64x128xf32>
    %mul3A_154 = vector.broadcast %broadcast_in_dim3A_152 : vector<1x128xf32> to vector<64x128xf32>
    %mul3A_155 = arith.mulf %mul3A_153, %mul3A_154 : vector<64x128xf32>
    %add3A_156 = arith.addf %add3A_124, %mul3A_155 : vector<64x128xf32>
    %eq3A_157 = arith.constant 2 : i32
    %eq3A_158 = vector.broadcast %eq3A_157 : i32 to vector<64x1xi32>
    %eq3A_159 = arith.cmpi eq, %select_n3A, %eq3A_158 : vector<64x1xi32>
    %convert_element_type3A_160 = arith.extui %eq3A_159 : vector<64x1xi1> to vector<64x1xi32>
    %convert_element_type3A_161 = arith.sitofp %convert_element_type3A_160 : vector<64x1xi32> to vector<64x1xf32>
    %add3A_162 = arith.constant 5 : i32
    %add3A_163 = vector.broadcast %add3A_162 : i32 to vector<64x1xi32>
    %add3A_164 = arith.addi %add3A_163, %select_n3A_72 : vector<64x1xi32>
    %eq3A_165 = arith.constant 2 : i32
    %eq3A_166 = vector.broadcast %eq3A_165 : i32 to vector<64x1xi32>
    %eq3A_167 = arith.cmpi eq, %add3A_164, %eq3A_166 : vector<64x1xi32>
    %convert_element_type3A_168 = arith.extui %eq3A_167 : vector<64x1xi1> to vector<64x1xi32>
    %convert_element_type3A_169 = arith.sitofp %convert_element_type3A_168 : vector<64x1xi32> to vector<64x1xf32>
    %add3A_170 = arith.addf %convert_element_type3A_161, %convert_element_type3A_169 : vector<64x1xf32>
    %add3A_171 = arith.constant 11 : i32
    %add3A_172 = vector.broadcast %add3A_171 : i32 to vector<64x1xi32>
    %add3A_173 = arith.addi %add3A_172, %select_n3A_94 : vector<64x1xi32>
    %eq3A_174 = arith.constant 2 : i32
    %eq3A_175 = vector.broadcast %eq3A_174 : i32 to vector<64x1xi32>
    %eq3A_176 = arith.cmpi eq, %add3A_173, %eq3A_175 : vector<64x1xi32>
    %convert_element_type3A_177 = arith.extui %eq3A_176 : vector<64x1xi1> to vector<64x1xi32>
    %convert_element_type3A_178 = arith.sitofp %convert_element_type3A_177 : vector<64x1xi32> to vector<64x1xf32>
    %add3A_179 = arith.addf %add3A_170, %convert_element_type3A_178 : vector<64x1xf32>
    %get3A_180 = arith.constant 2 : index
    %get3A_181 = arith.constant 0 : index
    %get3A_182 = vector.load %arg0[%get3A_180, %get3A_181] : memref<16x128xf32, #tpu.memory_space<vmem>>, vector<1x128xf32>
    %get3A_183 = vector.shape_cast %get3A_182 : vector<1x128xf32> to vector<128xf32>
    %broadcast_in_dim3A_184 = vector.shape_cast %get3A_183 : vector<128xf32> to vector<1x128xf32>
    %mul3A_185 = vector.broadcast %add3A_179 : vector<64x1xf32> to vector<64x128xf32>
    %mul3A_186 = vector.broadcast %broadcast_in_dim3A_184 : vector<1x128xf32> to vector<64x128xf32>
    %mul3A_187 = arith.mulf %mul3A_185, %mul3A_186 : vector<64x128xf32>
    %add3A_188 = arith.addf %add3A_156, %mul3A_187 : vector<64x128xf32>
    %eq3A_189 = arith.constant 3 : i32
    %eq3A_190 = vector.broadcast %eq3A_189 : i32 to vector<64x1xi32>
    %eq3A_191 = arith.cmpi eq, %select_n3A, %eq3A_190 : vector<64x1xi32>
    %convert_element_type3A_192 = arith.extui %eq3A_191 : vector<64x1xi1> to vector<64x1xi32>
    %convert_element_type3A_193 = arith.sitofp %convert_element_type3A_192 : vector<64x1xi32> to vector<64x1xf32>
    %add3A_194 = arith.constant 5 : i32
    %add3A_195 = vector.broadcast %add3A_194 : i32 to vector<64x1xi32>
    %add3A_196 = arith.addi %add3A_195, %select_n3A_72 : vector<64x1xi32>
    %eq3A_197 = arith.constant 3 : i32
    %eq3A_198 = vector.broadcast %eq3A_197 : i32 to vector<64x1xi32>
    %eq3A_199 = arith.cmpi eq, %add3A_196, %eq3A_198 : vector<64x1xi32>
    %convert_element_type3A_200 = arith.extui %eq3A_199 : vector<64x1xi1> to vector<64x1xi32>
    %convert_element_type3A_201 = arith.sitofp %convert_element_type3A_200 : vector<64x1xi32> to vector<64x1xf32>
    %add3A_202 = arith.addf %convert_element_type3A_193, %convert_element_type3A_201 : vector<64x1xf32>
    %add3A_203 = arith.constant 11 : i32
    %add3A_204 = vector.broadcast %add3A_203 : i32 to vector<64x1xi32>
    %add3A_205 = arith.addi %add3A_204, %select_n3A_94 : vector<64x1xi32>
    %eq3A_206 = arith.constant 3 : i32
    %eq3A_207 = vector.broadcast %eq3A_206 : i32 to vector<64x1xi32>
    %eq3A_208 = arith.cmpi eq, %add3A_205, %eq3A_207 : vector<64x1xi32>
    %convert_element_type3A_209 = arith.extui %eq3A_208 : vector<64x1xi1> to vector<64x1xi32>
    %convert_element_type3A_210 = arith.sitofp %convert_element_type3A_209 : vector<64x1xi32> to vector<64x1xf32>
    %add3A_211 = arith.addf %add3A_202, %convert_element_type3A_210 : vector<64x1xf32>
    %get3A_212 = arith.constant 3 : index
    %get3A_213 = arith.constant 0 : index
    %get3A_214 = vector.load %arg0[%get3A_212, %get3A_213] : memref<16x128xf32, #tpu.memory_space<vmem>>, vector<1x128xf32>
    %get3A_215 = vector.shape_cast %get3A_214 : vector<1x128xf32> to vector<128xf32>
    %broadcast_in_dim3A_216 = vector.shape_cast %get3A_215 : vector<128xf32> to vector<1x128xf32>
    %mul3A_217 = vector.broadcast %add3A_211 : vector<64x1xf32> to vector<64x128xf32>
    %mul3A_218 = vector.broadcast %broadcast_in_dim3A_216 : vector<1x128xf32> to vector<64x128xf32>
    %mul3A_219 = arith.mulf %mul3A_217, %mul3A_218 : vector<64x128xf32>
    %add3A_220 = arith.addf %add3A_188, %mul3A_219 : vector<64x128xf32>
    %eq3A_221 = arith.constant 4 : i32
    %eq3A_222 = vector.broadcast %eq3A_221 : i32 to vector<64x1xi32>
    %eq3A_223 = arith.cmpi eq, %select_n3A, %eq3A_222 : vector<64x1xi32>
    %convert_element_type3A_224 = arith.extui %eq3A_223 : vector<64x1xi1> to vector<64x1xi32>
    %convert_element_type3A_225 = arith.sitofp %convert_element_type3A_224 : vector<64x1xi32> to vector<64x1xf32>
    %add3A_226 = arith.constant 5 : i32
    %add3A_227 = vector.broadcast %add3A_226 : i32 to vector<64x1xi32>
    %add3A_228 = arith.addi %add3A_227, %select_n3A_72 : vector<64x1xi32>
    %eq3A_229 = arith.constant 4 : i32
    %eq3A_230 = vector.broadcast %eq3A_229 : i32 to vector<64x1xi32>
    %eq3A_231 = arith.cmpi eq, %add3A_228, %eq3A_230 : vector<64x1xi32>
    %convert_element_type3A_232 = arith.extui %eq3A_231 : vector<64x1xi1> to vector<64x1xi32>
    %convert_element_type3A_233 = arith.sitofp %convert_element_type3A_232 : vector<64x1xi32> to vector<64x1xf32>
    %add3A_234 = arith.addf %convert_element_type3A_225, %convert_element_type3A_233 : vector<64x1xf32>
    %add3A_235 = arith.constant 11 : i32
    %add3A_236 = vector.broadcast %add3A_235 : i32 to vector<64x1xi32>
    %add3A_237 = arith.addi %add3A_236, %select_n3A_94 : vector<64x1xi32>
    %eq3A_238 = arith.constant 4 : i32
    %eq3A_239 = vector.broadcast %eq3A_238 : i32 to vector<64x1xi32>
    %eq3A_240 = arith.cmpi eq, %add3A_237, %eq3A_239 : vector<64x1xi32>
    %convert_element_type3A_241 = arith.extui %eq3A_240 : vector<64x1xi1> to vector<64x1xi32>
    %convert_element_type3A_242 = arith.sitofp %convert_element_type3A_241 : vector<64x1xi32> to vector<64x1xf32>
    %add3A_243 = arith.addf %add3A_234, %convert_element_type3A_242 : vector<64x1xf32>
    %get3A_244 = arith.constant 4 : index
    %get3A_245 = arith.constant 0 : index
    %get3A_246 = vector.load %arg0[%get3A_244, %get3A_245] : memref<16x128xf32, #tpu.memory_space<vmem>>, vector<1x128xf32>
    %get3A_247 = vector.shape_cast %get3A_246 : vector<1x128xf32> to vector<128xf32>
    %broadcast_in_dim3A_248 = vector.shape_cast %get3A_247 : vector<128xf32> to vector<1x128xf32>
    %mul3A_249 = vector.broadcast %add3A_243 : vector<64x1xf32> to vector<64x128xf32>
    %mul3A_250 = vector.broadcast %broadcast_in_dim3A_248 : vector<1x128xf32> to vector<64x128xf32>
    %mul3A_251 = arith.mulf %mul3A_249, %mul3A_250 : vector<64x128xf32>
    %add3A_252 = arith.addf %add3A_220, %mul3A_251 : vector<64x128xf32>
    %eq3A_253 = arith.constant 5 : i32
    %eq3A_254 = vector.broadcast %eq3A_253 : i32 to vector<64x1xi32>
    %eq3A_255 = arith.cmpi eq, %select_n3A, %eq3A_254 : vector<64x1xi32>
    %convert_element_type3A_256 = arith.extui %eq3A_255 : vector<64x1xi1> to vector<64x1xi32>
    %convert_element_type3A_257 = arith.sitofp %convert_element_type3A_256 : vector<64x1xi32> to vector<64x1xf32>
    %add3A_258 = arith.constant 5 : i32
    %add3A_259 = vector.broadcast %add3A_258 : i32 to vector<64x1xi32>
    %add3A_260 = arith.addi %add3A_259, %select_n3A_72 : vector<64x1xi32>
    %eq3A_261 = arith.constant 5 : i32
    %eq3A_262 = vector.broadcast %eq3A_261 : i32 to vector<64x1xi32>
    %eq3A_263 = arith.cmpi eq, %add3A_260, %eq3A_262 : vector<64x1xi32>
    %convert_element_type3A_264 = arith.extui %eq3A_263 : vector<64x1xi1> to vector<64x1xi32>
    %convert_element_type3A_265 = arith.sitofp %convert_element_type3A_264 : vector<64x1xi32> to vector<64x1xf32>
    %add3A_266 = arith.addf %convert_element_type3A_257, %convert_element_type3A_265 : vector<64x1xf32>
    %add3A_267 = arith.constant 11 : i32
    %add3A_268 = vector.broadcast %add3A_267 : i32 to vector<64x1xi32>
    %add3A_269 = arith.addi %add3A_268, %select_n3A_94 : vector<64x1xi32>
    %eq3A_270 = arith.constant 5 : i32
    %eq3A_271 = vector.broadcast %eq3A_270 : i32 to vector<64x1xi32>
    %eq3A_272 = arith.cmpi eq, %add3A_269, %eq3A_271 : vector<64x1xi32>
    %convert_element_type3A_273 = arith.extui %eq3A_272 : vector<64x1xi1> to vector<64x1xi32>
    %convert_element_type3A_274 = arith.sitofp %convert_element_type3A_273 : vector<64x1xi32> to vector<64x1xf32>
    %add3A_275 = arith.addf %add3A_266, %convert_element_type3A_274 : vector<64x1xf32>
    %get3A_276 = arith.constant 5 : index
    %get3A_277 = arith.constant 0 : index
    %get3A_278 = vector.load %arg0[%get3A_276, %get3A_277] : memref<16x128xf32, #tpu.memory_space<vmem>>, vector<1x128xf32>
    %get3A_279 = vector.shape_cast %get3A_278 : vector<1x128xf32> to vector<128xf32>
    %broadcast_in_dim3A_280 = vector.shape_cast %get3A_279 : vector<128xf32> to vector<1x128xf32>
    %mul3A_281 = vector.broadcast %add3A_275 : vector<64x1xf32> to vector<64x128xf32>
    %mul3A_282 = vector.broadcast %broadcast_in_dim3A_280 : vector<1x128xf32> to vector<64x128xf32>
    %mul3A_283 = arith.mulf %mul3A_281, %mul3A_282 : vector<64x128xf32>
    %add3A_284 = arith.addf %add3A_252, %mul3A_283 : vector<64x128xf32>
    %eq3A_285 = arith.constant 6 : i32
    %eq3A_286 = vector.broadcast %eq3A_285 : i32 to vector<64x1xi32>
    %eq3A_287 = arith.cmpi eq, %select_n3A, %eq3A_286 : vector<64x1xi32>
    %convert_element_type3A_288 = arith.extui %eq3A_287 : vector<64x1xi1> to vector<64x1xi32>
    %convert_element_type3A_289 = arith.sitofp %convert_element_type3A_288 : vector<64x1xi32> to vector<64x1xf32>
    %add3A_290 = arith.constant 5 : i32
    %add3A_291 = vector.broadcast %add3A_290 : i32 to vector<64x1xi32>
    %add3A_292 = arith.addi %add3A_291, %select_n3A_72 : vector<64x1xi32>
    %eq3A_293 = arith.constant 6 : i32
    %eq3A_294 = vector.broadcast %eq3A_293 : i32 to vector<64x1xi32>
    %eq3A_295 = arith.cmpi eq, %add3A_292, %eq3A_294 : vector<64x1xi32>
    %convert_element_type3A_296 = arith.extui %eq3A_295 : vector<64x1xi1> to vector<64x1xi32>
    %convert_element_type3A_297 = arith.sitofp %convert_element_type3A_296 : vector<64x1xi32> to vector<64x1xf32>
    %add3A_298 = arith.addf %convert_element_type3A_289, %convert_element_type3A_297 : vector<64x1xf32>
    %add3A_299 = arith.constant 11 : i32
    %add3A_300 = vector.broadcast %add3A_299 : i32 to vector<64x1xi32>
    %add3A_301 = arith.addi %add3A_300, %select_n3A_94 : vector<64x1xi32>
    %eq3A_302 = arith.constant 6 : i32
    %eq3A_303 = vector.broadcast %eq3A_302 : i32 to vector<64x1xi32>
    %eq3A_304 = arith.cmpi eq, %add3A_301, %eq3A_303 : vector<64x1xi32>
    %convert_element_type3A_305 = arith.extui %eq3A_304 : vector<64x1xi1> to vector<64x1xi32>
    %convert_element_type3A_306 = arith.sitofp %convert_element_type3A_305 : vector<64x1xi32> to vector<64x1xf32>
    %add3A_307 = arith.addf %add3A_298, %convert_element_type3A_306 : vector<64x1xf32>
    %get3A_308 = arith.constant 6 : index
    %get3A_309 = arith.constant 0 : index
    %get3A_310 = vector.load %arg0[%get3A_308, %get3A_309] : memref<16x128xf32, #tpu.memory_space<vmem>>, vector<1x128xf32>
    %get3A_311 = vector.shape_cast %get3A_310 : vector<1x128xf32> to vector<128xf32>
    %broadcast_in_dim3A_312 = vector.shape_cast %get3A_311 : vector<128xf32> to vector<1x128xf32>
    %mul3A_313 = vector.broadcast %add3A_307 : vector<64x1xf32> to vector<64x128xf32>
    %mul3A_314 = vector.broadcast %broadcast_in_dim3A_312 : vector<1x128xf32> to vector<64x128xf32>
    %mul3A_315 = arith.mulf %mul3A_313, %mul3A_314 : vector<64x128xf32>
    %add3A_316 = arith.addf %add3A_284, %mul3A_315 : vector<64x128xf32>
    %eq3A_317 = arith.constant 7 : i32
    %eq3A_318 = vector.broadcast %eq3A_317 : i32 to vector<64x1xi32>
    %eq3A_319 = arith.cmpi eq, %select_n3A, %eq3A_318 : vector<64x1xi32>
    %convert_element_type3A_320 = arith.extui %eq3A_319 : vector<64x1xi1> to vector<64x1xi32>
    %convert_element_type3A_321 = arith.sitofp %convert_element_type3A_320 : vector<64x1xi32> to vector<64x1xf32>
    %add3A_322 = arith.constant 5 : i32
    %add3A_323 = vector.broadcast %add3A_322 : i32 to vector<64x1xi32>
    %add3A_324 = arith.addi %add3A_323, %select_n3A_72 : vector<64x1xi32>
    %eq3A_325 = arith.constant 7 : i32
    %eq3A_326 = vector.broadcast %eq3A_325 : i32 to vector<64x1xi32>
    %eq3A_327 = arith.cmpi eq, %add3A_324, %eq3A_326 : vector<64x1xi32>
    %convert_element_type3A_328 = arith.extui %eq3A_327 : vector<64x1xi1> to vector<64x1xi32>
    %convert_element_type3A_329 = arith.sitofp %convert_element_type3A_328 : vector<64x1xi32> to vector<64x1xf32>
    %add3A_330 = arith.addf %convert_element_type3A_321, %convert_element_type3A_329 : vector<64x1xf32>
    %add3A_331 = arith.constant 11 : i32
    %add3A_332 = vector.broadcast %add3A_331 : i32 to vector<64x1xi32>
    %add3A_333 = arith.addi %add3A_332, %select_n3A_94 : vector<64x1xi32>
    %eq3A_334 = arith.constant 7 : i32
    %eq3A_335 = vector.broadcast %eq3A_334 : i32 to vector<64x1xi32>
    %eq3A_336 = arith.cmpi eq, %add3A_333, %eq3A_335 : vector<64x1xi32>
    %convert_element_type3A_337 = arith.extui %eq3A_336 : vector<64x1xi1> to vector<64x1xi32>
    %convert_element_type3A_338 = arith.sitofp %convert_element_type3A_337 : vector<64x1xi32> to vector<64x1xf32>
    %add3A_339 = arith.addf %add3A_330, %convert_element_type3A_338 : vector<64x1xf32>
    %get3A_340 = arith.constant 7 : index
    %get3A_341 = arith.constant 0 : index
    %get3A_342 = vector.load %arg0[%get3A_340, %get3A_341] : memref<16x128xf32, #tpu.memory_space<vmem>>, vector<1x128xf32>
    %get3A_343 = vector.shape_cast %get3A_342 : vector<1x128xf32> to vector<128xf32>
    %broadcast_in_dim3A_344 = vector.shape_cast %get3A_343 : vector<128xf32> to vector<1x128xf32>
    %mul3A_345 = vector.broadcast %add3A_339 : vector<64x1xf32> to vector<64x128xf32>
    %mul3A_346 = vector.broadcast %broadcast_in_dim3A_344 : vector<1x128xf32> to vector<64x128xf32>
    %mul3A_347 = arith.mulf %mul3A_345, %mul3A_346 : vector<64x128xf32>
    %add3A_348 = arith.addf %add3A_316, %mul3A_347 : vector<64x128xf32>
    %eq3A_349 = arith.constant 8 : i32
    %eq3A_350 = vector.broadcast %eq3A_349 : i32 to vector<64x1xi32>
    %eq3A_351 = arith.cmpi eq, %select_n3A, %eq3A_350 : vector<64x1xi32>
    %convert_element_type3A_352 = arith.extui %eq3A_351 : vector<64x1xi1> to vector<64x1xi32>
    %convert_element_type3A_353 = arith.sitofp %convert_element_type3A_352 : vector<64x1xi32> to vector<64x1xf32>
    %add3A_354 = arith.constant 5 : i32
    %add3A_355 = vector.broadcast %add3A_354 : i32 to vector<64x1xi32>
    %add3A_356 = arith.addi %add3A_355, %select_n3A_72 : vector<64x1xi32>
    %eq3A_357 = arith.constant 8 : i32
    %eq3A_358 = vector.broadcast %eq3A_357 : i32 to vector<64x1xi32>
    %eq3A_359 = arith.cmpi eq, %add3A_356, %eq3A_358 : vector<64x1xi32>
    %convert_element_type3A_360 = arith.extui %eq3A_359 : vector<64x1xi1> to vector<64x1xi32>
    %convert_element_type3A_361 = arith.sitofp %convert_element_type3A_360 : vector<64x1xi32> to vector<64x1xf32>
    %add3A_362 = arith.addf %convert_element_type3A_353, %convert_element_type3A_361 : vector<64x1xf32>
    %add3A_363 = arith.constant 11 : i32
    %add3A_364 = vector.broadcast %add3A_363 : i32 to vector<64x1xi32>
    %add3A_365 = arith.addi %add3A_364, %select_n3A_94 : vector<64x1xi32>
    %eq3A_366 = arith.constant 8 : i32
    %eq3A_367 = vector.broadcast %eq3A_366 : i32 to vector<64x1xi32>
    %eq3A_368 = arith.cmpi eq, %add3A_365, %eq3A_367 : vector<64x1xi32>
    %convert_element_type3A_369 = arith.extui %eq3A_368 : vector<64x1xi1> to vector<64x1xi32>
    %convert_element_type3A_370 = arith.sitofp %convert_element_type3A_369 : vector<64x1xi32> to vector<64x1xf32>
    %add3A_371 = arith.addf %add3A_362, %convert_element_type3A_370 : vector<64x1xf32>
    %get3A_372 = arith.constant 8 : index
    %get3A_373 = arith.constant 0 : index
    %get3A_374 = vector.load %arg0[%get3A_372, %get3A_373] : memref<16x128xf32, #tpu.memory_space<vmem>>, vector<1x128xf32>
    %get3A_375 = vector.shape_cast %get3A_374 : vector<1x128xf32> to vector<128xf32>
    %broadcast_in_dim3A_376 = vector.shape_cast %get3A_375 : vector<128xf32> to vector<1x128xf32>
    %mul3A_377 = vector.broadcast %add3A_371 : vector<64x1xf32> to vector<64x128xf32>
    %mul3A_378 = vector.broadcast %broadcast_in_dim3A_376 : vector<1x128xf32> to vector<64x128xf32>
    %mul3A_379 = arith.mulf %mul3A_377, %mul3A_378 : vector<64x128xf32>
    %add3A_380 = arith.addf %add3A_348, %mul3A_379 : vector<64x128xf32>
    %eq3A_381 = arith.constant 9 : i32
    %eq3A_382 = vector.broadcast %eq3A_381 : i32 to vector<64x1xi32>
    %eq3A_383 = arith.cmpi eq, %select_n3A, %eq3A_382 : vector<64x1xi32>
    %convert_element_type3A_384 = arith.extui %eq3A_383 : vector<64x1xi1> to vector<64x1xi32>
    %convert_element_type3A_385 = arith.sitofp %convert_element_type3A_384 : vector<64x1xi32> to vector<64x1xf32>
    %add3A_386 = arith.constant 5 : i32
    %add3A_387 = vector.broadcast %add3A_386 : i32 to vector<64x1xi32>
    %add3A_388 = arith.addi %add3A_387, %select_n3A_72 : vector<64x1xi32>
    %eq3A_389 = arith.constant 9 : i32
    %eq3A_390 = vector.broadcast %eq3A_389 : i32 to vector<64x1xi32>
    %eq3A_391 = arith.cmpi eq, %add3A_388, %eq3A_390 : vector<64x1xi32>
    %convert_element_type3A_392 = arith.extui %eq3A_391 : vector<64x1xi1> to vector<64x1xi32>
    %convert_element_type3A_393 = arith.sitofp %convert_element_type3A_392 : vector<64x1xi32> to vector<64x1xf32>
    %add3A_394 = arith.addf %convert_element_type3A_385, %convert_element_type3A_393 : vector<64x1xf32>
    %add3A_395 = arith.constant 11 : i32
    %add3A_396 = vector.broadcast %add3A_395 : i32 to vector<64x1xi32>
    %add3A_397 = arith.addi %add3A_396, %select_n3A_94 : vector<64x1xi32>
    %eq3A_398 = arith.constant 9 : i32
    %eq3A_399 = vector.broadcast %eq3A_398 : i32 to vector<64x1xi32>
    %eq3A_400 = arith.cmpi eq, %add3A_397, %eq3A_399 : vector<64x1xi32>
    %convert_element_type3A_401 = arith.extui %eq3A_400 : vector<64x1xi1> to vector<64x1xi32>
    %convert_element_type3A_402 = arith.sitofp %convert_element_type3A_401 : vector<64x1xi32> to vector<64x1xf32>
    %add3A_403 = arith.addf %add3A_394, %convert_element_type3A_402 : vector<64x1xf32>
    %get3A_404 = arith.constant 9 : index
    %get3A_405 = arith.constant 0 : index
    %get3A_406 = vector.load %arg0[%get3A_404, %get3A_405] : memref<16x128xf32, #tpu.memory_space<vmem>>, vector<1x128xf32>
    %get3A_407 = vector.shape_cast %get3A_406 : vector<1x128xf32> to vector<128xf32>
    %broadcast_in_dim3A_408 = vector.shape_cast %get3A_407 : vector<128xf32> to vector<1x128xf32>
    %mul3A_409 = vector.broadcast %add3A_403 : vector<64x1xf32> to vector<64x128xf32>
    %mul3A_410 = vector.broadcast %broadcast_in_dim3A_408 : vector<1x128xf32> to vector<64x128xf32>
    %mul3A_411 = arith.mulf %mul3A_409, %mul3A_410 : vector<64x128xf32>
    %add3A_412 = arith.addf %add3A_380, %mul3A_411 : vector<64x128xf32>
    %eq3A_413 = arith.constant 10 : i32
    %eq3A_414 = vector.broadcast %eq3A_413 : i32 to vector<64x1xi32>
    %eq3A_415 = arith.cmpi eq, %select_n3A, %eq3A_414 : vector<64x1xi32>
    %convert_element_type3A_416 = arith.extui %eq3A_415 : vector<64x1xi1> to vector<64x1xi32>
    %convert_element_type3A_417 = arith.sitofp %convert_element_type3A_416 : vector<64x1xi32> to vector<64x1xf32>
    %add3A_418 = arith.constant 5 : i32
    %add3A_419 = vector.broadcast %add3A_418 : i32 to vector<64x1xi32>
    %add3A_420 = arith.addi %add3A_419, %select_n3A_72 : vector<64x1xi32>
    %eq3A_421 = arith.constant 10 : i32
    %eq3A_422 = vector.broadcast %eq3A_421 : i32 to vector<64x1xi32>
    %eq3A_423 = arith.cmpi eq, %add3A_420, %eq3A_422 : vector<64x1xi32>
    %convert_element_type3A_424 = arith.extui %eq3A_423 : vector<64x1xi1> to vector<64x1xi32>
    %convert_element_type3A_425 = arith.sitofp %convert_element_type3A_424 : vector<64x1xi32> to vector<64x1xf32>
    %add3A_426 = arith.addf %convert_element_type3A_417, %convert_element_type3A_425 : vector<64x1xf32>
    %add3A_427 = arith.constant 11 : i32
    %add3A_428 = vector.broadcast %add3A_427 : i32 to vector<64x1xi32>
    %add3A_429 = arith.addi %add3A_428, %select_n3A_94 : vector<64x1xi32>
    %eq3A_430 = arith.constant 10 : i32
    %eq3A_431 = vector.broadcast %eq3A_430 : i32 to vector<64x1xi32>
    %eq3A_432 = arith.cmpi eq, %add3A_429, %eq3A_431 : vector<64x1xi32>
    %convert_element_type3A_433 = arith.extui %eq3A_432 : vector<64x1xi1> to vector<64x1xi32>
    %convert_element_type3A_434 = arith.sitofp %convert_element_type3A_433 : vector<64x1xi32> to vector<64x1xf32>
    %add3A_435 = arith.addf %add3A_426, %convert_element_type3A_434 : vector<64x1xf32>
    %get3A_436 = arith.constant 10 : index
    %get3A_437 = arith.constant 0 : index
    %get3A_438 = vector.load %arg0[%get3A_436, %get3A_437] : memref<16x128xf32, #tpu.memory_space<vmem>>, vector<1x128xf32>
    %get3A_439 = vector.shape_cast %get3A_438 : vector<1x128xf32> to vector<128xf32>
    %broadcast_in_dim3A_440 = vector.shape_cast %get3A_439 : vector<128xf32> to vector<1x128xf32>
    %mul3A_441 = vector.broadcast %add3A_435 : vector<64x1xf32> to vector<64x128xf32>
    %mul3A_442 = vector.broadcast %broadcast_in_dim3A_440 : vector<1x128xf32> to vector<64x128xf32>
    %mul3A_443 = arith.mulf %mul3A_441, %mul3A_442 : vector<64x128xf32>
    %add3A_444 = arith.addf %add3A_412, %mul3A_443 : vector<64x128xf32>
    %eq3A_445 = arith.constant 11 : i32
    %eq3A_446 = vector.broadcast %eq3A_445 : i32 to vector<64x1xi32>
    %eq3A_447 = arith.cmpi eq, %select_n3A, %eq3A_446 : vector<64x1xi32>
    %convert_element_type3A_448 = arith.extui %eq3A_447 : vector<64x1xi1> to vector<64x1xi32>
    %convert_element_type3A_449 = arith.sitofp %convert_element_type3A_448 : vector<64x1xi32> to vector<64x1xf32>
    %add3A_450 = arith.constant 5 : i32
    %add3A_451 = vector.broadcast %add3A_450 : i32 to vector<64x1xi32>
    %add3A_452 = arith.addi %add3A_451, %select_n3A_72 : vector<64x1xi32>
    %eq3A_453 = arith.constant 11 : i32
    %eq3A_454 = vector.broadcast %eq3A_453 : i32 to vector<64x1xi32>
    %eq3A_455 = arith.cmpi eq, %add3A_452, %eq3A_454 : vector<64x1xi32>
    %convert_element_type3A_456 = arith.extui %eq3A_455 : vector<64x1xi1> to vector<64x1xi32>
    %convert_element_type3A_457 = arith.sitofp %convert_element_type3A_456 : vector<64x1xi32> to vector<64x1xf32>
    %add3A_458 = arith.addf %convert_element_type3A_449, %convert_element_type3A_457 : vector<64x1xf32>
    %add3A_459 = arith.constant 11 : i32
    %add3A_460 = vector.broadcast %add3A_459 : i32 to vector<64x1xi32>
    %add3A_461 = arith.addi %add3A_460, %select_n3A_94 : vector<64x1xi32>
    %eq3A_462 = arith.constant 11 : i32
    %eq3A_463 = vector.broadcast %eq3A_462 : i32 to vector<64x1xi32>
    %eq3A_464 = arith.cmpi eq, %add3A_461, %eq3A_463 : vector<64x1xi32>
    %convert_element_type3A_465 = arith.extui %eq3A_464 : vector<64x1xi1> to vector<64x1xi32>
    %convert_element_type3A_466 = arith.sitofp %convert_element_type3A_465 : vector<64x1xi32> to vector<64x1xf32>
    %add3A_467 = arith.addf %add3A_458, %convert_element_type3A_466 : vector<64x1xf32>
    %get3A_468 = arith.constant 11 : index
    %get3A_469 = arith.constant 0 : index
    %get3A_470 = vector.load %arg0[%get3A_468, %get3A_469] : memref<16x128xf32, #tpu.memory_space<vmem>>, vector<1x128xf32>
    %get3A_471 = vector.shape_cast %get3A_470 : vector<1x128xf32> to vector<128xf32>
    %broadcast_in_dim3A_472 = vector.shape_cast %get3A_471 : vector<128xf32> to vector<1x128xf32>
    %mul3A_473 = vector.broadcast %add3A_467 : vector<64x1xf32> to vector<64x128xf32>
    %mul3A_474 = vector.broadcast %broadcast_in_dim3A_472 : vector<1x128xf32> to vector<64x128xf32>
    %mul3A_475 = arith.mulf %mul3A_473, %mul3A_474 : vector<64x128xf32>
    %add3A_476 = arith.addf %add3A_444, %mul3A_475 : vector<64x128xf32>
    %eq3A_477 = arith.constant 12 : i32
    %eq3A_478 = vector.broadcast %eq3A_477 : i32 to vector<64x1xi32>
    %eq3A_479 = arith.cmpi eq, %select_n3A, %eq3A_478 : vector<64x1xi32>
    %convert_element_type3A_480 = arith.extui %eq3A_479 : vector<64x1xi1> to vector<64x1xi32>
    %convert_element_type3A_481 = arith.sitofp %convert_element_type3A_480 : vector<64x1xi32> to vector<64x1xf32>
    %add3A_482 = arith.constant 5 : i32
    %add3A_483 = vector.broadcast %add3A_482 : i32 to vector<64x1xi32>
    %add3A_484 = arith.addi %add3A_483, %select_n3A_72 : vector<64x1xi32>
    %eq3A_485 = arith.constant 12 : i32
    %eq3A_486 = vector.broadcast %eq3A_485 : i32 to vector<64x1xi32>
    %eq3A_487 = arith.cmpi eq, %add3A_484, %eq3A_486 : vector<64x1xi32>
    %convert_element_type3A_488 = arith.extui %eq3A_487 : vector<64x1xi1> to vector<64x1xi32>
    %convert_element_type3A_489 = arith.sitofp %convert_element_type3A_488 : vector<64x1xi32> to vector<64x1xf32>
    %add3A_490 = arith.addf %convert_element_type3A_481, %convert_element_type3A_489 : vector<64x1xf32>
    %add3A_491 = arith.constant 11 : i32
    %add3A_492 = vector.broadcast %add3A_491 : i32 to vector<64x1xi32>
    %add3A_493 = arith.addi %add3A_492, %select_n3A_94 : vector<64x1xi32>
    %eq3A_494 = arith.constant 12 : i32
    %eq3A_495 = vector.broadcast %eq3A_494 : i32 to vector<64x1xi32>
    %eq3A_496 = arith.cmpi eq, %add3A_493, %eq3A_495 : vector<64x1xi32>
    %convert_element_type3A_497 = arith.extui %eq3A_496 : vector<64x1xi1> to vector<64x1xi32>
    %convert_element_type3A_498 = arith.sitofp %convert_element_type3A_497 : vector<64x1xi32> to vector<64x1xf32>
    %add3A_499 = arith.addf %add3A_490, %convert_element_type3A_498 : vector<64x1xf32>
    %get3A_500 = arith.constant 12 : index
    %get3A_501 = arith.constant 0 : index
    %get3A_502 = vector.load %arg0[%get3A_500, %get3A_501] : memref<16x128xf32, #tpu.memory_space<vmem>>, vector<1x128xf32>
    %get3A_503 = vector.shape_cast %get3A_502 : vector<1x128xf32> to vector<128xf32>
    %broadcast_in_dim3A_504 = vector.shape_cast %get3A_503 : vector<128xf32> to vector<1x128xf32>
    %mul3A_505 = vector.broadcast %add3A_499 : vector<64x1xf32> to vector<64x128xf32>
    %mul3A_506 = vector.broadcast %broadcast_in_dim3A_504 : vector<1x128xf32> to vector<64x128xf32>
    %mul3A_507 = arith.mulf %mul3A_505, %mul3A_506 : vector<64x128xf32>
    %add3A_508 = arith.addf %add3A_476, %mul3A_507 : vector<64x128xf32>
    %eq3A_509 = arith.constant 13 : i32
    %eq3A_510 = vector.broadcast %eq3A_509 : i32 to vector<64x1xi32>
    %eq3A_511 = arith.cmpi eq, %select_n3A, %eq3A_510 : vector<64x1xi32>
    %convert_element_type3A_512 = arith.extui %eq3A_511 : vector<64x1xi1> to vector<64x1xi32>
    %convert_element_type3A_513 = arith.sitofp %convert_element_type3A_512 : vector<64x1xi32> to vector<64x1xf32>
    %add3A_514 = arith.constant 5 : i32
    %add3A_515 = vector.broadcast %add3A_514 : i32 to vector<64x1xi32>
    %add3A_516 = arith.addi %add3A_515, %select_n3A_72 : vector<64x1xi32>
    %eq3A_517 = arith.constant 13 : i32
    %eq3A_518 = vector.broadcast %eq3A_517 : i32 to vector<64x1xi32>
    %eq3A_519 = arith.cmpi eq, %add3A_516, %eq3A_518 : vector<64x1xi32>
    %convert_element_type3A_520 = arith.extui %eq3A_519 : vector<64x1xi1> to vector<64x1xi32>
    %convert_element_type3A_521 = arith.sitofp %convert_element_type3A_520 : vector<64x1xi32> to vector<64x1xf32>
    %add3A_522 = arith.addf %convert_element_type3A_513, %convert_element_type3A_521 : vector<64x1xf32>
    %add3A_523 = arith.constant 11 : i32
    %add3A_524 = vector.broadcast %add3A_523 : i32 to vector<64x1xi32>
    %add3A_525 = arith.addi %add3A_524, %select_n3A_94 : vector<64x1xi32>
    %eq3A_526 = arith.constant 13 : i32
    %eq3A_527 = vector.broadcast %eq3A_526 : i32 to vector<64x1xi32>
    %eq3A_528 = arith.cmpi eq, %add3A_525, %eq3A_527 : vector<64x1xi32>
    %convert_element_type3A_529 = arith.extui %eq3A_528 : vector<64x1xi1> to vector<64x1xi32>
    %convert_element_type3A_530 = arith.sitofp %convert_element_type3A_529 : vector<64x1xi32> to vector<64x1xf32>
    %add3A_531 = arith.addf %add3A_522, %convert_element_type3A_530 : vector<64x1xf32>
    %get3A_532 = arith.constant 13 : index
    %get3A_533 = arith.constant 0 : index
    %get3A_534 = vector.load %arg0[%get3A_532, %get3A_533] : memref<16x128xf32, #tpu.memory_space<vmem>>, vector<1x128xf32>
    %get3A_535 = vector.shape_cast %get3A_534 : vector<1x128xf32> to vector<128xf32>
    %broadcast_in_dim3A_536 = vector.shape_cast %get3A_535 : vector<128xf32> to vector<1x128xf32>
    %mul3A_537 = vector.broadcast %add3A_531 : vector<64x1xf32> to vector<64x128xf32>
    %mul3A_538 = vector.broadcast %broadcast_in_dim3A_536 : vector<1x128xf32> to vector<64x128xf32>
    %mul3A_539 = arith.mulf %mul3A_537, %mul3A_538 : vector<64x128xf32>
    %add3A_540 = arith.addf %add3A_508, %mul3A_539 : vector<64x128xf32>
    %eq3A_541 = arith.constant 14 : i32
    %eq3A_542 = vector.broadcast %eq3A_541 : i32 to vector<64x1xi32>
    %eq3A_543 = arith.cmpi eq, %select_n3A, %eq3A_542 : vector<64x1xi32>
    %convert_element_type3A_544 = arith.extui %eq3A_543 : vector<64x1xi1> to vector<64x1xi32>
    %convert_element_type3A_545 = arith.sitofp %convert_element_type3A_544 : vector<64x1xi32> to vector<64x1xf32>
    %add3A_546 = arith.constant 5 : i32
    %add3A_547 = vector.broadcast %add3A_546 : i32 to vector<64x1xi32>
    %add3A_548 = arith.addi %add3A_547, %select_n3A_72 : vector<64x1xi32>
    %eq3A_549 = arith.constant 14 : i32
    %eq3A_550 = vector.broadcast %eq3A_549 : i32 to vector<64x1xi32>
    %eq3A_551 = arith.cmpi eq, %add3A_548, %eq3A_550 : vector<64x1xi32>
    %convert_element_type3A_552 = arith.extui %eq3A_551 : vector<64x1xi1> to vector<64x1xi32>
    %convert_element_type3A_553 = arith.sitofp %convert_element_type3A_552 : vector<64x1xi32> to vector<64x1xf32>
    %add3A_554 = arith.addf %convert_element_type3A_545, %convert_element_type3A_553 : vector<64x1xf32>
    %add3A_555 = arith.constant 11 : i32
    %add3A_556 = vector.broadcast %add3A_555 : i32 to vector<64x1xi32>
    %add3A_557 = arith.addi %add3A_556, %select_n3A_94 : vector<64x1xi32>
    %eq3A_558 = arith.constant 14 : i32
    %eq3A_559 = vector.broadcast %eq3A_558 : i32 to vector<64x1xi32>
    %eq3A_560 = arith.cmpi eq, %add3A_557, %eq3A_559 : vector<64x1xi32>
    %convert_element_type3A_561 = arith.extui %eq3A_560 : vector<64x1xi1> to vector<64x1xi32>
    %convert_element_type3A_562 = arith.sitofp %convert_element_type3A_561 : vector<64x1xi32> to vector<64x1xf32>
    %add3A_563 = arith.addf %add3A_554, %convert_element_type3A_562 : vector<64x1xf32>
    %get3A_564 = arith.constant 14 : index
    %get3A_565 = arith.constant 0 : index
    %get3A_566 = vector.load %arg0[%get3A_564, %get3A_565] : memref<16x128xf32, #tpu.memory_space<vmem>>, vector<1x128xf32>
    %get3A_567 = vector.shape_cast %get3A_566 : vector<1x128xf32> to vector<128xf32>
    %broadcast_in_dim3A_568 = vector.shape_cast %get3A_567 : vector<128xf32> to vector<1x128xf32>
    %mul3A_569 = vector.broadcast %add3A_563 : vector<64x1xf32> to vector<64x128xf32>
    %mul3A_570 = vector.broadcast %broadcast_in_dim3A_568 : vector<1x128xf32> to vector<64x128xf32>
    %mul3A_571 = arith.mulf %mul3A_569, %mul3A_570 : vector<64x128xf32>
    %add3A_572 = arith.addf %add3A_540, %mul3A_571 : vector<64x128xf32>
    %eq3A_573 = arith.constant 15 : i32
    %eq3A_574 = vector.broadcast %eq3A_573 : i32 to vector<64x1xi32>
    %eq3A_575 = arith.cmpi eq, %select_n3A, %eq3A_574 : vector<64x1xi32>
    %convert_element_type3A_576 = arith.extui %eq3A_575 : vector<64x1xi1> to vector<64x1xi32>
    %convert_element_type3A_577 = arith.sitofp %convert_element_type3A_576 : vector<64x1xi32> to vector<64x1xf32>
    %add3A_578 = arith.constant 5 : i32
    %add3A_579 = vector.broadcast %add3A_578 : i32 to vector<64x1xi32>
    %add3A_580 = arith.addi %add3A_579, %select_n3A_72 : vector<64x1xi32>
    %eq3A_581 = arith.constant 15 : i32
    %eq3A_582 = vector.broadcast %eq3A_581 : i32 to vector<64x1xi32>
    %eq3A_583 = arith.cmpi eq, %add3A_580, %eq3A_582 : vector<64x1xi32>
    %convert_element_type3A_584 = arith.extui %eq3A_583 : vector<64x1xi1> to vector<64x1xi32>
    %convert_element_type3A_585 = arith.sitofp %convert_element_type3A_584 : vector<64x1xi32> to vector<64x1xf32>
    %add3A_586 = arith.addf %convert_element_type3A_577, %convert_element_type3A_585 : vector<64x1xf32>
    %add3A_587 = arith.constant 11 : i32
    %add3A_588 = vector.broadcast %add3A_587 : i32 to vector<64x1xi32>
    %add3A_589 = arith.addi %add3A_588, %select_n3A_94 : vector<64x1xi32>
    %eq3A_590 = arith.constant 15 : i32
    %eq3A_591 = vector.broadcast %eq3A_590 : i32 to vector<64x1xi32>
    %eq3A_592 = arith.cmpi eq, %add3A_589, %eq3A_591 : vector<64x1xi32>
    %convert_element_type3A_593 = arith.extui %eq3A_592 : vector<64x1xi1> to vector<64x1xi32>
    %convert_element_type3A_594 = arith.sitofp %convert_element_type3A_593 : vector<64x1xi32> to vector<64x1xf32>
    %add3A_595 = arith.addf %add3A_586, %convert_element_type3A_594 : vector<64x1xf32>
    %get3A_596 = arith.constant 15 : index
    %get3A_597 = arith.constant 0 : index
    %get3A_598 = vector.load %arg0[%get3A_596, %get3A_597] : memref<16x128xf32, #tpu.memory_space<vmem>>, vector<1x128xf32>
    %get3A_599 = vector.shape_cast %get3A_598 : vector<1x128xf32> to vector<128xf32>
    %broadcast_in_dim3A_600 = vector.shape_cast %get3A_599 : vector<128xf32> to vector<1x128xf32>
    %mul3A_601 = vector.broadcast %add3A_595 : vector<64x1xf32> to vector<64x128xf32>
    %mul3A_602 = vector.broadcast %broadcast_in_dim3A_600 : vector<1x128xf32> to vector<64x128xf32>
    %mul3A_603 = arith.mulf %mul3A_601, %mul3A_602 : vector<64x128xf32>
    %add3A_604 = arith.addf %add3A_572, %mul3A_603 : vector<64x128xf32>
    %swap3A = arith.constant 0 : index
    %swap3A_605 = arith.constant 0 : index
    %swap3A_606 = vector.load %arg4[%swap3A, %swap3A_605] : memref<64x128xf32, #tpu.memory_space<vmem>>, vector<64x128xf32>
    tpu.vector_store %arg4[%swap3A, %swap3A_605], %add3A_604 {strides = array<i32>} : memref<64x128xf32, #tpu.memory_space<vmem>>, vector<64x128xf32>,
    %get3A_607 = arith.constant 0 : index
    %get3A_608 = arith.constant 0 : index
    %get3A_609 = vector.load %arg1[%get3A_607, %get3A_608] : memref<2500x128xi32, #tpu.memory_space<vmem>>, vector<2500x128xi32>
    %mul3A_610 = arith.constant 12 : i32
    %mul3A_611 = vector.broadcast %mul3A_610 : i32 to vector<2500x128xi32>
    %mul3A_612 = arith.muli %get3A_609, %mul3A_611 : vector<2500x128xi32>
    %get3A_613 = arith.constant 0 : index
    %get3A_614 = arith.constant 0 : index
    %get3A_615 = vector.load %arg2[%get3A_613, %get3A_614] : memref<2500x128xi32, #tpu.memory_space<vmem>>, vector<2500x128xi32>
    %mul3A_616 = arith.constant 2 : i32
    %mul3A_617 = vector.broadcast %mul3A_616 : i32 to vector<2500x128xi32>
    %mul3A_618 = arith.muli %get3A_615, %mul3A_617 : vector<2500x128xi32>
    %add3A_619 = arith.addi %mul3A_612, %mul3A_618 : vector<2500x128xi32>
    %get3A_620 = arith.constant 0 : index
    %get3A_621 = arith.constant 0 : index
    %get3A_622 = vector.load %arg3[%get3A_620, %get3A_621] : memref<2500x128xi32, #tpu.memory_space<vmem>>, vector<2500x128xi32>
    %add3A_623 = arith.addi %add3A_619, %get3A_622 : vector<2500x128xi32>
    %mul3A_624 = arith.constant 128 : i32
    %mul3A_625 = vector.broadcast %mul3A_624 : i32 to vector<2500x128xi32>
    %mul3A_626 = arith.muli %add3A_623, %mul3A_625 : vector<2500x128xi32>
    %swap3A_627 = arith.constant 0 : index
    %swap3A_628 = arith.constant 0 : index
    %swap3A_629 = vector.load %arg5[%swap3A_627, %swap3A_628] : memref<2500x128xi32, #tpu.memory_space<vmem>>, vector<2500x128xi32>
    tpu.vector_store %arg5[%swap3A_627, %swap3A_628], %mul3A_626 {strides = array<i32>} : memref<2500x128xi32, #tpu.memory_space<vmem>>, vector<2500x128xi32>,
    return
  }
}

</mosaic_0001>

<sc_bundles>
// kernel: kernel.4.cloned.1.call-start
scs
__scs_entry_jumppad:
0x0: {  	(pc) =	sbr.rel $0x88, $3  }
0x1: {  	(tag) =	ssettag $0x0;
	lr =	simm.s32 $0x1  }
0x2: {  	[smem:$0x3F9D] =	sst lr;
	_ =	strace $0xD0000000  }
0x3: {  	_ = 	snop  }
0x4: {  	_ = 	snop  }
0x5: {  	_ = 	snop  }
0x6: {  	_ = 	snop  }
0x7: {  	_ = 	snop  }
__scs_overlays_trampoline_lowered:
0x8: {  	[smem:$0x3FAC] =	sst s0  }
0x9: {  	[smem:$0x3FAD] =	sst s1  }
0xa: {  	[smem:$0x3FAE] =	sst s2  }
0xb: {  	[smem:$0x3FAF] =	sst s3  }
0xc: {  	[smem:$0x3FB0] =	sst s4  }
0xd: {  	[smem:$0x3FB1] =	sst s5  }
0xe: {  	[smem:$0x3FB2] =	sst s6  }
0xf: {  	[smem:$0x3FB3] =	sst s7  }
0x10: {  	[smem:$0x3FB4] =	sst s8  }
0x11: {  	[smem:$0x3FB5] =	sst s9;
	s0 =	simm.s32 @!p0 $0x0  }
0x12: {  	s1 =	sld [smem:$0x3F9B];
	s0 =	simm.s32 @p0 $0x1  }
0x13: {  	[smem:$0x3FB6] =	sst s0;
	s0 =	simm.s32 @!p1 $0x0  }
0x14: {  	s2 =	sld [smem:$0x3F9A];
	s0 =	simm.s32 @p1 $0x1  }
0x15: {  	[smem:$0x3FB7] =	sst s0;
	s0 =	simm.s32 @!p2 $0x0  }
0x16: {  	s3 =	sld [smem:$0x3FDB];
	s0 =	simm.s32 @p2 $0x1  }
0x17: {  	s4 =	simm.s32 $0x1BF5;
	[smem:$0x3FB9] =	sst s0  }
0x18: {  	s0 =	sld [smem:$0x3F9C];
	_ =	swait.ge [sflag:s4], $0x0  }
0x19: {  	s7 =	sld [smem:$0x3F9D]  }
0x1a: {  	s8 =	sadd.s32 $0xFFFFE003, lr  }
0x1b: {  	s9 =	sadd.s32 $0xFFFFFEF7, lr;
	s5 =	simm.s32 $0xFFFFFFFF;
	p2 =	slt.u32 s8, $0xFFFFF086  }
0x1c: {  	p1 =	slt.u32 s9, $0xF7A;
	s5 =	simm.s32 @!p2 $0x0  }
0x1d: {  	s5 =	simm.s32 @p1 $0x1;
	p0 =	seq.s32 s7, s2  }
0x1e: {  	s7 =	smul.u32 @!p0 $0xF7A, s2;
	p2 =	seq.s32 @!p0 s5, $0x0  }
0x1f: {  	s9 =	smul.u32 $0xF7A, s1;
	s8 =	simm.s32 @!p0 $0x1BF5;
	p2 =	por !p2, p0  }
0x20: {  	[sflag:s8] =	ssyncset.s32 @!p0 $0xFFFFF086;
	s6 =	sadd.s32 @!p0 s3, s7;
	s7 =	simm.s32 @!p0 $0x108  }
0x21: {  	s3 =	sadd.s32 s3, s9;
	s6 =	sadd.s32 @!p0 $0x88, s6;
	s7 =	simm.s32 @p2 $0x1082  }
0x22: {  	[simem:s7], [sflag:s8] =	dma.local @!p0 [hbm:s6], $0xF7A  }
0x23: {  	s9 =	sor.u32 $0xD0000000, s2;
	s6 =	simm.s32 $0x108;
	_ =	swait.ge @!p0 [sflag:s8], $0x0  }
0x24: {  	s3 =	sadd.s32 $0x88, s3;
	s6 =	simm.s32 @!p1 $0x1082;
	[sflag:s4] =	ssyncset.s32 $0xFFFFF086  }
0x25: {  	[simem:s6], [sflag:s4] =	dma.local [hbm:s3], $0xF7A  }
0x26: {  	[smem:$0x3F9D] =	sst s1;
	(tag) =	ssettag s2;
	_ =	strace s9  }
0x27: {  	s1 =	sld [smem:$0x3FAD]  }
0x28: {  	s2 =	sld [smem:$0x3FAE]  }
0x29: {  	s4 =	sld [smem:$0x3FB0]  }
0x2a: {  	p0 =	seq.s32 s5, $0x0;
	s5 =	sld [smem:$0x3FB1]  }
0x2b: {  	s6 =	sld [smem:$0x3FB2]  }
0x2c: {  	s7 =	sld [smem:$0x3FB3]  }
0x2d: {  	s3 =	simm.s32 $0x108;
	s8 =	sld [smem:$0x3FB4]  }
0x2e: {  	s3 =	simm.s32 @!p0 $0x1082;
	s9 =	sld [smem:$0x3FB5]  }
0x2f: {  	lr =	sadd.s32 s0, s3;
	s0 =	sld [smem:$0x3FAC]  }
0x30: {  	s3 =	sld [smem:$0x3FAF]  }
0x31: {  	[smem:$0x3FB8] =	sst s10  }
0x32: {  	s10 =	sld [smem:$0x3FB6];
	_ =	sdelay $0x3  }
0x33: {  	p0 =	seq.s32 s10, $0x1;
	s10 =	sld [smem:$0x3FB8];
	_ =	sdelay $0x3  }
0x34: {  	[smem:$0x3FB8] =	sst s10  }
0x35: {  	s10 =	sld [smem:$0x3FB7];
	_ =	sdelay $0x3  }
0x36: {  	p1 =	seq.s32 s10, $0x1;
	s10 =	sld [smem:$0x3FB8];
	_ =	sdelay $0x3  }
0x37: {  	[smem:$0x3FB8] =	sst s10  }
0x38: {  	s10 =	sld [smem:$0x3FB9]  }
0x39: {  	_ = 	snop;
	(pc) =	sbr.ind lr, $3  }
0x3a: {  	_ = 	snop  }
0x3b: {  	_ = 	snop  }
0x3c: {  	p2 =	seq.s32 s10, $0x1;
	s10 =	sld [smem:$0x3FB8]  }
0x3d: {  	_ =	shalt  }
0x3e: {  	_ =	shalt  }
0x3f: {  	_ =	shalt  }
0x40: {  	_ =	shalt  }
0x41: {  	_ =	shalt  }
0x42: {  	_ =	shalt  }
0x43: {  	_ =	shalt  }
0x44: {  	_ =	shalt  }
0x45: {  	_ =	shalt  }
0x46: {  	_ =	shalt  }
0x47: {  	_ =	shalt  }
0x48: {  	_ =	shalt  }
0x49: {  	_ =	shalt  }
0x4a: {  	_ =	shalt  }
0x4b: {  	_ =	shalt  }
0x4c: {  	_ =	shalt  }
0x4d: {  	_ =	shalt  }
0x4e: {  	_ =	shalt  }
0x4f: {  	_ =	shalt  }
0x50: {  	_ =	shalt  }
0x51: {  	_ =	shalt  }
0x52: {  	_ =	shalt  }
0x53: {  	_ =	shalt  }
0x54: {  	_ =	shalt  }
0x55: {  	_ =	shalt  }
0x56: {  	_ =	shalt  }
0x57: {  	_ =	shalt  }
0x58: {  	_ =	shalt  }
0x59: {  	_ =	shalt  }
0x5a: {  	_ =	shalt  }
0x5b: {  	_ =	shalt  }
0x5c: {  	_ =	shalt  }
0x5d: {  	_ =	shalt  }
0x5e: {  	_ =	shalt  }
0x5f: {  	_ =	shalt  }
0x60: {  	_ =	shalt  }
0x61: {  	_ =	shalt  }
0x62: {  	_ =	shalt  }
0x63: {  	_ =	shalt  }
0x64: {  	_ =	shalt  }
0x65: {  	_ =	shalt  }
0x66: {  	_ =	shalt  }
0x67: {  	_ =	shalt  }
0x68: {  	_ =	shalt  }
0x69: {  	_ =	shalt  }
0x6a: {  	_ =	shalt  }
0x6b: {  	_ =	shalt  }
0x6c: {  	_ =	shalt  }
0x6d: {  	_ =	shalt  }
0x6e: {  	_ =	shalt  }
0x6f: {  	_ =	shalt  }
0x70: {  	_ =	shalt  }
0x71: {  	_ =	shalt  }
0x72: {  	_ =	shalt  }
0x73: {  	_ =	shalt  }
0x74: {  	_ =	shalt  }
0x75: {  	_ =	shalt  }
0x76: {  	_ =	shalt  }
0x77: {  	_ =	shalt  }
0x78: {  	_ =	shalt  }
0x79: {  	_ =	shalt  }
0x7a: {  	_ =	shalt  }
0x7b: {  	_ =	shalt  }
0x7c: {  	_ =	shalt  }
0x7d: {  	_ =	shalt  }
0x7e: {  	_ =	shalt  }
0x7f: {  	_ =	shalt  }
0x80: {  	_ =	shalt  }
0x81: {  	_ =	shalt  }
0x82: {  	_ =	shalt  }
0x83: {  	_ =	shalt  }
0x84: {  	_ =	shalt  }
0x85: {  	_ =	shalt  }
0x86: {  	_ =	shalt  }
0x87: {  	_ =	shalt  }
.Lfunc_end0:
.L_simem_size_0:
called_computation_lowered:
.L_overlay_start_0:
0x88: {  	s2 =	sld [smem:$0x3FD9]  }
0x89: {  	s3 =	sld [smem:$0x3FFE];
	_ =	sdelay $0x1  }
0x8a: {  	s1 =	srdreg.scid  }
0x8b: {  	s0 =	sand.u32 $0x1, s1  }
0x8c: {  	s17 =	sshll.u32 s0, $0xA;
	s2 =	sadd.s32 s3, s2  }
0x8d: {  	s2 =	sadd.s32 s2, s17  }
0x8e: {  	[smem:$0x3FC4] =	sst s2  }
0x8f: {  	_ = 	snop  }
0x90: {  	s2 =	sld [smem:$0x3FD0];
	(tm) =	ssettm $0x1  }
0x91: {  	s18 =	sld [smem:$0x3FFB];
	_ =	sdelay $0x3  }
0x92: {  	_ =	strace s18  }
0x93: {  	s3 =	sld [smem:$0x3FFC];
	_ =	sdelay $0x3  }
0x94: {  	_ =	strace s3  }
0x95: {  	s3 =	sld [smem:$0x3FFD];
	_ =	sdelay $0x3  }
0x96: {  	_ =	strace s3  }
0x97: {  	_ =	strace $0x8FFFFFFF  }
0x98: {  	s19 =	sld [smem:$0x3FDB];
	_ =	sdelay $0x1  }
0x99: {  	s4 =	simm.s32 $_scs_section_size  }
0x9a: {  	s5 =	simm.s32 $_size__tile_overlayer_lowered;
	s6 =	simm.s32 $_tile_overlayer_lowered  }
0x9b: {  	s22 =	simm.s32 $0x1BFF;
	s21 =	sshll.u32 s6, $0x1;
	s3 =	sadd.s32 s4, s19  }
0x9c: {  	s7 =	simm.s32 $0x0;
	s20 =	sshll.u32 s5, $0x1;
	s5 =	sadd.s32 s21, s3  }
0x9d: {  	[timem:s7], [sflag:s22] =	dma.local [hbm:s5], s20  }
0x9e: {  	_ =	swait.ge [sflag:s22], s20  }
0x9f: {  	s4 =	ssub.s32 $0x0, s20;
	[sflag:s22] =	ssyncset.done $0x0  }
0xa0: {  	[sflag:s22] =	ssyncadd.s32 s4;
	_ =	sdelay $0x1  }
0xa1: {  	s23 =	simm.s32 $0x1B8B  }
0xa2: {  	_ =	swait.ge [sflag:s23], $0x1  }
0xa3: {  	[sflag:s23] =	ssyncset.done $0x0  }
0xa4: {  	s25 =	simm.s32 $0x1B8E;
	s24 =	sld [smem:$0x3FFE];
	[sflag:s23] =	ssyncadd.s32 $0xFFFFFFFF  }
0xa5: {  	s26 =	simm.s32 $execute0_lowered;
	[smem:$0x3FD2] =	sst s25  }
0xa6: {  	s5 =	sshll.u32 s26, $0x1;
	_ =	strace $0x80000046;
	[dreg:$0x1] =	wrdreg $0xFFFFFFFF  }
0xa7: {  	s28 =	simm.s32 $_size_execute0_lowered;
	s3 =	sadd.s32 s3, s5;
	[dreg:$0x0] =	wrdreg $0x0  }
0xa8: {  	s5 =	sshll.u32 s28, $0x1;
	[dreg:$0x2] =	wrdreg s3  }
0xa9: {  	[dreg:$0x3] =	wrdreg s5  }
0xaa: {  	[dreg:$0x4] =	wrdreg $0xC0  }
0xab: {  	_ =	task [dreg:s7], $0x5FFFF  }
0xac: {  	[dreg:$0x1] =	wrdreg $0xFFFFFFFF  }
0xad: {  	[dreg:$0x0] =	wrdreg $0x60  }
0xae: {  	[dreg:$0x2] =	wrdreg s24  }
0xaf: {  	[dreg:$0x3] =	wrdreg s2  }
0xb0: {  	[dreg:$0x4] =	wrdreg $0x9  }
0xb1: {  	_ =	task.clear_ibuf [dreg:s7], $0x5FFFF;
	_ =	strace $0x90000046  }
0xb2: {  	s29 =	simm.s32 $0x9;
	_ =	strace $0x80000048  }
0xb3: {  	_ =	swait.ge [sflag:s29], $0x1  }
0xb4: {  	[sflag:s29] =	ssyncadd.s32 $0xFFFFFFFF  }
0xb5: {  	_ =	strace $0x90000048  }
0xb6: {  	_ =	sfence  }
0xb7: {  	s30 =	sld [smem:$0x0];
	_ =	sdelay $0x2  }
0xb8: {  	s31 =	sshll.u32 s1, $0xD;
	s1 =	sshrl.u32 s1, $0x2  }
0xb9: {  	s3 =	sand.u32 $0x4000, s31;
	s1 =	sadd.s32 s1, s30  }
0xba: {  	s0 =	sor.u32 s3, s0;
	s1 =	sshll.u32 s1, $0x11  }
0xbb: {  	s0 =	sor.u32 s1, s0  }
0xbc: {  	s0 =	sadd.s32 $0x8F2B, s0  }
0xbd: {  	[sflag:s0] =	ssyncadd.remote.s32 $0x1  }
0xbe: {  	_ =	sfence.sel $0xFFFF  }
0xbf: {  	[dreg:$0x0] =	wrdreg $0xFFFFFFFF;
	(pc) =	sbr.abs _section_cstart, $3  }
0xc0: {  	[dreg:$0x1] =	wrdreg $0xFFFFFFFF  }
0xc1: {  	_ =	task.clear_ibuf [dreg:s7], $0x2FFFF;
	_ =	strace $0x9FFFFFFF  }
0xc2: {  	(tm) =	ssettm $0x7FFFFFFF  }
0xc3: {  	_ =	shalt  }
tec
execute0_lowered:
.L_overlay_start_1:
0x0: {  	(tag) =	ssettag $0x1  }
0x1: {  	s6 =	rddreg [dreg:$0x0];
	s1 =	srdreg.scid  }
0x2: {  	s0 =	stileid.u32;
	s2 =	rddreg [dreg:$0x1]  }
0x3: {  	s3 =	simm.s32 $0x0;
	s9 =	simm.s32 $0x2000;
	s10 =	simm.s32 $0x5  }
0x4: {  	s11 =	simm.s32 $0x2;
	s4 =	sand.u32 $0x1, s1;
	s5 =	sshll.u32 s0, $0x1  }
0x5: {  	s12 =	simm.s32 $0xEC00;
	s13 =	simm.s32 $0x3;
	s5 =	sor.u32 s4, s5  }
0x6: {  	s14 =	simm.s32 $0x4;
	s7 =	ssub.s32 $0x2, s4;
	s4 =	smul.u32 $0x2710, s5  }
.Ltmp0:
0x7: {  	s15 =	simm.s32 $0x1;
	[smem:$0x7FF] =	sst s3;
	(pc) =	sbr.rel .LBB2_1-.Ltmp0, $4  }
0x8: {  	s16 =	simm.s32 $0x2400;
	s30 =	sadd.s32 $0xA000, s6;
	_ =	strace $0x80000047  }
0x9: {  	s8 =	sshrl.u32 s7, $0x1;
	s5 =	sadd.s32 $0x200, s6;
	s29 =	sshrl.u32 s4, $0x3  }
0xa: {  	[dreg:$0x3] =	wrdreg s30;
	s8 =	ssub.s32 s7, s8;
	s31 =	sadd.s32 s5, s29  }
0xb: {  	s17 =	simm.s32 $0x0;
	s8 =	smax.u32 s8, $0x1;
	[dreg:$0x4] =	wrdreg s31  }
.LBB2_10:
0xc: {  	s17 =	sadd.s32 $0x1, s17  }
0xd: {  	_ =	swait.ge [sflag:s13], $0xC800;
	p0 =	sne.s32 s17, s8  }
.Ltmp1:
0xe: {  	[sflag:s13] =	ssyncset.done $0x0;
	(pc) =	sbr.rel @!p0 .LBB2_11-.Ltmp1, $4  }
0xf: {  	[sflag:s13] =	ssyncadd.s32 $0xFFFF3800  }
0x10: {  	_ =	swait.ge [sflag:s14], $0xC800  }
0x11: {  	[sflag:s14] =	ssyncset.done $0x0  }
0x12: {  	[sflag:s14] =	ssyncadd.s32 $0xFFFF3800  }
.LBB2_1:
0x13: {  	s0 =	rddreg [dreg:$0x4]  }
0x14: {  	[tilespmem:s9], [sflag:$0x1] =	stream.linear.gather [hbm4b:s0+s3], $0x190, $0x38;
	[tilespmem:$0x1B400] =	vst v63  }
.Ltmp2:
0x15: {  	s31 =	rddreg [dreg:$0x3];
	(pc) =	sbr.rel .LBB2_2-.Ltmp2, $4  }
0x16: {  	[tilespmem:s3], [sflag:$0x5] =	stream.linear.gather [hbm4b:s31+s3], $0x2000, $0x38;
	[tilespmem:$0x1B400] =	vst v63  }
0x17: {  	_ =	swait.ge [sflag:s10], $0x2000  }
0x18: {  	[sflag:s10] =	ssyncset.done $0x0  }
0x19: {  	s18 =	simm.s32 $0x0;
	[sflag:s10] =	ssyncadd.s32 $0xFFFFE000  }
.LBB2_5:
0x1a: {  	v0 =	vld [tilespmem:$0x2180];
	_ =	sdelay $0x4  }
0x1b: {  	(v2sf) =	vpush v0, $0x0;
	_ =	sdelay $0x7  }
0x1c: {  	(v2sf) =	vpush v0, $0x1;
	_ =	sdelay $0x6  }
0x1d: {  	s0 =	spop (v2sf)  }
0x1e: {  	v1 =	vld [tilespmem:s0+$0x0]  }
0x1f: {  	(v2sf) =	vpush v0, $0x2;
	v63 =	vld [tilespmem:s0+$0x10]  }
0x20: {  	v3 =	vld [tilespmem:s0+$0x20]  }
0x21: {  	v4 =	vld [tilespmem:s0+$0x30]  }
0x22: {  	v5 =	vld [tilespmem:s0+$0x40]  }
0x23: {  	v6 =	vld [tilespmem:s0+$0x50]  }
0x24: {  	v7 =	vld [tilespmem:s0+$0x60]  }
0x25: {  	s1 =	spop (v2sf);
	v8 =	vld [tilespmem:s0+$0x70]  }
0x26: {  	v9 =	vld [tilespmem:s1+$0x0]  }
0x27: {  	(v2sf) =	vpush v0, $0x3;
	v10 =	vld [tilespmem:s1+$0x10]  }
0x28: {  	v11 =	vld [tilespmem:s1+$0x20]  }
0x29: {  	v12 =	vld [tilespmem:s1+$0x30]  }
0x2a: {  	v13 =	vld [tilespmem:s1+$0x40]  }
0x2b: {  	v14 =	vld [tilespmem:s1+$0x50]  }
0x2c: {  	v15 =	vld [tilespmem:s1+$0x60]  }
0x2d: {  	v16 =	vld [tilespmem:s1+$0x70];
	[tilespmem:$0x1FCE0] =	vst v1  }
0x2e: {  	v2 =	vld [tilespmem:$0x1FCE0];
	s30 =	spop (v2sf)  }
0x2f: {  	(v2sf) =	vpush v0, $0x4;
	v17 =	vld [tilespmem:s30+$0x0]  }
0x30: {  	v18 =	vld [tilespmem:s30+$0x10]  }
0x31: {  	v19 =	vld [tilespmem:s30+$0x20]  }
0x32: {  	v20 =	vld [tilespmem:s30+$0x30]  }
0x33: {  	v21 =	vld [tilespmem:s30+$0x40]  }
0x34: {  	v22 =	vld [tilespmem:s30+$0x50]  }
0x35: {  	v23 =	vld [tilespmem:s30+$0x60]  }
0x36: {  	s31 =	spop (v2sf);
	v24 =	vld [tilespmem:s30+$0x70]  }
0x37: {  	(v2sf) =	vpush v0, $0x5;
	v25 =	vld [tilespmem:s31+$0x0]  }
0x38: {  	v26 =	vld [tilespmem:s31+$0x10]  }
0x39: {  	v27 =	vld [tilespmem:s31+$0x20]  }
0x3a: {  	v28 =	vld [tilespmem:s31+$0x30]  }
0x3b: {  	v29 =	vld [tilespmem:s31+$0x40]  }
0x3c: {  	v30 =	vld [tilespmem:s31+$0x50]  }
0x3d: {  	v31 =	vld [tilespmem:s31+$0x60]  }
0x3e: {  	v32 =	vld [tilespmem:s31+$0x70];
	s6 =	spop (v2sf)  }
0x3f: {  	(v2sf) =	vpush v0, $0x6;
	v33 =	vld [tilespmem:s6+$0x0]  }
0x40: {  	v34 =	vld [tilespmem:s6+$0x10]  }
0x41: {  	v35 =	vld [tilespmem:s6+$0x20]  }
0x42: {  	v36 =	vld [tilespmem:s6+$0x30]  }
0x43: {  	v37 =	vld [tilespmem:s6+$0x40]  }
0x44: {  	v38 =	vld [tilespmem:s6+$0x50]  }
0x45: {  	v39 =	vld [tilespmem:s6+$0x60]  }
0x46: {  	s7 =	spop (v2sf);
	v40 =	vld [tilespmem:s6+$0x70]  }
0x47: {  	(v2sf) =	vpush v0, $0x7;
	v41 =	vld [tilespmem:s7+$0x0]  }
0x48: {  	v42 =	vld [tilespmem:s7+$0x10]  }
0x49: {  	v43 =	vld [tilespmem:s7+$0x20]  }
0x4a: {  	v44 =	vld [tilespmem:s7+$0x30]  }
0x4b: {  	v45 =	vld [tilespmem:s7+$0x40]  }
0x4c: {  	v46 =	vld [tilespmem:s7+$0x50]  }
0x4d: {  	v47 =	vld [tilespmem:s7+$0x60]  }
0x4e: {  	v48 =	vld [tilespmem:s7+$0x70];
	s20 =	spop (v2sf)  }
0x4f: {  	v49 =	vld [tilespmem:s20+$0x0]  }
0x50: {  	v50 =	vld [tilespmem:s20+$0x10]  }
0x51: {  	v51 =	vld [tilespmem:s20+$0x20]  }
0x52: {  	v52 =	vld [tilespmem:s20+$0x30]  }
0x53: {  	v53 =	vld [tilespmem:s20+$0x40]  }
0x54: {  	v54 =	vld [tilespmem:s20+$0x50]  }
0x55: {  	v55 =	vld [tilespmem:s20+$0x60]  }
0x56: {  	s21 =	spop (v2sf);
	v56 =	vld [tilespmem:s20+$0x70]  }
0x57: {  	v57 =	vld [tilespmem:s21+$0x0]  }
0x58: {  	v58 =	vld [tilespmem:s21+$0x10]  }
0x59: {  	v59 =	vld [tilespmem:s21+$0x20]  }
0x5a: {  	v60 =	vld [tilespmem:s21+$0x30]  }
0x5b: {  	v61 =	vld [tilespmem:s21+$0x40]  }
0x5c: {  	v62 =	vld [tilespmem:s21+$0x50]  }
0x5d: {  	[tilespmem:$0x1FCF0] =	vst v63;
	v63 =	vld [tilespmem:s21+$0x60]  }
0x5e: {  	v1 =	vld [tilespmem:s21+$0x70];
	[tilespmem:$0xE400] =	vst v2  }
0x5f: {  	[tilespmem:$0xE420] =	vst v3  }
0x60: {  	[tilespmem:$0xE430] =	vst v4  }
0x61: {  	[tilespmem:$0xE440] =	vst v5  }
0x62: {  	[tilespmem:$0xE450] =	vst v6  }
0x63: {  	[tilespmem:$0xE460] =	vst v7  }
0x64: {  	[tilespmem:$0xE470] =	vst v8  }
0x65: {  	[tilespmem:$0xE480] =	vst v9  }
0x66: {  	[tilespmem:$0xE490] =	vst v10  }
0x67: {  	[tilespmem:$0xE4A0] =	vst v11  }
0x68: {  	[tilespmem:$0xE4B0] =	vst v12  }
0x69: {  	[tilespmem:$0xE4C0] =	vst v13  }
0x6a: {  	[tilespmem:$0xE4D0] =	vst v14  }
0x6b: {  	[tilespmem:$0xE4E0] =	vst v15  }
0x6c: {  	[tilespmem:$0xE4F0] =	vst v16  }
0x6d: {  	[tilespmem:$0xE500] =	vst v17  }
0x6e: {  	[tilespmem:$0xE510] =	vst v18  }
0x6f: {  	[tilespmem:$0xE520] =	vst v19  }
0x70: {  	[tilespmem:$0xE530] =	vst v20  }
0x71: {  	[tilespmem:$0xE540] =	vst v21  }
0x72: {  	[tilespmem:$0xE550] =	vst v22  }
0x73: {  	[tilespmem:$0xE560] =	vst v23  }
0x74: {  	[tilespmem:$0xE570] =	vst v24  }
0x75: {  	[tilespmem:$0xE580] =	vst v25  }
0x76: {  	[tilespmem:$0xE590] =	vst v26  }
0x77: {  	[tilespmem:$0xE5A0] =	vst v27  }
0x78: {  	[tilespmem:$0xE5B0] =	vst v28  }
0x79: {  	[tilespmem:$0xE5C0] =	vst v29  }
0x7a: {  	[tilespmem:$0xE5D0] =	vst v30  }
0x7b: {  	[tilespmem:$0xE5E0] =	vst v31  }
0x7c: {  	[tilespmem:$0xE5F0] =	vst v32  }
0x7d: {  	[tilespmem:$0xE600] =	vst v33  }
0x7e: {  	[tilespmem:$0xE610] =	vst v34  }
0x7f: {  	[tilespmem:$0xE620] =	vst v35  }
0x80: {  	[tilespmem:$0xE630] =	vst v36  }
0x81: {  	[tilespmem:$0xE640] =	vst v37  }
0x82: {  	[tilespmem:$0xE650] =	vst v38  }
0x83: {  	[tilespmem:$0xE660] =	vst v39  }
0x84: {  	[tilespmem:$0xE670] =	vst v40  }
0x85: {  	[tilespmem:$0xE680] =	vst v41  }
0x86: {  	[tilespmem:$0xE690] =	vst v42  }
0x87: {  	[tilespmem:$0xE6A0] =	vst v43  }
0x88: {  	[tilespmem:$0xE6B0] =	vst v44  }
0x89: {  	[tilespmem:$0xE6C0] =	vst v45  }
0x8a: {  	[tilespmem:$0xE6D0] =	vst v46  }
0x8b: {  	[tilespmem:$0xE6E0] =	vst v47  }
0x8c: {  	[tilespmem:$0xE6F0] =	vst v48  }
0x8d: {  	[tilespmem:$0xE700] =	vst v49  }
0x8e: {  	(v2sf) =	vpush v0, $0x8;
	[tilespmem:$0xE710] =	vst v50  }
0x8f: {  	[tilespmem:$0xE720] =	vst v51  }
0x90: {  	v2 =	vld [tilespmem:$0x1FCF0];
	[tilespmem:$0xE730] =	vst v52  }
0x91: {  	[tilespmem:$0xE740] =	vst v53  }
0x92: {  	[tilespmem:$0xE750] =	vst v54  }
0x93: {  	[tilespmem:$0xE760] =	vst v55  }
0x94: {  	[tilespmem:$0xE770] =	vst v56  }
0x95: {  	[tilespmem:$0xE410] =	vst v2  }
0x96: {  	(v2sf) =	vpush v0, $0x9;
	[tilespmem:$0xE780] =	vst v57  }
0x97: {  	[tilespmem:$0xE790] =	vst v58  }
0x98: {  	[tilespmem:$0xE7A0] =	vst v59  }
0x99: {  	[tilespmem:$0xE7B0] =	vst v60  }
0x9a: {  	[tilespmem:$0xE7C0] =	vst v61  }
0x9b: {  	[tilespmem:$0xE7D0] =	vst v62  }
0x9c: {  	[tilespmem:$0xE7E0] =	vst v63  }
0x9d: {  	[tilespmem:$0xE7F0] =	vst v1;
	s22 =	spop (v2sf)  }
0x9e: {  	(v2sf) =	vpush v0, $0xA;
	v1 =	vld [tilespmem:s22+$0x0]  }
0x9f: {  	v2 =	vld [tilespmem:s22+$0x10]  }
0xa0: {  	v3 =	vld [tilespmem:s22+$0x20]  }
0xa1: {  	v4 =	vld [tilespmem:s22+$0x30]  }
0xa2: {  	v5 =	vld [tilespmem:s22+$0x40]  }
0xa3: {  	v6 =	vld [tilespmem:s22+$0x50]  }
0xa4: {  	v7 =	vld [tilespmem:s22+$0x60]  }
0xa5: {  	s23 =	spop (v2sf);
	v8 =	vld [tilespmem:s22+$0x70]  }
0xa6: {  	(v2sf) =	vpush v0, $0xB;
	v9 =	vld [tilespmem:s23+$0x0]  }
0xa7: {  	v10 =	vld [tilespmem:s23+$0x10]  }
0xa8: {  	v11 =	vld [tilespmem:s23+$0x20]  }
0xa9: {  	v12 =	vld [tilespmem:s23+$0x30]  }
0xaa: {  	v13 =	vld [tilespmem:s23+$0x40]  }
0xab: {  	v14 =	vld [tilespmem:s23+$0x50]  }
0xac: {  	v15 =	vld [tilespmem:s23+$0x60]  }
0xad: {  	v16 =	vld [tilespmem:s23+$0x70];
	s24 =	spop (v2sf)  }
0xae: {  	(v2sf) =	vpush v0, $0xC;
	v17 =	vld [tilespmem:s24+$0x0]  }
0xaf: {  	v18 =	vld [tilespmem:s24+$0x10]  }
0xb0: {  	v19 =	vld [tilespmem:s24+$0x20]  }
0xb1: {  	v20 =	vld [tilespmem:s24+$0x30]  }
0xb2: {  	v21 =	vld [tilespmem:s24+$0x40]  }
0xb3: {  	v22 =	vld [tilespmem:s24+$0x50]  }
0xb4: {  	v23 =	vld [tilespmem:s24+$0x60]  }
0xb5: {  	s25 =	spop (v2sf);
	v24 =	vld [tilespmem:s24+$0x70]  }
0xb6: {  	(v2sf) =	vpush v0, $0xD;
	v25 =	vld [tilespmem:s25+$0x0]  }
0xb7: {  	v26 =	vld [tilespmem:s25+$0x10]  }
0xb8: {  	v27 =	vld [tilespmem:s25+$0x20]  }
0xb9: {  	v28 =	vld [tilespmem:s25+$0x30]  }
0xba: {  	v29 =	vld [tilespmem:s25+$0x40]  }
0xbb: {  	v30 =	vld [tilespmem:s25+$0x50]  }
0xbc: {  	v31 =	vld [tilespmem:s25+$0x60]  }
0xbd: {  	v32 =	vld [tilespmem:s25+$0x70];
	s26 =	spop (v2sf)  }
0xbe: {  	(v2sf) =	vpush v0, $0xE;
	v33 =	vld [tilespmem:s26+$0x0]  }
0xbf: {  	v34 =	vld [tilespmem:s26+$0x10]  }
0xc0: {  	v35 =	vld [tilespmem:s26+$0x20]  }
0xc1: {  	v36 =	vld [tilespmem:s26+$0x30]  }
0xc2: {  	v37 =	vld [tilespmem:s26+$0x40]  }
0xc3: {  	v38 =	vld [tilespmem:s26+$0x50]  }
0xc4: {  	v39 =	vld [tilespmem:s26+$0x60]  }
0xc5: {  	s28 =	spop (v2sf);
	v40 =	vld [tilespmem:s26+$0x70]  }
0xc6: {  	(v2sf) =	vpush v0, $0xF;
	v0 =	vld [tilespmem:s28+$0x0]  }
0xc7: {  	v41 =	vld [tilespmem:s28+$0x10]  }
0xc8: {  	v42 =	vld [tilespmem:s28+$0x20]  }
0xc9: {  	v43 =	vld [tilespmem:s28+$0x30]  }
0xca: {  	v44 =	vld [tilespmem:s28+$0x40]  }
0xcb: {  	v45 =	vld [tilespmem:s28+$0x50]  }
0xcc: {  	v46 =	vld [tilespmem:s28+$0x60]  }
0xcd: {  	v47 =	vld [tilespmem:s28+$0x70];
	s29 =	spop (v2sf)  }
0xce: {  	v48 =	vld [tilespmem:s29+$0x0]  }
0xcf: {  	v49 =	vld [tilespmem:s29+$0x10]  }
0xd0: {  	v50 =	vld [tilespmem:s29+$0x20]  }
0xd1: {  	v51 =	vld [tilespmem:s29+$0x30]  }
0xd2: {  	v52 =	vld [tilespmem:s29+$0x40]  }
0xd3: {  	v53 =	vld [tilespmem:s29+$0x50]  }
0xd4: {  	v54 =	vld [tilespmem:s29+$0x60]  }
0xd5: {  	s30 =	spop (v2sf);
	v55 =	vld [tilespmem:s29+$0x70]  }
0xd6: {  	v56 =	vld [tilespmem:s30+$0x0]  }
0xd7: {  	v57 =	vld [tilespmem:s30+$0x10]  }
0xd8: {  	v58 =	vld [tilespmem:s30+$0x20]  }
0xd9: {  	v59 =	vld [tilespmem:s30+$0x30]  }
0xda: {  	v60 =	vld [tilespmem:s30+$0x40]  }
0xdb: {  	v61 =	vld [tilespmem:s30+$0x50]  }
0xdc: {  	v62 =	vld [tilespmem:s30+$0x60]  }
0xdd: {  	v63 =	vld [tilespmem:s30+$0x70];
	[tilespmem:$0xE800] =	vst v1  }
0xde: {  	[tilespmem:$0xE810] =	vst v2  }
0xdf: {  	[tilespmem:$0xE820] =	vst v3  }
0xe0: {  	[tilespmem:$0xE830] =	vst v4  }
0xe1: {  	[tilespmem:$0xE840] =	vst v5  }
0xe2: {  	[tilespmem:$0xE850] =	vst v6  }
0xe3: {  	[tilespmem:$0xE860] =	vst v7  }
0xe4: {  	[tilespmem:$0xE870] =	vst v8  }
0xe5: {  	[tilespmem:$0xE880] =	vst v9  }
0xe6: {  	[tilespmem:$0xE890] =	vst v10  }
0xe7: {  	[tilespmem:$0xE8A0] =	vst v11  }
0xe8: {  	[tilespmem:$0xE8B0] =	vst v12  }
0xe9: {  	[tilespmem:$0xE8C0] =	vst v13  }
0xea: {  	[tilespmem:$0xE8D0] =	vst v14  }
0xeb: {  	[tilespmem:$0xE8E0] =	vst v15  }
0xec: {  	[tilespmem:$0xE8F0] =	vst v16  }
0xed: {  	[tilespmem:$0xE900] =	vst v17  }
0xee: {  	[tilespmem:$0xE910] =	vst v18  }
0xef: {  	[tilespmem:$0xE920] =	vst v19  }
0xf0: {  	[tilespmem:$0xE930] =	vst v20  }
0xf1: {  	[tilespmem:$0xE940] =	vst v21  }
0xf2: {  	[tilespmem:$0xE950] =	vst v22  }
0xf3: {  	[tilespmem:$0xE960] =	vst v23  }
0xf4: {  	[tilespmem:$0xE970] =	vst v24  }
0xf5: {  	[tilespmem:$0xE980] =	vst v25  }
0xf6: {  	[tilespmem:$0xE990] =	vst v26  }
0xf7: {  	[tilespmem:$0xE9A0] =	vst v27  }
0xf8: {  	[tilespmem:$0xE9B0] =	vst v28  }
0xf9: {  	[tilespmem:$0xE9C0] =	vst v29  }
0xfa: {  	[tilespmem:$0xE9D0] =	vst v30  }
0xfb: {  	[tilespmem:$0xE9E0] =	vst v31  }
0xfc: {  	[tilespmem:$0xE9F0] =	vst v32  }
0xfd: {  	[tilespmem:$0xEA00] =	vst v33  }
0xfe: {  	[tilespmem:$0xEA10] =	vst v34  }
0xff: {  	[tilespmem:$0xEA20] =	vst v35  }
0x100: {  	[tilespmem:$0xEA30] =	vst v36  }
0x101: {  	[tilespmem:$0xEA40] =	vst v37  }
0x102: {  	[tilespmem:$0xEA50] =	vst v38  }
0x103: {  	[tilespmem:$0xEA60] =	vst v39  }
0x104: {  	[tilespmem:$0xEA70] =	vst v40  }
0x105: {  	[tilespmem:$0xEA80] =	vst v0  }
0x106: {  	[tilespmem:$0xEA90] =	vst v41  }
0x107: {  	[tilespmem:$0xEAA0] =	vst v42  }
0x108: {  	[tilespmem:$0xEAB0] =	vst v43  }
0x109: {  	[tilespmem:$0xEAC0] =	vst v44  }
0x10a: {  	[tilespmem:$0xEAD0] =	vst v45  }
0x10b: {  	[tilespmem:$0xEAE0] =	vst v46  }
0x10c: {  	[tilespmem:$0xEAF0] =	vst v47  }
0x10d: {  	[tilespmem:$0xEB00] =	vst v48  }
0x10e: {  	[tilespmem:$0xEB10] =	vst v49  }
0x10f: {  	[tilespmem:$0xEB20] =	vst v50  }
0x110: {  	[tilespmem:$0xEB30] =	vst v51  }
0x111: {  	[tilespmem:$0xEB40] =	vst v52  }
0x112: {  	[tilespmem:$0xEB50] =	vst v53  }
0x113: {  	[tilespmem:$0xEB60] =	vst v54  }
0x114: {  	[tilespmem:$0xEB70] =	vst v55  }
0x115: {  	[tilespmem:$0xEB80] =	vst v56  }
0x116: {  	[tilespmem:$0xEB90] =	vst v57  }
0x117: {  	[tilespmem:$0xEBA0] =	vst v58  }
0x118: {  	[tilespmem:$0xEBB0] =	vst v59  }
0x119: {  	[tilespmem:$0xEBC0] =	vst v60  }
0x11a: {  	[tilespmem:$0xEBD0] =	vst v61  }
0x11b: {  	s31 =	sshll.u32 s19, $0x4;
	[tilespmem:$0xEBE0] =	vst v62  }
0x11c: {  	s0 =	sadd.s32 s2, s31;
	[tilespmem:$0xEBF0] =	vst v63  }
0x11d: {  	[hbm4b:s0+s3] =	stream.linear.scatter [tilespmem:s16], [sflag:$0x3], $0xC800, $0x38;
	[tilespmem:$0x1B400] =	vst v63  }
.LBB2_9:
0x11e: {  	s18 =	sadd.s32 $0x1, s18  }
0x11f: {  	p0 =	sne.s32 s18, $0x19  }
.Ltmp3:
0x120: {  	_ = 	snop;
	(pc) =	sbr.rel @!p0 .LBB2_10-.Ltmp3, $1  }
0x121: {  	_ =	sdelay $0x3  }
.LBB2_2:
0x122: {  	s19 =	sand.u32 $0x1, s18  }
0x123: {  	p0 =	seq.s32 s19, $0x1  }
.Ltmp4:
0x124: {  	_ = 	snop;
	(pc) =	sbr.rel @!p0 .LBB2_3-.Ltmp4, $3  }
0x125: {  	_ = 	snop  }
0x126: {  	s20 =	smul.u32 $0x190, s18;
	_ =	sdelay $0x1  }
0x127: {  	s19 =	sadd.s32 s4, s20  }
0x128: {  	_ =	swait.ge [sflag:s11], $0x190;
	s0 =	sshrl.u32 s19, $0x3  }
0x129: {  	[sflag:s11] =	ssyncset.done $0x0;
	s0 =	sadd.s32 s5, s0  }
0x12a: {  	p0 =	slt.u32 s18, $0x2;
	[sflag:s11] =	ssyncadd.s32 $0xFFFFFE70;
	s0 =	sadd.s32 $0x32, s0  }
0x12b: {  	[tilespmem:s9], [sflag:$0x1] =	stream.linear.gather [hbm4b:s0+s3], $0x190, $0x38;
	[tilespmem:$0x1B400] =	vst v63  }
0x12c: {  	s0 =	simm.s32 @!p0 $0x4  }
0x12d: {  	_ =	swait.ge @!p0 [sflag:s0], $0xC800  }
0x12e: {  	[sflag:s0] =	ssyncset.done @!p0 $0x0  }
0x12f: {  	s20 =	simm.s32 $0x0;
	[sflag:s0] =	ssyncadd.s32 @!p0 $0xFFFF3800  }
.LBB2_7:
0x130: {  	s0 =	sshll.u32 s20, $0x4  }
0x131: {  	s0 =	sand.u32 $0x3FFFFFF0, s0  }
0x132: {  	v0 =	vld [tilespmem:s0+$0x2200];
	_ =	sdelay $0x4  }
0x133: {  	(v2sf) =	vpush v0, $0x0;
	_ =	sdelay $0x7  }
0x134: {  	(v2sf) =	vpush v0, $0x1;
	_ =	sdelay $0x6  }
0x135: {  	s24 =	spop (v2sf)  }
0x136: {  	(v2sf) =	vpush v0, $0x2;
	v2 =	vld [tilespmem:s24+$0x0]  }
0x137: {  	v6 =	vld [tilespmem:s24+$0x10]  }
0x138: {  	v7 =	vld [tilespmem:s24+$0x20]  }
0x139: {  	v9 =	vld [tilespmem:s24+$0x30]  }
0x13a: {  	v10 =	vld [tilespmem:s24+$0x40]  }
0x13b: {  	v11 =	vld [tilespmem:s24+$0x50]  }
0x13c: {  	v12 =	vld [tilespmem:s24+$0x60]  }
0x13d: {  	s1 =	spop (v2sf);
	v13 =	vld [tilespmem:s24+$0x70]  }
0x13e: {  	(v2sf) =	vpush v0, $0x3;
	v14 =	vld [tilespmem:s1+$0x0]  }
0x13f: {  	v15 =	vld [tilespmem:s1+$0x10]  }
0x140: {  	v16 =	vld [tilespmem:s1+$0x20]  }
0x141: {  	v17 =	vld [tilespmem:s1+$0x30]  }
0x142: {  	v18 =	vld [tilespmem:s1+$0x40]  }
0x143: {  	v19 =	vld [tilespmem:s1+$0x50]  }
0x144: {  	v20 =	vld [tilespmem:s1+$0x60]  }
0x145: {  	s25 =	spop (v2sf);
	v21 =	vld [tilespmem:s1+$0x70]  }
0x146: {  	v22 =	vld [tilespmem:s25+$0x0]  }
0x147: {  	(v2sf) =	vpush v0, $0x4;
	v27 =	vld [tilespmem:s25+$0x10]  }
0x148: {  	v29 =	vld [tilespmem:s25+$0x20]  }
0x149: {  	v33 =	vld [tilespmem:s25+$0x30]  }
0x14a: {  	v34 =	vld [tilespmem:s25+$0x40]  }
0x14b: {  	v35 =	vld [tilespmem:s25+$0x50]  }
0x14c: {  	(v2sf) =	vpush v0, $0x5;
	v36 =	vld [tilespmem:s25+$0x60]  }
0x14d: {  	(v2sf) =	vpush v0, $0x6;
	s26 =	spop (v2sf);
	v37 =	vld [tilespmem:s25+$0x70]  }
0x14e: {  	(v2sf) =	vpush v0, $0x7;
	v38 =	vld [tilespmem:s26+$0x0]  }
0x14f: {  	(v2sf) =	vpush v0, $0x8;
	v39 =	vld [tilespmem:s26+$0x10]  }
0x150: {  	v40 =	vld [tilespmem:s26+$0x20];
	(v2sf) =	vpush v0, $0x9  }
0x151: {  	v42 =	vld [tilespmem:s26+$0x30];
	(v2sf) =	vpush v0, $0xA  }
0x152: {  	v44 =	vld [tilespmem:s26+$0x40];
	(v2sf) =	vpush v0, $0xB  }
0x153: {  	s22 =	sor.u32 $0x1, s20;
	v52 =	vld [tilespmem:s26+$0x50];
	(v2sf) =	vpush v0, $0xC  }
0x154: {  	s21 =	sshll.u32 s22, $0x4;
	v54 =	vld [tilespmem:s26+$0x60];
	(v2sf) =	vpush v0, $0xD  }
0x155: {  	s0 =	sand.u32 $0x3FFFFFF0, s21;
	v62 =	vld [tilespmem:s26+$0x70];
	(v2sf) =	vpush v0, $0xE  }
0x156: {  	(v2sf) =	vpush v0, $0xF;
	v0 =	vld [tilespmem:s0+$0x2200];
	s28 =	spop (v2sf)  }
0x157: {  	v63 =	vld [tilespmem:s28+$0x0]  }
0x158: {  	v1 =	vld [tilespmem:s28+$0x10]  }
0x159: {  	v3 =	vld [tilespmem:s28+$0x20]  }
0x15a: {  	v4 =	vld [tilespmem:s28+$0x30]  }
0x15b: {  	v5 =	vld [tilespmem:s28+$0x40]  }
0x15c: {  	v8 =	vld [tilespmem:s28+$0x50]  }
0x15d: {  	v23 =	vld [tilespmem:s28+$0x60]  }
0x15e: {  	s1 =	spop (v2sf);
	v24 =	vld [tilespmem:s28+$0x70]  }
0x15f: {  	v30 =	vld [tilespmem:s1+$0x0]  }
0x160: {  	v43 =	vld [tilespmem:s1+$0x10]  }
0x161: {  	v32 =	vld [tilespmem:s1+$0x20]  }
0x162: {  	v41 =	vld [tilespmem:s1+$0x30]  }
0x163: {  	v26 =	vld [tilespmem:s1+$0x40]  }
0x164: {  	s6 =	spop (v2sf);
	v28 =	vld [tilespmem:s1+$0x50]  }
0x165: {  	v25 =	vld [tilespmem:s1+$0x60];
	s7 =	spop (v2sf)  }
0x166: {  	v60 =	vld [tilespmem:s7+$0x40]  }
0x167: {  	v31 =	vld [tilespmem:s1+$0x70]  }
0x168: {  	v46 =	vld [tilespmem:s6+$0x0]  }
0x169: {  	v45 =	vld [tilespmem:s6+$0x10]  }
0x16a: {  	v47 =	vld [tilespmem:s6+$0x20]  }
0x16b: {  	[tilespmem:$0x1F9F0] =	vst v60;
	v60 =	vld [tilespmem:s7+$0x50]  }
0x16c: {  	v49 =	vld [tilespmem:s6+$0x30]  }
0x16d: {  	v48 =	vld [tilespmem:s6+$0x40]  }
0x16e: {  	v50 =	vld [tilespmem:s6+$0x50]  }
0x16f: {  	v57 =	vld [tilespmem:s7+$0x30]  }
0x170: {  	[tilespmem:$0x1FA00] =	vst v60;
	v60 =	vld [tilespmem:s7+$0x60]  }
0x171: {  	v51 =	vld [tilespmem:s6+$0x60]  }
0x172: {  	v53 =	vld [tilespmem:s6+$0x70]  }
0x173: {  	v56 =	vld [tilespmem:s7+$0x0]  }
0x174: {  	s1 =	sshll.u32 s20, $0xB;
	v55 =	vld [tilespmem:s7+$0x10];
	[tilespmem:$0x1F9E0] =	vst v57  }
0x175: {  	s21 =	sand.u32 $0x3FFFF800, s1;
	v61 =	vld [tilespmem:s7+$0x20];
	[tilespmem:$0x1FA10] =	vst v60  }
0x176: {  	(v2sf) =	vpush v0, $0x0;
	v60 =	vld [tilespmem:s7+$0x70];
	[tilespmem:s21+$0xEC00] =	vst v2  }
0x177: {  	[tilespmem:s21+$0xEC10] =	vst v6  }
0x178: {  	[tilespmem:s21+$0xEC20] =	vst v7  }
0x179: {  	[tilespmem:s21+$0xEC30] =	vst v9  }
0x17a: {  	[tilespmem:s21+$0xEC40] =	vst v10  }
0x17b: {  	[tilespmem:s21+$0xEC50] =	vst v11  }
0x17c: {  	[tilespmem:s21+$0xEC60] =	vst v12  }
0x17d: {  	s31 =	spop (v2sf);
	[tilespmem:s21+$0xEC70] =	vst v13  }
0x17e: {  	s30 =	spop (v2sf);
	(v2sf) =	vpush v0, $0x1;
	[tilespmem:s21+$0xEC80] =	vst v14  }
0x17f: {  	s29 =	spop (v2sf);
	[tilespmem:s21+$0xEC90] =	vst v15  }
0x180: {  	s28 =	spop (v2sf);
	[tilespmem:s21+$0xECA0] =	vst v16  }
0x181: {  	s26 =	spop (v2sf);
	[tilespmem:s21+$0xECB0] =	vst v17  }
0x182: {  	s25 =	spop (v2sf);
	[tilespmem:s21+$0xECC0] =	vst v18  }
0x183: {  	s24 =	spop (v2sf);
	[tilespmem:s21+$0xECD0] =	vst v19  }
0x184: {  	s23 =	spop (v2sf);
	[tilespmem:s21+$0xECE0] =	vst v20  }
0x185: {  	s6 =	spop (v2sf);
	(v2sf) =	vpush v0, $0x2;
	[tilespmem:s21+$0xECF0] =	vst v21  }
0x186: {  	[tilespmem:s21+$0xED00] =	vst v22  }
0x187: {  	[tilespmem:s21+$0xED10] =	vst v27  }
0x188: {  	v57 =	vld [tilespmem:s6+$0x20];
	[tilespmem:s21+$0xED20] =	vst v29  }
0x189: {  	v58 =	vld [tilespmem:s6+$0x30];
	[tilespmem:s21+$0xED30] =	vst v33  }
0x18a: {  	[tilespmem:s21+$0xED40] =	vst v34  }
0x18b: {  	v59 =	vld [tilespmem:s6+$0x40];
	[tilespmem:s21+$0xED50] =	vst v35  }
0x18c: {  	v6 =	vld [tilespmem:s6+$0x10];
	[tilespmem:s21+$0xED60] =	vst v36  }
0x18d: {  	v7 =	vld [tilespmem:s6+$0x70];
	s7 =	spop (v2sf);
	[tilespmem:$0x1FA50] =	vst v57  }
0x18e: {  	v9 =	vld [tilespmem:s7+$0x0];
	[tilespmem:$0x1FA60] =	vst v58  }
0x18f: {  	[tilespmem:$0x1FA20] =	vst v60;
	v60 =	vld [tilespmem:s6+$0x0]  }
0x190: {  	v10 =	vld [tilespmem:s7+$0x10];
	[tilespmem:$0x1FA70] =	vst v59  }
0x191: {  	v11 =	vld [tilespmem:s7+$0x20];
	[tilespmem:$0x1FA40] =	vst v6  }
0x192: {  	v12 =	vld [tilespmem:s7+$0x70];
	[tilespmem:$0x1FAA0] =	vst v7  }
0x193: {  	v6 =	vld [tilespmem:s6+$0x60];
	[tilespmem:$0x1FAB0] =	vst v9  }
0x194: {  	[tilespmem:$0x1FA30] =	vst v60;
	v60 =	vld [tilespmem:s6+$0x50];
	s6 =	spop (v2sf)  }
0x195: {  	[tilespmem:$0x1FAC0] =	vst v10;
	v13 =	vld [tilespmem:s6+$0x0]  }
0x196: {  	[tilespmem:$0x1FAD0] =	vst v11;
	v14 =	vld [tilespmem:s6+$0x10]  }
0x197: {  	[tilespmem:$0x1FAE0] =	vst v12;
	v15 =	vld [tilespmem:s6+$0x20]  }
0x198: {  	[tilespmem:$0x1FA90] =	vst v6;
	v16 =	vld [tilespmem:s6+$0x30]  }
0x199: {  	v17 =	vld [tilespmem:s6+$0x40];
	[tilespmem:$0x1FA80] =	vst v60  }
0x19a: {  	v18 =	vld [tilespmem:s6+$0x50];
	[tilespmem:$0x1FAF0] =	vst v13  }
0x19b: {  	[tilespmem:$0x1FB00] =	vst v14  }
0x19c: {  	v57 =	vld [tilespmem:s7+$0x30];
	[tilespmem:$0x1FB10] =	vst v15  }
0x19d: {  	v58 =	vld [tilespmem:s7+$0x40];
	[tilespmem:$0x1FB20] =	vst v16  }
0x19e: {  	(v2sf) =	vpush v0, $0x3;
	v59 =	vld [tilespmem:s7+$0x50];
	[tilespmem:$0x1FB30] =	vst v17  }
0x19f: {  	(v2sf) =	vpush v0, $0x4;
	v60 =	vld [tilespmem:s7+$0x60];
	[tilespmem:$0x1FB40] =	vst v18  }
0x1a0: {  	v2 =	vld [tilespmem:s6+$0x60]  }
0x1a1: {  	v19 =	vld [tilespmem:s6+$0x70]  }
0x1a2: {  	[tilespmem:s21+$0xEEC0] =	vst v26;
	v26 =	vld [tilespmem:$0x1F9E0]  }
0x1a3: {  	v27 =	vld [tilespmem:$0x1F9F0]  }
0x1a4: {  	[tilespmem:s21+$0xEED0] =	vst v28;
	v28 =	vld [tilespmem:$0x1FA00]  }
0x1a5: {  	v29 =	vld [tilespmem:$0x1FA10]  }
0x1a6: {  	[tilespmem:s21+$0xEE80] =	vst v30;
	v30 =	vld [tilespmem:$0x1FA20]  }
0x1a7: {  	[tilespmem:s21+$0xEEF0] =	vst v31;
	v31 =	vld [tilespmem:$0x1FA30]  }
0x1a8: {  	[tilespmem:s21+$0xEEA0] =	vst v32;
	v32 =	vld [tilespmem:$0x1FA40]  }
0x1a9: {  	v34 =	vld [tilespmem:$0x1FA50]  }
0x1aa: {  	[tilespmem:s21+$0xEEB0] =	vst v41;
	v41 =	vld [tilespmem:$0x1FA60]  }
0x1ab: {  	[tilespmem:s21+$0xEE90] =	vst v43;
	v43 =	vld [tilespmem:$0x1FA70]  }
0x1ac: {  	[tilespmem:s21+$0xEF10] =	vst v45;
	v45 =	vld [tilespmem:$0x1FA80]  }
0x1ad: {  	[tilespmem:s21+$0xEF00] =	vst v46;
	v46 =	vld [tilespmem:$0x1FA90]  }
0x1ae: {  	[tilespmem:s21+$0xEF20] =	vst v47;
	v47 =	vld [tilespmem:$0x1FAA0]  }
0x1af: {  	[tilespmem:s21+$0xEF40] =	vst v48;
	v48 =	vld [tilespmem:$0x1FAB0]  }
0x1b0: {  	[tilespmem:s21+$0xEF30] =	vst v49;
	v49 =	vld [tilespmem:$0x1FAC0]  }
0x1b1: {  	s7 =	spop (v2sf);
	[tilespmem:s21+$0xEF50] =	vst v50;
	v50 =	vld [tilespmem:$0x1FAD0]  }
0x1b2: {  	(v2sf) =	vpush v0, $0x5;
	v20 =	vld [tilespmem:s7+$0x0]  }
0x1b3: {  	v21 =	vld [tilespmem:s7+$0x10]  }
0x1b4: {  	v22 =	vld [tilespmem:s7+$0x20]  }
0x1b5: {  	[tilespmem:s21+$0xED70] =	vst v37;
	v37 =	vld [tilespmem:s7+$0x30]  }
0x1b6: {  	[tilespmem:s21+$0xED80] =	vst v38;
	v38 =	vld [tilespmem:s7+$0x40]  }
0x1b7: {  	[tilespmem:s21+$0xED90] =	vst v39;
	v39 =	vld [tilespmem:s7+$0x50]  }
0x1b8: {  	[tilespmem:s21+$0xEDA0] =	vst v40;
	v40 =	vld [tilespmem:s7+$0x60]  }
0x1b9: {  	[tilespmem:s21+$0xEDB0] =	vst v42;
	v42 =	vld [tilespmem:s7+$0x70];
	s6 =	spop (v2sf)  }
0x1ba: {  	[tilespmem:s21+$0xEDC0] =	vst v44;
	(v2sf) =	vpush v0, $0x6;
	v44 =	vld [tilespmem:s6+$0x0]  }
0x1bb: {  	[tilespmem:s21+$0xEDD0] =	vst v52;
	v52 =	vld [tilespmem:s6+$0x10]  }
0x1bc: {  	[tilespmem:s21+$0xEDE0] =	vst v54;
	v54 =	vld [tilespmem:s6+$0x20]  }
0x1bd: {  	[tilespmem:s21+$0xEDF0] =	vst v62;
	v62 =	vld [tilespmem:s6+$0x30]  }
0x1be: {  	[tilespmem:s21+$0xEE00] =	vst v63;
	v63 =	vld [tilespmem:s6+$0x40]  }
0x1bf: {  	v35 =	vld [tilespmem:s6+$0x50]  }
0x1c0: {  	v36 =	vld [tilespmem:s6+$0x60]  }
0x1c1: {  	v33 =	vld [tilespmem:s6+$0x70];
	s7 =	spop (v2sf)  }
0x1c2: {  	[tilespmem:s21+$0xEE10] =	vst v1;
	(v2sf) =	vpush v0, $0x7;
	v12 =	vld [tilespmem:s7+$0x0]  }
0x1c3: {  	[tilespmem:s21+$0xEE20] =	vst v3;
	v13 =	vld [tilespmem:s7+$0x10]  }
0x1c4: {  	[tilespmem:s21+$0xEE30] =	vst v4;
	v14 =	vld [tilespmem:s7+$0x20]  }
0x1c5: {  	[tilespmem:s21+$0xEE40] =	vst v5;
	v15 =	vld [tilespmem:s7+$0x30]  }
0x1c6: {  	[tilespmem:s21+$0xEE50] =	vst v8;
	v16 =	vld [tilespmem:s7+$0x40]  }
0x1c7: {  	[tilespmem:s21+$0xEE60] =	vst v23;
	v17 =	vld [tilespmem:s7+$0x50]  }
0x1c8: {  	[tilespmem:s21+$0xEE70] =	vst v24;
	v18 =	vld [tilespmem:s7+$0x60]  }
0x1c9: {  	[tilespmem:$0x1FB50] =	vst v2;
	v2 =	vld [tilespmem:s7+$0x70];
	s6 =	spop (v2sf)  }
0x1ca: {  	[tilespmem:s21+$0xEEE0] =	vst v25;
	v3 =	vld [tilespmem:s6+$0x0]  }
0x1cb: {  	[tilespmem:$0x1FB60] =	vst v19;
	v19 =	vld [tilespmem:s6+$0x10]  }
0x1cc: {  	[tilespmem:$0x1FB70] =	vst v20;
	v20 =	vld [tilespmem:s6+$0x20]  }
0x1cd: {  	[tilespmem:$0x1FB80] =	vst v21;
	v21 =	vld [tilespmem:s6+$0x30]  }
0x1ce: {  	[tilespmem:s21+$0xEF60] =	vst v51;
	v8 =	vld [tilespmem:s6+$0x40]  }
0x1cf: {  	[tilespmem:s21+$0xEF70] =	vst v53;
	v9 =	vld [tilespmem:s6+$0x50]  }
0x1d0: {  	[tilespmem:s21+$0xEF80] =	vst v56;
	v10 =	vld [tilespmem:s6+$0x60]  }
0x1d1: {  	[tilespmem:s21+$0xEF90] =	vst v55;
	v4 =	vld [tilespmem:s6+$0x70];
	s7 =	spop (v2sf)  }
0x1d2: {  	[tilespmem:s21+$0xEFA0] =	vst v61;
	v5 =	vld [tilespmem:s7+$0x0]  }
0x1d3: {  	[tilespmem:s21+$0xEFB0] =	vst v26;
	v11 =	vld [tilespmem:s7+$0x10]  }
0x1d4: {  	[tilespmem:$0x1FB90] =	vst v22;
	v22 =	vld [tilespmem:s7+$0x20]  }
0x1d5: {  	[tilespmem:s21+$0xEFC0] =	vst v27;
	v23 =	vld [tilespmem:s7+$0x30]  }
0x1d6: {  	[tilespmem:s21+$0xEFD0] =	vst v28;
	v24 =	vld [tilespmem:s7+$0x40]  }
0x1d7: {  	[tilespmem:s21+$0xEFE0] =	vst v29;
	s6 =	sshll.u32 s22, $0xB;
	v25 =	vld [tilespmem:s7+$0x50]  }
0x1d8: {  	[tilespmem:s21+$0xEFF0] =	vst v30;
	s22 =	sand.u32 $0x3FFFF800, s6;
	v6 =	vld [tilespmem:s7+$0x60]  }
0x1d9: {  	v1 =	vld [tilespmem:s7+$0x70];
	[tilespmem:s22+$0xEC00] =	vst v31  }
0x1da: {  	v51 =	vld [tilespmem:$0x1FAE0];
	[tilespmem:s22+$0xEC10] =	vst v32  }
0x1db: {  	v53 =	vld [tilespmem:$0x1FAF0];
	[tilespmem:s22+$0xEC20] =	vst v34  }
0x1dc: {  	v7 =	vld [tilespmem:s31+$0x0];
	[tilespmem:s22+$0xEC30] =	vst v41  }
0x1dd: {  	v26 =	vld [tilespmem:s31+$0x10];
	[tilespmem:s22+$0xEC40] =	vst v43  }
0x1de: {  	v27 =	vld [tilespmem:s31+$0x20];
	[tilespmem:s22+$0xEC50] =	vst v45  }
0x1df: {  	v28 =	vld [tilespmem:s31+$0x30];
	[tilespmem:s22+$0xEC60] =	vst v46  }
0x1e0: {  	v29 =	vld [tilespmem:s31+$0x40];
	[tilespmem:s22+$0xEC70] =	vst v47  }
0x1e1: {  	v30 =	vld [tilespmem:s31+$0x50];
	[tilespmem:s22+$0xEC80] =	vst v48  }
0x1e2: {  	v55 =	vld [tilespmem:s30+$0x10];
	[tilespmem:s22+$0xEC90] =	vst v49  }
0x1e3: {  	v56 =	vld [tilespmem:s30+$0x20];
	[tilespmem:s22+$0xECA0] =	vst v50  }
0x1e4: {  	v61 =	vld [tilespmem:s30+$0x70];
	[tilespmem:s22+$0xECB0] =	vst v57  }
0x1e5: {  	v31 =	vld [tilespmem:s31+$0x60];
	[tilespmem:s22+$0xECC0] =	vst v58  }
0x1e6: {  	v32 =	vld [tilespmem:s31+$0x70];
	[tilespmem:s22+$0xECD0] =	vst v59  }
0x1e7: {  	v34 =	vld [tilespmem:s30+$0x0];
	[tilespmem:s22+$0xECE0] =	vst v60  }
0x1e8: {  	v57 =	vld [tilespmem:s30+$0x30];
	[tilespmem:s22+$0xECF0] =	vst v51  }
0x1e9: {  	v58 =	vld [tilespmem:s30+$0x40];
	[tilespmem:s22+$0xED00] =	vst v53  }
0x1ea: {  	v59 =	vld [tilespmem:s30+$0x50];
	[tilespmem:s22+$0xEDB0] =	vst v37  }
0x1eb: {  	v60 =	vld [tilespmem:s30+$0x60];
	[tilespmem:s22+$0xEDC0] =	vst v38  }
0x1ec: {  	v53 =	vld [tilespmem:s29+$0x0];
	[tilespmem:s22+$0xEDD0] =	vst v39  }
0x1ed: {  	v45 =	vld [tilespmem:$0x1FB00];
	[tilespmem:s22+$0xEDE0] =	vst v40  }
0x1ee: {  	v46 =	vld [tilespmem:$0x1FB10];
	[tilespmem:s22+$0xEDF0] =	vst v42  }
0x1ef: {  	v47 =	vld [tilespmem:$0x1FB20];
	[tilespmem:s22+$0xEE00] =	vst v44  }
0x1f0: {  	v48 =	vld [tilespmem:$0x1FB30];
	[tilespmem:s22+$0xEE10] =	vst v52  }
0x1f1: {  	v49 =	vld [tilespmem:$0x1FB40];
	[tilespmem:s22+$0xEE20] =	vst v54  }
0x1f2: {  	v50 =	vld [tilespmem:$0x1FB50];
	[tilespmem:s22+$0xEE30] =	vst v62  }
0x1f3: {  	v51 =	vld [tilespmem:$0x1FB60];
	[tilespmem:s22+$0xEE40] =	vst v63  }
0x1f4: {  	v41 =	vld [tilespmem:$0x1FB70];
	[tilespmem:s22+$0xEE50] =	vst v35  }
0x1f5: {  	v43 =	vld [tilespmem:s28+$0x0];
	[tilespmem:s22+$0xEE60] =	vst v36  }
0x1f6: {  	v37 =	vld [tilespmem:s28+$0x30];
	[tilespmem:s22+$0xEE70] =	vst v33  }
0x1f7: {  	v38 =	vld [tilespmem:s28+$0x40];
	[tilespmem:s22+$0xEE80] =	vst v12  }
0x1f8: {  	v39 =	vld [tilespmem:s28+$0x50];
	[tilespmem:s22+$0xEE90] =	vst v13  }
0x1f9: {  	v40 =	vld [tilespmem:s28+$0x60];
	[tilespmem:s22+$0xEEA0] =	vst v14  }
0x1fa: {  	v42 =	vld [tilespmem:s26+$0x0];
	[tilespmem:s22+$0xEEB0] =	vst v15  }
0x1fb: {  	v52 =	vld [tilespmem:s26+$0x10];
	[tilespmem:s22+$0xEEC0] =	vst v16  }
0x1fc: {  	v54 =	vld [tilespmem:s26+$0x30];
	[tilespmem:s22+$0xEED0] =	vst v17  }
0x1fd: {  	v63 =	vld [tilespmem:s26+$0x40];
	[tilespmem:s22+$0xEEE0] =	vst v18  }
0x1fe: {  	v62 =	vld [tilespmem:s26+$0x50];
	[tilespmem:s22+$0xEEF0] =	vst v2  }
0x1ff: {  	v36 =	vld [tilespmem:s26+$0x60];
	[tilespmem:s22+$0xEF00] =	vst v3  }
0x200: {  	v33 =	vld [tilespmem:s26+$0x70];
	[tilespmem:s22+$0xEF10] =	vst v19  }
0x201: {  	v12 =	vld [tilespmem:s25+$0x0];
	[tilespmem:s22+$0xEF20] =	vst v20  }
0x202: {  	v44 =	vld [tilespmem:s25+$0x20];
	[tilespmem:s22+$0xEF30] =	vst v21  }
0x203: {  	v16 =	vld [tilespmem:s25+$0x60];
	[tilespmem:s22+$0xEF40] =	vst v8  }
0x204: {  	v17 =	vld [tilespmem:s25+$0x70];
	[tilespmem:s22+$0xEF50] =	vst v9  }
0x205: {  	v18 =	vld [tilespmem:s24+$0x0];
	[tilespmem:s22+$0xEF60] =	vst v10  }
0x206: {  	v35 =	vld [tilespmem:s24+$0x10];
	[tilespmem:s22+$0xEF70] =	vst v4  }
0x207: {  	v13 =	vld [tilespmem:s24+$0x50];
	[tilespmem:s22+$0xED10] =	vst v45  }
0x208: {  	v14 =	vld [tilespmem:s24+$0x60];
	[tilespmem:s22+$0xED20] =	vst v46  }
0x209: {  	v15 =	vld [tilespmem:s24+$0x70];
	[tilespmem:s22+$0xED30] =	vst v47  }
0x20a: {  	v19 =	vld [tilespmem:s23+$0x30];
	[tilespmem:s22+$0xED40] =	vst v48  }
0x20b: {  	v20 =	vld [tilespmem:s23+$0x40];
	[tilespmem:s22+$0xED50] =	vst v49  }
0x20c: {  	v21 =	vld [tilespmem:s23+$0x50];
	[tilespmem:s22+$0xED60] =	vst v50  }
0x20d: {  	v8 =	vld [tilespmem:s23+$0x70];
	[tilespmem:s22+$0xED70] =	vst v51  }
0x20e: {  	v45 =	vld [tilespmem:s29+$0x10];
	[tilespmem:s22+$0xED80] =	vst v41  }
0x20f: {  	v46 =	vld [tilespmem:s29+$0x20];
	[tilespmem:$0x1FBC0] =	vst v42  }
0x210: {  	v47 =	vld [tilespmem:s29+$0x30];
	[tilespmem:$0x1FBD0] =	vst v52  }
0x211: {  	v48 =	vld [tilespmem:s29+$0x40];
	[tilespmem:$0x1FBF0] =	vst v54  }
0x212: {  	v49 =	vld [tilespmem:s29+$0x50];
	[tilespmem:$0x1FC00] =	vst v62  }
0x213: {  	v50 =	vld [tilespmem:s29+$0x60];
	[tilespmem:$0x1FC10] =	vst v36  }
0x214: {  	v51 =	vld [tilespmem:s29+$0x70];
	[tilespmem:$0x1FC30] =	vst v44  }
0x215: {  	(v2sf) =	vpush v0, $0x8;
	v41 =	vld [tilespmem:$0x1FB80];
	[tilespmem:$0x1FC70] =	vst v16  }
0x216: {  	v52 =	vld [tilespmem:s26+$0x20];
	[tilespmem:$0x1FC80] =	vst v17  }
0x217: {  	v42 =	vld [tilespmem:s25+$0x10];
	[tilespmem:$0x1FC90] =	vst v18  }
0x218: {  	v54 =	vld [tilespmem:s25+$0x40];
	[tilespmem:s22+$0xEF80] =	vst v5  }
0x219: {  	v62 =	vld [tilespmem:s25+$0x50];
	[tilespmem:s22+$0xEF90] =	vst v11  }
0x21a: {  	[tilespmem:s22+$0xED90] =	vst v41;
	v41 =	vld [tilespmem:s28+$0x10]  }
0x21b: {  	v36 =	vld [tilespmem:s24+$0x20];
	[tilespmem:s22+$0xEFA0] =	vst v22  }
0x21c: {  	v44 =	vld [tilespmem:s24+$0x40];
	[tilespmem:s22+$0xEFB0] =	vst v23  }
0x21d: {  	(v2sf) =	vpush v0, $0x9;
	v16 =	vld [tilespmem:s23+$0x0];
	[tilespmem:s22+$0xEFC0] =	vst v24  }
0x21e: {  	v17 =	vld [tilespmem:s23+$0x10];
	[tilespmem:s22+$0xEFD0] =	vst v25  }
0x21f: {  	[tilespmem:$0x1FBA0] =	vst v41;
	v41 =	vld [tilespmem:$0x1FB90]  }
0x220: {  	v18 =	vld [tilespmem:s23+$0x20];
	[tilespmem:s22+$0xEFE0] =	vst v6  }
0x221: {  	v22 =	vld [tilespmem:s23+$0x60];
	[tilespmem:s22+$0xEFF0] =	vst v1  }
0x222: {  	[tilespmem:$0x1FC20] =	vst v42;
	v42 =	vld [tilespmem:s24+$0x30]  }
0x223: {  	[tilespmem:$0x1FBE0] =	vst v52;
	v52 =	vld [tilespmem:s25+$0x30]  }
0x224: {  	s7 =	spop (v2sf);
	(v2sf) =	vpush v0, $0xA;
	[tilespmem:s22+$0xEDA0] =	vst v41;
	v41 =	vld [tilespmem:s28+$0x20]  }
0x225: {  	v2 =	vld [tilespmem:s7+$0x0]  }
0x226: {  	v3 =	vld [tilespmem:s7+$0x10]  }
0x227: {  	[tilespmem:$0x1FCC0] =	vst v42;
	v42 =	vld [tilespmem:s7+$0x20]  }
0x228: {  	[tilespmem:$0x1FCD0] =	vst v44;
	v44 =	vld [tilespmem:s7+$0x30]  }
0x229: {  	[tilespmem:$0x1FC40] =	vst v52;
	v52 =	vld [tilespmem:s7+$0x40]  }
0x22a: {  	[tilespmem:$0x1FC50] =	vst v54;
	v54 =	vld [tilespmem:s7+$0x50]  }
0x22b: {  	[tilespmem:$0x1FC60] =	vst v62;
	v62 =	vld [tilespmem:s7+$0x60]  }
0x22c: {  	s23 =	spop (v2sf);
	v1 =	vld [tilespmem:s7+$0x70]  }
0x22d: {  	v4 =	vld [tilespmem:s23+$0x0]  }
0x22e: {  	v5 =	vld [tilespmem:s23+$0x10]  }
0x22f: {  	v6 =	vld [tilespmem:s23+$0x20]  }
0x230: {  	v9 =	vld [tilespmem:s23+$0x40]  }
0x231: {  	v10 =	vld [tilespmem:s23+$0x50]  }
0x232: {  	v11 =	vld [tilespmem:s23+$0x60]  }
0x233: {  	v23 =	vld [tilespmem:s23+$0x70];
	s24 =	spop (v2sf)  }
0x234: {  	v24 =	vld [tilespmem:s24+$0x0]  }
0x235: {  	v25 =	vld [tilespmem:s24+$0x10]  }
0x236: {  	[tilespmem:$0x1FBB0] =	vst v41;
	v41 =	vld [tilespmem:s28+$0x70]  }
0x237: {  	[tilespmem:s21+$0xF000] =	vst v7;
	v7 =	vld [tilespmem:s23+$0x30]  }
0x238: {  	[tilespmem:s21+$0xF010] =	vst v26;
	v26 =	vld [tilespmem:s24+$0x20]  }
0x239: {  	[tilespmem:s21+$0xF020] =	vst v27;
	v27 =	vld [tilespmem:s24+$0x30]  }
0x23a: {  	[tilespmem:s21+$0xF030] =	vst v28;
	v28 =	vld [tilespmem:s24+$0x40]  }
0x23b: {  	[tilespmem:s21+$0xF040] =	vst v29;
	v29 =	vld [tilespmem:s24+$0x50]  }
0x23c: {  	(v2sf) =	vpush v0, $0xB;
	[tilespmem:s21+$0xF050] =	vst v30;
	v30 =	vld [tilespmem:s24+$0x60]  }
0x23d: {  	[tilespmem:s21+$0xF060] =	vst v31;
	v31 =	vld [tilespmem:s24+$0x70]  }
0x23e: {  	[tilespmem:s21+$0xF130] =	vst v47;
	v47 =	vld [tilespmem:$0x1FBA0]  }
0x23f: {  	[tilespmem:s21+$0xF150] =	vst v49;
	v49 =	vld [tilespmem:$0x1FBC0]  }
0x240: {  	[tilespmem:s21+$0xF160] =	vst v50;
	v50 =	vld [tilespmem:$0x1FBD0]  }
0x241: {  	[tilespmem:s21+$0xF170] =	vst v51;
	v51 =	vld [tilespmem:$0x1FBE0]  }
0x242: {  	[tilespmem:s21+$0xF100] =	vst v53;
	v53 =	vld [tilespmem:$0x1FBF0]  }
0x243: {  	[tilespmem:s21+$0xF090] =	vst v55;
	v55 =	vld [tilespmem:$0x1FC00]  }
0x244: {  	[tilespmem:s21+$0xF0A0] =	vst v56;
	v56 =	vld [tilespmem:$0x1FC10]  }
0x245: {  	[tilespmem:s21+$0xF0B0] =	vst v57;
	v57 =	vld [tilespmem:$0x1FC20]  }
0x246: {  	[tilespmem:s21+$0xF0C0] =	vst v58;
	v58 =	vld [tilespmem:$0x1FC30]  }
0x247: {  	[tilespmem:s21+$0xF0D0] =	vst v59;
	v59 =	vld [tilespmem:$0x1FC40]  }
0x248: {  	[tilespmem:s21+$0xF0E0] =	vst v60;
	v60 =	vld [tilespmem:$0x1FC50]  }
0x249: {  	[tilespmem:s21+$0xF0F0] =	vst v61;
	v61 =	vld [tilespmem:$0x1FC60]  }
0x24a: {  	(v2sf) =	vpush v0, $0xC;
	[tilespmem:s21+$0xF240] =	vst v63;
	v63 =	vld [tilespmem:$0x1FC70]  }
0x24b: {  	[tilespmem:s21+$0xF140] =	vst v48;
	v48 =	vld [tilespmem:$0x1FBB0];
	s25 =	spop (v2sf)  }
0x24c: {  	[tilespmem:s21+$0xF070] =	vst v32;
	v32 =	vld [tilespmem:s25+$0x0]  }
0x24d: {  	[tilespmem:s21+$0xF080] =	vst v34;
	v34 =	vld [tilespmem:s25+$0x10]  }
0x24e: {  	[tilespmem:$0x1FCA0] =	vst v35;
	v35 =	vld [tilespmem:s25+$0x20]  }
0x24f: {  	[tilespmem:$0x1FCB0] =	vst v36;
	v36 =	vld [tilespmem:s25+$0x30]  }
0x250: {  	[tilespmem:s21+$0xF1B0] =	vst v37;
	v37 =	vld [tilespmem:s25+$0x40]  }
0x251: {  	[tilespmem:s21+$0xF1C0] =	vst v38;
	v38 =	vld [tilespmem:s25+$0x50]  }
0x252: {  	(v2sf) =	vpush v0, $0xD;
	[tilespmem:s21+$0xF2C0] =	vst v60;
	v60 =	vld [tilespmem:$0x1FC80]  }
0x253: {  	[tilespmem:s21+$0xF2D0] =	vst v61;
	v61 =	vld [tilespmem:$0x1FC90]  }
0x254: {  	[tilespmem:s21+$0xF2E0] =	vst v63;
	v63 =	vld [tilespmem:$0x1FCA0]  }
0x255: {  	[tilespmem:s21+$0xF1D0] =	vst v39;
	v39 =	vld [tilespmem:s25+$0x60]  }
0x256: {  	[tilespmem:s21+$0xF1E0] =	vst v40;
	v40 =	vld [tilespmem:s25+$0x70]  }
0x257: {  	[tilespmem:s21+$0xF2F0] =	vst v60;
	v60 =	vld [tilespmem:$0x1FCB0]  }
0x258: {  	[tilespmem:s21+$0xF300] =	vst v61;
	v61 =	vld [tilespmem:$0x1FCC0]  }
0x259: {  	[tilespmem:s21+$0xF310] =	vst v63;
	v63 =	vld [tilespmem:$0x1FCD0];
	s26 =	spop (v2sf)  }
0x25a: {  	[tilespmem:s21+$0xF1F0] =	vst v41;
	(v2sf) =	vpush v0, $0xE;
	v41 =	vld [tilespmem:s26+$0x0]  }
0x25b: {  	[tilespmem:s21+$0xF180] =	vst v43;
	v43 =	vld [tilespmem:s26+$0x10]  }
0x25c: {  	[tilespmem:s21+$0xF110] =	vst v45;
	v45 =	vld [tilespmem:s26+$0x20]  }
0x25d: {  	[tilespmem:s21+$0xF120] =	vst v46;
	v46 =	vld [tilespmem:s26+$0x30]  }
0x25e: {  	[tilespmem:s21+$0xF190] =	vst v47;
	v47 =	vld [tilespmem:s26+$0x40]  }
0x25f: {  	[tilespmem:s21+$0xF1A0] =	vst v48;
	v48 =	vld [tilespmem:s26+$0x50]  }
0x260: {  	[tilespmem:s21+$0xF200] =	vst v49;
	v49 =	vld [tilespmem:s26+$0x60]  }
0x261: {  	[tilespmem:s21+$0xF270] =	vst v33;
	v33 =	vld [tilespmem:s26+$0x70];
	s28 =	spop (v2sf)  }
0x262: {  	[tilespmem:s21+$0xF280] =	vst v12;
	(v2sf) =	vpush v0, $0xF;
	v0 =	vld [tilespmem:s28+$0x0]  }
0x263: {  	[tilespmem:s21+$0xF350] =	vst v13;
	v12 =	vld [tilespmem:s28+$0x10]  }
0x264: {  	[tilespmem:s21+$0xF210] =	vst v50;
	v50 =	vld [tilespmem:s28+$0x20]  }
0x265: {  	[tilespmem:s21+$0xF220] =	vst v51;
	v51 =	vld [tilespmem:s28+$0x30]  }
0x266: {  	[tilespmem:s21+$0xF230] =	vst v53;
	v53 =	vld [tilespmem:s28+$0x40]  }
0x267: {  	[tilespmem:s21+$0xF250] =	vst v55;
	v55 =	vld [tilespmem:s28+$0x50]  }
0x268: {  	[tilespmem:s21+$0xF260] =	vst v56;
	v56 =	vld [tilespmem:s28+$0x60]  }
0x269: {  	[tilespmem:s21+$0xF290] =	vst v57;
	v57 =	vld [tilespmem:s28+$0x70];
	s29 =	spop (v2sf)  }
0x26a: {  	[tilespmem:s21+$0xF2A0] =	vst v58;
	v58 =	vld [tilespmem:s29+$0x0]  }
0x26b: {  	[tilespmem:s21+$0xF2B0] =	vst v59;
	v59 =	vld [tilespmem:s29+$0x10]  }
0x26c: {  	[tilespmem:s21+$0xF320] =	vst v60;
	v60 =	vld [tilespmem:s29+$0x20]  }
0x26d: {  	[tilespmem:s21+$0xF330] =	vst v61;
	v61 =	vld [tilespmem:s29+$0x30]  }
0x26e: {  	[tilespmem:s21+$0xF340] =	vst v63;
	v63 =	vld [tilespmem:s29+$0x40]  }
0x26f: {  	[tilespmem:s21+$0xF360] =	vst v14;
	v13 =	vld [tilespmem:s29+$0x50]  }
0x270: {  	[tilespmem:s21+$0xF370] =	vst v15;
	v14 =	vld [tilespmem:s29+$0x60]  }
0x271: {  	[tilespmem:s21+$0xF380] =	vst v16;
	v15 =	vld [tilespmem:s29+$0x70];
	s30 =	spop (v2sf)  }
0x272: {  	[tilespmem:s21+$0xF390] =	vst v17;
	v16 =	vld [tilespmem:s30+$0x0]  }
0x273: {  	[tilespmem:s21+$0xF3A0] =	vst v18;
	v17 =	vld [tilespmem:s30+$0x10]  }
0x274: {  	[tilespmem:s21+$0xF3B0] =	vst v19;
	v18 =	vld [tilespmem:s30+$0x20]  }
0x275: {  	[tilespmem:s21+$0xF3C0] =	vst v20;
	v19 =	vld [tilespmem:s30+$0x30]  }
0x276: {  	[tilespmem:s21+$0xF3D0] =	vst v21;
	v20 =	vld [tilespmem:s30+$0x40]  }
0x277: {  	[tilespmem:s21+$0xF3E0] =	vst v22;
	v21 =	vld [tilespmem:s30+$0x50]  }
0x278: {  	[tilespmem:s21+$0xF3F0] =	vst v8;
	v22 =	vld [tilespmem:s30+$0x60]  }
0x279: {  	v8 =	vld [tilespmem:s30+$0x70];
	[tilespmem:s22+$0xF000] =	vst v2  }
0x27a: {  	[tilespmem:s22+$0xF010] =	vst v3  }
0x27b: {  	[tilespmem:s22+$0xF020] =	vst v42  }
0x27c: {  	[tilespmem:s22+$0xF030] =	vst v44  }
0x27d: {  	[tilespmem:s22+$0xF040] =	vst v52  }
0x27e: {  	[tilespmem:s22+$0xF050] =	vst v54  }
0x27f: {  	[tilespmem:s22+$0xF060] =	vst v62  }
0x280: {  	[tilespmem:s22+$0xF070] =	vst v1  }
0x281: {  	[tilespmem:s22+$0xF080] =	vst v4  }
0x282: {  	[tilespmem:s22+$0xF090] =	vst v5  }
0x283: {  	[tilespmem:s22+$0xF0A0] =	vst v6  }
0x284: {  	[tilespmem:s22+$0xF0B0] =	vst v7  }
0x285: {  	[tilespmem:s22+$0xF0C0] =	vst v9  }
0x286: {  	[tilespmem:s22+$0xF0D0] =	vst v10  }
0x287: {  	[tilespmem:s22+$0xF0E0] =	vst v11  }
0x288: {  	[tilespmem:s22+$0xF0F0] =	vst v23  }
0x289: {  	[tilespmem:s22+$0xF100] =	vst v24  }
0x28a: {  	[tilespmem:s22+$0xF110] =	vst v25  }
0x28b: {  	[tilespmem:s22+$0xF120] =	vst v26  }
0x28c: {  	[tilespmem:s22+$0xF130] =	vst v27  }
0x28d: {  	[tilespmem:s22+$0xF140] =	vst v28  }
0x28e: {  	[tilespmem:s22+$0xF150] =	vst v29  }
0x28f: {  	[tilespmem:s22+$0xF160] =	vst v30  }
0x290: {  	[tilespmem:s22+$0xF170] =	vst v31  }
0x291: {  	[tilespmem:s22+$0xF180] =	vst v32  }
0x292: {  	[tilespmem:s22+$0xF190] =	vst v34  }
0x293: {  	[tilespmem:s22+$0xF1A0] =	vst v35  }
0x294: {  	[tilespmem:s22+$0xF1B0] =	vst v36  }
0x295: {  	[tilespmem:s22+$0xF1C0] =	vst v37  }
0x296: {  	[tilespmem:s22+$0xF1D0] =	vst v38  }
0x297: {  	[tilespmem:s22+$0xF1E0] =	vst v39  }
0x298: {  	[tilespmem:s22+$0xF1F0] =	vst v40  }
0x299: {  	[tilespmem:s22+$0xF200] =	vst v41  }
0x29a: {  	[tilespmem:s22+$0xF210] =	vst v43  }
0x29b: {  	[tilespmem:s22+$0xF220] =	vst v45  }
0x29c: {  	[tilespmem:s22+$0xF230] =	vst v46  }
0x29d: {  	[tilespmem:s22+$0xF240] =	vst v47  }
0x29e: {  	[tilespmem:s22+$0xF250] =	vst v48  }
0x29f: {  	[tilespmem:s22+$0xF260] =	vst v49  }
0x2a0: {  	[tilespmem:s22+$0xF270] =	vst v33  }
0x2a1: {  	[tilespmem:s22+$0xF280] =	vst v0  }
0x2a2: {  	[tilespmem:s22+$0xF290] =	vst v12  }
0x2a3: {  	[tilespmem:s22+$0xF2A0] =	vst v50  }
0x2a4: {  	[tilespmem:s22+$0xF2B0] =	vst v51  }
0x2a5: {  	[tilespmem:s22+$0xF2C0] =	vst v53  }
0x2a6: {  	[tilespmem:s22+$0xF2D0] =	vst v55  }
0x2a7: {  	[tilespmem:s22+$0xF2E0] =	vst v56  }
0x2a8: {  	[tilespmem:s22+$0xF2F0] =	vst v57  }
0x2a9: {  	[tilespmem:s22+$0xF300] =	vst v58  }
0x2aa: {  	[tilespmem:s22+$0xF310] =	vst v59  }
0x2ab: {  	[tilespmem:s22+$0xF320] =	vst v60  }
0x2ac: {  	[tilespmem:s22+$0xF330] =	vst v61  }
0x2ad: {  	[tilespmem:s22+$0xF340] =	vst v63  }
0x2ae: {  	[tilespmem:s22+$0xF350] =	vst v13  }
0x2af: {  	[tilespmem:s22+$0xF360] =	vst v14  }
0x2b0: {  	[tilespmem:s22+$0xF370] =	vst v15  }
0x2b1: {  	[tilespmem:s22+$0xF380] =	vst v16  }
0x2b2: {  	[tilespmem:s22+$0xF390] =	vst v17  }
0x2b3: {  	p0 =	slt.u32 s20, $0x16;
	[tilespmem:s22+$0xF3A0] =	vst v18  }
.Ltmp5:
0x2b4: {  	[tilespmem:s22+$0xF3B0] =	vst v19;
	(pc) =	sbr.rel @p0 .LBB2_7-.Ltmp5, $4  }
0x2b5: {  	[tilespmem:s22+$0xF3C0] =	vst v20  }
0x2b6: {  	[tilespmem:s22+$0xF3D0] =	vst v21  }
0x2b7: {  	s31 =	sadd.s32 $0x2, s20;
	[tilespmem:s22+$0xF3E0] =	vst v22  }
0x2b8: {  	s20 =	smov.u32 s31;
	[tilespmem:s22+$0xF3F0] =	vst v8  }
0x2b9: {  	v0 =	vld [tilespmem:$0x2380];
	_ =	sdelay $0x4  }
0x2ba: {  	(v2sf) =	vpush v0, $0x0;
	_ =	sdelay $0x7  }
0x2bb: {  	(v2sf) =	vpush v0, $0x1;
	_ =	sdelay $0x6  }
0x2bc: {  	s0 =	spop (v2sf)  }
0x2bd: {  	v1 =	vld [tilespmem:s0+$0x0]  }
0x2be: {  	(v2sf) =	vpush v0, $0x2;
	v63 =	vld [tilespmem:s0+$0x10]  }
0x2bf: {  	v3 =	vld [tilespmem:s0+$0x20]  }
0x2c0: {  	v4 =	vld [tilespmem:s0+$0x30]  }
0x2c1: {  	v5 =	vld [tilespmem:s0+$0x40]  }
0x2c2: {  	v6 =	vld [tilespmem:s0+$0x50]  }
0x2c3: {  	v7 =	vld [tilespmem:s0+$0x60]  }
0x2c4: {  	s1 =	spop (v2sf);
	v8 =	vld [tilespmem:s0+$0x70]  }
0x2c5: {  	v9 =	vld [tilespmem:s1+$0x0]  }
0x2c6: {  	(v2sf) =	vpush v0, $0x3;
	v10 =	vld [tilespmem:s1+$0x10]  }
0x2c7: {  	v11 =	vld [tilespmem:s1+$0x20]  }
0x2c8: {  	v12 =	vld [tilespmem:s1+$0x30]  }
0x2c9: {  	v13 =	vld [tilespmem:s1+$0x40]  }
0x2ca: {  	v14 =	vld [tilespmem:s1+$0x50]  }
0x2cb: {  	v15 =	vld [tilespmem:s1+$0x60]  }
0x2cc: {  	v16 =	vld [tilespmem:s1+$0x70];
	[tilespmem:$0x1F9C0] =	vst v1  }
0x2cd: {  	v2 =	vld [tilespmem:$0x1F9C0];
	s30 =	spop (v2sf)  }
0x2ce: {  	(v2sf) =	vpush v0, $0x4;
	v17 =	vld [tilespmem:s30+$0x0]  }
0x2cf: {  	v18 =	vld [tilespmem:s30+$0x10]  }
0x2d0: {  	v19 =	vld [tilespmem:s30+$0x20]  }
0x2d1: {  	v20 =	vld [tilespmem:s30+$0x30]  }
0x2d2: {  	v21 =	vld [tilespmem:s30+$0x40]  }
0x2d3: {  	v22 =	vld [tilespmem:s30+$0x50]  }
0x2d4: {  	v23 =	vld [tilespmem:s30+$0x60]  }
0x2d5: {  	s31 =	spop (v2sf);
	v24 =	vld [tilespmem:s30+$0x70]  }
0x2d6: {  	(v2sf) =	vpush v0, $0x5;
	v25 =	vld [tilespmem:s31+$0x0]  }
0x2d7: {  	v26 =	vld [tilespmem:s31+$0x10]  }
0x2d8: {  	v27 =	vld [tilespmem:s31+$0x20]  }
0x2d9: {  	v28 =	vld [tilespmem:s31+$0x30]  }
0x2da: {  	v29 =	vld [tilespmem:s31+$0x40]  }
0x2db: {  	v30 =	vld [tilespmem:s31+$0x50]  }
0x2dc: {  	v31 =	vld [tilespmem:s31+$0x60]  }
0x2dd: {  	v32 =	vld [tilespmem:s31+$0x70];
	s6 =	spop (v2sf)  }
0x2de: {  	(v2sf) =	vpush v0, $0x6;
	v33 =	vld [tilespmem:s6+$0x0]  }
0x2df: {  	v34 =	vld [tilespmem:s6+$0x10]  }
0x2e0: {  	v35 =	vld [tilespmem:s6+$0x20]  }
0x2e1: {  	v36 =	vld [tilespmem:s6+$0x30]  }
0x2e2: {  	v37 =	vld [tilespmem:s6+$0x40]  }
0x2e3: {  	v38 =	vld [tilespmem:s6+$0x50]  }
0x2e4: {  	v39 =	vld [tilespmem:s6+$0x60]  }
0x2e5: {  	s7 =	spop (v2sf);
	v40 =	vld [tilespmem:s6+$0x70]  }
0x2e6: {  	(v2sf) =	vpush v0, $0x7;
	v41 =	vld [tilespmem:s7+$0x0]  }
0x2e7: {  	v42 =	vld [tilespmem:s7+$0x10]  }
0x2e8: {  	v43 =	vld [tilespmem:s7+$0x20]  }
0x2e9: {  	v44 =	vld [tilespmem:s7+$0x30]  }
0x2ea: {  	v45 =	vld [tilespmem:s7+$0x40]  }
0x2eb: {  	v46 =	vld [tilespmem:s7+$0x50]  }
0x2ec: {  	v47 =	vld [tilespmem:s7+$0x60]  }
0x2ed: {  	v48 =	vld [tilespmem:s7+$0x70];
	s20 =	spop (v2sf)  }
0x2ee: {  	v49 =	vld [tilespmem:s20+$0x0]  }
0x2ef: {  	v50 =	vld [tilespmem:s20+$0x10]  }
0x2f0: {  	v51 =	vld [tilespmem:s20+$0x20]  }
0x2f1: {  	v52 =	vld [tilespmem:s20+$0x30]  }
0x2f2: {  	v53 =	vld [tilespmem:s20+$0x40]  }
0x2f3: {  	v54 =	vld [tilespmem:s20+$0x50]  }
0x2f4: {  	v55 =	vld [tilespmem:s20+$0x60]  }
0x2f5: {  	s21 =	spop (v2sf);
	v56 =	vld [tilespmem:s20+$0x70]  }
0x2f6: {  	v57 =	vld [tilespmem:s21+$0x0]  }
0x2f7: {  	v58 =	vld [tilespmem:s21+$0x10]  }
0x2f8: {  	v59 =	vld [tilespmem:s21+$0x20]  }
0x2f9: {  	v60 =	vld [tilespmem:s21+$0x30]  }
0x2fa: {  	v61 =	vld [tilespmem:s21+$0x40]  }
0x2fb: {  	v62 =	vld [tilespmem:s21+$0x50]  }
0x2fc: {  	[tilespmem:$0x1F9D0] =	vst v63;
	v63 =	vld [tilespmem:s21+$0x60]  }
0x2fd: {  	v1 =	vld [tilespmem:s21+$0x70];
	[tilespmem:$0x1AC00] =	vst v2  }
0x2fe: {  	[tilespmem:$0x1AC20] =	vst v3  }
0x2ff: {  	[tilespmem:$0x1AC30] =	vst v4  }
0x300: {  	[tilespmem:$0x1AC40] =	vst v5  }
0x301: {  	[tilespmem:$0x1AC50] =	vst v6  }
0x302: {  	[tilespmem:$0x1AC60] =	vst v7  }
0x303: {  	[tilespmem:$0x1AC70] =	vst v8  }
0x304: {  	[tilespmem:$0x1AC80] =	vst v9  }
0x305: {  	[tilespmem:$0x1AC90] =	vst v10  }
0x306: {  	[tilespmem:$0x1ACA0] =	vst v11  }
0x307: {  	[tilespmem:$0x1ACB0] =	vst v12  }
0x308: {  	[tilespmem:$0x1ACC0] =	vst v13  }
0x309: {  	[tilespmem:$0x1ACD0] =	vst v14  }
0x30a: {  	[tilespmem:$0x1ACE0] =	vst v15  }
0x30b: {  	[tilespmem:$0x1ACF0] =	vst v16  }
0x30c: {  	[tilespmem:$0x1AD00] =	vst v17  }
0x30d: {  	[tilespmem:$0x1AD10] =	vst v18  }
0x30e: {  	[tilespmem:$0x1AD20] =	vst v19  }
0x30f: {  	[tilespmem:$0x1AD30] =	vst v20  }
0x310: {  	[tilespmem:$0x1AD40] =	vst v21  }
0x311: {  	[tilespmem:$0x1AD50] =	vst v22  }
0x312: {  	[tilespmem:$0x1AD60] =	vst v23  }
0x313: {  	[tilespmem:$0x1AD70] =	vst v24  }
0x314: {  	[tilespmem:$0x1AD80] =	vst v25  }
0x315: {  	[tilespmem:$0x1AD90] =	vst v26  }
0x316: {  	[tilespmem:$0x1ADA0] =	vst v27  }
0x317: {  	[tilespmem:$0x1ADB0] =	vst v28  }
0x318: {  	[tilespmem:$0x1ADC0] =	vst v29  }
0x319: {  	[tilespmem:$0x1ADD0] =	vst v30  }
0x31a: {  	[tilespmem:$0x1ADE0] =	vst v31  }
0x31b: {  	[tilespmem:$0x1ADF0] =	vst v32  }
0x31c: {  	[tilespmem:$0x1AE00] =	vst v33  }
0x31d: {  	[tilespmem:$0x1AE10] =	vst v34  }
0x31e: {  	[tilespmem:$0x1AE20] =	vst v35  }
0x31f: {  	[tilespmem:$0x1AE30] =	vst v36  }
0x320: {  	[tilespmem:$0x1AE40] =	vst v37  }
0x321: {  	[tilespmem:$0x1AE50] =	vst v38  }
0x322: {  	[tilespmem:$0x1AE60] =	vst v39  }
0x323: {  	[tilespmem:$0x1AE70] =	vst v40  }
0x324: {  	[tilespmem:$0x1AE80] =	vst v41  }
0x325: {  	[tilespmem:$0x1AE90] =	vst v42  }
0x326: {  	[tilespmem:$0x1AEA0] =	vst v43  }
0x327: {  	[tilespmem:$0x1AEB0] =	vst v44  }
0x328: {  	[tilespmem:$0x1AEC0] =	vst v45  }
0x329: {  	[tilespmem:$0x1AED0] =	vst v46  }
0x32a: {  	[tilespmem:$0x1AEE0] =	vst v47  }
0x32b: {  	[tilespmem:$0x1AEF0] =	vst v48  }
0x32c: {  	[tilespmem:$0x1AF00] =	vst v49  }
0x32d: {  	(v2sf) =	vpush v0, $0x8;
	[tilespmem:$0x1AF10] =	vst v50  }
0x32e: {  	[tilespmem:$0x1AF20] =	vst v51  }
0x32f: {  	v2 =	vld [tilespmem:$0x1F9D0];
	[tilespmem:$0x1AF30] =	vst v52  }
0x330: {  	[tilespmem:$0x1AF40] =	vst v53  }
0x331: {  	[tilespmem:$0x1AF50] =	vst v54  }
0x332: {  	[tilespmem:$0x1AF60] =	vst v55  }
0x333: {  	[tilespmem:$0x1AF70] =	vst v56  }
0x334: {  	[tilespmem:$0x1AC10] =	vst v2  }
0x335: {  	(v2sf) =	vpush v0, $0x9;
	[tilespmem:$0x1AF80] =	vst v57  }
0x336: {  	[tilespmem:$0x1AF90] =	vst v58  }
0x337: {  	[tilespmem:$0x1AFA0] =	vst v59  }
0x338: {  	[tilespmem:$0x1AFB0] =	vst v60  }
0x339: {  	[tilespmem:$0x1AFC0] =	vst v61  }
0x33a: {  	[tilespmem:$0x1AFD0] =	vst v62  }
0x33b: {  	[tilespmem:$0x1AFE0] =	vst v63  }
0x33c: {  	[tilespmem:$0x1AFF0] =	vst v1;
	s22 =	spop (v2sf)  }
0x33d: {  	(v2sf) =	vpush v0, $0xA;
	v1 =	vld [tilespmem:s22+$0x0]  }
0x33e: {  	v2 =	vld [tilespmem:s22+$0x10]  }
0x33f: {  	v3 =	vld [tilespmem:s22+$0x20]  }
0x340: {  	v4 =	vld [tilespmem:s22+$0x30]  }
0x341: {  	v5 =	vld [tilespmem:s22+$0x40]  }
0x342: {  	v6 =	vld [tilespmem:s22+$0x50]  }
0x343: {  	v7 =	vld [tilespmem:s22+$0x60]  }
0x344: {  	s23 =	spop (v2sf);
	v8 =	vld [tilespmem:s22+$0x70]  }
0x345: {  	(v2sf) =	vpush v0, $0xB;
	v9 =	vld [tilespmem:s23+$0x0]  }
0x346: {  	v10 =	vld [tilespmem:s23+$0x10]  }
0x347: {  	v11 =	vld [tilespmem:s23+$0x20]  }
0x348: {  	v12 =	vld [tilespmem:s23+$0x30]  }
0x349: {  	v13 =	vld [tilespmem:s23+$0x40]  }
0x34a: {  	v14 =	vld [tilespmem:s23+$0x50]  }
0x34b: {  	v15 =	vld [tilespmem:s23+$0x60]  }
0x34c: {  	v16 =	vld [tilespmem:s23+$0x70];
	s24 =	spop (v2sf)  }
0x34d: {  	(v2sf) =	vpush v0, $0xC;
	v17 =	vld [tilespmem:s24+$0x0]  }
0x34e: {  	v18 =	vld [tilespmem:s24+$0x10]  }
0x34f: {  	v19 =	vld [tilespmem:s24+$0x20]  }
0x350: {  	v20 =	vld [tilespmem:s24+$0x30]  }
0x351: {  	v21 =	vld [tilespmem:s24+$0x40]  }
0x352: {  	v22 =	vld [tilespmem:s24+$0x50]  }
0x353: {  	v23 =	vld [tilespmem:s24+$0x60]  }
0x354: {  	s25 =	spop (v2sf);
	v24 =	vld [tilespmem:s24+$0x70]  }
0x355: {  	(v2sf) =	vpush v0, $0xD;
	v25 =	vld [tilespmem:s25+$0x0]  }
0x356: {  	v26 =	vld [tilespmem:s25+$0x10]  }
0x357: {  	v27 =	vld [tilespmem:s25+$0x20]  }
0x358: {  	v28 =	vld [tilespmem:s25+$0x30]  }
0x359: {  	v29 =	vld [tilespmem:s25+$0x40]  }
0x35a: {  	v30 =	vld [tilespmem:s25+$0x50]  }
0x35b: {  	v31 =	vld [tilespmem:s25+$0x60]  }
0x35c: {  	v32 =	vld [tilespmem:s25+$0x70];
	s26 =	spop (v2sf)  }
0x35d: {  	(v2sf) =	vpush v0, $0xE;
	v33 =	vld [tilespmem:s26+$0x0]  }
0x35e: {  	v34 =	vld [tilespmem:s26+$0x10]  }
0x35f: {  	v35 =	vld [tilespmem:s26+$0x20]  }
0x360: {  	v36 =	vld [tilespmem:s26+$0x30]  }
0x361: {  	v37 =	vld [tilespmem:s26+$0x40]  }
0x362: {  	v38 =	vld [tilespmem:s26+$0x50]  }
0x363: {  	v39 =	vld [tilespmem:s26+$0x60]  }
0x364: {  	s28 =	spop (v2sf);
	v40 =	vld [tilespmem:s26+$0x70]  }
0x365: {  	(v2sf) =	vpush v0, $0xF;
	v0 =	vld [tilespmem:s28+$0x0]  }
0x366: {  	v41 =	vld [tilespmem:s28+$0x10]  }
0x367: {  	v42 =	vld [tilespmem:s28+$0x20]  }
0x368: {  	v43 =	vld [tilespmem:s28+$0x30]  }
0x369: {  	v44 =	vld [tilespmem:s28+$0x40]  }
0x36a: {  	v45 =	vld [tilespmem:s28+$0x50]  }
0x36b: {  	v46 =	vld [tilespmem:s28+$0x60]  }
0x36c: {  	v47 =	vld [tilespmem:s28+$0x70];
	s29 =	spop (v2sf)  }
0x36d: {  	v48 =	vld [tilespmem:s29+$0x0]  }
0x36e: {  	v49 =	vld [tilespmem:s29+$0x10]  }
0x36f: {  	v50 =	vld [tilespmem:s29+$0x20]  }
0x370: {  	v51 =	vld [tilespmem:s29+$0x30]  }
0x371: {  	v52 =	vld [tilespmem:s29+$0x40]  }
0x372: {  	v53 =	vld [tilespmem:s29+$0x50]  }
0x373: {  	v54 =	vld [tilespmem:s29+$0x60]  }
0x374: {  	s30 =	spop (v2sf);
	v55 =	vld [tilespmem:s29+$0x70]  }
0x375: {  	v56 =	vld [tilespmem:s30+$0x0]  }
0x376: {  	v57 =	vld [tilespmem:s30+$0x10]  }
0x377: {  	v58 =	vld [tilespmem:s30+$0x20]  }
0x378: {  	v59 =	vld [tilespmem:s30+$0x30]  }
0x379: {  	v60 =	vld [tilespmem:s30+$0x40]  }
0x37a: {  	v61 =	vld [tilespmem:s30+$0x50]  }
0x37b: {  	v62 =	vld [tilespmem:s30+$0x60]  }
0x37c: {  	v63 =	vld [tilespmem:s30+$0x70];
	[tilespmem:$0x1B000] =	vst v1  }
0x37d: {  	[tilespmem:$0x1B010] =	vst v2  }
0x37e: {  	[tilespmem:$0x1B020] =	vst v3  }
0x37f: {  	[tilespmem:$0x1B030] =	vst v4  }
0x380: {  	[tilespmem:$0x1B040] =	vst v5  }
0x381: {  	[tilespmem:$0x1B050] =	vst v6  }
0x382: {  	[tilespmem:$0x1B060] =	vst v7  }
0x383: {  	[tilespmem:$0x1B070] =	vst v8  }
0x384: {  	[tilespmem:$0x1B080] =	vst v9  }
0x385: {  	[tilespmem:$0x1B090] =	vst v10  }
0x386: {  	[tilespmem:$0x1B0A0] =	vst v11  }
0x387: {  	[tilespmem:$0x1B0B0] =	vst v12  }
0x388: {  	[tilespmem:$0x1B0C0] =	vst v13  }
0x389: {  	[tilespmem:$0x1B0D0] =	vst v14  }
0x38a: {  	[tilespmem:$0x1B0E0] =	vst v15  }
0x38b: {  	[tilespmem:$0x1B0F0] =	vst v16  }
0x38c: {  	[tilespmem:$0x1B100] =	vst v17  }
0x38d: {  	[tilespmem:$0x1B110] =	vst v18  }
0x38e: {  	[tilespmem:$0x1B120] =	vst v19  }
0x38f: {  	[tilespmem:$0x1B130] =	vst v20  }
0x390: {  	[tilespmem:$0x1B140] =	vst v21  }
0x391: {  	[tilespmem:$0x1B150] =	vst v22  }
0x392: {  	[tilespmem:$0x1B160] =	vst v23  }
0x393: {  	[tilespmem:$0x1B170] =	vst v24  }
0x394: {  	[tilespmem:$0x1B180] =	vst v25  }
0x395: {  	[tilespmem:$0x1B190] =	vst v26  }
0x396: {  	[tilespmem:$0x1B1A0] =	vst v27  }
0x397: {  	[tilespmem:$0x1B1B0] =	vst v28  }
0x398: {  	[tilespmem:$0x1B1C0] =	vst v29  }
0x399: {  	[tilespmem:$0x1B1D0] =	vst v30  }
0x39a: {  	[tilespmem:$0x1B1E0] =	vst v31  }
0x39b: {  	[tilespmem:$0x1B1F0] =	vst v32  }
0x39c: {  	[tilespmem:$0x1B200] =	vst v33  }
0x39d: {  	[tilespmem:$0x1B210] =	vst v34  }
0x39e: {  	[tilespmem:$0x1B220] =	vst v35  }
0x39f: {  	[tilespmem:$0x1B230] =	vst v36  }
0x3a0: {  	[tilespmem:$0x1B240] =	vst v37  }
0x3a1: {  	[tilespmem:$0x1B250] =	vst v38  }
0x3a2: {  	[tilespmem:$0x1B260] =	vst v39  }
0x3a3: {  	[tilespmem:$0x1B270] =	vst v40  }
0x3a4: {  	[tilespmem:$0x1B280] =	vst v0  }
0x3a5: {  	[tilespmem:$0x1B290] =	vst v41  }
0x3a6: {  	[tilespmem:$0x1B2A0] =	vst v42  }
0x3a7: {  	[tilespmem:$0x1B2B0] =	vst v43  }
0x3a8: {  	[tilespmem:$0x1B2C0] =	vst v44  }
0x3a9: {  	[tilespmem:$0x1B2D0] =	vst v45  }
0x3aa: {  	[tilespmem:$0x1B2E0] =	vst v46  }
0x3ab: {  	[tilespmem:$0x1B2F0] =	vst v47  }
0x3ac: {  	[tilespmem:$0x1B300] =	vst v48  }
0x3ad: {  	[tilespmem:$0x1B310] =	vst v49  }
0x3ae: {  	[tilespmem:$0x1B320] =	vst v50  }
0x3af: {  	[tilespmem:$0x1B330] =	vst v51  }
0x3b0: {  	[tilespmem:$0x1B340] =	vst v52  }
0x3b1: {  	[tilespmem:$0x1B350] =	vst v53  }
0x3b2: {  	[tilespmem:$0x1B360] =	vst v54  }
0x3b3: {  	[tilespmem:$0x1B370] =	vst v55  }
0x3b4: {  	[tilespmem:$0x1B380] =	vst v56  }
0x3b5: {  	[tilespmem:$0x1B390] =	vst v57  }
0x3b6: {  	[tilespmem:$0x1B3A0] =	vst v58  }
0x3b7: {  	[tilespmem:$0x1B3B0] =	vst v59  }
.Ltmp6:
0x3b8: {  	[tilespmem:$0x1B3C0] =	vst v60;
	(pc) =	sbr.rel .LBB2_9-.Ltmp6, $4  }
0x3b9: {  	[tilespmem:$0x1B3D0] =	vst v61  }
0x3ba: {  	s31 =	sshll.u32 s19, $0x4;
	[tilespmem:$0x1B3E0] =	vst v62  }
0x3bb: {  	s0 =	sadd.s32 s2, s31;
	[tilespmem:$0x1B3F0] =	vst v63  }
0x3bc: {  	[hbm4b:s0+s3] =	stream.linear.scatter [tilespmem:s12], [sflag:$0x4], $0xC800, $0x38;
	[tilespmem:$0x1B400] =	vst v63  }
.LBB2_3:
0x3bd: {  	_ =	swait.ge [sflag:s15], $0x190;
	p0 =	seq.s32 s18, $0x18  }
0x3be: {  	[sflag:s15] =	ssyncset.done $0x0;
	s20 =	sshrl.u32 @!p0 s19, $0x3  }
0x3bf: {  	s21 =	simm.s32 @!p0 $0x0;
	s22 =	simm.s32 @!p0 $0x2200;
	s20 =	sadd.s32 @!p0 s5, s20  }
0x3c0: {  	p1 =	slt.u32 @!p0 s18, $0x2;
	[sflag:s15] =	ssyncadd.s32 $0xFFFFFE70;
	s20 =	sadd.s32 @!p0 $0x32, s20  }
0x3c1: {  	[tilespmem:s22], [sflag:$0x2] =	stream.linear.gather @!p0 [hbm4b:s20+s21], $0x190, $0x38;
	[tilespmem:$0x1B400] =	vst v63  }
0x3c2: {  	p0 =	por p0, !p1  }
0x3c3: {  	_ =	swait.ge @p0 [sflag:s13], $0xC800  }
0x3c4: {  	[sflag:s13] =	ssyncset.done @p0 $0x0  }
0x3c5: {  	s20 =	simm.s32 $0x0;
	[sflag:s13] =	ssyncadd.s32 @p0 $0xFFFF3800  }
.LBB2_4:
0x3c6: {  	s21 =	sshll.u32 s20, $0x4  }
0x3c7: {  	s21 =	sand.u32 $0x3FFFFFF0, s21  }
0x3c8: {  	v0 =	vld [tilespmem:s21+$0x2000];
	_ =	sdelay $0x4  }
0x3c9: {  	(v2sf) =	vpush v0, $0x0;
	_ =	sdelay $0x7  }
0x3ca: {  	(v2sf) =	vpush v0, $0x1;
	_ =	sdelay $0x6  }
0x3cb: {  	s24 =	spop (v2sf)  }
0x3cc: {  	(v2sf) =	vpush v0, $0x2;
	v2 =	vld [tilespmem:s24+$0x0]  }
0x3cd: {  	v6 =	vld [tilespmem:s24+$0x10]  }
0x3ce: {  	v7 =	vld [tilespmem:s24+$0x20]  }
0x3cf: {  	v9 =	vld [tilespmem:s24+$0x30]  }
0x3d0: {  	v10 =	vld [tilespmem:s24+$0x40]  }
0x3d1: {  	v11 =	vld [tilespmem:s24+$0x50]  }
0x3d2: {  	v12 =	vld [tilespmem:s24+$0x60]  }
0x3d3: {  	s22 =	spop (v2sf);
	v13 =	vld [tilespmem:s24+$0x70]  }
0x3d4: {  	(v2sf) =	vpush v0, $0x3;
	v14 =	vld [tilespmem:s22+$0x0]  }
0x3d5: {  	v15 =	vld [tilespmem:s22+$0x10]  }
0x3d6: {  	v16 =	vld [tilespmem:s22+$0x20]  }
0x3d7: {  	v17 =	vld [tilespmem:s22+$0x30]  }
0x3d8: {  	v18 =	vld [tilespmem:s22+$0x40]  }
0x3d9: {  	v19 =	vld [tilespmem:s22+$0x50]  }
0x3da: {  	v20 =	vld [tilespmem:s22+$0x60]  }
0x3db: {  	s25 =	spop (v2sf);
	v21 =	vld [tilespmem:s22+$0x70]  }
0x3dc: {  	v22 =	vld [tilespmem:s25+$0x0]  }
0x3dd: {  	(v2sf) =	vpush v0, $0x4;
	v27 =	vld [tilespmem:s25+$0x10]  }
0x3de: {  	v29 =	vld [tilespmem:s25+$0x20]  }
0x3df: {  	v33 =	vld [tilespmem:s25+$0x30]  }
0x3e0: {  	v34 =	vld [tilespmem:s25+$0x40]  }
0x3e1: {  	v35 =	vld [tilespmem:s25+$0x50]  }
0x3e2: {  	(v2sf) =	vpush v0, $0x5;
	v36 =	vld [tilespmem:s25+$0x60]  }
0x3e3: {  	(v2sf) =	vpush v0, $0x6;
	s26 =	spop (v2sf);
	v37 =	vld [tilespmem:s25+$0x70]  }
0x3e4: {  	(v2sf) =	vpush v0, $0x7;
	v38 =	vld [tilespmem:s26+$0x0]  }
0x3e5: {  	(v2sf) =	vpush v0, $0x8;
	v39 =	vld [tilespmem:s26+$0x10]  }
0x3e6: {  	v40 =	vld [tilespmem:s26+$0x20];
	(v2sf) =	vpush v0, $0x9  }
0x3e7: {  	v42 =	vld [tilespmem:s26+$0x30];
	(v2sf) =	vpush v0, $0xA  }
0x3e8: {  	v44 =	vld [tilespmem:s26+$0x40];
	(v2sf) =	vpush v0, $0xB  }
0x3e9: {  	s22 =	sor.u32 $0x1, s20;
	v52 =	vld [tilespmem:s26+$0x50];
	(v2sf) =	vpush v0, $0xC  }
0x3ea: {  	s7 =	sshll.u32 s22, $0x4;
	v54 =	vld [tilespmem:s26+$0x60];
	(v2sf) =	vpush v0, $0xD  }
0x3eb: {  	v62 =	vld [tilespmem:s26+$0x70];
	s21 =	sand.u32 $0x3FFFFFF0, s7;
	(v2sf) =	vpush v0, $0xE  }
0x3ec: {  	(v2sf) =	vpush v0, $0xF;
	v0 =	vld [tilespmem:s21+$0x2000];
	s28 =	spop (v2sf)  }
0x3ed: {  	v63 =	vld [tilespmem:s28+$0x0]  }
0x3ee: {  	v1 =	vld [tilespmem:s28+$0x10]  }
0x3ef: {  	v3 =	vld [tilespmem:s28+$0x20]  }
0x3f0: {  	v4 =	vld [tilespmem:s28+$0x30]  }
0x3f1: {  	v5 =	vld [tilespmem:s28+$0x40]  }
0x3f2: {  	v8 =	vld [tilespmem:s28+$0x50]  }
0x3f3: {  	v23 =	vld [tilespmem:s28+$0x60]  }
0x3f4: {  	s1 =	spop (v2sf);
	v24 =	vld [tilespmem:s28+$0x70]  }
0x3f5: {  	v30 =	vld [tilespmem:s1+$0x0]  }
0x3f6: {  	v43 =	vld [tilespmem:s1+$0x10]  }
0x3f7: {  	v32 =	vld [tilespmem:s1+$0x20]  }
0x3f8: {  	v41 =	vld [tilespmem:s1+$0x30]  }
0x3f9: {  	v26 =	vld [tilespmem:s1+$0x40]  }
0x3fa: {  	s0 =	spop (v2sf);
	v28 =	vld [tilespmem:s1+$0x50]  }
0x3fb: {  	v25 =	vld [tilespmem:s1+$0x60];
	s6 =	spop (v2sf)  }
0x3fc: {  	v60 =	vld [tilespmem:s6+$0x40]  }
0x3fd: {  	v31 =	vld [tilespmem:s1+$0x70]  }
0x3fe: {  	v46 =	vld [tilespmem:s0+$0x0]  }
0x3ff: {  	v45 =	vld [tilespmem:s0+$0x10]  }
0x400: {  	v47 =	vld [tilespmem:s0+$0x20]  }
0x401: {  	[tilespmem:$0x1FD10] =	vst v60;
	v60 =	vld [tilespmem:s6+$0x50]  }
0x402: {  	v49 =	vld [tilespmem:s0+$0x30]  }
0x403: {  	v48 =	vld [tilespmem:s0+$0x40]  }
0x404: {  	v50 =	vld [tilespmem:s0+$0x50]  }
0x405: {  	v57 =	vld [tilespmem:s6+$0x30]  }
0x406: {  	[tilespmem:$0x1FD20] =	vst v60;
	v60 =	vld [tilespmem:s6+$0x60]  }
0x407: {  	v51 =	vld [tilespmem:s0+$0x60]  }
0x408: {  	v53 =	vld [tilespmem:s0+$0x70]  }
0x409: {  	v56 =	vld [tilespmem:s6+$0x0]  }
0x40a: {  	s21 =	sshll.u32 s20, $0xB;
	v55 =	vld [tilespmem:s6+$0x10];
	[tilespmem:$0x1FD00] =	vst v57  }
0x40b: {  	s21 =	sand.u32 $0x3FFFF800, s21;
	v61 =	vld [tilespmem:s6+$0x20];
	[tilespmem:$0x1FD30] =	vst v60  }
0x40c: {  	(v2sf) =	vpush v0, $0x0;
	v60 =	vld [tilespmem:s6+$0x70];
	[tilespmem:s21+$0x2400] =	vst v2  }
0x40d: {  	[tilespmem:s21+$0x2410] =	vst v6  }
0x40e: {  	[tilespmem:s21+$0x2420] =	vst v7  }
0x40f: {  	[tilespmem:s21+$0x2430] =	vst v9  }
0x410: {  	[tilespmem:s21+$0x2440] =	vst v10  }
0x411: {  	[tilespmem:s21+$0x2450] =	vst v11  }
0x412: {  	[tilespmem:s21+$0x2460] =	vst v12  }
0x413: {  	s31 =	spop (v2sf);
	[tilespmem:s21+$0x2470] =	vst v13  }
0x414: {  	s30 =	spop (v2sf);
	(v2sf) =	vpush v0, $0x1;
	[tilespmem:s21+$0x2480] =	vst v14  }
0x415: {  	s29 =	spop (v2sf);
	[tilespmem:s21+$0x2490] =	vst v15  }
0x416: {  	s28 =	spop (v2sf);
	[tilespmem:s21+$0x24A0] =	vst v16  }
0x417: {  	s26 =	spop (v2sf);
	[tilespmem:s21+$0x24B0] =	vst v17  }
0x418: {  	s25 =	spop (v2sf);
	[tilespmem:s21+$0x24C0] =	vst v18  }
0x419: {  	s24 =	spop (v2sf);
	[tilespmem:s21+$0x24D0] =	vst v19  }
0x41a: {  	s23 =	spop (v2sf);
	[tilespmem:s21+$0x24E0] =	vst v20  }
0x41b: {  	s1 =	spop (v2sf);
	(v2sf) =	vpush v0, $0x2;
	[tilespmem:s21+$0x24F0] =	vst v21  }
0x41c: {  	[tilespmem:s21+$0x2500] =	vst v22  }
0x41d: {  	[tilespmem:s21+$0x2510] =	vst v27  }
0x41e: {  	v57 =	vld [tilespmem:s1+$0x20];
	[tilespmem:s21+$0x2520] =	vst v29  }
0x41f: {  	v58 =	vld [tilespmem:s1+$0x30];
	[tilespmem:s21+$0x2530] =	vst v33  }
0x420: {  	[tilespmem:s21+$0x2540] =	vst v34  }
0x421: {  	v59 =	vld [tilespmem:s1+$0x40];
	[tilespmem:s21+$0x2550] =	vst v35  }
0x422: {  	v6 =	vld [tilespmem:s1+$0x10];
	[tilespmem:s21+$0x2560] =	vst v36  }
0x423: {  	v7 =	vld [tilespmem:s1+$0x70];
	s7 =	spop (v2sf);
	[tilespmem:$0x1FD70] =	vst v57  }
0x424: {  	v9 =	vld [tilespmem:s7+$0x0];
	[tilespmem:$0x1FD80] =	vst v58  }
0x425: {  	[tilespmem:$0x1FD40] =	vst v60;
	v60 =	vld [tilespmem:s1+$0x0]  }
0x426: {  	v10 =	vld [tilespmem:s7+$0x10];
	[tilespmem:$0x1FD90] =	vst v59  }
0x427: {  	v11 =	vld [tilespmem:s7+$0x20];
	[tilespmem:$0x1FD60] =	vst v6  }
0x428: {  	v12 =	vld [tilespmem:s7+$0x70];
	[tilespmem:$0x1FDC0] =	vst v7  }
0x429: {  	v6 =	vld [tilespmem:s1+$0x60];
	[tilespmem:$0x1FDD0] =	vst v9  }
0x42a: {  	[tilespmem:$0x1FD50] =	vst v60;
	v60 =	vld [tilespmem:s1+$0x50];
	s6 =	spop (v2sf)  }
0x42b: {  	[tilespmem:$0x1FDE0] =	vst v10;
	v13 =	vld [tilespmem:s6+$0x0]  }
0x42c: {  	[tilespmem:$0x1FDF0] =	vst v11;
	v14 =	vld [tilespmem:s6+$0x10]  }
0x42d: {  	[tilespmem:$0x1FE00] =	vst v12;
	v15 =	vld [tilespmem:s6+$0x20]  }
0x42e: {  	[tilespmem:$0x1FDB0] =	vst v6;
	v16 =	vld [tilespmem:s6+$0x30]  }
0x42f: {  	v17 =	vld [tilespmem:s6+$0x40];
	[tilespmem:$0x1FDA0] =	vst v60  }
0x430: {  	v18 =	vld [tilespmem:s6+$0x50];
	[tilespmem:$0x1FE10] =	vst v13  }
0x431: {  	[tilespmem:$0x1FE20] =	vst v14  }
0x432: {  	v57 =	vld [tilespmem:s7+$0x30];
	[tilespmem:$0x1FE30] =	vst v15  }
0x433: {  	v58 =	vld [tilespmem:s7+$0x40];
	[tilespmem:$0x1FE40] =	vst v16  }
0x434: {  	(v2sf) =	vpush v0, $0x3;
	v59 =	vld [tilespmem:s7+$0x50];
	[tilespmem:$0x1FE50] =	vst v17  }
0x435: {  	(v2sf) =	vpush v0, $0x4;
	v60 =	vld [tilespmem:s7+$0x60];
	[tilespmem:$0x1FE60] =	vst v18  }
0x436: {  	v2 =	vld [tilespmem:s6+$0x60]  }
0x437: {  	v19 =	vld [tilespmem:s6+$0x70]  }
0x438: {  	[tilespmem:s21+$0x26C0] =	vst v26;
	v26 =	vld [tilespmem:$0x1FD00]  }
0x439: {  	v27 =	vld [tilespmem:$0x1FD10]  }
0x43a: {  	[tilespmem:s21+$0x26D0] =	vst v28;
	v28 =	vld [tilespmem:$0x1FD20]  }
0x43b: {  	v29 =	vld [tilespmem:$0x1FD30]  }
0x43c: {  	[tilespmem:s21+$0x2680] =	vst v30;
	v30 =	vld [tilespmem:$0x1FD40]  }
0x43d: {  	[tilespmem:s21+$0x26F0] =	vst v31;
	v31 =	vld [tilespmem:$0x1FD50]  }
0x43e: {  	[tilespmem:s21+$0x26A0] =	vst v32;
	v32 =	vld [tilespmem:$0x1FD60]  }
0x43f: {  	v34 =	vld [tilespmem:$0x1FD70]  }
0x440: {  	[tilespmem:s21+$0x26B0] =	vst v41;
	v41 =	vld [tilespmem:$0x1FD80]  }
0x441: {  	[tilespmem:s21+$0x2690] =	vst v43;
	v43 =	vld [tilespmem:$0x1FD90]  }
0x442: {  	[tilespmem:s21+$0x2710] =	vst v45;
	v45 =	vld [tilespmem:$0x1FDA0]  }
0x443: {  	[tilespmem:s21+$0x2700] =	vst v46;
	v46 =	vld [tilespmem:$0x1FDB0]  }
0x444: {  	[tilespmem:s21+$0x2720] =	vst v47;
	v47 =	vld [tilespmem:$0x1FDC0]  }
0x445: {  	[tilespmem:s21+$0x2740] =	vst v48;
	v48 =	vld [tilespmem:$0x1FDD0]  }
0x446: {  	[tilespmem:s21+$0x2730] =	vst v49;
	v49 =	vld [tilespmem:$0x1FDE0]  }
0x447: {  	s7 =	spop (v2sf);
	[tilespmem:s21+$0x2750] =	vst v50;
	v50 =	vld [tilespmem:$0x1FDF0]  }
0x448: {  	(v2sf) =	vpush v0, $0x5;
	v20 =	vld [tilespmem:s7+$0x0]  }
0x449: {  	v21 =	vld [tilespmem:s7+$0x10]  }
0x44a: {  	v22 =	vld [tilespmem:s7+$0x20]  }
0x44b: {  	[tilespmem:s21+$0x2570] =	vst v37;
	v37 =	vld [tilespmem:s7+$0x30]  }
0x44c: {  	[tilespmem:s21+$0x2580] =	vst v38;
	v38 =	vld [tilespmem:s7+$0x40]  }
0x44d: {  	[tilespmem:s21+$0x2590] =	vst v39;
	v39 =	vld [tilespmem:s7+$0x50]  }
0x44e: {  	[tilespmem:s21+$0x25A0] =	vst v40;
	v40 =	vld [tilespmem:s7+$0x60]  }
0x44f: {  	[tilespmem:s21+$0x25B0] =	vst v42;
	v42 =	vld [tilespmem:s7+$0x70];
	s6 =	spop (v2sf)  }
0x450: {  	[tilespmem:s21+$0x25C0] =	vst v44;
	(v2sf) =	vpush v0, $0x6;
	v44 =	vld [tilespmem:s6+$0x0]  }
0x451: {  	[tilespmem:s21+$0x25D0] =	vst v52;
	v52 =	vld [tilespmem:s6+$0x10]  }
0x452: {  	[tilespmem:s21+$0x25E0] =	vst v54;
	v54 =	vld [tilespmem:s6+$0x20]  }
0x453: {  	[tilespmem:s21+$0x25F0] =	vst v62;
	v62 =	vld [tilespmem:s6+$0x30]  }
0x454: {  	[tilespmem:s21+$0x2600] =	vst v63;
	v63 =	vld [tilespmem:s6+$0x40]  }
0x455: {  	v35 =	vld [tilespmem:s6+$0x50]  }
0x456: {  	v36 =	vld [tilespmem:s6+$0x60]  }
0x457: {  	v33 =	vld [tilespmem:s6+$0x70];
	s7 =	spop (v2sf)  }
0x458: {  	[tilespmem:s21+$0x2610] =	vst v1;
	(v2sf) =	vpush v0, $0x7;
	v12 =	vld [tilespmem:s7+$0x0]  }
0x459: {  	[tilespmem:s21+$0x2620] =	vst v3;
	v13 =	vld [tilespmem:s7+$0x10]  }
0x45a: {  	[tilespmem:s21+$0x2630] =	vst v4;
	v14 =	vld [tilespmem:s7+$0x20]  }
0x45b: {  	[tilespmem:s21+$0x2640] =	vst v5;
	v15 =	vld [tilespmem:s7+$0x30]  }
0x45c: {  	[tilespmem:s21+$0x2650] =	vst v8;
	v16 =	vld [tilespmem:s7+$0x40]  }
0x45d: {  	[tilespmem:s21+$0x2660] =	vst v23;
	v17 =	vld [tilespmem:s7+$0x50]  }
0x45e: {  	[tilespmem:s21+$0x2670] =	vst v24;
	v18 =	vld [tilespmem:s7+$0x60]  }
0x45f: {  	[tilespmem:$0x1FE70] =	vst v2;
	v2 =	vld [tilespmem:s7+$0x70];
	s6 =	spop (v2sf)  }
0x460: {  	[tilespmem:s21+$0x26E0] =	vst v25;
	v3 =	vld [tilespmem:s6+$0x0]  }
0x461: {  	[tilespmem:$0x1FE80] =	vst v19;
	v19 =	vld [tilespmem:s6+$0x10]  }
0x462: {  	[tilespmem:$0x1FE90] =	vst v20;
	v20 =	vld [tilespmem:s6+$0x20]  }
0x463: {  	[tilespmem:$0x1FEA0] =	vst v21;
	v21 =	vld [tilespmem:s6+$0x30]  }
0x464: {  	[tilespmem:s21+$0x2760] =	vst v51;
	v8 =	vld [tilespmem:s6+$0x40]  }
0x465: {  	[tilespmem:s21+$0x2770] =	vst v53;
	v9 =	vld [tilespmem:s6+$0x50]  }
0x466: {  	[tilespmem:s21+$0x2780] =	vst v56;
	v10 =	vld [tilespmem:s6+$0x60]  }
0x467: {  	[tilespmem:s21+$0x2790] =	vst v55;
	v4 =	vld [tilespmem:s6+$0x70];
	s7 =	spop (v2sf)  }
0x468: {  	[tilespmem:s21+$0x27A0] =	vst v61;
	v5 =	vld [tilespmem:s7+$0x0]  }
0x469: {  	[tilespmem:s21+$0x27B0] =	vst v26;
	v11 =	vld [tilespmem:s7+$0x10]  }
0x46a: {  	[tilespmem:$0x1FEB0] =	vst v22;
	v22 =	vld [tilespmem:s7+$0x20]  }
0x46b: {  	[tilespmem:s21+$0x27C0] =	vst v27;
	v23 =	vld [tilespmem:s7+$0x30]  }
0x46c: {  	[tilespmem:s21+$0x27D0] =	vst v28;
	v24 =	vld [tilespmem:s7+$0x40]  }
0x46d: {  	[tilespmem:s21+$0x27E0] =	vst v29;
	s6 =	sshll.u32 s22, $0xB;
	v25 =	vld [tilespmem:s7+$0x50]  }
0x46e: {  	[tilespmem:s21+$0x27F0] =	vst v30;
	s22 =	sand.u32 $0x3FFFF800, s6;
	v6 =	vld [tilespmem:s7+$0x60]  }
0x46f: {  	v1 =	vld [tilespmem:s7+$0x70];
	[tilespmem:s22+$0x2400] =	vst v31  }
0x470: {  	v51 =	vld [tilespmem:$0x1FE00];
	[tilespmem:s22+$0x2410] =	vst v32  }
0x471: {  	v53 =	vld [tilespmem:$0x1FE10];
	[tilespmem:s22+$0x2420] =	vst v34  }
0x472: {  	v7 =	vld [tilespmem:s31+$0x0];
	[tilespmem:s22+$0x2430] =	vst v41  }
0x473: {  	v26 =	vld [tilespmem:s31+$0x10];
	[tilespmem:s22+$0x2440] =	vst v43  }
0x474: {  	v27 =	vld [tilespmem:s31+$0x20];
	[tilespmem:s22+$0x2450] =	vst v45  }
0x475: {  	v28 =	vld [tilespmem:s31+$0x30];
	[tilespmem:s22+$0x2460] =	vst v46  }
0x476: {  	v29 =	vld [tilespmem:s31+$0x40];
	[tilespmem:s22+$0x2470] =	vst v47  }
0x477: {  	v30 =	vld [tilespmem:s31+$0x50];
	[tilespmem:s22+$0x2480] =	vst v48  }
0x478: {  	v55 =	vld [tilespmem:s30+$0x10];
	[tilespmem:s22+$0x2490] =	vst v49  }
0x479: {  	v56 =	vld [tilespmem:s30+$0x20];
	[tilespmem:s22+$0x24A0] =	vst v50  }
0x47a: {  	v61 =	vld [tilespmem:s30+$0x70];
	[tilespmem:s22+$0x24B0] =	vst v57  }
0x47b: {  	v31 =	vld [tilespmem:s31+$0x60];
	[tilespmem:s22+$0x24C0] =	vst v58  }
0x47c: {  	v32 =	vld [tilespmem:s31+$0x70];
	[tilespmem:s22+$0x24D0] =	vst v59  }
0x47d: {  	v34 =	vld [tilespmem:s30+$0x0];
	[tilespmem:s22+$0x24E0] =	vst v60  }
0x47e: {  	v57 =	vld [tilespmem:s30+$0x30];
	[tilespmem:s22+$0x24F0] =	vst v51  }
0x47f: {  	v58 =	vld [tilespmem:s30+$0x40];
	[tilespmem:s22+$0x2500] =	vst v53  }
0x480: {  	v59 =	vld [tilespmem:s30+$0x50];
	[tilespmem:s22+$0x25B0] =	vst v37  }
0x481: {  	v60 =	vld [tilespmem:s30+$0x60];
	[tilespmem:s22+$0x25C0] =	vst v38  }
0x482: {  	v53 =	vld [tilespmem:s29+$0x0];
	[tilespmem:s22+$0x25D0] =	vst v39  }
0x483: {  	v45 =	vld [tilespmem:$0x1FE20];
	[tilespmem:s22+$0x25E0] =	vst v40  }
0x484: {  	v46 =	vld [tilespmem:$0x1FE30];
	[tilespmem:s22+$0x25F0] =	vst v42  }
0x485: {  	v47 =	vld [tilespmem:$0x1FE40];
	[tilespmem:s22+$0x2600] =	vst v44  }
0x486: {  	v48 =	vld [tilespmem:$0x1FE50];
	[tilespmem:s22+$0x2610] =	vst v52  }
0x487: {  	v49 =	vld [tilespmem:$0x1FE60];
	[tilespmem:s22+$0x2620] =	vst v54  }
0x488: {  	v50 =	vld [tilespmem:$0x1FE70];
	[tilespmem:s22+$0x2630] =	vst v62  }
0x489: {  	v51 =	vld [tilespmem:$0x1FE80];
	[tilespmem:s22+$0x2640] =	vst v63  }
0x48a: {  	v41 =	vld [tilespmem:$0x1FE90];
	[tilespmem:s22+$0x2650] =	vst v35  }
0x48b: {  	v43 =	vld [tilespmem:s28+$0x0];
	[tilespmem:s22+$0x2660] =	vst v36  }
0x48c: {  	v37 =	vld [tilespmem:s28+$0x30];
	[tilespmem:s22+$0x2670] =	vst v33  }
0x48d: {  	v38 =	vld [tilespmem:s28+$0x40];
	[tilespmem:s22+$0x2680] =	vst v12  }
0x48e: {  	v39 =	vld [tilespmem:s28+$0x50];
	[tilespmem:s22+$0x2690] =	vst v13  }
0x48f: {  	v40 =	vld [tilespmem:s28+$0x60];
	[tilespmem:s22+$0x26A0] =	vst v14  }
0x490: {  	v42 =	vld [tilespmem:s26+$0x0];
	[tilespmem:s22+$0x26B0] =	vst v15  }
0x491: {  	v52 =	vld [tilespmem:s26+$0x10];
	[tilespmem:s22+$0x26C0] =	vst v16  }
0x492: {  	v54 =	vld [tilespmem:s26+$0x30];
	[tilespmem:s22+$0x26D0] =	vst v17  }
0x493: {  	v63 =	vld [tilespmem:s26+$0x40];
	[tilespmem:s22+$0x26E0] =	vst v18  }
0x494: {  	v62 =	vld [tilespmem:s26+$0x50];
	[tilespmem:s22+$0x26F0] =	vst v2  }
0x495: {  	v36 =	vld [tilespmem:s26+$0x60];
	[tilespmem:s22+$0x2700] =	vst v3  }
0x496: {  	v33 =	vld [tilespmem:s26+$0x70];
	[tilespmem:s22+$0x2710] =	vst v19  }
0x497: {  	v12 =	vld [tilespmem:s25+$0x0];
	[tilespmem:s22+$0x2720] =	vst v20  }
0x498: {  	v44 =	vld [tilespmem:s25+$0x20];
	[tilespmem:s22+$0x2730] =	vst v21  }
0x499: {  	v16 =	vld [tilespmem:s25+$0x60];
	[tilespmem:s22+$0x2740] =	vst v8  }
0x49a: {  	v17 =	vld [tilespmem:s25+$0x70];
	[tilespmem:s22+$0x2750] =	vst v9  }
0x49b: {  	v18 =	vld [tilespmem:s24+$0x0];
	[tilespmem:s22+$0x2760] =	vst v10  }
0x49c: {  	v35 =	vld [tilespmem:s24+$0x10];
	[tilespmem:s22+$0x2770] =	vst v4  }
0x49d: {  	v13 =	vld [tilespmem:s24+$0x50];
	[tilespmem:s22+$0x2510] =	vst v45  }
0x49e: {  	v14 =	vld [tilespmem:s24+$0x60];
	[tilespmem:s22+$0x2520] =	vst v46  }
0x49f: {  	v15 =	vld [tilespmem:s24+$0x70];
	[tilespmem:s22+$0x2530] =	vst v47  }
0x4a0: {  	v19 =	vld [tilespmem:s23+$0x30];
	[tilespmem:s22+$0x2540] =	vst v48  }
0x4a1: {  	v20 =	vld [tilespmem:s23+$0x40];
	[tilespmem:s22+$0x2550] =	vst v49  }
0x4a2: {  	v21 =	vld [tilespmem:s23+$0x50];
	[tilespmem:s22+$0x2560] =	vst v50  }
0x4a3: {  	v8 =	vld [tilespmem:s23+$0x70];
	[tilespmem:s22+$0x2570] =	vst v51  }
0x4a4: {  	v45 =	vld [tilespmem:s29+$0x10];
	[tilespmem:s22+$0x2580] =	vst v41  }
0x4a5: {  	v46 =	vld [tilespmem:s29+$0x20];
	[tilespmem:$0x1FEE0] =	vst v42  }
0x4a6: {  	v47 =	vld [tilespmem:s29+$0x30];
	[tilespmem:$0x1FEF0] =	vst v52  }
0x4a7: {  	v48 =	vld [tilespmem:s29+$0x40];
	[tilespmem:$0x1FF10] =	vst v54  }
0x4a8: {  	v49 =	vld [tilespmem:s29+$0x50];
	[tilespmem:$0x1FF20] =	vst v62  }
0x4a9: {  	v50 =	vld [tilespmem:s29+$0x60];
	[tilespmem:$0x1FF30] =	vst v36  }
0x4aa: {  	v51 =	vld [tilespmem:s29+$0x70];
	[tilespmem:$0x1FF50] =	vst v44  }
0x4ab: {  	(v2sf) =	vpush v0, $0x8;
	v41 =	vld [tilespmem:$0x1FEA0];
	[tilespmem:$0x1FF90] =	vst v16  }
0x4ac: {  	v52 =	vld [tilespmem:s26+$0x20];
	[tilespmem:$0x1FFA0] =	vst v17  }
0x4ad: {  	v42 =	vld [tilespmem:s25+$0x10];
	[tilespmem:$0x1FFB0] =	vst v18  }
0x4ae: {  	v54 =	vld [tilespmem:s25+$0x40];
	[tilespmem:s22+$0x2780] =	vst v5  }
0x4af: {  	v62 =	vld [tilespmem:s25+$0x50];
	[tilespmem:s22+$0x2790] =	vst v11  }
0x4b0: {  	[tilespmem:s22+$0x2590] =	vst v41;
	v41 =	vld [tilespmem:s28+$0x10]  }
0x4b1: {  	v36 =	vld [tilespmem:s24+$0x20];
	[tilespmem:s22+$0x27A0] =	vst v22  }
0x4b2: {  	v44 =	vld [tilespmem:s24+$0x40];
	[tilespmem:s22+$0x27B0] =	vst v23  }
0x4b3: {  	(v2sf) =	vpush v0, $0x9;
	v16 =	vld [tilespmem:s23+$0x0];
	[tilespmem:s22+$0x27C0] =	vst v24  }
0x4b4: {  	v17 =	vld [tilespmem:s23+$0x10];
	[tilespmem:s22+$0x27D0] =	vst v25  }
0x4b5: {  	[tilespmem:$0x1FEC0] =	vst v41;
	v41 =	vld [tilespmem:$0x1FEB0]  }
0x4b6: {  	v18 =	vld [tilespmem:s23+$0x20];
	[tilespmem:s22+$0x27E0] =	vst v6  }
0x4b7: {  	v22 =	vld [tilespmem:s23+$0x60];
	[tilespmem:s22+$0x27F0] =	vst v1  }
0x4b8: {  	[tilespmem:$0x1FF40] =	vst v42;
	v42 =	vld [tilespmem:s24+$0x30]  }
0x4b9: {  	[tilespmem:$0x1FF00] =	vst v52;
	v52 =	vld [tilespmem:s25+$0x30]  }
0x4ba: {  	s7 =	spop (v2sf);
	(v2sf) =	vpush v0, $0xA;
	[tilespmem:s22+$0x25A0] =	vst v41;
	v41 =	vld [tilespmem:s28+$0x20]  }
0x4bb: {  	v2 =	vld [tilespmem:s7+$0x0]  }
0x4bc: {  	v3 =	vld [tilespmem:s7+$0x10]  }
0x4bd: {  	[tilespmem:$0x1FFE0] =	vst v42;
	v42 =	vld [tilespmem:s7+$0x20]  }
0x4be: {  	[tilespmem:$0x1FFF0] =	vst v44;
	v44 =	vld [tilespmem:s7+$0x30]  }
0x4bf: {  	[tilespmem:$0x1FF60] =	vst v52;
	v52 =	vld [tilespmem:s7+$0x40]  }
0x4c0: {  	[tilespmem:$0x1FF70] =	vst v54;
	v54 =	vld [tilespmem:s7+$0x50]  }
0x4c1: {  	[tilespmem:$0x1FF80] =	vst v62;
	v62 =	vld [tilespmem:s7+$0x60]  }
0x4c2: {  	s23 =	spop (v2sf);
	v1 =	vld [tilespmem:s7+$0x70]  }
0x4c3: {  	v4 =	vld [tilespmem:s23+$0x0]  }
0x4c4: {  	v5 =	vld [tilespmem:s23+$0x10]  }
0x4c5: {  	v6 =	vld [tilespmem:s23+$0x20]  }
0x4c6: {  	v9 =	vld [tilespmem:s23+$0x40]  }
0x4c7: {  	v10 =	vld [tilespmem:s23+$0x50]  }
0x4c8: {  	v11 =	vld [tilespmem:s23+$0x60]  }
0x4c9: {  	v23 =	vld [tilespmem:s23+$0x70];
	s24 =	spop (v2sf)  }
0x4ca: {  	v24 =	vld [tilespmem:s24+$0x0]  }
0x4cb: {  	v25 =	vld [tilespmem:s24+$0x10]  }
0x4cc: {  	[tilespmem:$0x1FED0] =	vst v41;
	v41 =	vld [tilespmem:s28+$0x70]  }
0x4cd: {  	[tilespmem:s21+$0x2800] =	vst v7;
	v7 =	vld [tilespmem:s23+$0x30]  }
0x4ce: {  	[tilespmem:s21+$0x2810] =	vst v26;
	v26 =	vld [tilespmem:s24+$0x20]  }
0x4cf: {  	[tilespmem:s21+$0x2820] =	vst v27;
	v27 =	vld [tilespmem:s24+$0x30]  }
0x4d0: {  	[tilespmem:s21+$0x2830] =	vst v28;
	v28 =	vld [tilespmem:s24+$0x40]  }
0x4d1: {  	[tilespmem:s21+$0x2840] =	vst v29;
	v29 =	vld [tilespmem:s24+$0x50]  }
0x4d2: {  	(v2sf) =	vpush v0, $0xB;
	[tilespmem:s21+$0x2850] =	vst v30;
	v30 =	vld [tilespmem:s24+$0x60]  }
0x4d3: {  	[tilespmem:s21+$0x2860] =	vst v31;
	v31 =	vld [tilespmem:s24+$0x70]  }
0x4d4: {  	[tilespmem:s21+$0x2930] =	vst v47;
	v47 =	vld [tilespmem:$0x1FEC0]  }
0x4d5: {  	[tilespmem:s21+$0x2950] =	vst v49;
	v49 =	vld [tilespmem:$0x1FEE0]  }
0x4d6: {  	[tilespmem:s21+$0x2960] =	vst v50;
	v50 =	vld [tilespmem:$0x1FEF0]  }
0x4d7: {  	[tilespmem:s21+$0x2970] =	vst v51;
	v51 =	vld [tilespmem:$0x1FF00]  }
0x4d8: {  	[tilespmem:s21+$0x2900] =	vst v53;
	v53 =	vld [tilespmem:$0x1FF10]  }
0x4d9: {  	[tilespmem:s21+$0x2890] =	vst v55;
	v55 =	vld [tilespmem:$0x1FF20]  }
0x4da: {  	[tilespmem:s21+$0x28A0] =	vst v56;
	v56 =	vld [tilespmem:$0x1FF30]  }
0x4db: {  	[tilespmem:s21+$0x28B0] =	vst v57;
	v57 =	vld [tilespmem:$0x1FF40]  }
0x4dc: {  	[tilespmem:s21+$0x28C0] =	vst v58;
	v58 =	vld [tilespmem:$0x1FF50]  }
0x4dd: {  	[tilespmem:s21+$0x28D0] =	vst v59;
	v59 =	vld [tilespmem:$0x1FF60]  }
0x4de: {  	[tilespmem:s21+$0x28E0] =	vst v60;
	v60 =	vld [tilespmem:$0x1FF70]  }
0x4df: {  	[tilespmem:s21+$0x28F0] =	vst v61;
	v61 =	vld [tilespmem:$0x1FF80]  }
0x4e0: {  	(v2sf) =	vpush v0, $0xC;
	[tilespmem:s21+$0x2A40] =	vst v63;
	v63 =	vld [tilespmem:$0x1FF90]  }
0x4e1: {  	[tilespmem:s21+$0x2940] =	vst v48;
	v48 =	vld [tilespmem:$0x1FED0];
	s25 =	spop (v2sf)  }
0x4e2: {  	[tilespmem:s21+$0x2870] =	vst v32;
	v32 =	vld [tilespmem:s25+$0x0]  }
0x4e3: {  	[tilespmem:s21+$0x2880] =	vst v34;
	v34 =	vld [tilespmem:s25+$0x10]  }
0x4e4: {  	[tilespmem:$0x1FFC0] =	vst v35;
	v35 =	vld [tilespmem:s25+$0x20]  }
0x4e5: {  	[tilespmem:$0x1FFD0] =	vst v36;
	v36 =	vld [tilespmem:s25+$0x30]  }
0x4e6: {  	[tilespmem:s21+$0x29B0] =	vst v37;
	v37 =	vld [tilespmem:s25+$0x40]  }
0x4e7: {  	[tilespmem:s21+$0x29C0] =	vst v38;
	v38 =	vld [tilespmem:s25+$0x50]  }
0x4e8: {  	(v2sf) =	vpush v0, $0xD;
	[tilespmem:s21+$0x2AC0] =	vst v60;
	v60 =	vld [tilespmem:$0x1FFA0]  }
0x4e9: {  	[tilespmem:s21+$0x2AD0] =	vst v61;
	v61 =	vld [tilespmem:$0x1FFB0]  }
0x4ea: {  	[tilespmem:s21+$0x2AE0] =	vst v63;
	v63 =	vld [tilespmem:$0x1FFC0]  }
0x4eb: {  	[tilespmem:s21+$0x29D0] =	vst v39;
	v39 =	vld [tilespmem:s25+$0x60]  }
0x4ec: {  	[tilespmem:s21+$0x29E0] =	vst v40;
	v40 =	vld [tilespmem:s25+$0x70]  }
0x4ed: {  	[tilespmem:s21+$0x2AF0] =	vst v60;
	v60 =	vld [tilespmem:$0x1FFD0]  }
0x4ee: {  	[tilespmem:s21+$0x2B00] =	vst v61;
	v61 =	vld [tilespmem:$0x1FFE0]  }
0x4ef: {  	[tilespmem:s21+$0x2B10] =	vst v63;
	v63 =	vld [tilespmem:$0x1FFF0];
	s26 =	spop (v2sf)  }
0x4f0: {  	[tilespmem:s21+$0x29F0] =	vst v41;
	(v2sf) =	vpush v0, $0xE;
	v41 =	vld [tilespmem:s26+$0x0]  }
0x4f1: {  	[tilespmem:s21+$0x2980] =	vst v43;
	v43 =	vld [tilespmem:s26+$0x10]  }
0x4f2: {  	[tilespmem:s21+$0x2910] =	vst v45;
	v45 =	vld [tilespmem:s26+$0x20]  }
0x4f3: {  	[tilespmem:s21+$0x2920] =	vst v46;
	v46 =	vld [tilespmem:s26+$0x30]  }
0x4f4: {  	[tilespmem:s21+$0x2990] =	vst v47;
	v47 =	vld [tilespmem:s26+$0x40]  }
0x4f5: {  	[tilespmem:s21+$0x29A0] =	vst v48;
	v48 =	vld [tilespmem:s26+$0x50]  }
0x4f6: {  	[tilespmem:s21+$0x2A00] =	vst v49;
	v49 =	vld [tilespmem:s26+$0x60]  }
0x4f7: {  	[tilespmem:s21+$0x2A70] =	vst v33;
	v33 =	vld [tilespmem:s26+$0x70];
	s28 =	spop (v2sf)  }
0x4f8: {  	[tilespmem:s21+$0x2A80] =	vst v12;
	(v2sf) =	vpush v0, $0xF;
	v0 =	vld [tilespmem:s28+$0x0]  }
0x4f9: {  	[tilespmem:s21+$0x2B50] =	vst v13;
	v12 =	vld [tilespmem:s28+$0x10]  }
0x4fa: {  	[tilespmem:s21+$0x2A10] =	vst v50;
	v50 =	vld [tilespmem:s28+$0x20]  }
0x4fb: {  	[tilespmem:s21+$0x2A20] =	vst v51;
	v51 =	vld [tilespmem:s28+$0x30]  }
0x4fc: {  	[tilespmem:s21+$0x2A30] =	vst v53;
	v53 =	vld [tilespmem:s28+$0x40]  }
0x4fd: {  	[tilespmem:s21+$0x2A50] =	vst v55;
	v55 =	vld [tilespmem:s28+$0x50]  }
0x4fe: {  	[tilespmem:s21+$0x2A60] =	vst v56;
	v56 =	vld [tilespmem:s28+$0x60]  }
0x4ff: {  	[tilespmem:s21+$0x2A90] =	vst v57;
	v57 =	vld [tilespmem:s28+$0x70];
	s29 =	spop (v2sf)  }
0x500: {  	[tilespmem:s21+$0x2AA0] =	vst v58;
	v58 =	vld [tilespmem:s29+$0x0]  }
0x501: {  	[tilespmem:s21+$0x2AB0] =	vst v59;
	v59 =	vld [tilespmem:s29+$0x10]  }
0x502: {  	[tilespmem:s21+$0x2B20] =	vst v60;
	v60 =	vld [tilespmem:s29+$0x20]  }
0x503: {  	[tilespmem:s21+$0x2B30] =	vst v61;
	v61 =	vld [tilespmem:s29+$0x30]  }
0x504: {  	[tilespmem:s21+$0x2B40] =	vst v63;
	v63 =	vld [tilespmem:s29+$0x40]  }
0x505: {  	[tilespmem:s21+$0x2B60] =	vst v14;
	v13 =	vld [tilespmem:s29+$0x50]  }
0x506: {  	[tilespmem:s21+$0x2B70] =	vst v15;
	v14 =	vld [tilespmem:s29+$0x60]  }
0x507: {  	[tilespmem:s21+$0x2B80] =	vst v16;
	v15 =	vld [tilespmem:s29+$0x70];
	s30 =	spop (v2sf)  }
0x508: {  	[tilespmem:s21+$0x2B90] =	vst v17;
	v16 =	vld [tilespmem:s30+$0x0]  }
0x509: {  	[tilespmem:s21+$0x2BA0] =	vst v18;
	v17 =	vld [tilespmem:s30+$0x10]  }
0x50a: {  	[tilespmem:s21+$0x2BB0] =	vst v19;
	v18 =	vld [tilespmem:s30+$0x20]  }
0x50b: {  	[tilespmem:s21+$0x2BC0] =	vst v20;
	v19 =	vld [tilespmem:s30+$0x30]  }
0x50c: {  	[tilespmem:s21+$0x2BD0] =	vst v21;
	v20 =	vld [tilespmem:s30+$0x40]  }
0x50d: {  	[tilespmem:s21+$0x2BE0] =	vst v22;
	v21 =	vld [tilespmem:s30+$0x50]  }
0x50e: {  	[tilespmem:s21+$0x2BF0] =	vst v8;
	v22 =	vld [tilespmem:s30+$0x60]  }
0x50f: {  	v8 =	vld [tilespmem:s30+$0x70];
	[tilespmem:s22+$0x2800] =	vst v2  }
0x510: {  	[tilespmem:s22+$0x2810] =	vst v3  }
0x511: {  	[tilespmem:s22+$0x2820] =	vst v42  }
0x512: {  	[tilespmem:s22+$0x2830] =	vst v44  }
0x513: {  	[tilespmem:s22+$0x2840] =	vst v52  }
0x514: {  	[tilespmem:s22+$0x2850] =	vst v54  }
0x515: {  	[tilespmem:s22+$0x2860] =	vst v62  }
0x516: {  	[tilespmem:s22+$0x2870] =	vst v1  }
0x517: {  	[tilespmem:s22+$0x2880] =	vst v4  }
0x518: {  	[tilespmem:s22+$0x2890] =	vst v5  }
0x519: {  	[tilespmem:s22+$0x28A0] =	vst v6  }
0x51a: {  	[tilespmem:s22+$0x28B0] =	vst v7  }
0x51b: {  	[tilespmem:s22+$0x28C0] =	vst v9  }
0x51c: {  	[tilespmem:s22+$0x28D0] =	vst v10  }
0x51d: {  	[tilespmem:s22+$0x28E0] =	vst v11  }
0x51e: {  	[tilespmem:s22+$0x28F0] =	vst v23  }
0x51f: {  	[tilespmem:s22+$0x2900] =	vst v24  }
0x520: {  	[tilespmem:s22+$0x2910] =	vst v25  }
0x521: {  	[tilespmem:s22+$0x2920] =	vst v26  }
0x522: {  	[tilespmem:s22+$0x2930] =	vst v27  }
0x523: {  	[tilespmem:s22+$0x2940] =	vst v28  }
0x524: {  	[tilespmem:s22+$0x2950] =	vst v29  }
0x525: {  	[tilespmem:s22+$0x2960] =	vst v30  }
0x526: {  	[tilespmem:s22+$0x2970] =	vst v31  }
0x527: {  	[tilespmem:s22+$0x2980] =	vst v32  }
0x528: {  	[tilespmem:s22+$0x2990] =	vst v34  }
0x529: {  	[tilespmem:s22+$0x29A0] =	vst v35  }
0x52a: {  	[tilespmem:s22+$0x29B0] =	vst v36  }
0x52b: {  	[tilespmem:s22+$0x29C0] =	vst v37  }
0x52c: {  	[tilespmem:s22+$0x29D0] =	vst v38  }
0x52d: {  	[tilespmem:s22+$0x29E0] =	vst v39  }
0x52e: {  	[tilespmem:s22+$0x29F0] =	vst v40  }
0x52f: {  	[tilespmem:s22+$0x2A00] =	vst v41  }
0x530: {  	[tilespmem:s22+$0x2A10] =	vst v43  }
0x531: {  	[tilespmem:s22+$0x2A20] =	vst v45  }
0x532: {  	[tilespmem:s22+$0x2A30] =	vst v46  }
0x533: {  	[tilespmem:s22+$0x2A40] =	vst v47  }
0x534: {  	[tilespmem:s22+$0x2A50] =	vst v48  }
0x535: {  	[tilespmem:s22+$0x2A60] =	vst v49  }
0x536: {  	[tilespmem:s22+$0x2A70] =	vst v33  }
0x537: {  	[tilespmem:s22+$0x2A80] =	vst v0  }
0x538: {  	[tilespmem:s22+$0x2A90] =	vst v12  }
0x539: {  	[tilespmem:s22+$0x2AA0] =	vst v50  }
0x53a: {  	[tilespmem:s22+$0x2AB0] =	vst v51  }
0x53b: {  	[tilespmem:s22+$0x2AC0] =	vst v53  }
0x53c: {  	[tilespmem:s22+$0x2AD0] =	vst v55  }
0x53d: {  	[tilespmem:s22+$0x2AE0] =	vst v56  }
0x53e: {  	[tilespmem:s22+$0x2AF0] =	vst v57  }
0x53f: {  	[tilespmem:s22+$0x2B00] =	vst v58  }
0x540: {  	[tilespmem:s22+$0x2B10] =	vst v59  }
0x541: {  	[tilespmem:s22+$0x2B20] =	vst v60  }
0x542: {  	[tilespmem:s22+$0x2B30] =	vst v61  }
0x543: {  	[tilespmem:s22+$0x2B40] =	vst v63  }
0x544: {  	[tilespmem:s22+$0x2B50] =	vst v13  }
0x545: {  	[tilespmem:s22+$0x2B60] =	vst v14  }
0x546: {  	[tilespmem:s22+$0x2B70] =	vst v15  }
0x547: {  	[tilespmem:s22+$0x2B80] =	vst v16  }
0x548: {  	[tilespmem:s22+$0x2B90] =	vst v17  }
0x549: {  	p0 =	slt.u32 s20, $0x16;
	[tilespmem:s22+$0x2BA0] =	vst v18  }
.Ltmp7:
0x54a: {  	[tilespmem:s22+$0x2BB0] =	vst v19;
	(pc) =	sbr.rel @p0 .LBB2_4-.Ltmp7, $4  }
0x54b: {  	[tilespmem:s22+$0x2BC0] =	vst v20  }
0x54c: {  	[tilespmem:s22+$0x2BD0] =	vst v21  }
0x54d: {  	s31 =	sadd.s32 $0x2, s20;
	[tilespmem:s22+$0x2BE0] =	vst v22  }
0x54e: {  	s20 =	smov.u32 s31;
	[tilespmem:s22+$0x2BF0] =	vst v8  }
.Ltmp8:
0x54f: {  	_ = 	snop;
	(pc) =	sbr.rel .LBB2_5-.Ltmp8, $1  }
0x550: {  	_ =	sdelay $0x3  }
.LBB2_11:
0x551: {  	_ =	sfence.sel $0x180000  }
0x552: {  	[bflag:$0x0] =	sbarrier.arrive $0xFFFF  }
0x553: {  	_ =	strace $0x90000047  }
0x554: {  	s0 =	stileid.u32;
	[bflag:$0x2] =	sbarrier.arrive $0xFFFF  }
0x555: {  	p0 =	sne.s32 s0, $0x0;
	s0 =	rddreg [dreg:$0x2]  }
0x556: {  	s0 =	sadd.s32 @!p0 $0x100000, s0  }
0x557: {  	[sflag:s0] =	ssyncadd.tile.s32 @!p0 $0x1;
	_ =	shalt  }
.Lfunc_end2:
_tile_overlayer_lowered:
.L_overlay_start_2:
0x558: {  	(tag) =	ssettag $0x2  }
0x559: {  	s0 =	rddreg [dreg:$0x0];
	s2 =	stileid.u32  }
0x55a: {  	s1 =	rddreg [dreg:$0x1];
	p0 =	sne.s32 s2, $0x0  }
0x55b: {  	s3 =	rddreg [dreg:$0x2];
	[bflag:$0x3] =	sbarrier.arrive $0xFFFF;
	s2 =	simm.s32 @!p0 $0x1C05  }
0x55c: {  	[timem:s3], [sflag:s2] =	dma.local @!p0 [hbm:s0], s1  }
0x55d: {  	s0 =	simm.s32 @!p0 $0x5  }
0x55e: {  	_ =	swait.ge @!p0 [sflag:s0], s1  }
0x55f: {  	s1 =	ssub.s32 @!p0 $0x0, s1;
	[sflag:s0] =	ssyncset.done @!p0 $0x0  }
0x560: {  	[sflag:s0] =	ssyncadd.s32 @!p0 s1  }
0x561: {  	[bflag:$0x3] =	sbarrier.arrive $0xFFFF  }
0x562: {  	_ =	shalt  }

</sc_bundles>
